<compile_context>
chip_gen: v7x
topology: tpu7x:2x2x1
jax: 0.10.2.dev20260603
libtpu: 0.0.44.dev20260713+nightly
codegen_flags: <defaults>
</compile_context>

<pallas_src>
import jax
import jax.numpy as jnp
from jax import lax
from jax.experimental import pallas as pl
from jax.experimental.pallas import tpu as pltpu
from jax.experimental.pallas import tpu_sc as plsc

N = 10000
E = 320000
D = 128
H = 16
C = 40

NC = 2
NS = 16
NW = NC * NS

BLK = 128
CHUNKS = -(-(-(-E // (NW * BLK))) // 8) * 8
EPAD = NW * BLK * CHUNKS
NROW = 10112
RPS = NROW // NS

_f32 = jnp.float32


def _sc_mesh():
    return plsc.VectorSubcoreMesh(core_axis_name="c", subcore_axis_name="s", )


def _deg_body(dst_hbm, out_hbm, dst_idx, ones_v, zbuf, acc, sem):
    cid = lax.axis_index("c")
    sid = lax.axis_index("s")
    wid = sid * NC + cid
    ebase = pl.multiple_of(wid * CHUNKS, 8)
    rbase = pl.multiple_of(sid * RPS, 8)
    obase = pl.multiple_of(cid * NROW + sid * RPS, 8)

    def fill_ones(j, _):
        ones_v[j, :] = jnp.ones((H,), _f32)
        return 0

    def fill_zero(j, _):
        zbuf[j, :] = jnp.zeros((H,), _f32)
        return 0

    lax.fori_loop(0, BLK, fill_ones, 0)
    lax.fori_loop(0, RPS, fill_zero, 0)
    pltpu.sync_copy(zbuf, acc.at[pl.ds(rbase, RPS)])
    pltpu.sync_copy(dst_hbm.at[pl.ds(ebase, CHUNKS)], dst_idx)
    plsc.subcore_barrier()

    def step(i, _):
        pltpu.async_copy(ones_v, acc.at[dst_idx.at[i]], sem, add=True)
        return 0

    lax.fori_loop(0, CHUNKS, step, 0)

    def drain(i, _):
        pltpu.make_async_copy(ones_v, acc.at[dst_idx.at[i]], sem).wait()
        return 0

    lax.fori_loop(0, CHUNKS, drain, 0)
    plsc.subcore_barrier()
    pltpu.sync_copy(acc.at[pl.ds(rbase, RPS)], zbuf)
    pltpu.sync_copy(zbuf, out_hbm.at[pl.ds(obase, RPS)])


_deg_call = pl.kernel(
    _deg_body,
    out_type=jax.ShapeDtypeStruct((NC * NROW, H), _f32),
    mesh=_sc_mesh(),
    scratch_types=[
        pltpu.VMEM((CHUNKS, BLK), jnp.int32),
        pltpu.VMEM((BLK, H), _f32),
        pltpu.VMEM((RPS, H), _f32),
        pltpu.VMEM_SHARED((NROW, H), _f32),
        pltpu.SemaphoreType.DMA,
    ],
    compiler_params=pltpu.CompilerParams(use_tc_tiling_on_sc=False),
)


NBUF = 4


def _prop_body(y_hbm, src_hbm, dst_hbm, out_hbm,
               src_idx, dst_idx, bufs, zbuf, acc, sem_g, sem_s):
    cid = lax.axis_index("c")
    sid = lax.axis_index("s")
    wid = sid * NC + cid
    ebase = pl.multiple_of(wid * CHUNKS, 8)
    rbase = pl.multiple_of(sid * RPS, 8)
    obase = pl.multiple_of(cid * NROW + sid * RPS, 8)

    def fill_zero(j, _):
        zbuf[j, :] = jnp.zeros((H,), _f32)
        return 0

    lax.fori_loop(0, RPS, fill_zero, 0)
    pltpu.sync_copy(zbuf, acc.at[pl.ds(rbase, RPS)])
    pltpu.sync_copy(src_hbm.at[pl.ds(ebase, CHUNKS)], src_idx)
    pltpu.sync_copy(dst_hbm.at[pl.ds(ebase, CHUNKS)], dst_idx)
    plsc.subcore_barrier()

    def _buf(b):
        return bufs.at[pl.ds(b * BLK, BLK)]

    for b in range(NBUF):
        pltpu.async_copy(y_hbm.at[src_idx.at[b]], _buf(b), sem_g.at[b])

    def group(g, _):
        for b in range(NBUF):
            i = g * NBUF + b
            pltpu.make_async_copy(y_hbm.at[src_idx.at[i]], _buf(b),
                                  sem_g.at[b]).wait()
            pltpu.sync_copy(_buf(b), acc.at[dst_idx.at[i]], add=True)

            @pl.when(i + NBUF < CHUNKS)
            def _():
                pltpu.async_copy(y_hbm.at[src_idx.at[i + NBUF]], _buf(b),
                                 sem_g.at[b])
        return 0

    lax.fori_loop(0, CHUNKS // NBUF, group, 0)
    plsc.subcore_barrier()
    pltpu.sync_copy(acc.at[pl.ds(rbase, RPS)], zbuf)
    pltpu.sync_copy(zbuf, out_hbm.at[pl.ds(obase, RPS)])


_prop_call = pl.kernel(
    _prop_body,
    out_type=jax.ShapeDtypeStruct((NC * NROW, H), _f32),
    mesh=_sc_mesh(),
    scratch_types=[
        pltpu.VMEM((CHUNKS, BLK), jnp.int32),
        pltpu.VMEM((CHUNKS, BLK), jnp.int32),
        pltpu.VMEM((NBUF * BLK, H), _f32),
        pltpu.VMEM((RPS, H), _f32),
        pltpu.VMEM_SHARED((NROW, H), _f32),
        pltpu.SemaphoreType.DMA((NBUF,)),
        pltpu.SemaphoreType.DMA((NBUF,)),
    ],
    compiler_params=pltpu.CompilerParams(use_tc_tiling_on_sc=False),
)


NP = N // 8
PROW = NROW // 8


def _pre_body(dd_ref, x_ref, w0_ref, dis_ref, y0_ref):
    indeg = dd_ref[0:NP, :] + dd_ref[PROW:PROW + NP, :]
    dis = lax.rsqrt(indeg + 1.0)
    z = jnp.dot(x_ref[...], w0_ref[...], preferred_element_type=_f32)
    dis_ref[...] = dis
    y0_ref[...] = dis * z


_pre_call = pl.pallas_call(
    _pre_body,
    out_shape=(jax.ShapeDtypeStruct((NP, 128), _f32),
               jax.ShapeDtypeStruct((NP, 128), _f32)),
)


def _layer_body(pp_ref, y_ref, dis_ref, m_ref, b_ref, w_ref,
                ynext_ref, mout_ref):
    S = pp_ref[0:NP, :] + pp_ref[PROW:PROW + NP, :]
    dis = dis_ref[...]
    h = jnp.maximum(dis * (S + y_ref[...]) + b_ref[...], 0.0)
    mout_ref[...] = jnp.maximum(m_ref[...], h)
    ynext_ref[...] = dis * jnp.dot(h, w_ref[...],
                                   preferred_element_type=_f32)


_layer_call = pl.pallas_call(
    _layer_body,
    out_shape=(jax.ShapeDtypeStruct((NP, 128), _f32),
               jax.ShapeDtypeStruct((NP, 128), _f32)),
)


def _final_body(pp_ref, y_ref, dis_ref, m_ref, b_ref, wfc_ref, bfc_ref,
                ksum_ref, kbc_ref, out_ref):
    S = pp_ref[0:NP, :] + pp_ref[PROW:PROW + NP, :]
    h = jnp.maximum(dis_ref[...] * (S + y_ref[...]) + b_ref[...], 0.0)
    m = jnp.maximum(m_ref[...], h)
    lp = jnp.dot(m, wfc_ref[...], preferred_element_type=_f32)
    lp = lp + bfc_ref[...]
    rmax = jnp.max(lp, axis=1, keepdims=True)
    e = jnp.exp(lp - rmax)
    seg = jnp.dot(e, ksum_ref[...], preferred_element_type=_f32)
    lse = jnp.dot(jnp.log(seg), kbc_ref[...],
                  preferred_element_type=_f32)
    out_ref[...] = lp - rmax - lse


_final_call = pl.pallas_call(
    _final_body,
    out_shape=jax.ShapeDtypeStruct((NP, 8 * C), _f32),
)


def kernel(x, edge_index, W0, b0, W1, b1, W2, b2, W3, b3, W4, b4, W5, b5,
           Wfc, bfc):
    src = edge_index[0].astype(jnp.int32)
    dst = edge_index[1].astype(jnp.int32)
    pad = EPAD - E
    srcr = jnp.concatenate([src, jnp.zeros((pad,), jnp.int32)])
    dstr = jnp.concatenate([dst, jnp.full((pad,), N, jnp.int32)])
    srcr = srcr.reshape(EPAD // BLK, BLK)
    dstr = dstr.reshape(EPAD // BLK, BLK)

    eye8 = jnp.eye(8, dtype=_f32)
    ksum = jnp.kron(eye8, jnp.ones((C, 1), _f32))
    kbc = jnp.kron(eye8, jnp.ones((1, C), _f32))

    dd = _deg_call(dstr)
    dis, y = _pre_call(dd.reshape(2 * PROW, 128), x.reshape(NP, 8 * D),
                       jnp.kron(eye8, W0))

    m = jnp.zeros((NP, 128), _f32)
    Ws = [W1, W2, W3, W4, W5]
    bs = [jnp.tile(b, 8).reshape(1, 128) for b in (b0, b1, b2, b3, b4)]
    for l in range(5):
        pp = _prop_call(y.reshape(N, H), srcr, dstr)
        y, m = _layer_call(pp.reshape(2 * PROW, 128), y, dis, m, bs[l],
                           jnp.kron(eye8, Ws[l]))
    pp = _prop_call(y.reshape(N, H), srcr, dstr)
    out = _final_call(pp.reshape(2 * PROW, 128), y, dis, m,
                      jnp.tile(b5, 8).reshape(1, 128),
                      jnp.kron(eye8, Wfc), jnp.tile(bfc, 8).reshape(1, 8 * C),
                      ksum, kbc)
    return out.reshape(N, C)

# --- scband reference (transcript-rebuilt; emitter-appended) ---
"""Pipeline reference for scband-jk-76227079569718 (READ-ONLY COPY).

The authoritative reference and input builder live on the scoring server;
editing this copy changes nothing except your own understanding.
"""

import jax, jax.numpy as jnp
import numpy as np

N = 10000
E = 320000
D = 128
H = 16
C = 40
L = 6


def _gcn_conv(x, src, dst, deg_inv_sqrt, W, b):
    norm = deg_inv_sqrt[src] * deg_inv_sqrt[dst]
    msg = x[src] * norm[:, None]
    agg = jax.ops.segment_sum(msg, dst, num_segments=N)
    return agg @ W + b


def setup_inputs(seed: int = 0) -> dict:
    key = jax.random.key(seed)
    inp = {}
    inp['x'] = jax.random.normal(jax.random.fold_in(key, 0), (N, D), dtype=jnp.float32)
    inp['edge_index'] = jax.random.randint(jax.random.fold_in(key, 1), (2, E), 0, N, dtype=jnp.int64 if jax.config.jax_enable_x64 else jnp.int32)
    dims_in = [D] + [H] * (L - 1)
    for i in range(L):
        inp['W%d' % i] = jax.random.normal(jax.random.fold_in(key, 10 + i), (dims_in[i], H), dtype=jnp.float32) * (1.0 / np.sqrt(dims_in[i]))
        inp['b%d' % i] = jnp.zeros((H,), dtype=jnp.float32)
    inp['Wfc'] = jax.random.normal(jax.random.fold_in(key, 100), (H, C), dtype=jnp.float32) * (1.0 / np.sqrt(H))
    inp['bfc'] = jnp.zeros((C,), dtype=jnp.float32)
    return inp


def reference(x, edge_index, W0, b0, W1, b1, W2, b2, W3, b3, W4, b4, W5, b5, Wfc, bfc):
    # add self loops (GCNConv default behavior)
    loop = jnp.arange(N, dtype=edge_index.dtype)
    src = jnp.concatenate([edge_index[0], loop])
    dst = jnp.concatenate([edge_index[1], loop])
    deg = jax.ops.segment_sum(jnp.ones(src.shape[0], dtype=jnp.float32), dst, num_segments=N)
    deg_inv_sqrt = jnp.where(deg > 0, 1.0 / jnp.sqrt(deg), 0.0)
    Ws = [W0, W1, W2, W3, W4, W5]
    bs = [b0, b1, b2, b3, b4, b5]
    h = x
    layer_out = []
    for W, b in zip(Ws, bs):
        h = _gcn_conv(h, src, dst, deg_inv_sqrt, W, b)
        h = jax.nn.relu(h)
        # dropout p=0.5 is identity in eval mode (training=False)
        layer_out.append(h)
    # JumpingKnowledge mode='max': elementwise max across layers
    hjk = jnp.max(jnp.stack(layer_out, axis=0), axis=0)
    logits = hjk @ Wfc + bfc
    return jax.nn.log_softmax(logits, axis=1)

if __name__ == "__main__":
    import jax
    _d = setup_inputs()
    print(jax.jit(kernel)(*tuple(_d.values())))

</pallas_src>

<mosaic_0001>
#map = affine_map<(d0, d1) -> (0, 0)>
module attributes {stable_mosaic.version = 14 : i64} {
  func.func @_prop_body(%arg0: i32, %arg1: i32, %arg2: memref<10000x16xf32, #tpu.memory_space<hbm>>, %arg3: memref<2560x128xi32, #tpu.memory_space<hbm>>, %arg4: memref<2560x128xi32, #tpu.memory_space<hbm>>, %arg5: memref<20224x16xf32, #tpu.memory_space<hbm>>, %arg6: memref<80x128xi32, #tpu.memory_space<vmem>>, %arg7: memref<80x128xi32, #tpu.memory_space<vmem>>, %arg8: memref<512x16xf32, #tpu.memory_space<vmem>>, %arg9: memref<632x16xf32, #tpu.memory_space<vmem>>, %arg10: memref<10112x16xf32, #tpu.memory_space<vmem_shared>>, %arg11: memref<4x!tpu.dma_semaphore, #tpu.memory_space<semaphore_mem>>, %arg12: memref<4x!tpu.dma_semaphore, #tpu.memory_space<semaphore_mem>>) attributes {dimension_semantics = [#tpu.dimension_semantics<core_parallel>, #tpu.dimension_semantics<subcore_parallel>], iteration_bounds = array<i64: 2, 16>, scalar_prefetch = 0 : i64, scratch_operands = 7 : i64, tpu.core_type = #tpu.core_type<sc_vector_subcore>, window_params = [{transform_indices = #map}, {transform_indices = #map}, {transform_indices = #map}, {transform_indices = #map}]} {
    %mul3A = arith.constant 2 : i32
    %mul3A_0 = arith.muli %arg1, %mul3A : i32
    %add3A = arith.addi %mul3A_0, %arg0 : i32
    %mul3A_1 = arith.constant 80 : i32
    %mul3A_2 = arith.muli %add3A, %mul3A_1 : i32
    %multiple_of3A = tpu.assume_multiple %mul3A_2, 8 : i32
    %mul3A_3 = arith.constant 632 : i32
    %mul3A_4 = arith.muli %arg1, %mul3A_3 : i32
    %multiple_of3A_5 = tpu.assume_multiple %mul3A_4, 8 : i32
    %mul3A_6 = arith.constant 10112 : i32
    %mul3A_7 = arith.muli %arg0, %mul3A_6 : i32
    %mul3A_8 = arith.constant 632 : i32
    %mul3A_9 = arith.muli %arg1, %mul3A_8 : i32
    %add3A_10 = arith.addi %mul3A_7, %mul3A_9 : i32
    %multiple_of3A_11 = tpu.assume_multiple %add3A_10, 8 : i32
    %scan3A = arith.constant 0 : i32
    %scan3A_12 = arith.constant 0 : i32
    %scan3A_13 = arith.constant 632 : i32
    %scan3A_14 = arith.addi %scan3A_12, %scan3A_13 : i32
    %scan3A_15 = arith.constant 1 : i32
    %scan3A_16 = scf.for %scan3A_77 = %scan3A_12 to %scan3A_14 step %scan3A_15 iter_args(%scan3A_78 = %scan3A) -> (i32)  : i32 {
      %broadcast_in_dim3A = arith.constant 0.000000e+00 : f32
      %broadcast_in_dim3A_79 = vector.broadcast %broadcast_in_dim3A : f32 to vector<16xf32>
      %swap3A = arith.index_cast %scan3A_77 : i32 to index
      %swap3A_80 = arith.constant 0 : index
      %swap3A_81 = tpu.vector_load %arg9[%swap3A, %swap3A_80] {strides = array<i32>} : memref<632x16xf32, #tpu.memory_space<vmem>>, vector<1x16xf32>,
      %swap3A_82 = vector.shape_cast %swap3A_81 : vector<1x16xf32> to vector<16xf32>
      %swap3A_83 = vector.shape_cast %broadcast_in_dim3A_79 : vector<16xf32> to vector<1x16xf32>
      tpu.vector_store %arg9[%swap3A, %swap3A_80], %swap3A_83 {strides = array<i32>} : memref<632x16xf32, #tpu.memory_space<vmem>>, vector<1x16xf32>,
      %scan3A_84 = arith.constant 0 : i32
      scf.yield %scan3A_84 : i32
    }
    %scan3A_17 = arith.constant 632 : i32
    "tpu.region"() ({
      %run_scoped3A = tpu.sem_alloc : memref<!tpu.dma_semaphore, #tpu.memory_space<semaphore_mem>>
      %dma_start3A_77 = arith.constant 0 : i32
      %dma_start3A_78 = tpu.memref_slice %arg10[%multiple_of3A_5, %dma_start3A_77] : memref<10112x16xf32, #tpu.memory_space<vmem_shared>> -> memref<632x16xf32, #tpu.memory_space<vmem_shared>>
      %dma_start3A_79 = arith.constant 0 : i32
      %dma_start3A_80 = tpu.memref_slice %arg10[%multiple_of3A_5, %dma_start3A_79] : memref<10112x16xf32, #tpu.memory_space<vmem_shared>> -> memref<632x16xf32, #tpu.memory_space<vmem_shared>>
      tpu.enqueue_dma source(%arg9 : memref<632x16xf32, #tpu.memory_space<vmem>>) target(%dma_start3A_80 : memref<632x16xf32, #tpu.memory_space<vmem_shared>>) target_semaphore(%run_scoped3A : memref<!tpu.dma_semaphore, #tpu.memory_space<semaphore_mem>>)
      %dma_wait3A = arith.constant 0 : i32
      %dma_wait3A_81 = tpu.memref_slice %arg10[%multiple_of3A_5, %dma_wait3A] : memref<10112x16xf32, #tpu.memory_space<vmem_shared>> -> memref<632x16xf32, #tpu.memory_space<vmem_shared>>
      %dma_wait3A_82 = arith.constant 0 : i32
      %dma_wait3A_83 = tpu.memref_slice %arg10[%multiple_of3A_5, %dma_wait3A_82] : memref<10112x16xf32, #tpu.memory_space<vmem_shared>> -> memref<632x16xf32, #tpu.memory_space<vmem_shared>>
      tpu.wait_dma2 semaphore(%run_scoped3A : memref<!tpu.dma_semaphore, #tpu.memory_space<semaphore_mem>>) src(%arg9 : memref<632x16xf32, #tpu.memory_space<vmem>>) dst(%dma_wait3A_83 : memref<632x16xf32, #tpu.memory_space<vmem_shared>>)
      tpu.yield
    }) : () -> ()
    "tpu.region"() ({
      %run_scoped3A = tpu.sem_alloc : memref<!tpu.dma_semaphore, #tpu.memory_space<semaphore_mem>>
      %dma_start3A_77 = arith.constant 0 : i32
      %dma_start3A_78 = tpu.memref_slice %arg3[%multiple_of3A, %dma_start3A_77] : memref<2560x128xi32, #tpu.memory_space<hbm>> -> memref<80x128xi32, #tpu.memory_space<hbm>>
      %dma_start3A_79 = arith.constant 0 : i32
      %dma_start3A_80 = tpu.memref_slice %arg3[%multiple_of3A, %dma_start3A_79] : memref<2560x128xi32, #tpu.memory_space<hbm>> -> memref<80x128xi32, #tpu.memory_space<hbm>>
      tpu.enqueue_dma source(%dma_start3A_80 : memref<80x128xi32, #tpu.memory_space<hbm>>) target(%arg6 : memref<80x128xi32, #tpu.memory_space<vmem>>) target_semaphore(%run_scoped3A : memref<!tpu.dma_semaphore, #tpu.memory_space<semaphore_mem>>)
      %dma_wait3A = arith.constant 0 : i32
      %dma_wait3A_81 = tpu.memref_slice %arg3[%multiple_of3A, %dma_wait3A] : memref<2560x128xi32, #tpu.memory_space<hbm>> -> memref<80x128xi32, #tpu.memory_space<hbm>>
      %dma_wait3A_82 = arith.constant 0 : i32
      %dma_wait3A_83 = tpu.memref_slice %arg3[%multiple_of3A, %dma_wait3A_82] : memref<2560x128xi32, #tpu.memory_space<hbm>> -> memref<80x128xi32, #tpu.memory_space<hbm>>
      tpu.wait_dma2 semaphore(%run_scoped3A : memref<!tpu.dma_semaphore, #tpu.memory_space<semaphore_mem>>) src(%dma_wait3A_83 : memref<80x128xi32, #tpu.memory_space<hbm>>) dst(%arg6 : memref<80x128xi32, #tpu.memory_space<vmem>>)
      tpu.yield
    }) : () -> ()
    "tpu.region"() ({
      %run_scoped3A = tpu.sem_alloc : memref<!tpu.dma_semaphore, #tpu.memory_space<semaphore_mem>>
      %dma_start3A_77 = arith.constant 0 : i32
      %dma_start3A_78 = tpu.memref_slice %arg4[%multiple_of3A, %dma_start3A_77] : memref<2560x128xi32, #tpu.memory_space<hbm>> -> memref<80x128xi32, #tpu.memory_space<hbm>>
      %dma_start3A_79 = arith.constant 0 : i32
      %dma_start3A_80 = tpu.memref_slice %arg4[%multiple_of3A, %dma_start3A_79] : memref<2560x128xi32, #tpu.memory_space<hbm>> -> memref<80x128xi32, #tpu.memory_space<hbm>>
      tpu.enqueue_dma source(%dma_start3A_80 : memref<80x128xi32, #tpu.memory_space<hbm>>) target(%arg7 : memref<80x128xi32, #tpu.memory_space<vmem>>) target_semaphore(%run_scoped3A : memref<!tpu.dma_semaphore, #tpu.memory_space<semaphore_mem>>)
      %dma_wait3A = arith.constant 0 : i32
      %dma_wait3A_81 = tpu.memref_slice %arg4[%multiple_of3A, %dma_wait3A] : memref<2560x128xi32, #tpu.memory_space<hbm>> -> memref<80x128xi32, #tpu.memory_space<hbm>>
      %dma_wait3A_82 = arith.constant 0 : i32
      %dma_wait3A_83 = tpu.memref_slice %arg4[%multiple_of3A, %dma_wait3A_82] : memref<2560x128xi32, #tpu.memory_space<hbm>> -> memref<80x128xi32, #tpu.memory_space<hbm>>
      tpu.wait_dma2 semaphore(%run_scoped3A : memref<!tpu.dma_semaphore, #tpu.memory_space<semaphore_mem>>) src(%dma_wait3A_83 : memref<80x128xi32, #tpu.memory_space<hbm>>) dst(%arg7 : memref<80x128xi32, #tpu.memory_space<vmem>>)
      tpu.yield
    }) : () -> ()
    %barrier3A = arith.constant 0 : index
    tpu.barrier barrier_id(%barrier3A)
    %dma_start3A = arith.constant 0 : i32
    %dma_start3A_18 = arith.constant 0 : i32
    %dma_start3A_19 = arith.constant 0 : i32
    %dma_start3A_20 = arith.constant 0 : i32
    %dma_start3A_21 = tpu.memref_slice %arg8[%dma_start3A_19, %dma_start3A_20] : memref<512x16xf32, #tpu.memory_space<vmem>> -> memref<128x16xf32, #tpu.memory_space<vmem>>
    %dma_start3A_22 = arith.constant 0 : i32
    %dma_start3A_23 = tpu.memref_slice %arg6[%dma_start3A, %dma_start3A_22] : memref<80x128xi32, #tpu.memory_space<vmem>> -> memref<1x128xi32, #tpu.memory_space<vmem>>
    %dma_start3A_24 = tpu.memref_squeeze %dma_start3A_23 : memref<1x128xi32, #tpu.memory_space<vmem>> -> memref<128xi32, #tpu.memory_space<vmem>>
    %dma_start3A_25 = arith.constant 0 : i32
    %dma_start3A_26 = arith.constant 0 : i32
    %dma_start3A_27 = tpu.memref_slice %arg2[%dma_start3A_25, %dma_start3A_26] : memref<10000x16xf32, #tpu.memory_space<hbm>> -> memref<10000x16xf32, #tpu.memory_space<hbm>>
    %dma_start3A_28 = tpu.memref_slice %arg11[%dma_start3A_18] : memref<4x!tpu.dma_semaphore, #tpu.memory_space<semaphore_mem>> -> memref<1x!tpu.dma_semaphore, #tpu.memory_space<semaphore_mem>>
    %dma_start3A_29 = tpu.memref_squeeze %dma_start3A_28 : memref<1x!tpu.dma_semaphore, #tpu.memory_space<semaphore_mem>> -> memref<!tpu.dma_semaphore, #tpu.memory_space<semaphore_mem>>
    tpu.enqueue_indirect_dma source(%dma_start3A_27 : memref<10000x16xf32, #tpu.memory_space<hbm>>) target(%dma_start3A_21 : memref<128x16xf32, #tpu.memory_space<vmem>>) offsets(%dma_start3A_24 : memref<128xi32, #tpu.memory_space<vmem>>) semaphore(%dma_start3A_29 : memref<!tpu.dma_semaphore, #tpu.memory_space<semaphore_mem>>)
    %dma_start3A_30 = arith.constant 1 : i32
    %dma_start3A_31 = arith.constant 1 : i32
    %dma_start3A_32 = arith.constant 128 : i32
    %dma_start3A_33 = arith.constant 0 : i32
    %dma_start3A_34 = tpu.memref_slice %arg8[%dma_start3A_32, %dma_start3A_33] : memref<512x16xf32, #tpu.memory_space<vmem>> -> memref<128x16xf32, #tpu.memory_space<vmem>>
    %dma_start3A_35 = arith.constant 0 : i32
    %dma_start3A_36 = tpu.memref_slice %arg6[%dma_start3A_30, %dma_start3A_35] : memref<80x128xi32, #tpu.memory_space<vmem>> -> memref<1x128xi32, #tpu.memory_space<vmem>>
    %dma_start3A_37 = tpu.memref_squeeze %dma_start3A_36 : memref<1x128xi32, #tpu.memory_space<vmem>> -> memref<128xi32, #tpu.memory_space<vmem>>
    %dma_start3A_38 = arith.constant 0 : i32
    %dma_start3A_39 = arith.constant 0 : i32
    %dma_start3A_40 = tpu.memref_slice %arg2[%dma_start3A_38, %dma_start3A_39] : memref<10000x16xf32, #tpu.memory_space<hbm>> -> memref<10000x16xf32, #tpu.memory_space<hbm>>
    %dma_start3A_41 = tpu.memref_slice %arg11[%dma_start3A_31] : memref<4x!tpu.dma_semaphore, #tpu.memory_space<semaphore_mem>> -> memref<1x!tpu.dma_semaphore, #tpu.memory_space<semaphore_mem>>
    %dma_start3A_42 = tpu.memref_squeeze %dma_start3A_41 : memref<1x!tpu.dma_semaphore, #tpu.memory_space<semaphore_mem>> -> memref<!tpu.dma_semaphore, #tpu.memory_space<semaphore_mem>>
    tpu.enqueue_indirect_dma source(%dma_start3A_40 : memref<10000x16xf32, #tpu.memory_space<hbm>>) target(%dma_start3A_34 : memref<128x16xf32, #tpu.memory_space<vmem>>) offsets(%dma_start3A_37 : memref<128xi32, #tpu.memory_space<vmem>>) semaphore(%dma_start3A_42 : memref<!tpu.dma_semaphore, #tpu.memory_space<semaphore_mem>>)
    %dma_start3A_43 = arith.constant 2 : i32
    %dma_start3A_44 = arith.constant 2 : i32
    %dma_start3A_45 = arith.constant 256 : i32
    %dma_start3A_46 = arith.constant 0 : i32
    %dma_start3A_47 = tpu.memref_slice %arg8[%dma_start3A_45, %dma_start3A_46] : memref<512x16xf32, #tpu.memory_space<vmem>> -> memref<128x16xf32, #tpu.memory_space<vmem>>
    %dma_start3A_48 = arith.constant 0 : i32
    %dma_start3A_49 = tpu.memref_slice %arg6[%dma_start3A_43, %dma_start3A_48] : memref<80x128xi32, #tpu.memory_space<vmem>> -> memref<1x128xi32, #tpu.memory_space<vmem>>
    %dma_start3A_50 = tpu.memref_squeeze %dma_start3A_49 : memref<1x128xi32, #tpu.memory_space<vmem>> -> memref<128xi32, #tpu.memory_space<vmem>>
    %dma_start3A_51 = arith.constant 0 : i32
    %dma_start3A_52 = arith.constant 0 : i32
    %dma_start3A_53 = tpu.memref_slice %arg2[%dma_start3A_51, %dma_start3A_52] : memref<10000x16xf32, #tpu.memory_space<hbm>> -> memref<10000x16xf32, #tpu.memory_space<hbm>>
    %dma_start3A_54 = tpu.memref_slice %arg11[%dma_start3A_44] : memref<4x!tpu.dma_semaphore, #tpu.memory_space<semaphore_mem>> -> memref<1x!tpu.dma_semaphore, #tpu.memory_space<semaphore_mem>>
    %dma_start3A_55 = tpu.memref_squeeze %dma_start3A_54 : memref<1x!tpu.dma_semaphore, #tpu.memory_space<semaphore_mem>> -> memref<!tpu.dma_semaphore, #tpu.memory_space<semaphore_mem>>
    tpu.enqueue_indirect_dma source(%dma_start3A_53 : memref<10000x16xf32, #tpu.memory_space<hbm>>) target(%dma_start3A_47 : memref<128x16xf32, #tpu.memory_space<vmem>>) offsets(%dma_start3A_50 : memref<128xi32, #tpu.memory_space<vmem>>) semaphore(%dma_start3A_55 : memref<!tpu.dma_semaphore, #tpu.memory_space<semaphore_mem>>)
    %dma_start3A_56 = arith.constant 3 : i32
    %dma_start3A_57 = arith.constant 3 : i32
    %dma_start3A_58 = arith.constant 384 : i32
    %dma_start3A_59 = arith.constant 0 : i32
    %dma_start3A_60 = tpu.memref_slice %arg8[%dma_start3A_58, %dma_start3A_59] : memref<512x16xf32, #tpu.memory_space<vmem>> -> memref<128x16xf32, #tpu.memory_space<vmem>>
    %dma_start3A_61 = arith.constant 0 : i32
    %dma_start3A_62 = tpu.memref_slice %arg6[%dma_start3A_56, %dma_start3A_61] : memref<80x128xi32, #tpu.memory_space<vmem>> -> memref<1x128xi32, #tpu.memory_space<vmem>>
    %dma_start3A_63 = tpu.memref_squeeze %dma_start3A_62 : memref<1x128xi32, #tpu.memory_space<vmem>> -> memref<128xi32, #tpu.memory_space<vmem>>
    %dma_start3A_64 = arith.constant 0 : i32
    %dma_start3A_65 = arith.constant 0 : i32
    %dma_start3A_66 = tpu.memref_slice %arg2[%dma_start3A_64, %dma_start3A_65] : memref<10000x16xf32, #tpu.memory_space<hbm>> -> memref<10000x16xf32, #tpu.memory_space<hbm>>
    %dma_start3A_67 = tpu.memref_slice %arg11[%dma_start3A_57] : memref<4x!tpu.dma_semaphore, #tpu.memory_space<semaphore_mem>> -> memref<1x!tpu.dma_semaphore, #tpu.memory_space<semaphore_mem>>
    %dma_start3A_68 = tpu.memref_squeeze %dma_start3A_67 : memref<1x!tpu.dma_semaphore, #tpu.memory_space<semaphore_mem>> -> memref<!tpu.dma_semaphore, #tpu.memory_space<semaphore_mem>>
    tpu.enqueue_indirect_dma source(%dma_start3A_66 : memref<10000x16xf32, #tpu.memory_space<hbm>>) target(%dma_start3A_60 : memref<128x16xf32, #tpu.memory_space<vmem>>) offsets(%dma_start3A_63 : memref<128xi32, #tpu.memory_space<vmem>>) semaphore(%dma_start3A_68 : memref<!tpu.dma_semaphore, #tpu.memory_space<semaphore_mem>>)
    %scan3A_69 = arith.constant 0 : i32
    %scan3A_70 = arith.constant 0 : i32
    %scan3A_71 = arith.constant 20 : i32
    %scan3A_72 = arith.addi %scan3A_70, %scan3A_71 : i32
    %scan3A_73 = arith.constant 1 : i32
    %scan3A_74 = scf.for %scan3A_77 = %scan3A_70 to %scan3A_72 step %scan3A_73 iter_args(%scan3A_78 = %scan3A_69) -> (i32)  : i32 {
      %mul3A_79 = arith.constant 4 : i32
      %mul3A_80 = arith.muli %scan3A_77, %mul3A_79 : i32
      %add3A_81 = arith.constant 0 : i32
      %add3A_82 = arith.addi %mul3A_80, %add3A_81 : i32
      %dma_wait3A = arith.constant 0 : i32
      %dma_wait3A_83 = arith.constant 0 : i32
      %dma_wait3A_84 = arith.constant 0 : i32
      %dma_wait3A_85 = tpu.memref_slice %arg8[%dma_wait3A_83, %dma_wait3A_84] : memref<512x16xf32, #tpu.memory_space<vmem>> -> memref<128x16xf32, #tpu.memory_space<vmem>>
      %dma_wait3A_86 = arith.constant 0 : i32
      %dma_wait3A_87 = tpu.memref_slice %arg6[%add3A_82, %dma_wait3A_86] : memref<80x128xi32, #tpu.memory_space<vmem>> -> memref<1x128xi32, #tpu.memory_space<vmem>>
      %dma_wait3A_88 = tpu.memref_squeeze %dma_wait3A_87 : memref<1x128xi32, #tpu.memory_space<vmem>> -> memref<128xi32, #tpu.memory_space<vmem>>
      %dma_wait3A_89 = arith.constant 0 : i32
      %dma_wait3A_90 = arith.constant 0 : i32
      %dma_wait3A_91 = tpu.memref_slice %arg2[%dma_wait3A_89, %dma_wait3A_90] : memref<10000x16xf32, #tpu.memory_space<hbm>> -> memref<10000x16xf32, #tpu.memory_space<hbm>>
      %dma_wait3A_92 = tpu.memref_slice %arg11[%dma_wait3A] : memref<4x!tpu.dma_semaphore, #tpu.memory_space<semaphore_mem>> -> memref<1x!tpu.dma_semaphore, #tpu.memory_space<semaphore_mem>>
      %dma_wait3A_93 = tpu.memref_squeeze %dma_wait3A_92 : memref<1x!tpu.dma_semaphore, #tpu.memory_space<semaphore_mem>> -> memref<!tpu.dma_semaphore, #tpu.memory_space<semaphore_mem>>
      tpu.wait_indirect_dma semaphore(%dma_wait3A_93 : memref<!tpu.dma_semaphore, #tpu.memory_space<semaphore_mem>>) src(%dma_wait3A_91 : memref<10000x16xf32, #tpu.memory_space<hbm>>) dst(%dma_wait3A_85 : memref<128x16xf32, #tpu.memory_space<vmem>>)
      "tpu.region"() ({
        %run_scoped3A = tpu.sem_alloc : memref<!tpu.dma_semaphore, #tpu.memory_space<semaphore_mem>>
        %dma_start3A_168 = arith.constant 0 : i32
        %dma_start3A_169 = arith.constant 0 : i32
        %dma_start3A_170 = tpu.memref_slice %arg8[%dma_start3A_168, %dma_start3A_169] : memref<512x16xf32, #tpu.memory_space<vmem>> -> memref<128x16xf32, #tpu.memory_space<vmem>>
        %dma_start3A_171 = arith.constant 0 : i32
        %dma_start3A_172 = tpu.memref_slice %arg7[%add3A_82, %dma_start3A_171] : memref<80x128xi32, #tpu.memory_space<vmem>> -> memref<1x128xi32, #tpu.memory_space<vmem>>
        %dma_start3A_173 = tpu.memref_squeeze %dma_start3A_172 : memref<1x128xi32, #tpu.memory_space<vmem>> -> memref<128xi32, #tpu.memory_space<vmem>>
        %dma_start3A_174 = arith.constant 0 : i32
        %dma_start3A_175 = arith.constant 0 : i32
        %dma_start3A_176 = tpu.memref_slice %arg10[%dma_start3A_174, %dma_start3A_175] : memref<10112x16xf32, #tpu.memory_space<vmem_shared>> -> memref<10112x16xf32, #tpu.memory_space<vmem_shared>>
        tpu.enqueue_indirect_dma source(%dma_start3A_170 : memref<128x16xf32, #tpu.memory_space<vmem>>) target(%dma_start3A_176 : memref<10112x16xf32, #tpu.memory_space<vmem_shared>>) offsets(%dma_start3A_173 : memref<128xi32, #tpu.memory_space<vmem>>) semaphore(%run_scoped3A : memref<!tpu.dma_semaphore, #tpu.memory_space<semaphore_mem>>) {add = true}
        %dma_wait3A_177 = arith.constant 0 : i32
        %dma_wait3A_178 = arith.constant 0 : i32
        %dma_wait3A_179 = tpu.memref_slice %arg8[%dma_wait3A_177, %dma_wait3A_178] : memref<512x16xf32, #tpu.memory_space<vmem>> -> memref<128x16xf32, #tpu.memory_space<vmem>>
        %dma_wait3A_180 = arith.constant 0 : i32
        %dma_wait3A_181 = tpu.memref_slice %arg7[%add3A_82, %dma_wait3A_180] : memref<80x128xi32, #tpu.memory_space<vmem>> -> memref<1x128xi32, #tpu.memory_space<vmem>>
        %dma_wait3A_182 = tpu.memref_squeeze %dma_wait3A_181 : memref<1x128xi32, #tpu.memory_space<vmem>> -> memref<128xi32, #tpu.memory_space<vmem>>
        %dma_wait3A_183 = arith.constant 0 : i32
        %dma_wait3A_184 = arith.constant 0 : i32
        %dma_wait3A_185 = tpu.memref_slice %arg10[%dma_wait3A_183, %dma_wait3A_184] : memref<10112x16xf32, #tpu.memory_space<vmem_shared>> -> memref<10112x16xf32, #tpu.memory_space<vmem_shared>>
        tpu.wait_indirect_dma semaphore(%run_scoped3A : memref<!tpu.dma_semaphore, #tpu.memory_space<semaphore_mem>>) src(%dma_wait3A_179 : memref<128x16xf32, #tpu.memory_space<vmem>>) dst(%dma_wait3A_185 : memref<10112x16xf32, #tpu.memory_space<vmem_shared>>)
        tpu.yield
      }) : () -> ()
      %add3A_94 = arith.constant 4 : i32
      %add3A_95 = arith.addi %add3A_82, %add3A_94 : i32
      %lt3A = arith.constant 80 : i32
      %lt3A_96 = arith.cmpi slt, %add3A_95, %lt3A : i32
      %convert_element_type3A = arith.extui %lt3A_96 : i1 to i32
      %cond3A = arith.constant 0 : i32
      %cond3A_97 = arith.cmpi ne, %convert_element_type3A, %cond3A : i32
      scf.if %cond3A_97 {
        %add3A_168 = arith.constant 4 : i32
        %add3A_169 = arith.addi %add3A_82, %add3A_168 : i32
        %dma_start3A_170 = arith.constant 0 : i32
        %dma_start3A_171 = arith.constant 0 : i32
        %dma_start3A_172 = arith.constant 0 : i32
        %dma_start3A_173 = tpu.memref_slice %arg8[%dma_start3A_171, %dma_start3A_172] : memref<512x16xf32, #tpu.memory_space<vmem>> -> memref<128x16xf32, #tpu.memory_space<vmem>>
        %dma_start3A_174 = arith.constant 0 : i32
        %dma_start3A_175 = tpu.memref_slice %arg6[%add3A_169, %dma_start3A_174] : memref<80x128xi32, #tpu.memory_space<vmem>> -> memref<1x128xi32, #tpu.memory_space<vmem>>
        %dma_start3A_176 = tpu.memref_squeeze %dma_start3A_175 : memref<1x128xi32, #tpu.memory_space<vmem>> -> memref<128xi32, #tpu.memory_space<vmem>>
        %dma_start3A_177 = arith.constant 0 : i32
        %dma_start3A_178 = arith.constant 0 : i32
        %dma_start3A_179 = tpu.memref_slice %arg2[%dma_start3A_177, %dma_start3A_178] : memref<10000x16xf32, #tpu.memory_space<hbm>> -> memref<10000x16xf32, #tpu.memory_space<hbm>>
        %dma_start3A_180 = tpu.memref_slice %arg11[%dma_start3A_170] : memref<4x!tpu.dma_semaphore, #tpu.memory_space<semaphore_mem>> -> memref<1x!tpu.dma_semaphore, #tpu.memory_space<semaphore_mem>>
        %dma_start3A_181 = tpu.memref_squeeze %dma_start3A_180 : memref<1x!tpu.dma_semaphore, #tpu.memory_space<semaphore_mem>> -> memref<!tpu.dma_semaphore, #tpu.memory_space<semaphore_mem>>
        tpu.enqueue_indirect_dma source(%dma_start3A_179 : memref<10000x16xf32, #tpu.memory_space<hbm>>) target(%dma_start3A_173 : memref<128x16xf32, #tpu.memory_space<vmem>>) offsets(%dma_start3A_176 : memref<128xi32, #tpu.memory_space<vmem>>) semaphore(%dma_start3A_181 : memref<!tpu.dma_semaphore, #tpu.memory_space<semaphore_mem>>)
      } else {
      }
      %mul3A_98 = arith.constant 4 : i32
      %mul3A_99 = arith.muli %scan3A_77, %mul3A_98 : i32
      %add3A_100 = arith.constant 1 : i32
      %add3A_101 = arith.addi %mul3A_99, %add3A_100 : i32
      %dma_wait3A_102 = arith.constant 1 : i32
      %dma_wait3A_103 = arith.constant 128 : i32
      %dma_wait3A_104 = arith.constant 0 : i32
      %dma_wait3A_105 = tpu.memref_slice %arg8[%dma_wait3A_103, %dma_wait3A_104] : memref<512x16xf32, #tpu.memory_space<vmem>> -> memref<128x16xf32, #tpu.memory_space<vmem>>
      %dma_wait3A_106 = arith.constant 0 : i32
      %dma_wait3A_107 = tpu.memref_slice %arg6[%add3A_101, %dma_wait3A_106] : memref<80x128xi32, #tpu.memory_space<vmem>> -> memref<1x128xi32, #tpu.memory_space<vmem>>
      %dma_wait3A_108 = tpu.memref_squeeze %dma_wait3A_107 : memref<1x128xi32, #tpu.memory_space<vmem>> -> memref<128xi32, #tpu.memory_space<vmem>>
      %dma_wait3A_109 = arith.constant 0 : i32
      %dma_wait3A_110 = arith.constant 0 : i32
      %dma_wait3A_111 = tpu.memref_slice %arg2[%dma_wait3A_109, %dma_wait3A_110] : memref<10000x16xf32, #tpu.memory_space<hbm>> -> memref<10000x16xf32, #tpu.memory_space<hbm>>
      %dma_wait3A_112 = tpu.memref_slice %arg11[%dma_wait3A_102] : memref<4x!tpu.dma_semaphore, #tpu.memory_space<semaphore_mem>> -> memref<1x!tpu.dma_semaphore, #tpu.memory_space<semaphore_mem>>
      %dma_wait3A_113 = tpu.memref_squeeze %dma_wait3A_112 : memref<1x!tpu.dma_semaphore, #tpu.memory_space<semaphore_mem>> -> memref<!tpu.dma_semaphore, #tpu.memory_space<semaphore_mem>>
      tpu.wait_indirect_dma semaphore(%dma_wait3A_113 : memref<!tpu.dma_semaphore, #tpu.memory_space<semaphore_mem>>) src(%dma_wait3A_111 : memref<10000x16xf32, #tpu.memory_space<hbm>>) dst(%dma_wait3A_105 : memref<128x16xf32, #tpu.memory_space<vmem>>)
      "tpu.region"() ({
        %run_scoped3A = tpu.sem_alloc : memref<!tpu.dma_semaphore, #tpu.memory_space<semaphore_mem>>
        %dma_start3A_168 = arith.constant 128 : i32
        %dma_start3A_169 = arith.constant 0 : i32
        %dma_start3A_170 = tpu.memref_slice %arg8[%dma_start3A_168, %dma_start3A_169] : memref<512x16xf32, #tpu.memory_space<vmem>> -> memref<128x16xf32, #tpu.memory_space<vmem>>
        %dma_start3A_171 = arith.constant 0 : i32
        %dma_start3A_172 = tpu.memref_slice %arg7[%add3A_101, %dma_start3A_171] : memref<80x128xi32, #tpu.memory_space<vmem>> -> memref<1x128xi32, #tpu.memory_space<vmem>>
        %dma_start3A_173 = tpu.memref_squeeze %dma_start3A_172 : memref<1x128xi32, #tpu.memory_space<vmem>> -> memref<128xi32, #tpu.memory_space<vmem>>
        %dma_start3A_174 = arith.constant 0 : i32
        %dma_start3A_175 = arith.constant 0 : i32
        %dma_start3A_176 = tpu.memref_slice %arg10[%dma_start3A_174, %dma_start3A_175] : memref<10112x16xf32, #tpu.memory_space<vmem_shared>> -> memref<10112x16xf32, #tpu.memory_space<vmem_shared>>
        tpu.enqueue_indirect_dma source(%dma_start3A_170 : memref<128x16xf32, #tpu.memory_space<vmem>>) target(%dma_start3A_176 : memref<10112x16xf32, #tpu.memory_space<vmem_shared>>) offsets(%dma_start3A_173 : memref<128xi32, #tpu.memory_space<vmem>>) semaphore(%run_scoped3A : memref<!tpu.dma_semaphore, #tpu.memory_space<semaphore_mem>>) {add = true}
        %dma_wait3A_177 = arith.constant 128 : i32
        %dma_wait3A_178 = arith.constant 0 : i32
        %dma_wait3A_179 = tpu.memref_slice %arg8[%dma_wait3A_177, %dma_wait3A_178] : memref<512x16xf32, #tpu.memory_space<vmem>> -> memref<128x16xf32, #tpu.memory_space<vmem>>
        %dma_wait3A_180 = arith.constant 0 : i32
        %dma_wait3A_181 = tpu.memref_slice %arg7[%add3A_101, %dma_wait3A_180] : memref<80x128xi32, #tpu.memory_space<vmem>> -> memref<1x128xi32, #tpu.memory_space<vmem>>
        %dma_wait3A_182 = tpu.memref_squeeze %dma_wait3A_181 : memref<1x128xi32, #tpu.memory_space<vmem>> -> memref<128xi32, #tpu.memory_space<vmem>>
        %dma_wait3A_183 = arith.constant 0 : i32
        %dma_wait3A_184 = arith.constant 0 : i32
        %dma_wait3A_185 = tpu.memref_slice %arg10[%dma_wait3A_183, %dma_wait3A_184] : memref<10112x16xf32, #tpu.memory_space<vmem_shared>> -> memref<10112x16xf32, #tpu.memory_space<vmem_shared>>
        tpu.wait_indirect_dma semaphore(%run_scoped3A : memref<!tpu.dma_semaphore, #tpu.memory_space<semaphore_mem>>) src(%dma_wait3A_179 : memref<128x16xf32, #tpu.memory_space<vmem>>) dst(%dma_wait3A_185 : memref<10112x16xf32, #tpu.memory_space<vmem_shared>>)
        tpu.yield
      }) : () -> ()
      %add3A_114 = arith.constant 4 : i32
      %add3A_115 = arith.addi %add3A_101, %add3A_114 : i32
      %lt3A_116 = arith.constant 80 : i32
      %lt3A_117 = arith.cmpi slt, %add3A_115, %lt3A_116 : i32
      %convert_element_type3A_118 = arith.extui %lt3A_117 : i1 to i32
      %cond3A_119 = arith.constant 0 : i32
      %cond3A_120 = arith.cmpi ne, %convert_element_type3A_118, %cond3A_119 : i32
      scf.if %cond3A_120 {
        %add3A_168 = arith.constant 4 : i32
        %add3A_169 = arith.addi %add3A_101, %add3A_168 : i32
        %dma_start3A_170 = arith.constant 1 : i32
        %dma_start3A_171 = arith.constant 128 : i32
        %dma_start3A_172 = arith.constant 0 : i32
        %dma_start3A_173 = tpu.memref_slice %arg8[%dma_start3A_171, %dma_start3A_172] : memref<512x16xf32, #tpu.memory_space<vmem>> -> memref<128x16xf32, #tpu.memory_space<vmem>>
        %dma_start3A_174 = arith.constant 0 : i32
        %dma_start3A_175 = tpu.memref_slice %arg6[%add3A_169, %dma_start3A_174] : memref<80x128xi32, #tpu.memory_space<vmem>> -> memref<1x128xi32, #tpu.memory_space<vmem>>
        %dma_start3A_176 = tpu.memref_squeeze %dma_start3A_175 : memref<1x128xi32, #tpu.memory_space<vmem>> -> memref<128xi32, #tpu.memory_space<vmem>>
        %dma_start3A_177 = arith.constant 0 : i32
        %dma_start3A_178 = arith.constant 0 : i32
        %dma_start3A_179 = tpu.memref_slice %arg2[%dma_start3A_177, %dma_start3A_178] : memref<10000x16xf32, #tpu.memory_space<hbm>> -> memref<10000x16xf32, #tpu.memory_space<hbm>>
        %dma_start3A_180 = tpu.memref_slice %arg11[%dma_start3A_170] : memref<4x!tpu.dma_semaphore, #tpu.memory_space<semaphore_mem>> -> memref<1x!tpu.dma_semaphore, #tpu.memory_space<semaphore_mem>>
        %dma_start3A_181 = tpu.memref_squeeze %dma_start3A_180 : memref<1x!tpu.dma_semaphore, #tpu.memory_space<semaphore_mem>> -> memref<!tpu.dma_semaphore, #tpu.memory_space<semaphore_mem>>
        tpu.enqueue_indirect_dma source(%dma_start3A_179 : memref<10000x16xf32, #tpu.memory_space<hbm>>) target(%dma_start3A_173 : memref<128x16xf32, #tpu.memory_space<vmem>>) offsets(%dma_start3A_176 : memref<128xi32, #tpu.memory_space<vmem>>) semaphore(%dma_start3A_181 : memref<!tpu.dma_semaphore, #tpu.memory_space<semaphore_mem>>)
      } else {
      }
      %mul3A_121 = arith.constant 4 : i32
      %mul3A_122 = arith.muli %scan3A_77, %mul3A_121 : i32
      %add3A_123 = arith.constant 2 : i32
      %add3A_124 = arith.addi %mul3A_122, %add3A_123 : i32
      %dma_wait3A_125 = arith.constant 2 : i32
      %dma_wait3A_126 = arith.constant 256 : i32
      %dma_wait3A_127 = arith.constant 0 : i32
      %dma_wait3A_128 = tpu.memref_slice %arg8[%dma_wait3A_126, %dma_wait3A_127] : memref<512x16xf32, #tpu.memory_space<vmem>> -> memref<128x16xf32, #tpu.memory_space<vmem>>
      %dma_wait3A_129 = arith.constant 0 : i32
      %dma_wait3A_130 = tpu.memref_slice %arg6[%add3A_124, %dma_wait3A_129] : memref<80x128xi32, #tpu.memory_space<vmem>> -> memref<1x128xi32, #tpu.memory_space<vmem>>
      %dma_wait3A_131 = tpu.memref_squeeze %dma_wait3A_130 : memref<1x128xi32, #tpu.memory_space<vmem>> -> memref<128xi32, #tpu.memory_space<vmem>>
      %dma_wait3A_132 = arith.constant 0 : i32
      %dma_wait3A_133 = arith.constant 0 : i32
      %dma_wait3A_134 = tpu.memref_slice %arg2[%dma_wait3A_132, %dma_wait3A_133] : memref<10000x16xf32, #tpu.memory_space<hbm>> -> memref<10000x16xf32, #tpu.memory_space<hbm>>
      %dma_wait3A_135 = tpu.memref_slice %arg11[%dma_wait3A_125] : memref<4x!tpu.dma_semaphore, #tpu.memory_space<semaphore_mem>> -> memref<1x!tpu.dma_semaphore, #tpu.memory_space<semaphore_mem>>
      %dma_wait3A_136 = tpu.memref_squeeze %dma_wait3A_135 : memref<1x!tpu.dma_semaphore, #tpu.memory_space<semaphore_mem>> -> memref<!tpu.dma_semaphore, #tpu.memory_space<semaphore_mem>>
      tpu.wait_indirect_dma semaphore(%dma_wait3A_136 : memref<!tpu.dma_semaphore, #tpu.memory_space<semaphore_mem>>) src(%dma_wait3A_134 : memref<10000x16xf32, #tpu.memory_space<hbm>>) dst(%dma_wait3A_128 : memref<128x16xf32, #tpu.memory_space<vmem>>)
      "tpu.region"() ({
        %run_scoped3A = tpu.sem_alloc : memref<!tpu.dma_semaphore, #tpu.memory_space<semaphore_mem>>
        %dma_start3A_168 = arith.constant 256 : i32
        %dma_start3A_169 = arith.constant 0 : i32
        %dma_start3A_170 = tpu.memref_slice %arg8[%dma_start3A_168, %dma_start3A_169] : memref<512x16xf32, #tpu.memory_space<vmem>> -> memref<128x16xf32, #tpu.memory_space<vmem>>
        %dma_start3A_171 = arith.constant 0 : i32
        %dma_start3A_172 = tpu.memref_slice %arg7[%add3A_124, %dma_start3A_171] : memref<80x128xi32, #tpu.memory_space<vmem>> -> memref<1x128xi32, #tpu.memory_space<vmem>>
        %dma_start3A_173 = tpu.memref_squeeze %dma_start3A_172 : memref<1x128xi32, #tpu.memory_space<vmem>> -> memref<128xi32, #tpu.memory_space<vmem>>
        %dma_start3A_174 = arith.constant 0 : i32
        %dma_start3A_175 = arith.constant 0 : i32
        %dma_start3A_176 = tpu.memref_slice %arg10[%dma_start3A_174, %dma_start3A_175] : memref<10112x16xf32, #tpu.memory_space<vmem_shared>> -> memref<10112x16xf32, #tpu.memory_space<vmem_shared>>
        tpu.enqueue_indirect_dma source(%dma_start3A_170 : memref<128x16xf32, #tpu.memory_space<vmem>>) target(%dma_start3A_176 : memref<10112x16xf32, #tpu.memory_space<vmem_shared>>) offsets(%dma_start3A_173 : memref<128xi32, #tpu.memory_space<vmem>>) semaphore(%run_scoped3A : memref<!tpu.dma_semaphore, #tpu.memory_space<semaphore_mem>>) {add = true}
        %dma_wait3A_177 = arith.constant 256 : i32
        %dma_wait3A_178 = arith.constant 0 : i32
        %dma_wait3A_179 = tpu.memref_slice %arg8[%dma_wait3A_177, %dma_wait3A_178] : memref<512x16xf32, #tpu.memory_space<vmem>> -> memref<128x16xf32, #tpu.memory_space<vmem>>
        %dma_wait3A_180 = arith.constant 0 : i32
        %dma_wait3A_181 = tpu.memref_slice %arg7[%add3A_124, %dma_wait3A_180] : memref<80x128xi32, #tpu.memory_space<vmem>> -> memref<1x128xi32, #tpu.memory_space<vmem>>
        %dma_wait3A_182 = tpu.memref_squeeze %dma_wait3A_181 : memref<1x128xi32, #tpu.memory_space<vmem>> -> memref<128xi32, #tpu.memory_space<vmem>>
        %dma_wait3A_183 = arith.constant 0 : i32
        %dma_wait3A_184 = arith.constant 0 : i32
        %dma_wait3A_185 = tpu.memref_slice %arg10[%dma_wait3A_183, %dma_wait3A_184] : memref<10112x16xf32, #tpu.memory_space<vmem_shared>> -> memref<10112x16xf32, #tpu.memory_space<vmem_shared>>
        tpu.wait_indirect_dma semaphore(%run_scoped3A : memref<!tpu.dma_semaphore, #tpu.memory_space<semaphore_mem>>) src(%dma_wait3A_179 : memref<128x16xf32, #tpu.memory_space<vmem>>) dst(%dma_wait3A_185 : memref<10112x16xf32, #tpu.memory_space<vmem_shared>>)
        tpu.yield
      }) : () -> ()
      %add3A_137 = arith.constant 4 : i32
      %add3A_138 = arith.addi %add3A_124, %add3A_137 : i32
      %lt3A_139 = arith.constant 80 : i32
      %lt3A_140 = arith.cmpi slt, %add3A_138, %lt3A_139 : i32
      %convert_element_type3A_141 = arith.extui %lt3A_140 : i1 to i32
      %cond3A_142 = arith.constant 0 : i32
      %cond3A_143 = arith.cmpi ne, %convert_element_type3A_141, %cond3A_142 : i32
      scf.if %cond3A_143 {
        %add3A_168 = arith.constant 4 : i32
        %add3A_169 = arith.addi %add3A_124, %add3A_168 : i32
        %dma_start3A_170 = arith.constant 2 : i32
        %dma_start3A_171 = arith.constant 256 : i32
        %dma_start3A_172 = arith.constant 0 : i32
        %dma_start3A_173 = tpu.memref_slice %arg8[%dma_start3A_171, %dma_start3A_172] : memref<512x16xf32, #tpu.memory_space<vmem>> -> memref<128x16xf32, #tpu.memory_space<vmem>>
        %dma_start3A_174 = arith.constant 0 : i32
        %dma_start3A_175 = tpu.memref_slice %arg6[%add3A_169, %dma_start3A_174] : memref<80x128xi32, #tpu.memory_space<vmem>> -> memref<1x128xi32, #tpu.memory_space<vmem>>
        %dma_start3A_176 = tpu.memref_squeeze %dma_start3A_175 : memref<1x128xi32, #tpu.memory_space<vmem>> -> memref<128xi32, #tpu.memory_space<vmem>>
        %dma_start3A_177 = arith.constant 0 : i32
        %dma_start3A_178 = arith.constant 0 : i32
        %dma_start3A_179 = tpu.memref_slice %arg2[%dma_start3A_177, %dma_start3A_178] : memref<10000x16xf32, #tpu.memory_space<hbm>> -> memref<10000x16xf32, #tpu.memory_space<hbm>>
        %dma_start3A_180 = tpu.memref_slice %arg11[%dma_start3A_170] : memref<4x!tpu.dma_semaphore, #tpu.memory_space<semaphore_mem>> -> memref<1x!tpu.dma_semaphore, #tpu.memory_space<semaphore_mem>>
        %dma_start3A_181 = tpu.memref_squeeze %dma_start3A_180 : memref<1x!tpu.dma_semaphore, #tpu.memory_space<semaphore_mem>> -> memref<!tpu.dma_semaphore, #tpu.memory_space<semaphore_mem>>
        tpu.enqueue_indirect_dma source(%dma_start3A_179 : memref<10000x16xf32, #tpu.memory_space<hbm>>) target(%dma_start3A_173 : memref<128x16xf32, #tpu.memory_space<vmem>>) offsets(%dma_start3A_176 : memref<128xi32, #tpu.memory_space<vmem>>) semaphore(%dma_start3A_181 : memref<!tpu.dma_semaphore, #tpu.memory_space<semaphore_mem>>)
      } else {
      }
      %mul3A_144 = arith.constant 4 : i32
      %mul3A_145 = arith.muli %scan3A_77, %mul3A_144 : i32
      %add3A_146 = arith.constant 3 : i32
      %add3A_147 = arith.addi %mul3A_145, %add3A_146 : i32
      %dma_wait3A_148 = arith.constant 3 : i32
      %dma_wait3A_149 = arith.constant 384 : i32
      %dma_wait3A_150 = arith.constant 0 : i32
      %dma_wait3A_151 = tpu.memref_slice %arg8[%dma_wait3A_149, %dma_wait3A_150] : memref<512x16xf32, #tpu.memory_space<vmem>> -> memref<128x16xf32, #tpu.memory_space<vmem>>
      %dma_wait3A_152 = arith.constant 0 : i32
      %dma_wait3A_153 = tpu.memref_slice %arg6[%add3A_147, %dma_wait3A_152] : memref<80x128xi32, #tpu.memory_space<vmem>> -> memref<1x128xi32, #tpu.memory_space<vmem>>
      %dma_wait3A_154 = tpu.memref_squeeze %dma_wait3A_153 : memref<1x128xi32, #tpu.memory_space<vmem>> -> memref<128xi32, #tpu.memory_space<vmem>>
      %dma_wait3A_155 = arith.constant 0 : i32
      %dma_wait3A_156 = arith.constant 0 : i32
      %dma_wait3A_157 = tpu.memref_slice %arg2[%dma_wait3A_155, %dma_wait3A_156] : memref<10000x16xf32, #tpu.memory_space<hbm>> -> memref<10000x16xf32, #tpu.memory_space<hbm>>
      %dma_wait3A_158 = tpu.memref_slice %arg11[%dma_wait3A_148] : memref<4x!tpu.dma_semaphore, #tpu.memory_space<semaphore_mem>> -> memref<1x!tpu.dma_semaphore, #tpu.memory_space<semaphore_mem>>
      %dma_wait3A_159 = tpu.memref_squeeze %dma_wait3A_158 : memref<1x!tpu.dma_semaphore, #tpu.memory_space<semaphore_mem>> -> memref<!tpu.dma_semaphore, #tpu.memory_space<semaphore_mem>>
      tpu.wait_indirect_dma semaphore(%dma_wait3A_159 : memref<!tpu.dma_semaphore, #tpu.memory_space<semaphore_mem>>) src(%dma_wait3A_157 : memref<10000x16xf32, #tpu.memory_space<hbm>>) dst(%dma_wait3A_151 : memref<128x16xf32, #tpu.memory_space<vmem>>)
      "tpu.region"() ({
        %run_scoped3A = tpu.sem_alloc : memref<!tpu.dma_semaphore, #tpu.memory_space<semaphore_mem>>
        %dma_start3A_168 = arith.constant 384 : i32
        %dma_start3A_169 = arith.constant 0 : i32
        %dma_start3A_170 = tpu.memref_slice %arg8[%dma_start3A_168, %dma_start3A_169] : memref<512x16xf32, #tpu.memory_space<vmem>> -> memref<128x16xf32, #tpu.memory_space<vmem>>
        %dma_start3A_171 = arith.constant 0 : i32
        %dma_start3A_172 = tpu.memref_slice %arg7[%add3A_147, %dma_start3A_171] : memref<80x128xi32, #tpu.memory_space<vmem>> -> memref<1x128xi32, #tpu.memory_space<vmem>>
        %dma_start3A_173 = tpu.memref_squeeze %dma_start3A_172 : memref<1x128xi32, #tpu.memory_space<vmem>> -> memref<128xi32, #tpu.memory_space<vmem>>
        %dma_start3A_174 = arith.constant 0 : i32
        %dma_start3A_175 = arith.constant 0 : i32
        %dma_start3A_176 = tpu.memref_slice %arg10[%dma_start3A_174, %dma_start3A_175] : memref<10112x16xf32, #tpu.memory_space<vmem_shared>> -> memref<10112x16xf32, #tpu.memory_space<vmem_shared>>
        tpu.enqueue_indirect_dma source(%dma_start3A_170 : memref<128x16xf32, #tpu.memory_space<vmem>>) target(%dma_start3A_176 : memref<10112x16xf32, #tpu.memory_space<vmem_shared>>) offsets(%dma_start3A_173 : memref<128xi32, #tpu.memory_space<vmem>>) semaphore(%run_scoped3A : memref<!tpu.dma_semaphore, #tpu.memory_space<semaphore_mem>>) {add = true}
        %dma_wait3A_177 = arith.constant 384 : i32
        %dma_wait3A_178 = arith.constant 0 : i32
        %dma_wait3A_179 = tpu.memref_slice %arg8[%dma_wait3A_177, %dma_wait3A_178] : memref<512x16xf32, #tpu.memory_space<vmem>> -> memref<128x16xf32, #tpu.memory_space<vmem>>
        %dma_wait3A_180 = arith.constant 0 : i32
        %dma_wait3A_181 = tpu.memref_slice %arg7[%add3A_147, %dma_wait3A_180] : memref<80x128xi32, #tpu.memory_space<vmem>> -> memref<1x128xi32, #tpu.memory_space<vmem>>
        %dma_wait3A_182 = tpu.memref_squeeze %dma_wait3A_181 : memref<1x128xi32, #tpu.memory_space<vmem>> -> memref<128xi32, #tpu.memory_space<vmem>>
        %dma_wait3A_183 = arith.constant 0 : i32
        %dma_wait3A_184 = arith.constant 0 : i32
        %dma_wait3A_185 = tpu.memref_slice %arg10[%dma_wait3A_183, %dma_wait3A_184] : memref<10112x16xf32, #tpu.memory_space<vmem_shared>> -> memref<10112x16xf32, #tpu.memory_space<vmem_shared>>
        tpu.wait_indirect_dma semaphore(%run_scoped3A : memref<!tpu.dma_semaphore, #tpu.memory_space<semaphore_mem>>) src(%dma_wait3A_179 : memref<128x16xf32, #tpu.memory_space<vmem>>) dst(%dma_wait3A_185 : memref<10112x16xf32, #tpu.memory_space<vmem_shared>>)
        tpu.yield
      }) : () -> ()
      %add3A_160 = arith.constant 4 : i32
      %add3A_161 = arith.addi %add3A_147, %add3A_160 : i32
      %lt3A_162 = arith.constant 80 : i32
      %lt3A_163 = arith.cmpi slt, %add3A_161, %lt3A_162 : i32
      %convert_element_type3A_164 = arith.extui %lt3A_163 : i1 to i32
      %cond3A_165 = arith.constant 0 : i32
      %cond3A_166 = arith.cmpi ne, %convert_element_type3A_164, %cond3A_165 : i32
      scf.if %cond3A_166 {
        %add3A_168 = arith.constant 4 : i32
        %add3A_169 = arith.addi %add3A_147, %add3A_168 : i32
        %dma_start3A_170 = arith.constant 3 : i32
        %dma_start3A_171 = arith.constant 384 : i32
        %dma_start3A_172 = arith.constant 0 : i32
        %dma_start3A_173 = tpu.memref_slice %arg8[%dma_start3A_171, %dma_start3A_172] : memref<512x16xf32, #tpu.memory_space<vmem>> -> memref<128x16xf32, #tpu.memory_space<vmem>>
        %dma_start3A_174 = arith.constant 0 : i32
        %dma_start3A_175 = tpu.memref_slice %arg6[%add3A_169, %dma_start3A_174] : memref<80x128xi32, #tpu.memory_space<vmem>> -> memref<1x128xi32, #tpu.memory_space<vmem>>
        %dma_start3A_176 = tpu.memref_squeeze %dma_start3A_175 : memref<1x128xi32, #tpu.memory_space<vmem>> -> memref<128xi32, #tpu.memory_space<vmem>>
        %dma_start3A_177 = arith.constant 0 : i32
        %dma_start3A_178 = arith.constant 0 : i32
        %dma_start3A_179 = tpu.memref_slice %arg2[%dma_start3A_177, %dma_start3A_178] : memref<10000x16xf32, #tpu.memory_space<hbm>> -> memref<10000x16xf32, #tpu.memory_space<hbm>>
        %dma_start3A_180 = tpu.memref_slice %arg11[%dma_start3A_170] : memref<4x!tpu.dma_semaphore, #tpu.memory_space<semaphore_mem>> -> memref<1x!tpu.dma_semaphore, #tpu.memory_space<semaphore_mem>>
        %dma_start3A_181 = tpu.memref_squeeze %dma_start3A_180 : memref<1x!tpu.dma_semaphore, #tpu.memory_space<semaphore_mem>> -> memref<!tpu.dma_semaphore, #tpu.memory_space<semaphore_mem>>
        tpu.enqueue_indirect_dma source(%dma_start3A_179 : memref<10000x16xf32, #tpu.memory_space<hbm>>) target(%dma_start3A_173 : memref<128x16xf32, #tpu.memory_space<vmem>>) offsets(%dma_start3A_176 : memref<128xi32, #tpu.memory_space<vmem>>) semaphore(%dma_start3A_181 : memref<!tpu.dma_semaphore, #tpu.memory_space<semaphore_mem>>)
      } else {
      }
      %scan3A_167 = arith.constant 0 : i32
      scf.yield %scan3A_167 : i32
    }
    %scan3A_75 = arith.constant 20 : i32
    %barrier3A_76 = arith.constant 0 : index
    tpu.barrier barrier_id(%barrier3A_76)
    "tpu.region"() ({
      %run_scoped3A = tpu.sem_alloc : memref<!tpu.dma_semaphore, #tpu.memory_space<semaphore_mem>>
      %dma_start3A_77 = arith.constant 0 : i32
      %dma_start3A_78 = tpu.memref_slice %arg10[%multiple_of3A_5, %dma_start3A_77] : memref<10112x16xf32, #tpu.memory_space<vmem_shared>> -> memref<632x16xf32, #tpu.memory_space<vmem_shared>>
      %dma_start3A_79 = arith.constant 0 : i32
      %dma_start3A_80 = tpu.memref_slice %arg10[%multiple_of3A_5, %dma_start3A_79] : memref<10112x16xf32, #tpu.memory_space<vmem_shared>> -> memref<632x16xf32, #tpu.memory_space<vmem_shared>>
      tpu.enqueue_dma source(%dma_start3A_80 : memref<632x16xf32, #tpu.memory_space<vmem_shared>>) target(%arg9 : memref<632x16xf32, #tpu.memory_space<vmem>>) target_semaphore(%run_scoped3A : memref<!tpu.dma_semaphore, #tpu.memory_space<semaphore_mem>>)
      %dma_wait3A = arith.constant 0 : i32
      %dma_wait3A_81 = tpu.memref_slice %arg10[%multiple_of3A_5, %dma_wait3A] : memref<10112x16xf32, #tpu.memory_space<vmem_shared>> -> memref<632x16xf32, #tpu.memory_space<vmem_shared>>
      %dma_wait3A_82 = arith.constant 0 : i32
      %dma_wait3A_83 = tpu.memref_slice %arg10[%multiple_of3A_5, %dma_wait3A_82] : memref<10112x16xf32, #tpu.memory_space<vmem_shared>> -> memref<632x16xf32, #tpu.memory_space<vmem_shared>>
      tpu.wait_dma2 semaphore(%run_scoped3A : memref<!tpu.dma_semaphore, #tpu.memory_space<semaphore_mem>>) src(%dma_wait3A_83 : memref<632x16xf32, #tpu.memory_space<vmem_shared>>) dst(%arg9 : memref<632x16xf32, #tpu.memory_space<vmem>>)
      tpu.yield
    }) : () -> ()
    "tpu.region"() ({
      %run_scoped3A = tpu.sem_alloc : memref<!tpu.dma_semaphore, #tpu.memory_space<semaphore_mem>>
      %dma_start3A_77 = arith.constant 0 : i32
      %dma_start3A_78 = tpu.memref_slice %arg5[%multiple_of3A_11, %dma_start3A_77] : memref<20224x16xf32, #tpu.memory_space<hbm>> -> memref<632x16xf32, #tpu.memory_space<hbm>>
      %dma_start3A_79 = arith.constant 0 : i32
      %dma_start3A_80 = tpu.memref_slice %arg5[%multiple_of3A_11, %dma_start3A_79] : memref<20224x16xf32, #tpu.memory_space<hbm>> -> memref<632x16xf32, #tpu.memory_space<hbm>>
      tpu.enqueue_dma source(%arg9 : memref<632x16xf32, #tpu.memory_space<vmem>>) target(%dma_start3A_80 : memref<632x16xf32, #tpu.memory_space<hbm>>) target_semaphore(%run_scoped3A : memref<!tpu.dma_semaphore, #tpu.memory_space<semaphore_mem>>)
      %dma_wait3A = arith.constant 0 : i32
      %dma_wait3A_81 = tpu.memref_slice %arg5[%multiple_of3A_11, %dma_wait3A] : memref<20224x16xf32, #tpu.memory_space<hbm>> -> memref<632x16xf32, #tpu.memory_space<hbm>>
      %dma_wait3A_82 = arith.constant 0 : i32
      %dma_wait3A_83 = tpu.memref_slice %arg5[%multiple_of3A_11, %dma_wait3A_82] : memref<20224x16xf32, #tpu.memory_space<hbm>> -> memref<632x16xf32, #tpu.memory_space<hbm>>
      tpu.wait_dma2 semaphore(%run_scoped3A : memref<!tpu.dma_semaphore, #tpu.memory_space<semaphore_mem>>) src(%arg9 : memref<632x16xf32, #tpu.memory_space<vmem>>) dst(%dma_wait3A_83 : memref<632x16xf32, #tpu.memory_space<hbm>>)
      tpu.yield
    }) : () -> ()
    return
  }
}

#map = affine_map<(d0, d1) -> (0, 0)>
module attributes {stable_mosaic.version = 14 : i64} {
  func.func @_deg_body(%arg0: i32, %arg1: i32, %arg2: memref<2560x128xi32, #tpu.memory_space<hbm>>, %arg3: memref<20224x16xf32, #tpu.memory_space<hbm>>, %arg4: memref<80x128xi32, #tpu.memory_space<vmem>>, %arg5: memref<128x16xf32, #tpu.memory_space<vmem>>, %arg6: memref<632x16xf32, #tpu.memory_space<vmem>>, %arg7: memref<10112x16xf32, #tpu.memory_space<vmem_shared>>, %arg8: memref<!tpu.dma_semaphore, #tpu.memory_space<semaphore_mem>>) attributes {dimension_semantics = [#tpu.dimension_semantics<core_parallel>, #tpu.dimension_semantics<subcore_parallel>], iteration_bounds = array<i64: 2, 16>, scalar_prefetch = 0 : i64, scratch_operands = 5 : i64, tpu.core_type = #tpu.core_type<sc_vector_subcore>, window_params = [{transform_indices = #map}, {transform_indices = #map}]} {
    %mul3A = arith.constant 2 : i32
    %mul3A_0 = arith.muli %arg1, %mul3A : i32
    %add3A = arith.addi %mul3A_0, %arg0 : i32
    %mul3A_1 = arith.constant 80 : i32
    %mul3A_2 = arith.muli %add3A, %mul3A_1 : i32
    %multiple_of3A = tpu.assume_multiple %mul3A_2, 8 : i32
    %mul3A_3 = arith.constant 632 : i32
    %mul3A_4 = arith.muli %arg1, %mul3A_3 : i32
    %multiple_of3A_5 = tpu.assume_multiple %mul3A_4, 8 : i32
    %mul3A_6 = arith.constant 10112 : i32
    %mul3A_7 = arith.muli %arg0, %mul3A_6 : i32
    %mul3A_8 = arith.constant 632 : i32
    %mul3A_9 = arith.muli %arg1, %mul3A_8 : i32
    %add3A_10 = arith.addi %mul3A_7, %mul3A_9 : i32
    %multiple_of3A_11 = tpu.assume_multiple %add3A_10, 8 : i32
    %scan3A = arith.constant 0 : i32
    %scan3A_12 = arith.constant 0 : i32
    %scan3A_13 = arith.constant 128 : i32
    %scan3A_14 = arith.addi %scan3A_12, %scan3A_13 : i32
    %scan3A_15 = arith.constant 1 : i32
    %scan3A_16 = scf.for %scan3A_40 = %scan3A_12 to %scan3A_14 step %scan3A_15 iter_args(%scan3A_41 = %scan3A) -> (i32)  : i32 {
      %broadcast_in_dim3A = arith.constant 1.000000e+00 : f32
      %broadcast_in_dim3A_42 = vector.broadcast %broadcast_in_dim3A : f32 to vector<16xf32>
      %swap3A = arith.index_cast %scan3A_40 : i32 to index
      %swap3A_43 = arith.constant 0 : index
      %swap3A_44 = tpu.vector_load %arg5[%swap3A, %swap3A_43] {strides = array<i32>} : memref<128x16xf32, #tpu.memory_space<vmem>>, vector<1x16xf32>,
      %swap3A_45 = vector.shape_cast %swap3A_44 : vector<1x16xf32> to vector<16xf32>
      %swap3A_46 = vector.shape_cast %broadcast_in_dim3A_42 : vector<16xf32> to vector<1x16xf32>
      tpu.vector_store %arg5[%swap3A, %swap3A_43], %swap3A_46 {strides = array<i32>} : memref<128x16xf32, #tpu.memory_space<vmem>>, vector<1x16xf32>,
      %scan3A_47 = arith.constant 0 : i32
      scf.yield %scan3A_47 : i32
    }
    %scan3A_17 = arith.constant 128 : i32
    %scan3A_18 = arith.constant 0 : i32
    %scan3A_19 = arith.constant 0 : i32
    %scan3A_20 = arith.constant 632 : i32
    %scan3A_21 = arith.addi %scan3A_19, %scan3A_20 : i32
    %scan3A_22 = arith.constant 1 : i32
    %scan3A_23 = scf.for %scan3A_40 = %scan3A_19 to %scan3A_21 step %scan3A_22 iter_args(%scan3A_41 = %scan3A_18) -> (i32)  : i32 {
      %broadcast_in_dim3A = arith.constant 0.000000e+00 : f32
      %broadcast_in_dim3A_42 = vector.broadcast %broadcast_in_dim3A : f32 to vector<16xf32>
      %swap3A = arith.index_cast %scan3A_40 : i32 to index
      %swap3A_43 = arith.constant 0 : index
      %swap3A_44 = tpu.vector_load %arg6[%swap3A, %swap3A_43] {strides = array<i32>} : memref<632x16xf32, #tpu.memory_space<vmem>>, vector<1x16xf32>,
      %swap3A_45 = vector.shape_cast %swap3A_44 : vector<1x16xf32> to vector<16xf32>
      %swap3A_46 = vector.shape_cast %broadcast_in_dim3A_42 : vector<16xf32> to vector<1x16xf32>
      tpu.vector_store %arg6[%swap3A, %swap3A_43], %swap3A_46 {strides = array<i32>} : memref<632x16xf32, #tpu.memory_space<vmem>>, vector<1x16xf32>,
      %scan3A_47 = arith.constant 0 : i32
      scf.yield %scan3A_47 : i32
    }
    %scan3A_24 = arith.constant 632 : i32
    "tpu.region"() ({
      %run_scoped3A = tpu.sem_alloc : memref<!tpu.dma_semaphore, #tpu.memory_space<semaphore_mem>>
      %dma_start3A = arith.constant 0 : i32
      %dma_start3A_40 = tpu.memref_slice %arg7[%multiple_of3A_5, %dma_start3A] : memref<10112x16xf32, #tpu.memory_space<vmem_shared>> -> memref<632x16xf32, #tpu.memory_space<vmem_shared>>
      %dma_start3A_41 = arith.constant 0 : i32
      %dma_start3A_42 = tpu.memref_slice %arg7[%multiple_of3A_5, %dma_start3A_41] : memref<10112x16xf32, #tpu.memory_space<vmem_shared>> -> memref<632x16xf32, #tpu.memory_space<vmem_shared>>
      tpu.enqueue_dma source(%arg6 : memref<632x16xf32, #tpu.memory_space<vmem>>) target(%dma_start3A_42 : memref<632x16xf32, #tpu.memory_space<vmem_shared>>) target_semaphore(%run_scoped3A : memref<!tpu.dma_semaphore, #tpu.memory_space<semaphore_mem>>)
      %dma_wait3A = arith.constant 0 : i32
      %dma_wait3A_43 = tpu.memref_slice %arg7[%multiple_of3A_5, %dma_wait3A] : memref<10112x16xf32, #tpu.memory_space<vmem_shared>> -> memref<632x16xf32, #tpu.memory_space<vmem_shared>>
      %dma_wait3A_44 = arith.constant 0 : i32
      %dma_wait3A_45 = tpu.memref_slice %arg7[%multiple_of3A_5, %dma_wait3A_44] : memref<10112x16xf32, #tpu.memory_space<vmem_shared>> -> memref<632x16xf32, #tpu.memory_space<vmem_shared>>
      tpu.wait_dma2 semaphore(%run_scoped3A : memref<!tpu.dma_semaphore, #tpu.memory_space<semaphore_mem>>) src(%arg6 : memref<632x16xf32, #tpu.memory_space<vmem>>) dst(%dma_wait3A_45 : memref<632x16xf32, #tpu.memory_space<vmem_shared>>)
      tpu.yield
    }) : () -> ()
    "tpu.region"() ({
      %run_scoped3A = tpu.sem_alloc : memref<!tpu.dma_semaphore, #tpu.memory_space<semaphore_mem>>
      %dma_start3A = arith.constant 0 : i32
      %dma_start3A_40 = tpu.memref_slice %arg2[%multiple_of3A, %dma_start3A] : memref<2560x128xi32, #tpu.memory_space<hbm>> -> memref<80x128xi32, #tpu.memory_space<hbm>>
      %dma_start3A_41 = arith.constant 0 : i32
      %dma_start3A_42 = tpu.memref_slice %arg2[%multiple_of3A, %dma_start3A_41] : memref<2560x128xi32, #tpu.memory_space<hbm>> -> memref<80x128xi32, #tpu.memory_space<hbm>>
      tpu.enqueue_dma source(%dma_start3A_42 : memref<80x128xi32, #tpu.memory_space<hbm>>) target(%arg4 : memref<80x128xi32, #tpu.memory_space<vmem>>) target_semaphore(%run_scoped3A : memref<!tpu.dma_semaphore, #tpu.memory_space<semaphore_mem>>)
      %dma_wait3A = arith.constant 0 : i32
      %dma_wait3A_43 = tpu.memref_slice %arg2[%multiple_of3A, %dma_wait3A] : memref<2560x128xi32, #tpu.memory_space<hbm>> -> memref<80x128xi32, #tpu.memory_space<hbm>>
      %dma_wait3A_44 = arith.constant 0 : i32
      %dma_wait3A_45 = tpu.memref_slice %arg2[%multiple_of3A, %dma_wait3A_44] : memref<2560x128xi32, #tpu.memory_space<hbm>> -> memref<80x128xi32, #tpu.memory_space<hbm>>
      tpu.wait_dma2 semaphore(%run_scoped3A : memref<!tpu.dma_semaphore, #tpu.memory_space<semaphore_mem>>) src(%dma_wait3A_45 : memref<80x128xi32, #tpu.memory_space<hbm>>) dst(%arg4 : memref<80x128xi32, #tpu.memory_space<vmem>>)
      tpu.yield
    }) : () -> ()
    %barrier3A = arith.constant 0 : index
    tpu.barrier barrier_id(%barrier3A)
    %scan3A_25 = arith.constant 0 : i32
    %scan3A_26 = arith.constant 0 : i32
    %scan3A_27 = arith.constant 80 : i32
    %scan3A_28 = arith.addi %scan3A_26, %scan3A_27 : i32
    %scan3A_29 = arith.constant 1 : i32
    %scan3A_30 = scf.for %scan3A_40 = %scan3A_26 to %scan3A_28 step %scan3A_29 iter_args(%scan3A_41 = %scan3A_25) -> (i32)  : i32 {
      %dma_start3A = arith.constant 0 : i32
      %dma_start3A_42 = tpu.memref_slice %arg4[%scan3A_40, %dma_start3A] : memref<80x128xi32, #tpu.memory_space<vmem>> -> memref<1x128xi32, #tpu.memory_space<vmem>>
      %dma_start3A_43 = tpu.memref_squeeze %dma_start3A_42 : memref<1x128xi32, #tpu.memory_space<vmem>> -> memref<128xi32, #tpu.memory_space<vmem>>
      %dma_start3A_44 = arith.constant 0 : i32
      %dma_start3A_45 = arith.constant 0 : i32
      %dma_start3A_46 = tpu.memref_slice %arg7[%dma_start3A_44, %dma_start3A_45] : memref<10112x16xf32, #tpu.memory_space<vmem_shared>> -> memref<10112x16xf32, #tpu.memory_space<vmem_shared>>
      tpu.enqueue_indirect_dma source(%arg5 : memref<128x16xf32, #tpu.memory_space<vmem>>) target(%dma_start3A_46 : memref<10112x16xf32, #tpu.memory_space<vmem_shared>>) offsets(%dma_start3A_43 : memref<128xi32, #tpu.memory_space<vmem>>) semaphore(%arg8 : memref<!tpu.dma_semaphore, #tpu.memory_space<semaphore_mem>>) {add = true}
      %scan3A_47 = arith.constant 0 : i32
      scf.yield %scan3A_47 : i32
    }
    %scan3A_31 = arith.constant 80 : i32
    %scan3A_32 = arith.constant 0 : i32
    %scan3A_33 = arith.constant 0 : i32
    %scan3A_34 = arith.constant 80 : i32
    %scan3A_35 = arith.addi %scan3A_33, %scan3A_34 : i32
    %scan3A_36 = arith.constant 1 : i32
    %scan3A_37 = scf.for %scan3A_40 = %scan3A_33 to %scan3A_35 step %scan3A_36 iter_args(%scan3A_41 = %scan3A_32) -> (i32)  : i32 {
      %dma_wait3A = arith.constant 0 : i32
      %dma_wait3A_42 = tpu.memref_slice %arg4[%scan3A_40, %dma_wait3A] : memref<80x128xi32, #tpu.memory_space<vmem>> -> memref<1x128xi32, #tpu.memory_space<vmem>>
      %dma_wait3A_43 = tpu.memref_squeeze %dma_wait3A_42 : memref<1x128xi32, #tpu.memory_space<vmem>> -> memref<128xi32, #tpu.memory_space<vmem>>
      %dma_wait3A_44 = arith.constant 0 : i32
      %dma_wait3A_45 = arith.constant 0 : i32
      %dma_wait3A_46 = tpu.memref_slice %arg7[%dma_wait3A_44, %dma_wait3A_45] : memref<10112x16xf32, #tpu.memory_space<vmem_shared>> -> memref<10112x16xf32, #tpu.memory_space<vmem_shared>>
      tpu.wait_indirect_dma semaphore(%arg8 : memref<!tpu.dma_semaphore, #tpu.memory_space<semaphore_mem>>) src(%arg5 : memref<128x16xf32, #tpu.memory_space<vmem>>) dst(%dma_wait3A_46 : memref<10112x16xf32, #tpu.memory_space<vmem_shared>>)
      %scan3A_47 = arith.constant 0 : i32
      scf.yield %scan3A_47 : i32
    }
    %scan3A_38 = arith.constant 80 : i32
    %barrier3A_39 = arith.constant 0 : index
    tpu.barrier barrier_id(%barrier3A_39)
    "tpu.region"() ({
      %run_scoped3A = tpu.sem_alloc : memref<!tpu.dma_semaphore, #tpu.memory_space<semaphore_mem>>
      %dma_start3A = arith.constant 0 : i32
      %dma_start3A_40 = tpu.memref_slice %arg7[%multiple_of3A_5, %dma_start3A] : memref<10112x16xf32, #tpu.memory_space<vmem_shared>> -> memref<632x16xf32, #tpu.memory_space<vmem_shared>>
      %dma_start3A_41 = arith.constant 0 : i32
      %dma_start3A_42 = tpu.memref_slice %arg7[%multiple_of3A_5, %dma_start3A_41] : memref<10112x16xf32, #tpu.memory_space<vmem_shared>> -> memref<632x16xf32, #tpu.memory_space<vmem_shared>>
      tpu.enqueue_dma source(%dma_start3A_42 : memref<632x16xf32, #tpu.memory_space<vmem_shared>>) target(%arg6 : memref<632x16xf32, #tpu.memory_space<vmem>>) target_semaphore(%run_scoped3A : memref<!tpu.dma_semaphore, #tpu.memory_space<semaphore_mem>>)
      %dma_wait3A = arith.constant 0 : i32
      %dma_wait3A_43 = tpu.memref_slice %arg7[%multiple_of3A_5, %dma_wait3A] : memref<10112x16xf32, #tpu.memory_space<vmem_shared>> -> memref<632x16xf32, #tpu.memory_space<vmem_shared>>
      %dma_wait3A_44 = arith.constant 0 : i32
      %dma_wait3A_45 = tpu.memref_slice %arg7[%multiple_of3A_5, %dma_wait3A_44] : memref<10112x16xf32, #tpu.memory_space<vmem_shared>> -> memref<632x16xf32, #tpu.memory_space<vmem_shared>>
      tpu.wait_dma2 semaphore(%run_scoped3A : memref<!tpu.dma_semaphore, #tpu.memory_space<semaphore_mem>>) src(%dma_wait3A_45 : memref<632x16xf32, #tpu.memory_space<vmem_shared>>) dst(%arg6 : memref<632x16xf32, #tpu.memory_space<vmem>>)
      tpu.yield
    }) : () -> ()
    "tpu.region"() ({
      %run_scoped3A = tpu.sem_alloc : memref<!tpu.dma_semaphore, #tpu.memory_space<semaphore_mem>>
      %dma_start3A = arith.constant 0 : i32
      %dma_start3A_40 = tpu.memref_slice %arg3[%multiple_of3A_11, %dma_start3A] : memref<20224x16xf32, #tpu.memory_space<hbm>> -> memref<632x16xf32, #tpu.memory_space<hbm>>
      %dma_start3A_41 = arith.constant 0 : i32
      %dma_start3A_42 = tpu.memref_slice %arg3[%multiple_of3A_11, %dma_start3A_41] : memref<20224x16xf32, #tpu.memory_space<hbm>> -> memref<632x16xf32, #tpu.memory_space<hbm>>
      tpu.enqueue_dma source(%arg6 : memref<632x16xf32, #tpu.memory_space<vmem>>) target(%dma_start3A_42 : memref<632x16xf32, #tpu.memory_space<hbm>>) target_semaphore(%run_scoped3A : memref<!tpu.dma_semaphore, #tpu.memory_space<semaphore_mem>>)
      %dma_wait3A = arith.constant 0 : i32
      %dma_wait3A_43 = tpu.memref_slice %arg3[%multiple_of3A_11, %dma_wait3A] : memref<20224x16xf32, #tpu.memory_space<hbm>> -> memref<632x16xf32, #tpu.memory_space<hbm>>
      %dma_wait3A_44 = arith.constant 0 : i32
      %dma_wait3A_45 = tpu.memref_slice %arg3[%multiple_of3A_11, %dma_wait3A_44] : memref<20224x16xf32, #tpu.memory_space<hbm>> -> memref<632x16xf32, #tpu.memory_space<hbm>>
      tpu.wait_dma2 semaphore(%run_scoped3A : memref<!tpu.dma_semaphore, #tpu.memory_space<semaphore_mem>>) src(%arg6 : memref<632x16xf32, #tpu.memory_space<vmem>>) dst(%dma_wait3A_45 : memref<632x16xf32, #tpu.memory_space<hbm>>)
      tpu.yield
    }) : () -> ()
    return
  }
}

#map = affine_map<(d0, d1) -> (0, 0)>
module attributes {stable_mosaic.version = 14 : i64} {
  func.func @_prop_body(%arg0: i32, %arg1: i32, %arg2: memref<10000x16xf32, #tpu.memory_space<hbm>>, %arg3: memref<2560x128xi32, #tpu.memory_space<hbm>>, %arg4: memref<2560x128xi32, #tpu.memory_space<hbm>>, %arg5: memref<20224x16xf32, #tpu.memory_space<hbm>>, %arg6: memref<80x128xi32, #tpu.memory_space<vmem>>, %arg7: memref<80x128xi32, #tpu.memory_space<vmem>>, %arg8: memref<512x16xf32, #tpu.memory_space<vmem>>, %arg9: memref<632x16xf32, #tpu.memory_space<vmem>>, %arg10: memref<10112x16xf32, #tpu.memory_space<vmem_shared>>, %arg11: memref<4x!tpu.dma_semaphore, #tpu.memory_space<semaphore_mem>>, %arg12: memref<4x!tpu.dma_semaphore, #tpu.memory_space<semaphore_mem>>) attributes {dimension_semantics = [#tpu.dimension_semantics<core_parallel>, #tpu.dimension_semantics<subcore_parallel>], iteration_bounds = array<i64: 2, 16>, scalar_prefetch = 0 : i64, scratch_operands = 7 : i64, tpu.core_type = #tpu.core_type<sc_vector_subcore>, window_params = [{transform_indices = #map}, {transform_indices = #map}, {transform_indices = #map}, {transform_indices = #map}]} {
    %mul3A = arith.constant 2 : i32
    %mul3A_0 = arith.muli %arg1, %mul3A : i32
    %add3A = arith.addi %mul3A_0, %arg0 : i32
    %mul3A_1 = arith.constant 80 : i32
    %mul3A_2 = arith.muli %add3A, %mul3A_1 : i32
    %multiple_of3A = tpu.assume_multiple %mul3A_2, 8 : i32
    %mul3A_3 = arith.constant 632 : i32
    %mul3A_4 = arith.muli %arg1, %mul3A_3 : i32
    %multiple_of3A_5 = tpu.assume_multiple %mul3A_4, 8 : i32
    %mul3A_6 = arith.constant 10112 : i32
    %mul3A_7 = arith.muli %arg0, %mul3A_6 : i32
    %mul3A_8 = arith.constant 632 : i32
    %mul3A_9 = arith.muli %arg1, %mul3A_8 : i32
    %add3A_10 = arith.addi %mul3A_7, %mul3A_9 : i32
    %multiple_of3A_11 = tpu.assume_multiple %add3A_10, 8 : i32
    %scan3A = arith.constant 0 : i32
    %scan3A_12 = arith.constant 0 : i32
    %scan3A_13 = arith.constant 632 : i32
    %scan3A_14 = arith.addi %scan3A_12, %scan3A_13 : i32
    %scan3A_15 = arith.constant 1 : i32
    %scan3A_16 = scf.for %scan3A_77 = %scan3A_12 to %scan3A_14 step %scan3A_15 iter_args(%scan3A_78 = %scan3A) -> (i32)  : i32 {
      %broadcast_in_dim3A = arith.constant 0.000000e+00 : f32
      %broadcast_in_dim3A_79 = vector.broadcast %broadcast_in_dim3A : f32 to vector<16xf32>
      %swap3A = arith.index_cast %scan3A_77 : i32 to index
      %swap3A_80 = arith.constant 0 : index
      %swap3A_81 = tpu.vector_load %arg9[%swap3A, %swap3A_80] {strides = array<i32>} : memref<632x16xf32, #tpu.memory_space<vmem>>, vector<1x16xf32>,
      %swap3A_82 = vector.shape_cast %swap3A_81 : vector<1x16xf32> to vector<16xf32>
      %swap3A_83 = vector.shape_cast %broadcast_in_dim3A_79 : vector<16xf32> to vector<1x16xf32>
      tpu.vector_store %arg9[%swap3A, %swap3A_80], %swap3A_83 {strides = array<i32>} : memref<632x16xf32, #tpu.memory_space<vmem>>, vector<1x16xf32>,
      %scan3A_84 = arith.constant 0 : i32
      scf.yield %scan3A_84 : i32
    }
    %scan3A_17 = arith.constant 632 : i32
    "tpu.region"() ({
      %run_scoped3A = tpu.sem_alloc : memref<!tpu.dma_semaphore, #tpu.memory_space<semaphore_mem>>
      %dma_start3A_77 = arith.constant 0 : i32
      %dma_start3A_78 = tpu.memref_slice %arg10[%multiple_of3A_5, %dma_start3A_77] : memref<10112x16xf32, #tpu.memory_space<vmem_shared>> -> memref<632x16xf32, #tpu.memory_space<vmem_shared>>
      %dma_start3A_79 = arith.constant 0 : i32
      %dma_start3A_80 = tpu.memref_slice %arg10[%multiple_of3A_5, %dma_start3A_79] : memref<10112x16xf32, #tpu.memory_space<vmem_shared>> -> memref<632x16xf32, #tpu.memory_space<vmem_shared>>
      tpu.enqueue_dma source(%arg9 : memref<632x16xf32, #tpu.memory_space<vmem>>) target(%dma_start3A_80 : memref<632x16xf32, #tpu.memory_space<vmem_shared>>) target_semaphore(%run_scoped3A : memref<!tpu.dma_semaphore, #tpu.memory_space<semaphore_mem>>)
      %dma_wait3A = arith.constant 0 : i32
      %dma_wait3A_81 = tpu.memref_slice %arg10[%multiple_of3A_5, %dma_wait3A] : memref<10112x16xf32, #tpu.memory_space<vmem_shared>> -> memref<632x16xf32, #tpu.memory_space<vmem_shared>>
      %dma_wait3A_82 = arith.constant 0 : i32
      %dma_wait3A_83 = tpu.memref_slice %arg10[%multiple_of3A_5, %dma_wait3A_82] : memref<10112x16xf32, #tpu.memory_space<vmem_shared>> -> memref<632x16xf32, #tpu.memory_space<vmem_shared>>
      tpu.wait_dma2 semaphore(%run_scoped3A : memref<!tpu.dma_semaphore, #tpu.memory_space<semaphore_mem>>) src(%arg9 : memref<632x16xf32, #tpu.memory_space<vmem>>) dst(%dma_wait3A_83 : memref<632x16xf32, #tpu.memory_space<vmem_shared>>)
      tpu.yield
    }) : () -> ()
    "tpu.region"() ({
      %run_scoped3A = tpu.sem_alloc : memref<!tpu.dma_semaphore, #tpu.memory_space<semaphore_mem>>
      %dma_start3A_77 = arith.constant 0 : i32
      %dma_start3A_78 = tpu.memref_slice %arg3[%multiple_of3A, %dma_start3A_77] : memref<2560x128xi32, #tpu.memory_space<hbm>> -> memref<80x128xi32, #tpu.memory_space<hbm>>
      %dma_start3A_79 = arith.constant 0 : i32
      %dma_start3A_80 = tpu.memref_slice %arg3[%multiple_of3A, %dma_start3A_79] : memref<2560x128xi32, #tpu.memory_space<hbm>> -> memref<80x128xi32, #tpu.memory_space<hbm>>
      tpu.enqueue_dma source(%dma_start3A_80 : memref<80x128xi32, #tpu.memory_space<hbm>>) target(%arg6 : memref<80x128xi32, #tpu.memory_space<vmem>>) target_semaphore(%run_scoped3A : memref<!tpu.dma_semaphore, #tpu.memory_space<semaphore_mem>>)
      %dma_wait3A = arith.constant 0 : i32
      %dma_wait3A_81 = tpu.memref_slice %arg3[%multiple_of3A, %dma_wait3A] : memref<2560x128xi32, #tpu.memory_space<hbm>> -> memref<80x128xi32, #tpu.memory_space<hbm>>
      %dma_wait3A_82 = arith.constant 0 : i32
      %dma_wait3A_83 = tpu.memref_slice %arg3[%multiple_of3A, %dma_wait3A_82] : memref<2560x128xi32, #tpu.memory_space<hbm>> -> memref<80x128xi32, #tpu.memory_space<hbm>>
      tpu.wait_dma2 semaphore(%run_scoped3A : memref<!tpu.dma_semaphore, #tpu.memory_space<semaphore_mem>>) src(%dma_wait3A_83 : memref<80x128xi32, #tpu.memory_space<hbm>>) dst(%arg6 : memref<80x128xi32, #tpu.memory_space<vmem>>)
      tpu.yield
    }) : () -> ()
    "tpu.region"() ({
      %run_scoped3A = tpu.sem_alloc : memref<!tpu.dma_semaphore, #tpu.memory_space<semaphore_mem>>
      %dma_start3A_77 = arith.constant 0 : i32
      %dma_start3A_78 = tpu.memref_slice %arg4[%multiple_of3A, %dma_start3A_77] : memref<2560x128xi32, #tpu.memory_space<hbm>> -> memref<80x128xi32, #tpu.memory_space<hbm>>
      %dma_start3A_79 = arith.constant 0 : i32
      %dma_start3A_80 = tpu.memref_slice %arg4[%multiple_of3A, %dma_start3A_79] : memref<2560x128xi32, #tpu.memory_space<hbm>> -> memref<80x128xi32, #tpu.memory_space<hbm>>
      tpu.enqueue_dma source(%dma_start3A_80 : memref<80x128xi32, #tpu.memory_space<hbm>>) target(%arg7 : memref<80x128xi32, #tpu.memory_space<vmem>>) target_semaphore(%run_scoped3A : memref<!tpu.dma_semaphore, #tpu.memory_space<semaphore_mem>>)
      %dma_wait3A = arith.constant 0 : i32
      %dma_wait3A_81 = tpu.memref_slice %arg4[%multiple_of3A, %dma_wait3A] : memref<2560x128xi32, #tpu.memory_space<hbm>> -> memref<80x128xi32, #tpu.memory_space<hbm>>
      %dma_wait3A_82 = arith.constant 0 : i32
      %dma_wait3A_83 = tpu.memref_slice %arg4[%multiple_of3A, %dma_wait3A_82] : memref<2560x128xi32, #tpu.memory_space<hbm>> -> memref<80x128xi32, #tpu.memory_space<hbm>>
      tpu.wait_dma2 semaphore(%run_scoped3A : memref<!tpu.dma_semaphore, #tpu.memory_space<semaphore_mem>>) src(%dma_wait3A_83 : memref<80x128xi32, #tpu.memory_space<hbm>>) dst(%arg7 : memref<80x128xi32, #tpu.memory_space<vmem>>)
      tpu.yield
    }) : () -> ()
    %barrier3A = arith.constant 0 : index
    tpu.barrier barrier_id(%barrier3A)
    %dma_start3A = arith.constant 0 : i32
    %dma_start3A_18 = arith.constant 0 : i32
    %dma_start3A_19 = arith.constant 0 : i32
    %dma_start3A_20 = arith.constant 0 : i32
    %dma_start3A_21 = tpu.memref_slice %arg8[%dma_start3A_19, %dma_start3A_20] : memref<512x16xf32, #tpu.memory_space<vmem>> -> memref<128x16xf32, #tpu.memory_space<vmem>>
    %dma_start3A_22 = arith.constant 0 : i32
    %dma_start3A_23 = tpu.memref_slice %arg6[%dma_start3A, %dma_start3A_22] : memref<80x128xi32, #tpu.memory_space<vmem>> -> memref<1x128xi32, #tpu.memory_space<vmem>>
    %dma_start3A_24 = tpu.memref_squeeze %dma_start3A_23 : memref<1x128xi32, #tpu.memory_space<vmem>> -> memref<128xi32, #tpu.memory_space<vmem>>
    %dma_start3A_25 = arith.constant 0 : i32
    %dma_start3A_26 = arith.constant 0 : i32
    %dma_start3A_27 = tpu.memref_slice %arg2[%dma_start3A_25, %dma_start3A_26] : memref<10000x16xf32, #tpu.memory_space<hbm>> -> memref<10000x16xf32, #tpu.memory_space<hbm>>
    %dma_start3A_28 = tpu.memref_slice %arg11[%dma_start3A_18] : memref<4x!tpu.dma_semaphore, #tpu.memory_space<semaphore_mem>> -> memref<1x!tpu.dma_semaphore, #tpu.memory_space<semaphore_mem>>
    %dma_start3A_29 = tpu.memref_squeeze %dma_start3A_28 : memref<1x!tpu.dma_semaphore, #tpu.memory_space<semaphore_mem>> -> memref<!tpu.dma_semaphore, #tpu.memory_space<semaphore_mem>>
    tpu.enqueue_indirect_dma source(%dma_start3A_27 : memref<10000x16xf32, #tpu.memory_space<hbm>>) target(%dma_start3A_21 : memref<128x16xf32, #tpu.memory_space<vmem>>) offsets(%dma_start3A_24 : memref<128xi32, #tpu.memory_space<vmem>>) semaphore(%dma_start3A_29 : memref<!tpu.dma_semaphore, #tpu.memory_space<semaphore_mem>>)
    %dma_start3A_30 = arith.constant 1 : i32
    %dma_start3A_31 = arith.constant 1 : i32
    %dma_start3A_32 = arith.constant 128 : i32
    %dma_start3A_33 = arith.constant 0 : i32
    %dma_start3A_34 = tpu.memref_slice %arg8[%dma_start3A_32, %dma_start3A_33] : memref<512x16xf32, #tpu.memory_space<vmem>> -> memref<128x16xf32, #tpu.memory_space<vmem>>
    %dma_start3A_35 = arith.constant 0 : i32
    %dma_start3A_36 = tpu.memref_slice %arg6[%dma_start3A_30, %dma_start3A_35] : memref<80x128xi32, #tpu.memory_space<vmem>> -> memref<1x128xi32, #tpu.memory_space<vmem>>
    %dma_start3A_37 = tpu.memref_squeeze %dma_start3A_36 : memref<1x128xi32, #tpu.memory_space<vmem>> -> memref<128xi32, #tpu.memory_space<vmem>>
    %dma_start3A_38 = arith.constant 0 : i32
    %dma_start3A_39 = arith.constant 0 : i32
    %dma_start3A_40 = tpu.memref_slice %arg2[%dma_start3A_38, %dma_start3A_39] : memref<10000x16xf32, #tpu.memory_space<hbm>> -> memref<10000x16xf32, #tpu.memory_space<hbm>>
    %dma_start3A_41 = tpu.memref_slice %arg11[%dma_start3A_31] : memref<4x!tpu.dma_semaphore, #tpu.memory_space<semaphore_mem>> -> memref<1x!tpu.dma_semaphore, #tpu.memory_space<semaphore_mem>>
    %dma_start3A_42 = tpu.memref_squeeze %dma_start3A_41 : memref<1x!tpu.dma_semaphore, #tpu.memory_space<semaphore_mem>> -> memref<!tpu.dma_semaphore, #tpu.memory_space<semaphore_mem>>
    tpu.enqueue_indirect_dma source(%dma_start3A_40 : memref<10000x16xf32, #tpu.memory_space<hbm>>) target(%dma_start3A_34 : memref<128x16xf32, #tpu.memory_space<vmem>>) offsets(%dma_start3A_37 : memref<128xi32, #tpu.memory_space<vmem>>) semaphore(%dma_start3A_42 : memref<!tpu.dma_semaphore, #tpu.memory_space<semaphore_mem>>)
    %dma_start3A_43 = arith.constant 2 : i32
    %dma_start3A_44 = arith.constant 2 : i32
    %dma_start3A_45 = arith.constant 256 : i32
    %dma_start3A_46 = arith.constant 0 : i32
    %dma_start3A_47 = tpu.memref_slice %arg8[%dma_start3A_45, %dma_start3A_46] : memref<512x16xf32, #tpu.memory_space<vmem>> -> memref<128x16xf32, #tpu.memory_space<vmem>>
    %dma_start3A_48 = arith.constant 0 : i32
    %dma_start3A_49 = tpu.memref_slice %arg6[%dma_start3A_43, %dma_start3A_48] : memref<80x128xi32, #tpu.memory_space<vmem>> -> memref<1x128xi32, #tpu.memory_space<vmem>>
    %dma_start3A_50 = tpu.memref_squeeze %dma_start3A_49 : memref<1x128xi32, #tpu.memory_space<vmem>> -> memref<128xi32, #tpu.memory_space<vmem>>
    %dma_start3A_51 = arith.constant 0 : i32
    %dma_start3A_52 = arith.constant 0 : i32
    %dma_start3A_53 = tpu.memref_slice %arg2[%dma_start3A_51, %dma_start3A_52] : memref<10000x16xf32, #tpu.memory_space<hbm>> -> memref<10000x16xf32, #tpu.memory_space<hbm>>
    %dma_start3A_54 = tpu.memref_slice %arg11[%dma_start3A_44] : memref<4x!tpu.dma_semaphore, #tpu.memory_space<semaphore_mem>> -> memref<1x!tpu.dma_semaphore, #tpu.memory_space<semaphore_mem>>
    %dma_start3A_55 = tpu.memref_squeeze %dma_start3A_54 : memref<1x!tpu.dma_semaphore, #tpu.memory_space<semaphore_mem>> -> memref<!tpu.dma_semaphore, #tpu.memory_space<semaphore_mem>>
    tpu.enqueue_indirect_dma source(%dma_start3A_53 : memref<10000x16xf32, #tpu.memory_space<hbm>>) target(%dma_start3A_47 : memref<128x16xf32, #tpu.memory_space<vmem>>) offsets(%dma_start3A_50 : memref<128xi32, #tpu.memory_space<vmem>>) semaphore(%dma_start3A_55 : memref<!tpu.dma_semaphore, #tpu.memory_space<semaphore_mem>>)
    %dma_start3A_56 = arith.constant 3 : i32
    %dma_start3A_57 = arith.constant 3 : i32
    %dma_start3A_58 = arith.constant 384 : i32
    %dma_start3A_59 = arith.constant 0 : i32
    %dma_start3A_60 = tpu.memref_slice %arg8[%dma_start3A_58, %dma_start3A_59] : memref<512x16xf32, #tpu.memory_space<vmem>> -> memref<128x16xf32, #tpu.memory_space<vmem>>
    %dma_start3A_61 = arith.constant 0 : i32
    %dma_start3A_62 = tpu.memref_slice %arg6[%dma_start3A_56, %dma_start3A_61] : memref<80x128xi32, #tpu.memory_space<vmem>> -> memref<1x128xi32, #tpu.memory_space<vmem>>
    %dma_start3A_63 = tpu.memref_squeeze %dma_start3A_62 : memref<1x128xi32, #tpu.memory_space<vmem>> -> memref<128xi32, #tpu.memory_space<vmem>>
    %dma_start3A_64 = arith.constant 0 : i32
    %dma_start3A_65 = arith.constant 0 : i32
    %dma_start3A_66 = tpu.memref_slice %arg2[%dma_start3A_64, %dma_start3A_65] : memref<10000x16xf32, #tpu.memory_space<hbm>> -> memref<10000x16xf32, #tpu.memory_space<hbm>>
    %dma_start3A_67 = tpu.memref_slice %arg11[%dma_start3A_57] : memref<4x!tpu.dma_semaphore, #tpu.memory_space<semaphore_mem>> -> memref<1x!tpu.dma_semaphore, #tpu.memory_space<semaphore_mem>>
    %dma_start3A_68 = tpu.memref_squeeze %dma_start3A_67 : memref<1x!tpu.dma_semaphore, #tpu.memory_space<semaphore_mem>> -> memref<!tpu.dma_semaphore, #tpu.memory_space<semaphore_mem>>
    tpu.enqueue_indirect_dma source(%dma_start3A_66 : memref<10000x16xf32, #tpu.memory_space<hbm>>) target(%dma_start3A_60 : memref<128x16xf32, #tpu.memory_space<vmem>>) offsets(%dma_start3A_63 : memref<128xi32, #tpu.memory_space<vmem>>) semaphore(%dma_start3A_68 : memref<!tpu.dma_semaphore, #tpu.memory_space<semaphore_mem>>)
    %scan3A_69 = arith.constant 0 : i32
    %scan3A_70 = arith.constant 0 : i32
    %scan3A_71 = arith.constant 20 : i32
    %scan3A_72 = arith.addi %scan3A_70, %scan3A_71 : i32
    %scan3A_73 = arith.constant 1 : i32
    %scan3A_74 = scf.for %scan3A_77 = %scan3A_70 to %scan3A_72 step %scan3A_73 iter_args(%scan3A_78 = %scan3A_69) -> (i32)  : i32 {
      %mul3A_79 = arith.constant 4 : i32
      %mul3A_80 = arith.muli %scan3A_77, %mul3A_79 : i32
      %add3A_81 = arith.constant 0 : i32
      %add3A_82 = arith.addi %mul3A_80, %add3A_81 : i32
      %dma_wait3A = arith.constant 0 : i32
      %dma_wait3A_83 = arith.constant 0 : i32
      %dma_wait3A_84 = arith.constant 0 : i32
      %dma_wait3A_85 = tpu.memref_slice %arg8[%dma_wait3A_83, %dma_wait3A_84] : memref<512x16xf32, #tpu.memory_space<vmem>> -> memref<128x16xf32, #tpu.memory_space<vmem>>
      %dma_wait3A_86 = arith.constant 0 : i32
      %dma_wait3A_87 = tpu.memref_slice %arg6[%add3A_82, %dma_wait3A_86] : memref<80x128xi32, #tpu.memory_space<vmem>> -> memref<1x128xi32, #tpu.memory_space<vmem>>
      %dma_wait3A_88 = tpu.memref_squeeze %dma_wait3A_87 : memref<1x128xi32, #tpu.memory_space<vmem>> -> memref<128xi32, #tpu.memory_space<vmem>>
      %dma_wait3A_89 = arith.constant 0 : i32
      %dma_wait3A_90 = arith.constant 0 : i32
      %dma_wait3A_91 = tpu.memref_slice %arg2[%dma_wait3A_89, %dma_wait3A_90] : memref<10000x16xf32, #tpu.memory_space<hbm>> -> memref<10000x16xf32, #tpu.memory_space<hbm>>
      %dma_wait3A_92 = tpu.memref_slice %arg11[%dma_wait3A] : memref<4x!tpu.dma_semaphore, #tpu.memory_space<semaphore_mem>> -> memref<1x!tpu.dma_semaphore, #tpu.memory_space<semaphore_mem>>
      %dma_wait3A_93 = tpu.memref_squeeze %dma_wait3A_92 : memref<1x!tpu.dma_semaphore, #tpu.memory_space<semaphore_mem>> -> memref<!tpu.dma_semaphore, #tpu.memory_space<semaphore_mem>>
      tpu.wait_indirect_dma semaphore(%dma_wait3A_93 : memref<!tpu.dma_semaphore, #tpu.memory_space<semaphore_mem>>) src(%dma_wait3A_91 : memref<10000x16xf32, #tpu.memory_space<hbm>>) dst(%dma_wait3A_85 : memref<128x16xf32, #tpu.memory_space<vmem>>)
      "tpu.region"() ({
        %run_scoped3A = tpu.sem_alloc : memref<!tpu.dma_semaphore, #tpu.memory_space<semaphore_mem>>
        %dma_start3A_168 = arith.constant 0 : i32
        %dma_start3A_169 = arith.constant 0 : i32
        %dma_start3A_170 = tpu.memref_slice %arg8[%dma_start3A_168, %dma_start3A_169] : memref<512x16xf32, #tpu.memory_space<vmem>> -> memref<128x16xf32, #tpu.memory_space<vmem>>
        %dma_start3A_171 = arith.constant 0 : i32
        %dma_start3A_172 = tpu.memref_slice %arg7[%add3A_82, %dma_start3A_171] : memref<80x128xi32, #tpu.memory_space<vmem>> -> memref<1x128xi32, #tpu.memory_space<vmem>>
        %dma_start3A_173 = tpu.memref_squeeze %dma_start3A_172 : memref<1x128xi32, #tpu.memory_space<vmem>> -> memref<128xi32, #tpu.memory_space<vmem>>
        %dma_start3A_174 = arith.constant 0 : i32
        %dma_start3A_175 = arith.constant 0 : i32
        %dma_start3A_176 = tpu.memref_slice %arg10[%dma_start3A_174, %dma_start3A_175] : memref<10112x16xf32, #tpu.memory_space<vmem_shared>> -> memref<10112x16xf32, #tpu.memory_space<vmem_shared>>
        tpu.enqueue_indirect_dma source(%dma_start3A_170 : memref<128x16xf32, #tpu.memory_space<vmem>>) target(%dma_start3A_176 : memref<10112x16xf32, #tpu.memory_space<vmem_shared>>) offsets(%dma_start3A_173 : memref<128xi32, #tpu.memory_space<vmem>>) semaphore(%run_scoped3A : memref<!tpu.dma_semaphore, #tpu.memory_space<semaphore_mem>>) {add = true}
        %dma_wait3A_177 = arith.constant 0 : i32
        %dma_wait3A_178 = arith.constant 0 : i32
        %dma_wait3A_179 = tpu.memref_slice %arg8[%dma_wait3A_177, %dma_wait3A_178] : memref<512x16xf32, #tpu.memory_space<vmem>> -> memref<128x16xf32, #tpu.memory_space<vmem>>
        %dma_wait3A_180 = arith.constant 0 : i32
        %dma_wait3A_181 = tpu.memref_slice %arg7[%add3A_82, %dma_wait3A_180] : memref<80x128xi32, #tpu.memory_space<vmem>> -> memref<1x128xi32, #tpu.memory_space<vmem>>
        %dma_wait3A_182 = tpu.memref_squeeze %dma_wait3A_181 : memref<1x128xi32, #tpu.memory_space<vmem>> -> memref<128xi32, #tpu.memory_space<vmem>>
        %dma_wait3A_183 = arith.constant 0 : i32
        %dma_wait3A_184 = arith.constant 0 : i32
        %dma_wait3A_185 = tpu.memref_slice %arg10[%dma_wait3A_183, %dma_wait3A_184] : memref<10112x16xf32, #tpu.memory_space<vmem_shared>> -> memref<10112x16xf32, #tpu.memory_space<vmem_shared>>
        tpu.wait_indirect_dma semaphore(%run_scoped3A : memref<!tpu.dma_semaphore, #tpu.memory_space<semaphore_mem>>) src(%dma_wait3A_179 : memref<128x16xf32, #tpu.memory_space<vmem>>) dst(%dma_wait3A_185 : memref<10112x16xf32, #tpu.memory_space<vmem_shared>>)
        tpu.yield
      }) : () -> ()
      %add3A_94 = arith.constant 4 : i32
      %add3A_95 = arith.addi %add3A_82, %add3A_94 : i32
      %lt3A = arith.constant 80 : i32
      %lt3A_96 = arith.cmpi slt, %add3A_95, %lt3A : i32
      %convert_element_type3A = arith.extui %lt3A_96 : i1 to i32
      %cond3A = arith.constant 0 : i32
      %cond3A_97 = arith.cmpi ne, %convert_element_type3A, %cond3A : i32
      scf.if %cond3A_97 {
        %add3A_168 = arith.constant 4 : i32
        %add3A_169 = arith.addi %add3A_82, %add3A_168 : i32
        %dma_start3A_170 = arith.constant 0 : i32
        %dma_start3A_171 = arith.constant 0 : i32
        %dma_start3A_172 = arith.constant 0 : i32
        %dma_start3A_173 = tpu.memref_slice %arg8[%dma_start3A_171, %dma_start3A_172] : memref<512x16xf32, #tpu.memory_space<vmem>> -> memref<128x16xf32, #tpu.memory_space<vmem>>
        %dma_start3A_174 = arith.constant 0 : i32
        %dma_start3A_175 = tpu.memref_slice %arg6[%add3A_169, %dma_start3A_174] : memref<80x128xi32, #tpu.memory_space<vmem>> -> memref<1x128xi32, #tpu.memory_space<vmem>>
        %dma_start3A_176 = tpu.memref_squeeze %dma_start3A_175 : memref<1x128xi32, #tpu.memory_space<vmem>> -> memref<128xi32, #tpu.memory_space<vmem>>
        %dma_start3A_177 = arith.constant 0 : i32
        %dma_start3A_178 = arith.constant 0 : i32
        %dma_start3A_179 = tpu.memref_slice %arg2[%dma_start3A_177, %dma_start3A_178] : memref<10000x16xf32, #tpu.memory_space<hbm>> -> memref<10000x16xf32, #tpu.memory_space<hbm>>
        %dma_start3A_180 = tpu.memref_slice %arg11[%dma_start3A_170] : memref<4x!tpu.dma_semaphore, #tpu.memory_space<semaphore_mem>> -> memref<1x!tpu.dma_semaphore, #tpu.memory_space<semaphore_mem>>
        %dma_start3A_181 = tpu.memref_squeeze %dma_start3A_180 : memref<1x!tpu.dma_semaphore, #tpu.memory_space<semaphore_mem>> -> memref<!tpu.dma_semaphore, #tpu.memory_space<semaphore_mem>>
        tpu.enqueue_indirect_dma source(%dma_start3A_179 : memref<10000x16xf32, #tpu.memory_space<hbm>>) target(%dma_start3A_173 : memref<128x16xf32, #tpu.memory_space<vmem>>) offsets(%dma_start3A_176 : memref<128xi32, #tpu.memory_space<vmem>>) semaphore(%dma_start3A_181 : memref<!tpu.dma_semaphore, #tpu.memory_space<semaphore_mem>>)
      } else {
      }
      %mul3A_98 = arith.constant 4 : i32
      %mul3A_99 = arith.muli %scan3A_77, %mul3A_98 : i32
      %add3A_100 = arith.constant 1 : i32
      %add3A_101 = arith.addi %mul3A_99, %add3A_100 : i32
      %dma_wait3A_102 = arith.constant 1 : i32
      %dma_wait3A_103 = arith.constant 128 : i32
      %dma_wait3A_104 = arith.constant 0 : i32
      %dma_wait3A_105 = tpu.memref_slice %arg8[%dma_wait3A_103, %dma_wait3A_104] : memref<512x16xf32, #tpu.memory_space<vmem>> -> memref<128x16xf32, #tpu.memory_space<vmem>>
      %dma_wait3A_106 = arith.constant 0 : i32
      %dma_wait3A_107 = tpu.memref_slice %arg6[%add3A_101, %dma_wait3A_106] : memref<80x128xi32, #tpu.memory_space<vmem>> -> memref<1x128xi32, #tpu.memory_space<vmem>>
      %dma_wait3A_108 = tpu.memref_squeeze %dma_wait3A_107 : memref<1x128xi32, #tpu.memory_space<vmem>> -> memref<128xi32, #tpu.memory_space<vmem>>
      %dma_wait3A_109 = arith.constant 0 : i32
      %dma_wait3A_110 = arith.constant 0 : i32
      %dma_wait3A_111 = tpu.memref_slice %arg2[%dma_wait3A_109, %dma_wait3A_110] : memref<10000x16xf32, #tpu.memory_space<hbm>> -> memref<10000x16xf32, #tpu.memory_space<hbm>>
      %dma_wait3A_112 = tpu.memref_slice %arg11[%dma_wait3A_102] : memref<4x!tpu.dma_semaphore, #tpu.memory_space<semaphore_mem>> -> memref<1x!tpu.dma_semaphore, #tpu.memory_space<semaphore_mem>>
      %dma_wait3A_113 = tpu.memref_squeeze %dma_wait3A_112 : memref<1x!tpu.dma_semaphore, #tpu.memory_space<semaphore_mem>> -> memref<!tpu.dma_semaphore, #tpu.memory_space<semaphore_mem>>
      tpu.wait_indirect_dma semaphore(%dma_wait3A_113 : memref<!tpu.dma_semaphore, #tpu.memory_space<semaphore_mem>>) src(%dma_wait3A_111 : memref<10000x16xf32, #tpu.memory_space<hbm>>) dst(%dma_wait3A_105 : memref<128x16xf32, #tpu.memory_space<vmem>>)
      "tpu.region"() ({
        %run_scoped3A = tpu.sem_alloc : memref<!tpu.dma_semaphore, #tpu.memory_space<semaphore_mem>>
        %dma_start3A_168 = arith.constant 128 : i32
        %dma_start3A_169 = arith.constant 0 : i32
        %dma_start3A_170 = tpu.memref_slice %arg8[%dma_start3A_168, %dma_start3A_169] : memref<512x16xf32, #tpu.memory_space<vmem>> -> memref<128x16xf32, #tpu.memory_space<vmem>>
        %dma_start3A_171 = arith.constant 0 : i32
        %dma_start3A_172 = tpu.memref_slice %arg7[%add3A_101, %dma_start3A_171] : memref<80x128xi32, #tpu.memory_space<vmem>> -> memref<1x128xi32, #tpu.memory_space<vmem>>
        %dma_start3A_173 = tpu.memref_squeeze %dma_start3A_172 : memref<1x128xi32, #tpu.memory_space<vmem>> -> memref<128xi32, #tpu.memory_space<vmem>>
        %dma_start3A_174 = arith.constant 0 : i32
        %dma_start3A_175 = arith.constant 0 : i32
        %dma_start3A_176 = tpu.memref_slice %arg10[%dma_start3A_174, %dma_start3A_175] : memref<10112x16xf32, #tpu.memory_space<vmem_shared>> -> memref<10112x16xf32, #tpu.memory_space<vmem_shared>>
        tpu.enqueue_indirect_dma source(%dma_start3A_170 : memref<128x16xf32, #tpu.memory_space<vmem>>) target(%dma_start3A_176 : memref<10112x16xf32, #tpu.memory_space<vmem_shared>>) offsets(%dma_start3A_173 : memref<128xi32, #tpu.memory_space<vmem>>) semaphore(%run_scoped3A : memref<!tpu.dma_semaphore, #tpu.memory_space<semaphore_mem>>) {add = true}
        %dma_wait3A_177 = arith.constant 128 : i32
        %dma_wait3A_178 = arith.constant 0 : i32
        %dma_wait3A_179 = tpu.memref_slice %arg8[%dma_wait3A_177, %dma_wait3A_178] : memref<512x16xf32, #tpu.memory_space<vmem>> -> memref<128x16xf32, #tpu.memory_space<vmem>>
        %dma_wait3A_180 = arith.constant 0 : i32
        %dma_wait3A_181 = tpu.memref_slice %arg7[%add3A_101, %dma_wait3A_180] : memref<80x128xi32, #tpu.memory_space<vmem>> -> memref<1x128xi32, #tpu.memory_space<vmem>>
        %dma_wait3A_182 = tpu.memref_squeeze %dma_wait3A_181 : memref<1x128xi32, #tpu.memory_space<vmem>> -> memref<128xi32, #tpu.memory_space<vmem>>
        %dma_wait3A_183 = arith.constant 0 : i32
        %dma_wait3A_184 = arith.constant 0 : i32
        %dma_wait3A_185 = tpu.memref_slice %arg10[%dma_wait3A_183, %dma_wait3A_184] : memref<10112x16xf32, #tpu.memory_space<vmem_shared>> -> memref<10112x16xf32, #tpu.memory_space<vmem_shared>>
        tpu.wait_indirect_dma semaphore(%run_scoped3A : memref<!tpu.dma_semaphore, #tpu.memory_space<semaphore_mem>>) src(%dma_wait3A_179 : memref<128x16xf32, #tpu.memory_space<vmem>>) dst(%dma_wait3A_185 : memref<10112x16xf32, #tpu.memory_space<vmem_shared>>)
        tpu.yield
      }) : () -> ()
      %add3A_114 = arith.constant 4 : i32
      %add3A_115 = arith.addi %add3A_101, %add3A_114 : i32
      %lt3A_116 = arith.constant 80 : i32
      %lt3A_117 = arith.cmpi slt, %add3A_115, %lt3A_116 : i32
      %convert_element_type3A_118 = arith.extui %lt3A_117 : i1 to i32
      %cond3A_119 = arith.constant 0 : i32
      %cond3A_120 = arith.cmpi ne, %convert_element_type3A_118, %cond3A_119 : i32
      scf.if %cond3A_120 {
        %add3A_168 = arith.constant 4 : i32
        %add3A_169 = arith.addi %add3A_101, %add3A_168 : i32
        %dma_start3A_170 = arith.constant 1 : i32
        %dma_start3A_171 = arith.constant 128 : i32
        %dma_start3A_172 = arith.constant 0 : i32
        %dma_start3A_173 = tpu.memref_slice %arg8[%dma_start3A_171, %dma_start3A_172] : memref<512x16xf32, #tpu.memory_space<vmem>> -> memref<128x16xf32, #tpu.memory_space<vmem>>
        %dma_start3A_174 = arith.constant 0 : i32
        %dma_start3A_175 = tpu.memref_slice %arg6[%add3A_169, %dma_start3A_174] : memref<80x128xi32, #tpu.memory_space<vmem>> -> memref<1x128xi32, #tpu.memory_space<vmem>>
        %dma_start3A_176 = tpu.memref_squeeze %dma_start3A_175 : memref<1x128xi32, #tpu.memory_space<vmem>> -> memref<128xi32, #tpu.memory_space<vmem>>
        %dma_start3A_177 = arith.constant 0 : i32
        %dma_start3A_178 = arith.constant 0 : i32
        %dma_start3A_179 = tpu.memref_slice %arg2[%dma_start3A_177, %dma_start3A_178] : memref<10000x16xf32, #tpu.memory_space<hbm>> -> memref<10000x16xf32, #tpu.memory_space<hbm>>
        %dma_start3A_180 = tpu.memref_slice %arg11[%dma_start3A_170] : memref<4x!tpu.dma_semaphore, #tpu.memory_space<semaphore_mem>> -> memref<1x!tpu.dma_semaphore, #tpu.memory_space<semaphore_mem>>
        %dma_start3A_181 = tpu.memref_squeeze %dma_start3A_180 : memref<1x!tpu.dma_semaphore, #tpu.memory_space<semaphore_mem>> -> memref<!tpu.dma_semaphore, #tpu.memory_space<semaphore_mem>>
        tpu.enqueue_indirect_dma source(%dma_start3A_179 : memref<10000x16xf32, #tpu.memory_space<hbm>>) target(%dma_start3A_173 : memref<128x16xf32, #tpu.memory_space<vmem>>) offsets(%dma_start3A_176 : memref<128xi32, #tpu.memory_space<vmem>>) semaphore(%dma_start3A_181 : memref<!tpu.dma_semaphore, #tpu.memory_space<semaphore_mem>>)
      } else {
      }
      %mul3A_121 = arith.constant 4 : i32
      %mul3A_122 = arith.muli %scan3A_77, %mul3A_121 : i32
      %add3A_123 = arith.constant 2 : i32
      %add3A_124 = arith.addi %mul3A_122, %add3A_123 : i32
      %dma_wait3A_125 = arith.constant 2 : i32
      %dma_wait3A_126 = arith.constant 256 : i32
      %dma_wait3A_127 = arith.constant 0 : i32
      %dma_wait3A_128 = tpu.memref_slice %arg8[%dma_wait3A_126, %dma_wait3A_127] : memref<512x16xf32, #tpu.memory_space<vmem>> -> memref<128x16xf32, #tpu.memory_space<vmem>>
      %dma_wait3A_129 = arith.constant 0 : i32
      %dma_wait3A_130 = tpu.memref_slice %arg6[%add3A_124, %dma_wait3A_129] : memref<80x128xi32, #tpu.memory_space<vmem>> -> memref<1x128xi32, #tpu.memory_space<vmem>>
      %dma_wait3A_131 = tpu.memref_squeeze %dma_wait3A_130 : memref<1x128xi32, #tpu.memory_space<vmem>> -> memref<128xi32, #tpu.memory_space<vmem>>
      %dma_wait3A_132 = arith.constant 0 : i32
      %dma_wait3A_133 = arith.constant 0 : i32
      %dma_wait3A_134 = tpu.memref_slice %arg2[%dma_wait3A_132, %dma_wait3A_133] : memref<10000x16xf32, #tpu.memory_space<hbm>> -> memref<10000x16xf32, #tpu.memory_space<hbm>>
      %dma_wait3A_135 = tpu.memref_slice %arg11[%dma_wait3A_125] : memref<4x!tpu.dma_semaphore, #tpu.memory_space<semaphore_mem>> -> memref<1x!tpu.dma_semaphore, #tpu.memory_space<semaphore_mem>>
      %dma_wait3A_136 = tpu.memref_squeeze %dma_wait3A_135 : memref<1x!tpu.dma_semaphore, #tpu.memory_space<semaphore_mem>> -> memref<!tpu.dma_semaphore, #tpu.memory_space<semaphore_mem>>
      tpu.wait_indirect_dma semaphore(%dma_wait3A_136 : memref<!tpu.dma_semaphore, #tpu.memory_space<semaphore_mem>>) src(%dma_wait3A_134 : memref<10000x16xf32, #tpu.memory_space<hbm>>) dst(%dma_wait3A_128 : memref<128x16xf32, #tpu.memory_space<vmem>>)
      "tpu.region"() ({
        %run_scoped3A = tpu.sem_alloc : memref<!tpu.dma_semaphore, #tpu.memory_space<semaphore_mem>>
        %dma_start3A_168 = arith.constant 256 : i32
        %dma_start3A_169 = arith.constant 0 : i32
        %dma_start3A_170 = tpu.memref_slice %arg8[%dma_start3A_168, %dma_start3A_169] : memref<512x16xf32, #tpu.memory_space<vmem>> -> memref<128x16xf32, #tpu.memory_space<vmem>>
        %dma_start3A_171 = arith.constant 0 : i32
        %dma_start3A_172 = tpu.memref_slice %arg7[%add3A_124, %dma_start3A_171] : memref<80x128xi32, #tpu.memory_space<vmem>> -> memref<1x128xi32, #tpu.memory_space<vmem>>
        %dma_start3A_173 = tpu.memref_squeeze %dma_start3A_172 : memref<1x128xi32, #tpu.memory_space<vmem>> -> memref<128xi32, #tpu.memory_space<vmem>>
        %dma_start3A_174 = arith.constant 0 : i32
        %dma_start3A_175 = arith.constant 0 : i32
        %dma_start3A_176 = tpu.memref_slice %arg10[%dma_start3A_174, %dma_start3A_175] : memref<10112x16xf32, #tpu.memory_space<vmem_shared>> -> memref<10112x16xf32, #tpu.memory_space<vmem_shared>>
        tpu.enqueue_indirect_dma source(%dma_start3A_170 : memref<128x16xf32, #tpu.memory_space<vmem>>) target(%dma_start3A_176 : memref<10112x16xf32, #tpu.memory_space<vmem_shared>>) offsets(%dma_start3A_173 : memref<128xi32, #tpu.memory_space<vmem>>) semaphore(%run_scoped3A : memref<!tpu.dma_semaphore, #tpu.memory_space<semaphore_mem>>) {add = true}
        %dma_wait3A_177 = arith.constant 256 : i32
        %dma_wait3A_178 = arith.constant 0 : i32
        %dma_wait3A_179 = tpu.memref_slice %arg8[%dma_wait3A_177, %dma_wait3A_178] : memref<512x16xf32, #tpu.memory_space<vmem>> -> memref<128x16xf32, #tpu.memory_space<vmem>>
        %dma_wait3A_180 = arith.constant 0 : i32
        %dma_wait3A_181 = tpu.memref_slice %arg7[%add3A_124, %dma_wait3A_180] : memref<80x128xi32, #tpu.memory_space<vmem>> -> memref<1x128xi32, #tpu.memory_space<vmem>>
        %dma_wait3A_182 = tpu.memref_squeeze %dma_wait3A_181 : memref<1x128xi32, #tpu.memory_space<vmem>> -> memref<128xi32, #tpu.memory_space<vmem>>
        %dma_wait3A_183 = arith.constant 0 : i32
        %dma_wait3A_184 = arith.constant 0 : i32
        %dma_wait3A_185 = tpu.memref_slice %arg10[%dma_wait3A_183, %dma_wait3A_184] : memref<10112x16xf32, #tpu.memory_space<vmem_shared>> -> memref<10112x16xf32, #tpu.memory_space<vmem_shared>>
        tpu.wait_indirect_dma semaphore(%run_scoped3A : memref<!tpu.dma_semaphore, #tpu.memory_space<semaphore_mem>>) src(%dma_wait3A_179 : memref<128x16xf32, #tpu.memory_space<vmem>>) dst(%dma_wait3A_185 : memref<10112x16xf32, #tpu.memory_space<vmem_shared>>)
        tpu.yield
      }) : () -> ()
      %add3A_137 = arith.constant 4 : i32
      %add3A_138 = arith.addi %add3A_124, %add3A_137 : i32
      %lt3A_139 = arith.constant 80 : i32
      %lt3A_140 = arith.cmpi slt, %add3A_138, %lt3A_139 : i32
      %convert_element_type3A_141 = arith.extui %lt3A_140 : i1 to i32
      %cond3A_142 = arith.constant 0 : i32
      %cond3A_143 = arith.cmpi ne, %convert_element_type3A_141, %cond3A_142 : i32
      scf.if %cond3A_143 {
        %add3A_168 = arith.constant 4 : i32
        %add3A_169 = arith.addi %add3A_124, %add3A_168 : i32
        %dma_start3A_170 = arith.constant 2 : i32
        %dma_start3A_171 = arith.constant 256 : i32
        %dma_start3A_172 = arith.constant 0 : i32
        %dma_start3A_173 = tpu.memref_slice %arg8[%dma_start3A_171, %dma_start3A_172] : memref<512x16xf32, #tpu.memory_space<vmem>> -> memref<128x16xf32, #tpu.memory_space<vmem>>
        %dma_start3A_174 = arith.constant 0 : i32
        %dma_start3A_175 = tpu.memref_slice %arg6[%add3A_169, %dma_start3A_174] : memref<80x128xi32, #tpu.memory_space<vmem>> -> memref<1x128xi32, #tpu.memory_space<vmem>>
        %dma_start3A_176 = tpu.memref_squeeze %dma_start3A_175 : memref<1x128xi32, #tpu.memory_space<vmem>> -> memref<128xi32, #tpu.memory_space<vmem>>
        %dma_start3A_177 = arith.constant 0 : i32
        %dma_start3A_178 = arith.constant 0 : i32
        %dma_start3A_179 = tpu.memref_slice %arg2[%dma_start3A_177, %dma_start3A_178] : memref<10000x16xf32, #tpu.memory_space<hbm>> -> memref<10000x16xf32, #tpu.memory_space<hbm>>
        %dma_start3A_180 = tpu.memref_slice %arg11[%dma_start3A_170] : memref<4x!tpu.dma_semaphore, #tpu.memory_space<semaphore_mem>> -> memref<1x!tpu.dma_semaphore, #tpu.memory_space<semaphore_mem>>
        %dma_start3A_181 = tpu.memref_squeeze %dma_start3A_180 : memref<1x!tpu.dma_semaphore, #tpu.memory_space<semaphore_mem>> -> memref<!tpu.dma_semaphore, #tpu.memory_space<semaphore_mem>>
        tpu.enqueue_indirect_dma source(%dma_start3A_179 : memref<10000x16xf32, #tpu.memory_space<hbm>>) target(%dma_start3A_173 : memref<128x16xf32, #tpu.memory_space<vmem>>) offsets(%dma_start3A_176 : memref<128xi32, #tpu.memory_space<vmem>>) semaphore(%dma_start3A_181 : memref<!tpu.dma_semaphore, #tpu.memory_space<semaphore_mem>>)
      } else {
      }
      %mul3A_144 = arith.constant 4 : i32
      %mul3A_145 = arith.muli %scan3A_77, %mul3A_144 : i32
      %add3A_146 = arith.constant 3 : i32
      %add3A_147 = arith.addi %mul3A_145, %add3A_146 : i32
      %dma_wait3A_148 = arith.constant 3 : i32
      %dma_wait3A_149 = arith.constant 384 : i32
      %dma_wait3A_150 = arith.constant 0 : i32
      %dma_wait3A_151 = tpu.memref_slice %arg8[%dma_wait3A_149, %dma_wait3A_150] : memref<512x16xf32, #tpu.memory_space<vmem>> -> memref<128x16xf32, #tpu.memory_space<vmem>>
      %dma_wait3A_152 = arith.constant 0 : i32
      %dma_wait3A_153 = tpu.memref_slice %arg6[%add3A_147, %dma_wait3A_152] : memref<80x128xi32, #tpu.memory_space<vmem>> -> memref<1x128xi32, #tpu.memory_space<vmem>>
      %dma_wait3A_154 = tpu.memref_squeeze %dma_wait3A_153 : memref<1x128xi32, #tpu.memory_space<vmem>> -> memref<128xi32, #tpu.memory_space<vmem>>
      %dma_wait3A_155 = arith.constant 0 : i32
      %dma_wait3A_156 = arith.constant 0 : i32
      %dma_wait3A_157 = tpu.memref_slice %arg2[%dma_wait3A_155, %dma_wait3A_156] : memref<10000x16xf32, #tpu.memory_space<hbm>> -> memref<10000x16xf32, #tpu.memory_space<hbm>>
      %dma_wait3A_158 = tpu.memref_slice %arg11[%dma_wait3A_148] : memref<4x!tpu.dma_semaphore, #tpu.memory_space<semaphore_mem>> -> memref<1x!tpu.dma_semaphore, #tpu.memory_space<semaphore_mem>>
      %dma_wait3A_159 = tpu.memref_squeeze %dma_wait3A_158 : memref<1x!tpu.dma_semaphore, #tpu.memory_space<semaphore_mem>> -> memref<!tpu.dma_semaphore, #tpu.memory_space<semaphore_mem>>
      tpu.wait_indirect_dma semaphore(%dma_wait3A_159 : memref<!tpu.dma_semaphore, #tpu.memory_space<semaphore_mem>>) src(%dma_wait3A_157 : memref<10000x16xf32, #tpu.memory_space<hbm>>) dst(%dma_wait3A_151 : memref<128x16xf32, #tpu.memory_space<vmem>>)
      "tpu.region"() ({
        %run_scoped3A = tpu.sem_alloc : memref<!tpu.dma_semaphore, #tpu.memory_space<semaphore_mem>>
        %dma_start3A_168 = arith.constant 384 : i32
        %dma_start3A_169 = arith.constant 0 : i32
        %dma_start3A_170 = tpu.memref_slice %arg8[%dma_start3A_168, %dma_start3A_169] : memref<512x16xf32, #tpu.memory_space<vmem>> -> memref<128x16xf32, #tpu.memory_space<vmem>>
        %dma_start3A_171 = arith.constant 0 : i32
        %dma_start3A_172 = tpu.memref_slice %arg7[%add3A_147, %dma_start3A_171] : memref<80x128xi32, #tpu.memory_space<vmem>> -> memref<1x128xi32, #tpu.memory_space<vmem>>
        %dma_start3A_173 = tpu.memref_squeeze %dma_start3A_172 : memref<1x128xi32, #tpu.memory_space<vmem>> -> memref<128xi32, #tpu.memory_space<vmem>>
        %dma_start3A_174 = arith.constant 0 : i32
        %dma_start3A_175 = arith.constant 0 : i32
        %dma_start3A_176 = tpu.memref_slice %arg10[%dma_start3A_174, %dma_start3A_175] : memref<10112x16xf32, #tpu.memory_space<vmem_shared>> -> memref<10112x16xf32, #tpu.memory_space<vmem_shared>>
        tpu.enqueue_indirect_dma source(%dma_start3A_170 : memref<128x16xf32, #tpu.memory_space<vmem>>) target(%dma_start3A_176 : memref<10112x16xf32, #tpu.memory_space<vmem_shared>>) offsets(%dma_start3A_173 : memref<128xi32, #tpu.memory_space<vmem>>) semaphore(%run_scoped3A : memref<!tpu.dma_semaphore, #tpu.memory_space<semaphore_mem>>) {add = true}
        %dma_wait3A_177 = arith.constant 384 : i32
        %dma_wait3A_178 = arith.constant 0 : i32
        %dma_wait3A_179 = tpu.memref_slice %arg8[%dma_wait3A_177, %dma_wait3A_178] : memref<512x16xf32, #tpu.memory_space<vmem>> -> memref<128x16xf32, #tpu.memory_space<vmem>>
        %dma_wait3A_180 = arith.constant 0 : i32
        %dma_wait3A_181 = tpu.memref_slice %arg7[%add3A_147, %dma_wait3A_180] : memref<80x128xi32, #tpu.memory_space<vmem>> -> memref<1x128xi32, #tpu.memory_space<vmem>>
        %dma_wait3A_182 = tpu.memref_squeeze %dma_wait3A_181 : memref<1x128xi32, #tpu.memory_space<vmem>> -> memref<128xi32, #tpu.memory_space<vmem>>
        %dma_wait3A_183 = arith.constant 0 : i32
        %dma_wait3A_184 = arith.constant 0 : i32
        %dma_wait3A_185 = tpu.memref_slice %arg10[%dma_wait3A_183, %dma_wait3A_184] : memref<10112x16xf32, #tpu.memory_space<vmem_shared>> -> memref<10112x16xf32, #tpu.memory_space<vmem_shared>>
        tpu.wait_indirect_dma semaphore(%run_scoped3A : memref<!tpu.dma_semaphore, #tpu.memory_space<semaphore_mem>>) src(%dma_wait3A_179 : memref<128x16xf32, #tpu.memory_space<vmem>>) dst(%dma_wait3A_185 : memref<10112x16xf32, #tpu.memory_space<vmem_shared>>)
        tpu.yield
      }) : () -> ()
      %add3A_160 = arith.constant 4 : i32
      %add3A_161 = arith.addi %add3A_147, %add3A_160 : i32
      %lt3A_162 = arith.constant 80 : i32
      %lt3A_163 = arith.cmpi slt, %add3A_161, %lt3A_162 : i32
      %convert_element_type3A_164 = arith.extui %lt3A_163 : i1 to i32
      %cond3A_165 = arith.constant 0 : i32
      %cond3A_166 = arith.cmpi ne, %convert_element_type3A_164, %cond3A_165 : i32
      scf.if %cond3A_166 {
        %add3A_168 = arith.constant 4 : i32
        %add3A_169 = arith.addi %add3A_147, %add3A_168 : i32
        %dma_start3A_170 = arith.constant 3 : i32
        %dma_start3A_171 = arith.constant 384 : i32
        %dma_start3A_172 = arith.constant 0 : i32
        %dma_start3A_173 = tpu.memref_slice %arg8[%dma_start3A_171, %dma_start3A_172] : memref<512x16xf32, #tpu.memory_space<vmem>> -> memref<128x16xf32, #tpu.memory_space<vmem>>
        %dma_start3A_174 = arith.constant 0 : i32
        %dma_start3A_175 = tpu.memref_slice %arg6[%add3A_169, %dma_start3A_174] : memref<80x128xi32, #tpu.memory_space<vmem>> -> memref<1x128xi32, #tpu.memory_space<vmem>>
        %dma_start3A_176 = tpu.memref_squeeze %dma_start3A_175 : memref<1x128xi32, #tpu.memory_space<vmem>> -> memref<128xi32, #tpu.memory_space<vmem>>
        %dma_start3A_177 = arith.constant 0 : i32
        %dma_start3A_178 = arith.constant 0 : i32
        %dma_start3A_179 = tpu.memref_slice %arg2[%dma_start3A_177, %dma_start3A_178] : memref<10000x16xf32, #tpu.memory_space<hbm>> -> memref<10000x16xf32, #tpu.memory_space<hbm>>
        %dma_start3A_180 = tpu.memref_slice %arg11[%dma_start3A_170] : memref<4x!tpu.dma_semaphore, #tpu.memory_space<semaphore_mem>> -> memref<1x!tpu.dma_semaphore, #tpu.memory_space<semaphore_mem>>
        %dma_start3A_181 = tpu.memref_squeeze %dma_start3A_180 : memref<1x!tpu.dma_semaphore, #tpu.memory_space<semaphore_mem>> -> memref<!tpu.dma_semaphore, #tpu.memory_space<semaphore_mem>>
        tpu.enqueue_indirect_dma source(%dma_start3A_179 : memref<10000x16xf32, #tpu.memory_space<hbm>>) target(%dma_start3A_173 : memref<128x16xf32, #tpu.memory_space<vmem>>) offsets(%dma_start3A_176 : memref<128xi32, #tpu.memory_space<vmem>>) semaphore(%dma_start3A_181 : memref<!tpu.dma_semaphore, #tpu.memory_space<semaphore_mem>>)
      } else {
      }
      %scan3A_167 = arith.constant 0 : i32
      scf.yield %scan3A_167 : i32
    }
    %scan3A_75 = arith.constant 20 : i32
    %barrier3A_76 = arith.constant 0 : index
    tpu.barrier barrier_id(%barrier3A_76)
    "tpu.region"() ({
      %run_scoped3A = tpu.sem_alloc : memref<!tpu.dma_semaphore, #tpu.memory_space<semaphore_mem>>
      %dma_start3A_77 = arith.constant 0 : i32
      %dma_start3A_78 = tpu.memref_slice %arg10[%multiple_of3A_5, %dma_start3A_77] : memref<10112x16xf32, #tpu.memory_space<vmem_shared>> -> memref<632x16xf32, #tpu.memory_space<vmem_shared>>
      %dma_start3A_79 = arith.constant 0 : i32
      %dma_start3A_80 = tpu.memref_slice %arg10[%multiple_of3A_5, %dma_start3A_79] : memref<10112x16xf32, #tpu.memory_space<vmem_shared>> -> memref<632x16xf32, #tpu.memory_space<vmem_shared>>
      tpu.enqueue_dma source(%dma_start3A_80 : memref<632x16xf32, #tpu.memory_space<vmem_shared>>) target(%arg9 : memref<632x16xf32, #tpu.memory_space<vmem>>) target_semaphore(%run_scoped3A : memref<!tpu.dma_semaphore, #tpu.memory_space<semaphore_mem>>)
      %dma_wait3A = arith.constant 0 : i32
      %dma_wait3A_81 = tpu.memref_slice %arg10[%multiple_of3A_5, %dma_wait3A] : memref<10112x16xf32, #tpu.memory_space<vmem_shared>> -> memref<632x16xf32, #tpu.memory_space<vmem_shared>>
      %dma_wait3A_82 = arith.constant 0 : i32
      %dma_wait3A_83 = tpu.memref_slice %arg10[%multiple_of3A_5, %dma_wait3A_82] : memref<10112x16xf32, #tpu.memory_space<vmem_shared>> -> memref<632x16xf32, #tpu.memory_space<vmem_shared>>
      tpu.wait_dma2 semaphore(%run_scoped3A : memref<!tpu.dma_semaphore, #tpu.memory_space<semaphore_mem>>) src(%dma_wait3A_83 : memref<632x16xf32, #tpu.memory_space<vmem_shared>>) dst(%arg9 : memref<632x16xf32, #tpu.memory_space<vmem>>)
      tpu.yield
    }) : () -> ()
    "tpu.region"() ({
      %run_scoped3A = tpu.sem_alloc : memref<!tpu.dma_semaphore, #tpu.memory_space<semaphore_mem>>
      %dma_start3A_77 = arith.constant 0 : i32
      %dma_start3A_78 = tpu.memref_slice %arg5[%multiple_of3A_11, %dma_start3A_77] : memref<20224x16xf32, #tpu.memory_space<hbm>> -> memref<632x16xf32, #tpu.memory_space<hbm>>
      %dma_start3A_79 = arith.constant 0 : i32
      %dma_start3A_80 = tpu.memref_slice %arg5[%multiple_of3A_11, %dma_start3A_79] : memref<20224x16xf32, #tpu.memory_space<hbm>> -> memref<632x16xf32, #tpu.memory_space<hbm>>
      tpu.enqueue_dma source(%arg9 : memref<632x16xf32, #tpu.memory_space<vmem>>) target(%dma_start3A_80 : memref<632x16xf32, #tpu.memory_space<hbm>>) target_semaphore(%run_scoped3A : memref<!tpu.dma_semaphore, #tpu.memory_space<semaphore_mem>>)
      %dma_wait3A = arith.constant 0 : i32
      %dma_wait3A_81 = tpu.memref_slice %arg5[%multiple_of3A_11, %dma_wait3A] : memref<20224x16xf32, #tpu.memory_space<hbm>> -> memref<632x16xf32, #tpu.memory_space<hbm>>
      %dma_wait3A_82 = arith.constant 0 : i32
      %dma_wait3A_83 = tpu.memref_slice %arg5[%multiple_of3A_11, %dma_wait3A_82] : memref<20224x16xf32, #tpu.memory_space<hbm>> -> memref<632x16xf32, #tpu.memory_space<hbm>>
      tpu.wait_dma2 semaphore(%run_scoped3A : memref<!tpu.dma_semaphore, #tpu.memory_space<semaphore_mem>>) src(%arg9 : memref<632x16xf32, #tpu.memory_space<vmem>>) dst(%dma_wait3A_83 : memref<632x16xf32, #tpu.memory_space<hbm>>)
      tpu.yield
    }) : () -> ()
    return
  }
}

#map = affine_map<(d0, d1) -> (0, 0)>
module attributes {stable_mosaic.version = 14 : i64} {
  func.func @_prop_body(%arg0: i32, %arg1: i32, %arg2: memref<10000x16xf32, #tpu.memory_space<hbm>>, %arg3: memref<2560x128xi32, #tpu.memory_space<hbm>>, %arg4: memref<2560x128xi32, #tpu.memory_space<hbm>>, %arg5: memref<20224x16xf32, #tpu.memory_space<hbm>>, %arg6: memref<80x128xi32, #tpu.memory_space<vmem>>, %arg7: memref<80x128xi32, #tpu.memory_space<vmem>>, %arg8: memref<512x16xf32, #tpu.memory_space<vmem>>, %arg9: memref<632x16xf32, #tpu.memory_space<vmem>>, %arg10: memref<10112x16xf32, #tpu.memory_space<vmem_shared>>, %arg11: memref<4x!tpu.dma_semaphore, #tpu.memory_space<semaphore_mem>>, %arg12: memref<4x!tpu.dma_semaphore, #tpu.memory_space<semaphore_mem>>) attributes {dimension_semantics = [#tpu.dimension_semantics<core_parallel>, #tpu.dimension_semantics<subcore_parallel>], iteration_bounds = array<i64: 2, 16>, scalar_prefetch = 0 : i64, scratch_operands = 7 : i64, tpu.core_type = #tpu.core_type<sc_vector_subcore>, window_params = [{transform_indices = #map}, {transform_indices = #map}, {transform_indices = #map}, {transform_indices = #map}]} {
    %mul3A = arith.constant 2 : i32
    %mul3A_0 = arith.muli %arg1, %mul3A : i32
    %add3A = arith.addi %mul3A_0, %arg0 : i32
    %mul3A_1 = arith.constant 80 : i32
    %mul3A_2 = arith.muli %add3A, %mul3A_1 : i32
    %multiple_of3A = tpu.assume_multiple %mul3A_2, 8 : i32
    %mul3A_3 = arith.constant 632 : i32
    %mul3A_4 = arith.muli %arg1, %mul3A_3 : i32
    %multiple_of3A_5 = tpu.assume_multiple %mul3A_4, 8 : i32
    %mul3A_6 = arith.constant 10112 : i32
    %mul3A_7 = arith.muli %arg0, %mul3A_6 : i32
    %mul3A_8 = arith.constant 632 : i32
    %mul3A_9 = arith.muli %arg1, %mul3A_8 : i32
    %add3A_10 = arith.addi %mul3A_7, %mul3A_9 : i32
    %multiple_of3A_11 = tpu.assume_multiple %add3A_10, 8 : i32
    %scan3A = arith.constant 0 : i32
    %scan3A_12 = arith.constant 0 : i32
    %scan3A_13 = arith.constant 632 : i32
    %scan3A_14 = arith.addi %scan3A_12, %scan3A_13 : i32
    %scan3A_15 = arith.constant 1 : i32
    %scan3A_16 = scf.for %scan3A_77 = %scan3A_12 to %scan3A_14 step %scan3A_15 iter_args(%scan3A_78 = %scan3A) -> (i32)  : i32 {
      %broadcast_in_dim3A = arith.constant 0.000000e+00 : f32
      %broadcast_in_dim3A_79 = vector.broadcast %broadcast_in_dim3A : f32 to vector<16xf32>
      %swap3A = arith.index_cast %scan3A_77 : i32 to index
      %swap3A_80 = arith.constant 0 : index
      %swap3A_81 = tpu.vector_load %arg9[%swap3A, %swap3A_80] {strides = array<i32>} : memref<632x16xf32, #tpu.memory_space<vmem>>, vector<1x16xf32>,
      %swap3A_82 = vector.shape_cast %swap3A_81 : vector<1x16xf32> to vector<16xf32>
      %swap3A_83 = vector.shape_cast %broadcast_in_dim3A_79 : vector<16xf32> to vector<1x16xf32>
      tpu.vector_store %arg9[%swap3A, %swap3A_80], %swap3A_83 {strides = array<i32>} : memref<632x16xf32, #tpu.memory_space<vmem>>, vector<1x16xf32>,
      %scan3A_84 = arith.constant 0 : i32
      scf.yield %scan3A_84 : i32
    }
    %scan3A_17 = arith.constant 632 : i32
    "tpu.region"() ({
      %run_scoped3A = tpu.sem_alloc : memref<!tpu.dma_semaphore, #tpu.memory_space<semaphore_mem>>
      %dma_start3A_77 = arith.constant 0 : i32
      %dma_start3A_78 = tpu.memref_slice %arg10[%multiple_of3A_5, %dma_start3A_77] : memref<10112x16xf32, #tpu.memory_space<vmem_shared>> -> memref<632x16xf32, #tpu.memory_space<vmem_shared>>
      %dma_start3A_79 = arith.constant 0 : i32
      %dma_start3A_80 = tpu.memref_slice %arg10[%multiple_of3A_5, %dma_start3A_79] : memref<10112x16xf32, #tpu.memory_space<vmem_shared>> -> memref<632x16xf32, #tpu.memory_space<vmem_shared>>
      tpu.enqueue_dma source(%arg9 : memref<632x16xf32, #tpu.memory_space<vmem>>) target(%dma_start3A_80 : memref<632x16xf32, #tpu.memory_space<vmem_shared>>) target_semaphore(%run_scoped3A : memref<!tpu.dma_semaphore, #tpu.memory_space<semaphore_mem>>)
      %dma_wait3A = arith.constant 0 : i32
      %dma_wait3A_81 = tpu.memref_slice %arg10[%multiple_of3A_5, %dma_wait3A] : memref<10112x16xf32, #tpu.memory_space<vmem_shared>> -> memref<632x16xf32, #tpu.memory_space<vmem_shared>>
      %dma_wait3A_82 = arith.constant 0 : i32
      %dma_wait3A_83 = tpu.memref_slice %arg10[%multiple_of3A_5, %dma_wait3A_82] : memref<10112x16xf32, #tpu.memory_space<vmem_shared>> -> memref<632x16xf32, #tpu.memory_space<vmem_shared>>
      tpu.wait_dma2 semaphore(%run_scoped3A : memref<!tpu.dma_semaphore, #tpu.memory_space<semaphore_mem>>) src(%arg9 : memref<632x16xf32, #tpu.memory_space<vmem>>) dst(%dma_wait3A_83 : memref<632x16xf32, #tpu.memory_space<vmem_shared>>)
      tpu.yield
    }) : () -> ()
    "tpu.region"() ({
      %run_scoped3A = tpu.sem_alloc : memref<!tpu.dma_semaphore, #tpu.memory_space<semaphore_mem>>
      %dma_start3A_77 = arith.constant 0 : i32
      %dma_start3A_78 = tpu.memref_slice %arg3[%multiple_of3A, %dma_start3A_77] : memref<2560x128xi32, #tpu.memory_space<hbm>> -> memref<80x128xi32, #tpu.memory_space<hbm>>
      %dma_start3A_79 = arith.constant 0 : i32
      %dma_start3A_80 = tpu.memref_slice %arg3[%multiple_of3A, %dma_start3A_79] : memref<2560x128xi32, #tpu.memory_space<hbm>> -> memref<80x128xi32, #tpu.memory_space<hbm>>
      tpu.enqueue_dma source(%dma_start3A_80 : memref<80x128xi32, #tpu.memory_space<hbm>>) target(%arg6 : memref<80x128xi32, #tpu.memory_space<vmem>>) target_semaphore(%run_scoped3A : memref<!tpu.dma_semaphore, #tpu.memory_space<semaphore_mem>>)
      %dma_wait3A = arith.constant 0 : i32
      %dma_wait3A_81 = tpu.memref_slice %arg3[%multiple_of3A, %dma_wait3A] : memref<2560x128xi32, #tpu.memory_space<hbm>> -> memref<80x128xi32, #tpu.memory_space<hbm>>
      %dma_wait3A_82 = arith.constant 0 : i32
      %dma_wait3A_83 = tpu.memref_slice %arg3[%multiple_of3A, %dma_wait3A_82] : memref<2560x128xi32, #tpu.memory_space<hbm>> -> memref<80x128xi32, #tpu.memory_space<hbm>>
      tpu.wait_dma2 semaphore(%run_scoped3A : memref<!tpu.dma_semaphore, #tpu.memory_space<semaphore_mem>>) src(%dma_wait3A_83 : memref<80x128xi32, #tpu.memory_space<hbm>>) dst(%arg6 : memref<80x128xi32, #tpu.memory_space<vmem>>)
      tpu.yield
    }) : () -> ()
    "tpu.region"() ({
      %run_scoped3A = tpu.sem_alloc : memref<!tpu.dma_semaphore, #tpu.memory_space<semaphore_mem>>
      %dma_start3A_77 = arith.constant 0 : i32
      %dma_start3A_78 = tpu.memref_slice %arg4[%multiple_of3A, %dma_start3A_77] : memref<2560x128xi32, #tpu.memory_space<hbm>> -> memref<80x128xi32, #tpu.memory_space<hbm>>
      %dma_start3A_79 = arith.constant 0 : i32
      %dma_start3A_80 = tpu.memref_slice %arg4[%multiple_of3A, %dma_start3A_79] : memref<2560x128xi32, #tpu.memory_space<hbm>> -> memref<80x128xi32, #tpu.memory_space<hbm>>
      tpu.enqueue_dma source(%dma_start3A_80 : memref<80x128xi32, #tpu.memory_space<hbm>>) target(%arg7 : memref<80x128xi32, #tpu.memory_space<vmem>>) target_semaphore(%run_scoped3A : memref<!tpu.dma_semaphore, #tpu.memory_space<semaphore_mem>>)
      %dma_wait3A = arith.constant 0 : i32
      %dma_wait3A_81 = tpu.memref_slice %arg4[%multiple_of3A, %dma_wait3A] : memref<2560x128xi32, #tpu.memory_space<hbm>> -> memref<80x128xi32, #tpu.memory_space<hbm>>
      %dma_wait3A_82 = arith.constant 0 : i32
      %dma_wait3A_83 = tpu.memref_slice %arg4[%multiple_of3A, %dma_wait3A_82] : memref<2560x128xi32, #tpu.memory_space<hbm>> -> memref<80x128xi32, #tpu.memory_space<hbm>>
      tpu.wait_dma2 semaphore(%run_scoped3A : memref<!tpu.dma_semaphore, #tpu.memory_space<semaphore_mem>>) src(%dma_wait3A_83 : memref<80x128xi32, #tpu.memory_space<hbm>>) dst(%arg7 : memref<80x128xi32, #tpu.memory_space<vmem>>)
      tpu.yield
    }) : () -> ()
    %barrier3A = arith.constant 0 : index
    tpu.barrier barrier_id(%barrier3A)
    %dma_start3A = arith.constant 0 : i32
    %dma_start3A_18 = arith.constant 0 : i32
    %dma_start3A_19 = arith.constant 0 : i32
    %dma_start3A_20 = arith.constant 0 : i32
    %dma_start3A_21 = tpu.memref_slice %arg8[%dma_start3A_19, %dma_start3A_20] : memref<512x16xf32, #tpu.memory_space<vmem>> -> memref<128x16xf32, #tpu.memory_space<vmem>>
    %dma_start3A_22 = arith.constant 0 : i32
    %dma_start3A_23 = tpu.memref_slice %arg6[%dma_start3A, %dma_start3A_22] : memref<80x128xi32, #tpu.memory_space<vmem>> -> memref<1x128xi32, #tpu.memory_space<vmem>>
    %dma_start3A_24 = tpu.memref_squeeze %dma_start3A_23 : memref<1x128xi32, #tpu.memory_space<vmem>> -> memref<128xi32, #tpu.memory_space<vmem>>
    %dma_start3A_25 = arith.constant 0 : i32
    %dma_start3A_26 = arith.constant 0 : i32
    %dma_start3A_27 = tpu.memref_slice %arg2[%dma_start3A_25, %dma_start3A_26] : memref<10000x16xf32, #tpu.memory_space<hbm>> -> memref<10000x16xf32, #tpu.memory_space<hbm>>
    %dma_start3A_28 = tpu.memref_slice %arg11[%dma_start3A_18] : memref<4x!tpu.dma_semaphore, #tpu.memory_space<semaphore_mem>> -> memref<1x!tpu.dma_semaphore, #tpu.memory_space<semaphore_mem>>
    %dma_start3A_29 = tpu.memref_squeeze %dma_start3A_28 : memref<1x!tpu.dma_semaphore, #tpu.memory_space<semaphore_mem>> -> memref<!tpu.dma_semaphore, #tpu.memory_space<semaphore_mem>>
    tpu.enqueue_indirect_dma source(%dma_start3A_27 : memref<10000x16xf32, #tpu.memory_space<hbm>>) target(%dma_start3A_21 : memref<128x16xf32, #tpu.memory_space<vmem>>) offsets(%dma_start3A_24 : memref<128xi32, #tpu.memory_space<vmem>>) semaphore(%dma_start3A_29 : memref<!tpu.dma_semaphore, #tpu.memory_space<semaphore_mem>>)
    %dma_start3A_30 = arith.constant 1 : i32
    %dma_start3A_31 = arith.constant 1 : i32
    %dma_start3A_32 = arith.constant 128 : i32
    %dma_start3A_33 = arith.constant 0 : i32
    %dma_start3A_34 = tpu.memref_slice %arg8[%dma_start3A_32, %dma_start3A_33] : memref<512x16xf32, #tpu.memory_space<vmem>> -> memref<128x16xf32, #tpu.memory_space<vmem>>
    %dma_start3A_35 = arith.constant 0 : i32
    %dma_start3A_36 = tpu.memref_slice %arg6[%dma_start3A_30, %dma_start3A_35] : memref<80x128xi32, #tpu.memory_space<vmem>> -> memref<1x128xi32, #tpu.memory_space<vmem>>
    %dma_start3A_37 = tpu.memref_squeeze %dma_start3A_36 : memref<1x128xi32, #tpu.memory_space<vmem>> -> memref<128xi32, #tpu.memory_space<vmem>>
    %dma_start3A_38 = arith.constant 0 : i32
    %dma_start3A_39 = arith.constant 0 : i32
    %dma_start3A_40 = tpu.memref_slice %arg2[%dma_start3A_38, %dma_start3A_39] : memref<10000x16xf32, #tpu.memory_space<hbm>> -> memref<10000x16xf32, #tpu.memory_space<hbm>>
    %dma_start3A_41 = tpu.memref_slice %arg11[%dma_start3A_31] : memref<4x!tpu.dma_semaphore, #tpu.memory_space<semaphore_mem>> -> memref<1x!tpu.dma_semaphore, #tpu.memory_space<semaphore_mem>>
    %dma_start3A_42 = tpu.memref_squeeze %dma_start3A_41 : memref<1x!tpu.dma_semaphore, #tpu.memory_space<semaphore_mem>> -> memref<!tpu.dma_semaphore, #tpu.memory_space<semaphore_mem>>
    tpu.enqueue_indirect_dma source(%dma_start3A_40 : memref<10000x16xf32, #tpu.memory_space<hbm>>) target(%dma_start3A_34 : memref<128x16xf32, #tpu.memory_space<vmem>>) offsets(%dma_start3A_37 : memref<128xi32, #tpu.memory_space<vmem>>) semaphore(%dma_start3A_42 : memref<!tpu.dma_semaphore, #tpu.memory_space<semaphore_mem>>)
    %dma_start3A_43 = arith.constant 2 : i32
    %dma_start3A_44 = arith.constant 2 : i32
    %dma_start3A_45 = arith.constant 256 : i32
    %dma_start3A_46 = arith.constant 0 : i32
    %dma_start3A_47 = tpu.memref_slice %arg8[%dma_start3A_45, %dma_start3A_46] : memref<512x16xf32, #tpu.memory_space<vmem>> -> memref<128x16xf32, #tpu.memory_space<vmem>>
    %dma_start3A_48 = arith.constant 0 : i32
    %dma_start3A_49 = tpu.memref_slice %arg6[%dma_start3A_43, %dma_start3A_48] : memref<80x128xi32, #tpu.memory_space<vmem>> -> memref<1x128xi32, #tpu.memory_space<vmem>>
    %dma_start3A_50 = tpu.memref_squeeze %dma_start3A_49 : memref<1x128xi32, #tpu.memory_space<vmem>> -> memref<128xi32, #tpu.memory_space<vmem>>
    %dma_start3A_51 = arith.constant 0 : i32
    %dma_start3A_52 = arith.constant 0 : i32
    %dma_start3A_53 = tpu.memref_slice %arg2[%dma_start3A_51, %dma_start3A_52] : memref<10000x16xf32, #tpu.memory_space<hbm>> -> memref<10000x16xf32, #tpu.memory_space<hbm>>
    %dma_start3A_54 = tpu.memref_slice %arg11[%dma_start3A_44] : memref<4x!tpu.dma_semaphore, #tpu.memory_space<semaphore_mem>> -> memref<1x!tpu.dma_semaphore, #tpu.memory_space<semaphore_mem>>
    %dma_start3A_55 = tpu.memref_squeeze %dma_start3A_54 : memref<1x!tpu.dma_semaphore, #tpu.memory_space<semaphore_mem>> -> memref<!tpu.dma_semaphore, #tpu.memory_space<semaphore_mem>>
    tpu.enqueue_indirect_dma source(%dma_start3A_53 : memref<10000x16xf32, #tpu.memory_space<hbm>>) target(%dma_start3A_47 : memref<128x16xf32, #tpu.memory_space<vmem>>) offsets(%dma_start3A_50 : memref<128xi32, #tpu.memory_space<vmem>>) semaphore(%dma_start3A_55 : memref<!tpu.dma_semaphore, #tpu.memory_space<semaphore_mem>>)
    %dma_start3A_56 = arith.constant 3 : i32
    %dma_start3A_57 = arith.constant 3 : i32
    %dma_start3A_58 = arith.constant 384 : i32
    %dma_start3A_59 = arith.constant 0 : i32
    %dma_start3A_60 = tpu.memref_slice %arg8[%dma_start3A_58, %dma_start3A_59] : memref<512x16xf32, #tpu.memory_space<vmem>> -> memref<128x16xf32, #tpu.memory_space<vmem>>
    %dma_start3A_61 = arith.constant 0 : i32
    %dma_start3A_62 = tpu.memref_slice %arg6[%dma_start3A_56, %dma_start3A_61] : memref<80x128xi32, #tpu.memory_space<vmem>> -> memref<1x128xi32, #tpu.memory_space<vmem>>
    %dma_start3A_63 = tpu.memref_squeeze %dma_start3A_62 : memref<1x128xi32, #tpu.memory_space<vmem>> -> memref<128xi32, #tpu.memory_space<vmem>>
    %dma_start3A_64 = arith.constant 0 : i32
    %dma_start3A_65 = arith.constant 0 : i32
    %dma_start3A_66 = tpu.memref_slice %arg2[%dma_start3A_64, %dma_start3A_65] : memref<10000x16xf32, #tpu.memory_space<hbm>> -> memref<10000x16xf32, #tpu.memory_space<hbm>>
    %dma_start3A_67 = tpu.memref_slice %arg11[%dma_start3A_57] : memref<4x!tpu.dma_semaphore, #tpu.memory_space<semaphore_mem>> -> memref<1x!tpu.dma_semaphore, #tpu.memory_space<semaphore_mem>>
    %dma_start3A_68 = tpu.memref_squeeze %dma_start3A_67 : memref<1x!tpu.dma_semaphore, #tpu.memory_space<semaphore_mem>> -> memref<!tpu.dma_semaphore, #tpu.memory_space<semaphore_mem>>
    tpu.enqueue_indirect_dma source(%dma_start3A_66 : memref<10000x16xf32, #tpu.memory_space<hbm>>) target(%dma_start3A_60 : memref<128x16xf32, #tpu.memory_space<vmem>>) offsets(%dma_start3A_63 : memref<128xi32, #tpu.memory_space<vmem>>) semaphore(%dma_start3A_68 : memref<!tpu.dma_semaphore, #tpu.memory_space<semaphore_mem>>)
    %scan3A_69 = arith.constant 0 : i32
    %scan3A_70 = arith.constant 0 : i32
    %scan3A_71 = arith.constant 20 : i32
    %scan3A_72 = arith.addi %scan3A_70, %scan3A_71 : i32
    %scan3A_73 = arith.constant 1 : i32
    %scan3A_74 = scf.for %scan3A_77 = %scan3A_70 to %scan3A_72 step %scan3A_73 iter_args(%scan3A_78 = %scan3A_69) -> (i32)  : i32 {
      %mul3A_79 = arith.constant 4 : i32
      %mul3A_80 = arith.muli %scan3A_77, %mul3A_79 : i32
      %add3A_81 = arith.constant 0 : i32
      %add3A_82 = arith.addi %mul3A_80, %add3A_81 : i32
      %dma_wait3A = arith.constant 0 : i32
      %dma_wait3A_83 = arith.constant 0 : i32
      %dma_wait3A_84 = arith.constant 0 : i32
      %dma_wait3A_85 = tpu.memref_slice %arg8[%dma_wait3A_83, %dma_wait3A_84] : memref<512x16xf32, #tpu.memory_space<vmem>> -> memref<128x16xf32, #tpu.memory_space<vmem>>
      %dma_wait3A_86 = arith.constant 0 : i32
      %dma_wait3A_87 = tpu.memref_slice %arg6[%add3A_82, %dma_wait3A_86] : memref<80x128xi32, #tpu.memory_space<vmem>> -> memref<1x128xi32, #tpu.memory_space<vmem>>
      %dma_wait3A_88 = tpu.memref_squeeze %dma_wait3A_87 : memref<1x128xi32, #tpu.memory_space<vmem>> -> memref<128xi32, #tpu.memory_space<vmem>>
      %dma_wait3A_89 = arith.constant 0 : i32
      %dma_wait3A_90 = arith.constant 0 : i32
      %dma_wait3A_91 = tpu.memref_slice %arg2[%dma_wait3A_89, %dma_wait3A_90] : memref<10000x16xf32, #tpu.memory_space<hbm>> -> memref<10000x16xf32, #tpu.memory_space<hbm>>
      %dma_wait3A_92 = tpu.memref_slice %arg11[%dma_wait3A] : memref<4x!tpu.dma_semaphore, #tpu.memory_space<semaphore_mem>> -> memref<1x!tpu.dma_semaphore, #tpu.memory_space<semaphore_mem>>
      %dma_wait3A_93 = tpu.memref_squeeze %dma_wait3A_92 : memref<1x!tpu.dma_semaphore, #tpu.memory_space<semaphore_mem>> -> memref<!tpu.dma_semaphore, #tpu.memory_space<semaphore_mem>>
      tpu.wait_indirect_dma semaphore(%dma_wait3A_93 : memref<!tpu.dma_semaphore, #tpu.memory_space<semaphore_mem>>) src(%dma_wait3A_91 : memref<10000x16xf32, #tpu.memory_space<hbm>>) dst(%dma_wait3A_85 : memref<128x16xf32, #tpu.memory_space<vmem>>)
      "tpu.region"() ({
        %run_scoped3A = tpu.sem_alloc : memref<!tpu.dma_semaphore, #tpu.memory_space<semaphore_mem>>
        %dma_start3A_168 = arith.constant 0 : i32
        %dma_start3A_169 = arith.constant 0 : i32
        %dma_start3A_170 = tpu.memref_slice %arg8[%dma_start3A_168, %dma_start3A_169] : memref<512x16xf32, #tpu.memory_space<vmem>> -> memref<128x16xf32, #tpu.memory_space<vmem>>
        %dma_start3A_171 = arith.constant 0 : i32
        %dma_start3A_172 = tpu.memref_slice %arg7[%add3A_82, %dma_start3A_171] : memref<80x128xi32, #tpu.memory_space<vmem>> -> memref<1x128xi32, #tpu.memory_space<vmem>>
        %dma_start3A_173 = tpu.memref_squeeze %dma_start3A_172 : memref<1x128xi32, #tpu.memory_space<vmem>> -> memref<128xi32, #tpu.memory_space<vmem>>
        %dma_start3A_174 = arith.constant 0 : i32
        %dma_start3A_175 = arith.constant 0 : i32
        %dma_start3A_176 = tpu.memref_slice %arg10[%dma_start3A_174, %dma_start3A_175] : memref<10112x16xf32, #tpu.memory_space<vmem_shared>> -> memref<10112x16xf32, #tpu.memory_space<vmem_shared>>
        tpu.enqueue_indirect_dma source(%dma_start3A_170 : memref<128x16xf32, #tpu.memory_space<vmem>>) target(%dma_start3A_176 : memref<10112x16xf32, #tpu.memory_space<vmem_shared>>) offsets(%dma_start3A_173 : memref<128xi32, #tpu.memory_space<vmem>>) semaphore(%run_scoped3A : memref<!tpu.dma_semaphore, #tpu.memory_space<semaphore_mem>>) {add = true}
        %dma_wait3A_177 = arith.constant 0 : i32
        %dma_wait3A_178 = arith.constant 0 : i32
        %dma_wait3A_179 = tpu.memref_slice %arg8[%dma_wait3A_177, %dma_wait3A_178] : memref<512x16xf32, #tpu.memory_space<vmem>> -> memref<128x16xf32, #tpu.memory_space<vmem>>
        %dma_wait3A_180 = arith.constant 0 : i32
        %dma_wait3A_181 = tpu.memref_slice %arg7[%add3A_82, %dma_wait3A_180] : memref<80x128xi32, #tpu.memory_space<vmem>> -> memref<1x128xi32, #tpu.memory_space<vmem>>
        %dma_wait3A_182 = tpu.memref_squeeze %dma_wait3A_181 : memref<1x128xi32, #tpu.memory_space<vmem>> -> memref<128xi32, #tpu.memory_space<vmem>>
        %dma_wait3A_183 = arith.constant 0 : i32
        %dma_wait3A_184 = arith.constant 0 : i32
        %dma_wait3A_185 = tpu.memref_slice %arg10[%dma_wait3A_183, %dma_wait3A_184] : memref<10112x16xf32, #tpu.memory_space<vmem_shared>> -> memref<10112x16xf32, #tpu.memory_space<vmem_shared>>
        tpu.wait_indirect_dma semaphore(%run_scoped3A : memref<!tpu.dma_semaphore, #tpu.memory_space<semaphore_mem>>) src(%dma_wait3A_179 : memref<128x16xf32, #tpu.memory_space<vmem>>) dst(%dma_wait3A_185 : memref<10112x16xf32, #tpu.memory_space<vmem_shared>>)
        tpu.yield
      }) : () -> ()
      %add3A_94 = arith.constant 4 : i32
      %add3A_95 = arith.addi %add3A_82, %add3A_94 : i32
      %lt3A = arith.constant 80 : i32
      %lt3A_96 = arith.cmpi slt, %add3A_95, %lt3A : i32
      %convert_element_type3A = arith.extui %lt3A_96 : i1 to i32
      %cond3A = arith.constant 0 : i32
      %cond3A_97 = arith.cmpi ne, %convert_element_type3A, %cond3A : i32
      scf.if %cond3A_97 {
        %add3A_168 = arith.constant 4 : i32
        %add3A_169 = arith.addi %add3A_82, %add3A_168 : i32
        %dma_start3A_170 = arith.constant 0 : i32
        %dma_start3A_171 = arith.constant 0 : i32
        %dma_start3A_172 = arith.constant 0 : i32
        %dma_start3A_173 = tpu.memref_slice %arg8[%dma_start3A_171, %dma_start3A_172] : memref<512x16xf32, #tpu.memory_space<vmem>> -> memref<128x16xf32, #tpu.memory_space<vmem>>
        %dma_start3A_174 = arith.constant 0 : i32
        %dma_start3A_175 = tpu.memref_slice %arg6[%add3A_169, %dma_start3A_174] : memref<80x128xi32, #tpu.memory_space<vmem>> -> memref<1x128xi32, #tpu.memory_space<vmem>>
        %dma_start3A_176 = tpu.memref_squeeze %dma_start3A_175 : memref<1x128xi32, #tpu.memory_space<vmem>> -> memref<128xi32, #tpu.memory_space<vmem>>
        %dma_start3A_177 = arith.constant 0 : i32
        %dma_start3A_178 = arith.constant 0 : i32
        %dma_start3A_179 = tpu.memref_slice %arg2[%dma_start3A_177, %dma_start3A_178] : memref<10000x16xf32, #tpu.memory_space<hbm>> -> memref<10000x16xf32, #tpu.memory_space<hbm>>
        %dma_start3A_180 = tpu.memref_slice %arg11[%dma_start3A_170] : memref<4x!tpu.dma_semaphore, #tpu.memory_space<semaphore_mem>> -> memref<1x!tpu.dma_semaphore, #tpu.memory_space<semaphore_mem>>
        %dma_start3A_181 = tpu.memref_squeeze %dma_start3A_180 : memref<1x!tpu.dma_semaphore, #tpu.memory_space<semaphore_mem>> -> memref<!tpu.dma_semaphore, #tpu.memory_space<semaphore_mem>>
        tpu.enqueue_indirect_dma source(%dma_start3A_179 : memref<10000x16xf32, #tpu.memory_space<hbm>>) target(%dma_start3A_173 : memref<128x16xf32, #tpu.memory_space<vmem>>) offsets(%dma_start3A_176 : memref<128xi32, #tpu.memory_space<vmem>>) semaphore(%dma_start3A_181 : memref<!tpu.dma_semaphore, #tpu.memory_space<semaphore_mem>>)
      } else {
      }
      %mul3A_98 = arith.constant 4 : i32
      %mul3A_99 = arith.muli %scan3A_77, %mul3A_98 : i32
      %add3A_100 = arith.constant 1 : i32
      %add3A_101 = arith.addi %mul3A_99, %add3A_100 : i32
      %dma_wait3A_102 = arith.constant 1 : i32
      %dma_wait3A_103 = arith.constant 128 : i32
      %dma_wait3A_104 = arith.constant 0 : i32
      %dma_wait3A_105 = tpu.memref_slice %arg8[%dma_wait3A_103, %dma_wait3A_104] : memref<512x16xf32, #tpu.memory_space<vmem>> -> memref<128x16xf32, #tpu.memory_space<vmem>>
      %dma_wait3A_106 = arith.constant 0 : i32
      %dma_wait3A_107 = tpu.memref_slice %arg6[%add3A_101, %dma_wait3A_106] : memref<80x128xi32, #tpu.memory_space<vmem>> -> memref<1x128xi32, #tpu.memory_space<vmem>>
      %dma_wait3A_108 = tpu.memref_squeeze %dma_wait3A_107 : memref<1x128xi32, #tpu.memory_space<vmem>> -> memref<128xi32, #tpu.memory_space<vmem>>
      %dma_wait3A_109 = arith.constant 0 : i32
      %dma_wait3A_110 = arith.constant 0 : i32
      %dma_wait3A_111 = tpu.memref_slice %arg2[%dma_wait3A_109, %dma_wait3A_110] : memref<10000x16xf32, #tpu.memory_space<hbm>> -> memref<10000x16xf32, #tpu.memory_space<hbm>>
      %dma_wait3A_112 = tpu.memref_slice %arg11[%dma_wait3A_102] : memref<4x!tpu.dma_semaphore, #tpu.memory_space<semaphore_mem>> -> memref<1x!tpu.dma_semaphore, #tpu.memory_space<semaphore_mem>>
      %dma_wait3A_113 = tpu.memref_squeeze %dma_wait3A_112 : memref<1x!tpu.dma_semaphore, #tpu.memory_space<semaphore_mem>> -> memref<!tpu.dma_semaphore, #tpu.memory_space<semaphore_mem>>
      tpu.wait_indirect_dma semaphore(%dma_wait3A_113 : memref<!tpu.dma_semaphore, #tpu.memory_space<semaphore_mem>>) src(%dma_wait3A_111 : memref<10000x16xf32, #tpu.memory_space<hbm>>) dst(%dma_wait3A_105 : memref<128x16xf32, #tpu.memory_space<vmem>>)
      "tpu.region"() ({
        %run_scoped3A = tpu.sem_alloc : memref<!tpu.dma_semaphore, #tpu.memory_space<semaphore_mem>>
        %dma_start3A_168 = arith.constant 128 : i32
        %dma_start3A_169 = arith.constant 0 : i32
        %dma_start3A_170 = tpu.memref_slice %arg8[%dma_start3A_168, %dma_start3A_169] : memref<512x16xf32, #tpu.memory_space<vmem>> -> memref<128x16xf32, #tpu.memory_space<vmem>>
        %dma_start3A_171 = arith.constant 0 : i32
        %dma_start3A_172 = tpu.memref_slice %arg7[%add3A_101, %dma_start3A_171] : memref<80x128xi32, #tpu.memory_space<vmem>> -> memref<1x128xi32, #tpu.memory_space<vmem>>
        %dma_start3A_173 = tpu.memref_squeeze %dma_start3A_172 : memref<1x128xi32, #tpu.memory_space<vmem>> -> memref<128xi32, #tpu.memory_space<vmem>>
        %dma_start3A_174 = arith.constant 0 : i32
        %dma_start3A_175 = arith.constant 0 : i32
        %dma_start3A_176 = tpu.memref_slice %arg10[%dma_start3A_174, %dma_start3A_175] : memref<10112x16xf32, #tpu.memory_space<vmem_shared>> -> memref<10112x16xf32, #tpu.memory_space<vmem_shared>>
        tpu.enqueue_indirect_dma source(%dma_start3A_170 : memref<128x16xf32, #tpu.memory_space<vmem>>) target(%dma_start3A_176 : memref<10112x16xf32, #tpu.memory_space<vmem_shared>>) offsets(%dma_start3A_173 : memref<128xi32, #tpu.memory_space<vmem>>) semaphore(%run_scoped3A : memref<!tpu.dma_semaphore, #tpu.memory_space<semaphore_mem>>) {add = true}
        %dma_wait3A_177 = arith.constant 128 : i32
        %dma_wait3A_178 = arith.constant 0 : i32
        %dma_wait3A_179 = tpu.memref_slice %arg8[%dma_wait3A_177, %dma_wait3A_178] : memref<512x16xf32, #tpu.memory_space<vmem>> -> memref<128x16xf32, #tpu.memory_space<vmem>>
        %dma_wait3A_180 = arith.constant 0 : i32
        %dma_wait3A_181 = tpu.memref_slice %arg7[%add3A_101, %dma_wait3A_180] : memref<80x128xi32, #tpu.memory_space<vmem>> -> memref<1x128xi32, #tpu.memory_space<vmem>>
        %dma_wait3A_182 = tpu.memref_squeeze %dma_wait3A_181 : memref<1x128xi32, #tpu.memory_space<vmem>> -> memref<128xi32, #tpu.memory_space<vmem>>
        %dma_wait3A_183 = arith.constant 0 : i32
        %dma_wait3A_184 = arith.constant 0 : i32
        %dma_wait3A_185 = tpu.memref_slice %arg10[%dma_wait3A_183, %dma_wait3A_184] : memref<10112x16xf32, #tpu.memory_space<vmem_shared>> -> memref<10112x16xf32, #tpu.memory_space<vmem_shared>>
        tpu.wait_indirect_dma semaphore(%run_scoped3A : memref<!tpu.dma_semaphore, #tpu.memory_space<semaphore_mem>>) src(%dma_wait3A_179 : memref<128x16xf32, #tpu.memory_space<vmem>>) dst(%dma_wait3A_185 : memref<10112x16xf32, #tpu.memory_space<vmem_shared>>)
        tpu.yield
      }) : () -> ()
      %add3A_114 = arith.constant 4 : i32
      %add3A_115 = arith.addi %add3A_101, %add3A_114 : i32
      %lt3A_116 = arith.constant 80 : i32
      %lt3A_117 = arith.cmpi slt, %add3A_115, %lt3A_116 : i32
      %convert_element_type3A_118 = arith.extui %lt3A_117 : i1 to i32
      %cond3A_119 = arith.constant 0 : i32
      %cond3A_120 = arith.cmpi ne, %convert_element_type3A_118, %cond3A_119 : i32
      scf.if %cond3A_120 {
        %add3A_168 = arith.constant 4 : i32
        %add3A_169 = arith.addi %add3A_101, %add3A_168 : i32
        %dma_start3A_170 = arith.constant 1 : i32
        %dma_start3A_171 = arith.constant 128 : i32
        %dma_start3A_172 = arith.constant 0 : i32
        %dma_start3A_173 = tpu.memref_slice %arg8[%dma_start3A_171, %dma_start3A_172] : memref<512x16xf32, #tpu.memory_space<vmem>> -> memref<128x16xf32, #tpu.memory_space<vmem>>
        %dma_start3A_174 = arith.constant 0 : i32
        %dma_start3A_175 = tpu.memref_slice %arg6[%add3A_169, %dma_start3A_174] : memref<80x128xi32, #tpu.memory_space<vmem>> -> memref<1x128xi32, #tpu.memory_space<vmem>>
        %dma_start3A_176 = tpu.memref_squeeze %dma_start3A_175 : memref<1x128xi32, #tpu.memory_space<vmem>> -> memref<128xi32, #tpu.memory_space<vmem>>
        %dma_start3A_177 = arith.constant 0 : i32
        %dma_start3A_178 = arith.constant 0 : i32
        %dma_start3A_179 = tpu.memref_slice %arg2[%dma_start3A_177, %dma_start3A_178] : memref<10000x16xf32, #tpu.memory_space<hbm>> -> memref<10000x16xf32, #tpu.memory_space<hbm>>
        %dma_start3A_180 = tpu.memref_slice %arg11[%dma_start3A_170] : memref<4x!tpu.dma_semaphore, #tpu.memory_space<semaphore_mem>> -> memref<1x!tpu.dma_semaphore, #tpu.memory_space<semaphore_mem>>
        %dma_start3A_181 = tpu.memref_squeeze %dma_start3A_180 : memref<1x!tpu.dma_semaphore, #tpu.memory_space<semaphore_mem>> -> memref<!tpu.dma_semaphore, #tpu.memory_space<semaphore_mem>>
        tpu.enqueue_indirect_dma source(%dma_start3A_179 : memref<10000x16xf32, #tpu.memory_space<hbm>>) target(%dma_start3A_173 : memref<128x16xf32, #tpu.memory_space<vmem>>) offsets(%dma_start3A_176 : memref<128xi32, #tpu.memory_space<vmem>>) semaphore(%dma_start3A_181 : memref<!tpu.dma_semaphore, #tpu.memory_space<semaphore_mem>>)
      } else {
      }
      %mul3A_121 = arith.constant 4 : i32
      %mul3A_122 = arith.muli %scan3A_77, %mul3A_121 : i32
      %add3A_123 = arith.constant 2 : i32
      %add3A_124 = arith.addi %mul3A_122, %add3A_123 : i32
      %dma_wait3A_125 = arith.constant 2 : i32
      %dma_wait3A_126 = arith.constant 256 : i32
      %dma_wait3A_127 = arith.constant 0 : i32
      %dma_wait3A_128 = tpu.memref_slice %arg8[%dma_wait3A_126, %dma_wait3A_127] : memref<512x16xf32, #tpu.memory_space<vmem>> -> memref<128x16xf32, #tpu.memory_space<vmem>>
      %dma_wait3A_129 = arith.constant 0 : i32
      %dma_wait3A_130 = tpu.memref_slice %arg6[%add3A_124, %dma_wait3A_129] : memref<80x128xi32, #tpu.memory_space<vmem>> -> memref<1x128xi32, #tpu.memory_space<vmem>>
      %dma_wait3A_131 = tpu.memref_squeeze %dma_wait3A_130 : memref<1x128xi32, #tpu.memory_space<vmem>> -> memref<128xi32, #tpu.memory_space<vmem>>
      %dma_wait3A_132 = arith.constant 0 : i32
      %dma_wait3A_133 = arith.constant 0 : i32
      %dma_wait3A_134 = tpu.memref_slice %arg2[%dma_wait3A_132, %dma_wait3A_133] : memref<10000x16xf32, #tpu.memory_space<hbm>> -> memref<10000x16xf32, #tpu.memory_space<hbm>>
      %dma_wait3A_135 = tpu.memref_slice %arg11[%dma_wait3A_125] : memref<4x!tpu.dma_semaphore, #tpu.memory_space<semaphore_mem>> -> memref<1x!tpu.dma_semaphore, #tpu.memory_space<semaphore_mem>>
      %dma_wait3A_136 = tpu.memref_squeeze %dma_wait3A_135 : memref<1x!tpu.dma_semaphore, #tpu.memory_space<semaphore_mem>> -> memref<!tpu.dma_semaphore, #tpu.memory_space<semaphore_mem>>
      tpu.wait_indirect_dma semaphore(%dma_wait3A_136 : memref<!tpu.dma_semaphore, #tpu.memory_space<semaphore_mem>>) src(%dma_wait3A_134 : memref<10000x16xf32, #tpu.memory_space<hbm>>) dst(%dma_wait3A_128 : memref<128x16xf32, #tpu.memory_space<vmem>>)
      "tpu.region"() ({
        %run_scoped3A = tpu.sem_alloc : memref<!tpu.dma_semaphore, #tpu.memory_space<semaphore_mem>>
        %dma_start3A_168 = arith.constant 256 : i32
        %dma_start3A_169 = arith.constant 0 : i32
        %dma_start3A_170 = tpu.memref_slice %arg8[%dma_start3A_168, %dma_start3A_169] : memref<512x16xf32, #tpu.memory_space<vmem>> -> memref<128x16xf32, #tpu.memory_space<vmem>>
        %dma_start3A_171 = arith.constant 0 : i32
        %dma_start3A_172 = tpu.memref_slice %arg7[%add3A_124, %dma_start3A_171] : memref<80x128xi32, #tpu.memory_space<vmem>> -> memref<1x128xi32, #tpu.memory_space<vmem>>
        %dma_start3A_173 = tpu.memref_squeeze %dma_start3A_172 : memref<1x128xi32, #tpu.memory_space<vmem>> -> memref<128xi32, #tpu.memory_space<vmem>>
        %dma_start3A_174 = arith.constant 0 : i32
        %dma_start3A_175 = arith.constant 0 : i32
        %dma_start3A_176 = tpu.memref_slice %arg10[%dma_start3A_174, %dma_start3A_175] : memref<10112x16xf32, #tpu.memory_space<vmem_shared>> -> memref<10112x16xf32, #tpu.memory_space<vmem_shared>>
        tpu.enqueue_indirect_dma source(%dma_start3A_170 : memref<128x16xf32, #tpu.memory_space<vmem>>) target(%dma_start3A_176 : memref<10112x16xf32, #tpu.memory_space<vmem_shared>>) offsets(%dma_start3A_173 : memref<128xi32, #tpu.memory_space<vmem>>) semaphore(%run_scoped3A : memref<!tpu.dma_semaphore, #tpu.memory_space<semaphore_mem>>) {add = true}
        %dma_wait3A_177 = arith.constant 256 : i32
        %dma_wait3A_178 = arith.constant 0 : i32
        %dma_wait3A_179 = tpu.memref_slice %arg8[%dma_wait3A_177, %dma_wait3A_178] : memref<512x16xf32, #tpu.memory_space<vmem>> -> memref<128x16xf32, #tpu.memory_space<vmem>>
        %dma_wait3A_180 = arith.constant 0 : i32
        %dma_wait3A_181 = tpu.memref_slice %arg7[%add3A_124, %dma_wait3A_180] : memref<80x128xi32, #tpu.memory_space<vmem>> -> memref<1x128xi32, #tpu.memory_space<vmem>>
        %dma_wait3A_182 = tpu.memref_squeeze %dma_wait3A_181 : memref<1x128xi32, #tpu.memory_space<vmem>> -> memref<128xi32, #tpu.memory_space<vmem>>
        %dma_wait3A_183 = arith.constant 0 : i32
        %dma_wait3A_184 = arith.constant 0 : i32
        %dma_wait3A_185 = tpu.memref_slice %arg10[%dma_wait3A_183, %dma_wait3A_184] : memref<10112x16xf32, #tpu.memory_space<vmem_shared>> -> memref<10112x16xf32, #tpu.memory_space<vmem_shared>>
        tpu.wait_indirect_dma semaphore(%run_scoped3A : memref<!tpu.dma_semaphore, #tpu.memory_space<semaphore_mem>>) src(%dma_wait3A_179 : memref<128x16xf32, #tpu.memory_space<vmem>>) dst(%dma_wait3A_185 : memref<10112x16xf32, #tpu.memory_space<vmem_shared>>)
        tpu.yield
      }) : () -> ()
      %add3A_137 = arith.constant 4 : i32
      %add3A_138 = arith.addi %add3A_124, %add3A_137 : i32
      %lt3A_139 = arith.constant 80 : i32
      %lt3A_140 = arith.cmpi slt, %add3A_138, %lt3A_139 : i32
      %convert_element_type3A_141 = arith.extui %lt3A_140 : i1 to i32
      %cond3A_142 = arith.constant 0 : i32
      %cond3A_143 = arith.cmpi ne, %convert_element_type3A_141, %cond3A_142 : i32
      scf.if %cond3A_143 {
        %add3A_168 = arith.constant 4 : i32
        %add3A_169 = arith.addi %add3A_124, %add3A_168 : i32
        %dma_start3A_170 = arith.constant 2 : i32
        %dma_start3A_171 = arith.constant 256 : i32
        %dma_start3A_172 = arith.constant 0 : i32
        %dma_start3A_173 = tpu.memref_slice %arg8[%dma_start3A_171, %dma_start3A_172] : memref<512x16xf32, #tpu.memory_space<vmem>> -> memref<128x16xf32, #tpu.memory_space<vmem>>
        %dma_start3A_174 = arith.constant 0 : i32
        %dma_start3A_175 = tpu.memref_slice %arg6[%add3A_169, %dma_start3A_174] : memref<80x128xi32, #tpu.memory_space<vmem>> -> memref<1x128xi32, #tpu.memory_space<vmem>>
        %dma_start3A_176 = tpu.memref_squeeze %dma_start3A_175 : memref<1x128xi32, #tpu.memory_space<vmem>> -> memref<128xi32, #tpu.memory_space<vmem>>
        %dma_start3A_177 = arith.constant 0 : i32
        %dma_start3A_178 = arith.constant 0 : i32
        %dma_start3A_179 = tpu.memref_slice %arg2[%dma_start3A_177, %dma_start3A_178] : memref<10000x16xf32, #tpu.memory_space<hbm>> -> memref<10000x16xf32, #tpu.memory_space<hbm>>
        %dma_start3A_180 = tpu.memref_slice %arg11[%dma_start3A_170] : memref<4x!tpu.dma_semaphore, #tpu.memory_space<semaphore_mem>> -> memref<1x!tpu.dma_semaphore, #tpu.memory_space<semaphore_mem>>
        %dma_start3A_181 = tpu.memref_squeeze %dma_start3A_180 : memref<1x!tpu.dma_semaphore, #tpu.memory_space<semaphore_mem>> -> memref<!tpu.dma_semaphore, #tpu.memory_space<semaphore_mem>>
        tpu.enqueue_indirect_dma source(%dma_start3A_179 : memref<10000x16xf32, #tpu.memory_space<hbm>>) target(%dma_start3A_173 : memref<128x16xf32, #tpu.memory_space<vmem>>) offsets(%dma_start3A_176 : memref<128xi32, #tpu.memory_space<vmem>>) semaphore(%dma_start3A_181 : memref<!tpu.dma_semaphore, #tpu.memory_space<semaphore_mem>>)
      } else {
      }
      %mul3A_144 = arith.constant 4 : i32
      %mul3A_145 = arith.muli %scan3A_77, %mul3A_144 : i32
      %add3A_146 = arith.constant 3 : i32
      %add3A_147 = arith.addi %mul3A_145, %add3A_146 : i32
      %dma_wait3A_148 = arith.constant 3 : i32
      %dma_wait3A_149 = arith.constant 384 : i32
      %dma_wait3A_150 = arith.constant 0 : i32
      %dma_wait3A_151 = tpu.memref_slice %arg8[%dma_wait3A_149, %dma_wait3A_150] : memref<512x16xf32, #tpu.memory_space<vmem>> -> memref<128x16xf32, #tpu.memory_space<vmem>>
      %dma_wait3A_152 = arith.constant 0 : i32
      %dma_wait3A_153 = tpu.memref_slice %arg6[%add3A_147, %dma_wait3A_152] : memref<80x128xi32, #tpu.memory_space<vmem>> -> memref<1x128xi32, #tpu.memory_space<vmem>>
      %dma_wait3A_154 = tpu.memref_squeeze %dma_wait3A_153 : memref<1x128xi32, #tpu.memory_space<vmem>> -> memref<128xi32, #tpu.memory_space<vmem>>
      %dma_wait3A_155 = arith.constant 0 : i32
      %dma_wait3A_156 = arith.constant 0 : i32
      %dma_wait3A_157 = tpu.memref_slice %arg2[%dma_wait3A_155, %dma_wait3A_156] : memref<10000x16xf32, #tpu.memory_space<hbm>> -> memref<10000x16xf32, #tpu.memory_space<hbm>>
      %dma_wait3A_158 = tpu.memref_slice %arg11[%dma_wait3A_148] : memref<4x!tpu.dma_semaphore, #tpu.memory_space<semaphore_mem>> -> memref<1x!tpu.dma_semaphore, #tpu.memory_space<semaphore_mem>>
      %dma_wait3A_159 = tpu.memref_squeeze %dma_wait3A_158 : memref<1x!tpu.dma_semaphore, #tpu.memory_space<semaphore_mem>> -> memref<!tpu.dma_semaphore, #tpu.memory_space<semaphore_mem>>
      tpu.wait_indirect_dma semaphore(%dma_wait3A_159 : memref<!tpu.dma_semaphore, #tpu.memory_space<semaphore_mem>>) src(%dma_wait3A_157 : memref<10000x16xf32, #tpu.memory_space<hbm>>) dst(%dma_wait3A_151 : memref<128x16xf32, #tpu.memory_space<vmem>>)
      "tpu.region"() ({
        %run_scoped3A = tpu.sem_alloc : memref<!tpu.dma_semaphore, #tpu.memory_space<semaphore_mem>>
        %dma_start3A_168 = arith.constant 384 : i32
        %dma_start3A_169 = arith.constant 0 : i32
        %dma_start3A_170 = tpu.memref_slice %arg8[%dma_start3A_168, %dma_start3A_169] : memref<512x16xf32, #tpu.memory_space<vmem>> -> memref<128x16xf32, #tpu.memory_space<vmem>>
        %dma_start3A_171 = arith.constant 0 : i32
        %dma_start3A_172 = tpu.memref_slice %arg7[%add3A_147, %dma_start3A_171] : memref<80x128xi32, #tpu.memory_space<vmem>> -> memref<1x128xi32, #tpu.memory_space<vmem>>
        %dma_start3A_173 = tpu.memref_squeeze %dma_start3A_172 : memref<1x128xi32, #tpu.memory_space<vmem>> -> memref<128xi32, #tpu.memory_space<vmem>>
        %dma_start3A_174 = arith.constant 0 : i32
        %dma_start3A_175 = arith.constant 0 : i32
        %dma_start3A_176 = tpu.memref_slice %arg10[%dma_start3A_174, %dma_start3A_175] : memref<10112x16xf32, #tpu.memory_space<vmem_shared>> -> memref<10112x16xf32, #tpu.memory_space<vmem_shared>>
        tpu.enqueue_indirect_dma source(%dma_start3A_170 : memref<128x16xf32, #tpu.memory_space<vmem>>) target(%dma_start3A_176 : memref<10112x16xf32, #tpu.memory_space<vmem_shared>>) offsets(%dma_start3A_173 : memref<128xi32, #tpu.memory_space<vmem>>) semaphore(%run_scoped3A : memref<!tpu.dma_semaphore, #tpu.memory_space<semaphore_mem>>) {add = true}
        %dma_wait3A_177 = arith.constant 384 : i32
        %dma_wait3A_178 = arith.constant 0 : i32
        %dma_wait3A_179 = tpu.memref_slice %arg8[%dma_wait3A_177, %dma_wait3A_178] : memref<512x16xf32, #tpu.memory_space<vmem>> -> memref<128x16xf32, #tpu.memory_space<vmem>>
        %dma_wait3A_180 = arith.constant 0 : i32
        %dma_wait3A_181 = tpu.memref_slice %arg7[%add3A_147, %dma_wait3A_180] : memref<80x128xi32, #tpu.memory_space<vmem>> -> memref<1x128xi32, #tpu.memory_space<vmem>>
        %dma_wait3A_182 = tpu.memref_squeeze %dma_wait3A_181 : memref<1x128xi32, #tpu.memory_space<vmem>> -> memref<128xi32, #tpu.memory_space<vmem>>
        %dma_wait3A_183 = arith.constant 0 : i32
        %dma_wait3A_184 = arith.constant 0 : i32
        %dma_wait3A_185 = tpu.memref_slice %arg10[%dma_wait3A_183, %dma_wait3A_184] : memref<10112x16xf32, #tpu.memory_space<vmem_shared>> -> memref<10112x16xf32, #tpu.memory_space<vmem_shared>>
        tpu.wait_indirect_dma semaphore(%run_scoped3A : memref<!tpu.dma_semaphore, #tpu.memory_space<semaphore_mem>>) src(%dma_wait3A_179 : memref<128x16xf32, #tpu.memory_space<vmem>>) dst(%dma_wait3A_185 : memref<10112x16xf32, #tpu.memory_space<vmem_shared>>)
        tpu.yield
      }) : () -> ()
      %add3A_160 = arith.constant 4 : i32
      %add3A_161 = arith.addi %add3A_147, %add3A_160 : i32
      %lt3A_162 = arith.constant 80 : i32
      %lt3A_163 = arith.cmpi slt, %add3A_161, %lt3A_162 : i32
      %convert_element_type3A_164 = arith.extui %lt3A_163 : i1 to i32
      %cond3A_165 = arith.constant 0 : i32
      %cond3A_166 = arith.cmpi ne, %convert_element_type3A_164, %cond3A_165 : i32
      scf.if %cond3A_166 {
        %add3A_168 = arith.constant 4 : i32
        %add3A_169 = arith.addi %add3A_147, %add3A_168 : i32
        %dma_start3A_170 = arith.constant 3 : i32
        %dma_start3A_171 = arith.constant 384 : i32
        %dma_start3A_172 = arith.constant 0 : i32
        %dma_start3A_173 = tpu.memref_slice %arg8[%dma_start3A_171, %dma_start3A_172] : memref<512x16xf32, #tpu.memory_space<vmem>> -> memref<128x16xf32, #tpu.memory_space<vmem>>
        %dma_start3A_174 = arith.constant 0 : i32
        %dma_start3A_175 = tpu.memref_slice %arg6[%add3A_169, %dma_start3A_174] : memref<80x128xi32, #tpu.memory_space<vmem>> -> memref<1x128xi32, #tpu.memory_space<vmem>>
        %dma_start3A_176 = tpu.memref_squeeze %dma_start3A_175 : memref<1x128xi32, #tpu.memory_space<vmem>> -> memref<128xi32, #tpu.memory_space<vmem>>
        %dma_start3A_177 = arith.constant 0 : i32
        %dma_start3A_178 = arith.constant 0 : i32
        %dma_start3A_179 = tpu.memref_slice %arg2[%dma_start3A_177, %dma_start3A_178] : memref<10000x16xf32, #tpu.memory_space<hbm>> -> memref<10000x16xf32, #tpu.memory_space<hbm>>
        %dma_start3A_180 = tpu.memref_slice %arg11[%dma_start3A_170] : memref<4x!tpu.dma_semaphore, #tpu.memory_space<semaphore_mem>> -> memref<1x!tpu.dma_semaphore, #tpu.memory_space<semaphore_mem>>
        %dma_start3A_181 = tpu.memref_squeeze %dma_start3A_180 : memref<1x!tpu.dma_semaphore, #tpu.memory_space<semaphore_mem>> -> memref<!tpu.dma_semaphore, #tpu.memory_space<semaphore_mem>>
        tpu.enqueue_indirect_dma source(%dma_start3A_179 : memref<10000x16xf32, #tpu.memory_space<hbm>>) target(%dma_start3A_173 : memref<128x16xf32, #tpu.memory_space<vmem>>) offsets(%dma_start3A_176 : memref<128xi32, #tpu.memory_space<vmem>>) semaphore(%dma_start3A_181 : memref<!tpu.dma_semaphore, #tpu.memory_space<semaphore_mem>>)
      } else {
      }
      %scan3A_167 = arith.constant 0 : i32
      scf.yield %scan3A_167 : i32
    }
    %scan3A_75 = arith.constant 20 : i32
    %barrier3A_76 = arith.constant 0 : index
    tpu.barrier barrier_id(%barrier3A_76)
    "tpu.region"() ({
      %run_scoped3A = tpu.sem_alloc : memref<!tpu.dma_semaphore, #tpu.memory_space<semaphore_mem>>
      %dma_start3A_77 = arith.constant 0 : i32
      %dma_start3A_78 = tpu.memref_slice %arg10[%multiple_of3A_5, %dma_start3A_77] : memref<10112x16xf32, #tpu.memory_space<vmem_shared>> -> memref<632x16xf32, #tpu.memory_space<vmem_shared>>
      %dma_start3A_79 = arith.constant 0 : i32
      %dma_start3A_80 = tpu.memref_slice %arg10[%multiple_of3A_5, %dma_start3A_79] : memref<10112x16xf32, #tpu.memory_space<vmem_shared>> -> memref<632x16xf32, #tpu.memory_space<vmem_shared>>
      tpu.enqueue_dma source(%dma_start3A_80 : memref<632x16xf32, #tpu.memory_space<vmem_shared>>) target(%arg9 : memref<632x16xf32, #tpu.memory_space<vmem>>) target_semaphore(%run_scoped3A : memref<!tpu.dma_semaphore, #tpu.memory_space<semaphore_mem>>)
      %dma_wait3A = arith.constant 0 : i32
      %dma_wait3A_81 = tpu.memref_slice %arg10[%multiple_of3A_5, %dma_wait3A] : memref<10112x16xf32, #tpu.memory_space<vmem_shared>> -> memref<632x16xf32, #tpu.memory_space<vmem_shared>>
      %dma_wait3A_82 = arith.constant 0 : i32
      %dma_wait3A_83 = tpu.memref_slice %arg10[%multiple_of3A_5, %dma_wait3A_82] : memref<10112x16xf32, #tpu.memory_space<vmem_shared>> -> memref<632x16xf32, #tpu.memory_space<vmem_shared>>
      tpu.wait_dma2 semaphore(%run_scoped3A : memref<!tpu.dma_semaphore, #tpu.memory_space<semaphore_mem>>) src(%dma_wait3A_83 : memref<632x16xf32, #tpu.memory_space<vmem_shared>>) dst(%arg9 : memref<632x16xf32, #tpu.memory_space<vmem>>)
      tpu.yield
    }) : () -> ()
    "tpu.region"() ({
      %run_scoped3A = tpu.sem_alloc : memref<!tpu.dma_semaphore, #tpu.memory_space<semaphore_mem>>
      %dma_start3A_77 = arith.constant 0 : i32
      %dma_start3A_78 = tpu.memref_slice %arg5[%multiple_of3A_11, %dma_start3A_77] : memref<20224x16xf32, #tpu.memory_space<hbm>> -> memref<632x16xf32, #tpu.memory_space<hbm>>
      %dma_start3A_79 = arith.constant 0 : i32
      %dma_start3A_80 = tpu.memref_slice %arg5[%multiple_of3A_11, %dma_start3A_79] : memref<20224x16xf32, #tpu.memory_space<hbm>> -> memref<632x16xf32, #tpu.memory_space<hbm>>
      tpu.enqueue_dma source(%arg9 : memref<632x16xf32, #tpu.memory_space<vmem>>) target(%dma_start3A_80 : memref<632x16xf32, #tpu.memory_space<hbm>>) target_semaphore(%run_scoped3A : memref<!tpu.dma_semaphore, #tpu.memory_space<semaphore_mem>>)
      %dma_wait3A = arith.constant 0 : i32
      %dma_wait3A_81 = tpu.memref_slice %arg5[%multiple_of3A_11, %dma_wait3A] : memref<20224x16xf32, #tpu.memory_space<hbm>> -> memref<632x16xf32, #tpu.memory_space<hbm>>
      %dma_wait3A_82 = arith.constant 0 : i32
      %dma_wait3A_83 = tpu.memref_slice %arg5[%multiple_of3A_11, %dma_wait3A_82] : memref<20224x16xf32, #tpu.memory_space<hbm>> -> memref<632x16xf32, #tpu.memory_space<hbm>>
      tpu.wait_dma2 semaphore(%run_scoped3A : memref<!tpu.dma_semaphore, #tpu.memory_space<semaphore_mem>>) src(%arg9 : memref<632x16xf32, #tpu.memory_space<vmem>>) dst(%dma_wait3A_83 : memref<632x16xf32, #tpu.memory_space<hbm>>)
      tpu.yield
    }) : () -> ()
    return
  }
}

#map = affine_map<(d0, d1) -> (0, 0)>
module attributes {stable_mosaic.version = 14 : i64} {
  func.func @_prop_body(%arg0: i32, %arg1: i32, %arg2: memref<10000x16xf32, #tpu.memory_space<hbm>>, %arg3: memref<2560x128xi32, #tpu.memory_space<hbm>>, %arg4: memref<2560x128xi32, #tpu.memory_space<hbm>>, %arg5: memref<20224x16xf32, #tpu.memory_space<hbm>>, %arg6: memref<80x128xi32, #tpu.memory_space<vmem>>, %arg7: memref<80x128xi32, #tpu.memory_space<vmem>>, %arg8: memref<512x16xf32, #tpu.memory_space<vmem>>, %arg9: memref<632x16xf32, #tpu.memory_space<vmem>>, %arg10: memref<10112x16xf32, #tpu.memory_space<vmem_shared>>, %arg11: memref<4x!tpu.dma_semaphore, #tpu.memory_space<semaphore_mem>>, %arg12: memref<4x!tpu.dma_semaphore, #tpu.memory_space<semaphore_mem>>) attributes {dimension_semantics = [#tpu.dimension_semantics<core_parallel>, #tpu.dimension_semantics<subcore_parallel>], iteration_bounds = array<i64: 2, 16>, scalar_prefetch = 0 : i64, scratch_operands = 7 : i64, tpu.core_type = #tpu.core_type<sc_vector_subcore>, window_params = [{transform_indices = #map}, {transform_indices = #map}, {transform_indices = #map}, {transform_indices = #map}]} {
    %mul3A = arith.constant 2 : i32
    %mul3A_0 = arith.muli %arg1, %mul3A : i32
    %add3A = arith.addi %mul3A_0, %arg0 : i32
    %mul3A_1 = arith.constant 80 : i32
    %mul3A_2 = arith.muli %add3A, %mul3A_1 : i32
    %multiple_of3A = tpu.assume_multiple %mul3A_2, 8 : i32
    %mul3A_3 = arith.constant 632 : i32
    %mul3A_4 = arith.muli %arg1, %mul3A_3 : i32
    %multiple_of3A_5 = tpu.assume_multiple %mul3A_4, 8 : i32
    %mul3A_6 = arith.constant 10112 : i32
    %mul3A_7 = arith.muli %arg0, %mul3A_6 : i32
    %mul3A_8 = arith.constant 632 : i32
    %mul3A_9 = arith.muli %arg1, %mul3A_8 : i32
    %add3A_10 = arith.addi %mul3A_7, %mul3A_9 : i32
    %multiple_of3A_11 = tpu.assume_multiple %add3A_10, 8 : i32
    %scan3A = arith.constant 0 : i32
    %scan3A_12 = arith.constant 0 : i32
    %scan3A_13 = arith.constant 632 : i32
    %scan3A_14 = arith.addi %scan3A_12, %scan3A_13 : i32
    %scan3A_15 = arith.constant 1 : i32
    %scan3A_16 = scf.for %scan3A_77 = %scan3A_12 to %scan3A_14 step %scan3A_15 iter_args(%scan3A_78 = %scan3A) -> (i32)  : i32 {
      %broadcast_in_dim3A = arith.constant 0.000000e+00 : f32
      %broadcast_in_dim3A_79 = vector.broadcast %broadcast_in_dim3A : f32 to vector<16xf32>
      %swap3A = arith.index_cast %scan3A_77 : i32 to index
      %swap3A_80 = arith.constant 0 : index
      %swap3A_81 = tpu.vector_load %arg9[%swap3A, %swap3A_80] {strides = array<i32>} : memref<632x16xf32, #tpu.memory_space<vmem>>, vector<1x16xf32>,
      %swap3A_82 = vector.shape_cast %swap3A_81 : vector<1x16xf32> to vector<16xf32>
      %swap3A_83 = vector.shape_cast %broadcast_in_dim3A_79 : vector<16xf32> to vector<1x16xf32>
      tpu.vector_store %arg9[%swap3A, %swap3A_80], %swap3A_83 {strides = array<i32>} : memref<632x16xf32, #tpu.memory_space<vmem>>, vector<1x16xf32>,
      %scan3A_84 = arith.constant 0 : i32
      scf.yield %scan3A_84 : i32
    }
    %scan3A_17 = arith.constant 632 : i32
    "tpu.region"() ({
      %run_scoped3A = tpu.sem_alloc : memref<!tpu.dma_semaphore, #tpu.memory_space<semaphore_mem>>
      %dma_start3A_77 = arith.constant 0 : i32
      %dma_start3A_78 = tpu.memref_slice %arg10[%multiple_of3A_5, %dma_start3A_77] : memref<10112x16xf32, #tpu.memory_space<vmem_shared>> -> memref<632x16xf32, #tpu.memory_space<vmem_shared>>
      %dma_start3A_79 = arith.constant 0 : i32
      %dma_start3A_80 = tpu.memref_slice %arg10[%multiple_of3A_5, %dma_start3A_79] : memref<10112x16xf32, #tpu.memory_space<vmem_shared>> -> memref<632x16xf32, #tpu.memory_space<vmem_shared>>
      tpu.enqueue_dma source(%arg9 : memref<632x16xf32, #tpu.memory_space<vmem>>) target(%dma_start3A_80 : memref<632x16xf32, #tpu.memory_space<vmem_shared>>) target_semaphore(%run_scoped3A : memref<!tpu.dma_semaphore, #tpu.memory_space<semaphore_mem>>)
      %dma_wait3A = arith.constant 0 : i32
      %dma_wait3A_81 = tpu.memref_slice %arg10[%multiple_of3A_5, %dma_wait3A] : memref<10112x16xf32, #tpu.memory_space<vmem_shared>> -> memref<632x16xf32, #tpu.memory_space<vmem_shared>>
      %dma_wait3A_82 = arith.constant 0 : i32
      %dma_wait3A_83 = tpu.memref_slice %arg10[%multiple_of3A_5, %dma_wait3A_82] : memref<10112x16xf32, #tpu.memory_space<vmem_shared>> -> memref<632x16xf32, #tpu.memory_space<vmem_shared>>
      tpu.wait_dma2 semaphore(%run_scoped3A : memref<!tpu.dma_semaphore, #tpu.memory_space<semaphore_mem>>) src(%arg9 : memref<632x16xf32, #tpu.memory_space<vmem>>) dst(%dma_wait3A_83 : memref<632x16xf32, #tpu.memory_space<vmem_shared>>)
      tpu.yield
    }) : () -> ()
    "tpu.region"() ({
      %run_scoped3A = tpu.sem_alloc : memref<!tpu.dma_semaphore, #tpu.memory_space<semaphore_mem>>
      %dma_start3A_77 = arith.constant 0 : i32
      %dma_start3A_78 = tpu.memref_slice %arg3[%multiple_of3A, %dma_start3A_77] : memref<2560x128xi32, #tpu.memory_space<hbm>> -> memref<80x128xi32, #tpu.memory_space<hbm>>
      %dma_start3A_79 = arith.constant 0 : i32
      %dma_start3A_80 = tpu.memref_slice %arg3[%multiple_of3A, %dma_start3A_79] : memref<2560x128xi32, #tpu.memory_space<hbm>> -> memref<80x128xi32, #tpu.memory_space<hbm>>
      tpu.enqueue_dma source(%dma_start3A_80 : memref<80x128xi32, #tpu.memory_space<hbm>>) target(%arg6 : memref<80x128xi32, #tpu.memory_space<vmem>>) target_semaphore(%run_scoped3A : memref<!tpu.dma_semaphore, #tpu.memory_space<semaphore_mem>>)
      %dma_wait3A = arith.constant 0 : i32
      %dma_wait3A_81 = tpu.memref_slice %arg3[%multiple_of3A, %dma_wait3A] : memref<2560x128xi32, #tpu.memory_space<hbm>> -> memref<80x128xi32, #tpu.memory_space<hbm>>
      %dma_wait3A_82 = arith.constant 0 : i32
      %dma_wait3A_83 = tpu.memref_slice %arg3[%multiple_of3A, %dma_wait3A_82] : memref<2560x128xi32, #tpu.memory_space<hbm>> -> memref<80x128xi32, #tpu.memory_space<hbm>>
      tpu.wait_dma2 semaphore(%run_scoped3A : memref<!tpu.dma_semaphore, #tpu.memory_space<semaphore_mem>>) src(%dma_wait3A_83 : memref<80x128xi32, #tpu.memory_space<hbm>>) dst(%arg6 : memref<80x128xi32, #tpu.memory_space<vmem>>)
      tpu.yield
    }) : () -> ()
    "tpu.region"() ({
      %run_scoped3A = tpu.sem_alloc : memref<!tpu.dma_semaphore, #tpu.memory_space<semaphore_mem>>
      %dma_start3A_77 = arith.constant 0 : i32
      %dma_start3A_78 = tpu.memref_slice %arg4[%multiple_of3A, %dma_start3A_77] : memref<2560x128xi32, #tpu.memory_space<hbm>> -> memref<80x128xi32, #tpu.memory_space<hbm>>
      %dma_start3A_79 = arith.constant 0 : i32
      %dma_start3A_80 = tpu.memref_slice %arg4[%multiple_of3A, %dma_start3A_79] : memref<2560x128xi32, #tpu.memory_space<hbm>> -> memref<80x128xi32, #tpu.memory_space<hbm>>
      tpu.enqueue_dma source(%dma_start3A_80 : memref<80x128xi32, #tpu.memory_space<hbm>>) target(%arg7 : memref<80x128xi32, #tpu.memory_space<vmem>>) target_semaphore(%run_scoped3A : memref<!tpu.dma_semaphore, #tpu.memory_space<semaphore_mem>>)
      %dma_wait3A = arith.constant 0 : i32
      %dma_wait3A_81 = tpu.memref_slice %arg4[%multiple_of3A, %dma_wait3A] : memref<2560x128xi32, #tpu.memory_space<hbm>> -> memref<80x128xi32, #tpu.memory_space<hbm>>
      %dma_wait3A_82 = arith.constant 0 : i32
      %dma_wait3A_83 = tpu.memref_slice %arg4[%multiple_of3A, %dma_wait3A_82] : memref<2560x128xi32, #tpu.memory_space<hbm>> -> memref<80x128xi32, #tpu.memory_space<hbm>>
      tpu.wait_dma2 semaphore(%run_scoped3A : memref<!tpu.dma_semaphore, #tpu.memory_space<semaphore_mem>>) src(%dma_wait3A_83 : memref<80x128xi32, #tpu.memory_space<hbm>>) dst(%arg7 : memref<80x128xi32, #tpu.memory_space<vmem>>)
      tpu.yield
    }) : () -> ()
    %barrier3A = arith.constant 0 : index
    tpu.barrier barrier_id(%barrier3A)
    %dma_start3A = arith.constant 0 : i32
    %dma_start3A_18 = arith.constant 0 : i32
    %dma_start3A_19 = arith.constant 0 : i32
    %dma_start3A_20 = arith.constant 0 : i32
    %dma_start3A_21 = tpu.memref_slice %arg8[%dma_start3A_19, %dma_start3A_20] : memref<512x16xf32, #tpu.memory_space<vmem>> -> memref<128x16xf32, #tpu.memory_space<vmem>>
    %dma_start3A_22 = arith.constant 0 : i32
    %dma_start3A_23 = tpu.memref_slice %arg6[%dma_start3A, %dma_start3A_22] : memref<80x128xi32, #tpu.memory_space<vmem>> -> memref<1x128xi32, #tpu.memory_space<vmem>>
    %dma_start3A_24 = tpu.memref_squeeze %dma_start3A_23 : memref<1x128xi32, #tpu.memory_space<vmem>> -> memref<128xi32, #tpu.memory_space<vmem>>
    %dma_start3A_25 = arith.constant 0 : i32
    %dma_start3A_26 = arith.constant 0 : i32
    %dma_start3A_27 = tpu.memref_slice %arg2[%dma_start3A_25, %dma_start3A_26] : memref<10000x16xf32, #tpu.memory_space<hbm>> -> memref<10000x16xf32, #tpu.memory_space<hbm>>
    %dma_start3A_28 = tpu.memref_slice %arg11[%dma_start3A_18] : memref<4x!tpu.dma_semaphore, #tpu.memory_space<semaphore_mem>> -> memref<1x!tpu.dma_semaphore, #tpu.memory_space<semaphore_mem>>
    %dma_start3A_29 = tpu.memref_squeeze %dma_start3A_28 : memref<1x!tpu.dma_semaphore, #tpu.memory_space<semaphore_mem>> -> memref<!tpu.dma_semaphore, #tpu.memory_space<semaphore_mem>>
    tpu.enqueue_indirect_dma source(%dma_start3A_27 : memref<10000x16xf32, #tpu.memory_space<hbm>>) target(%dma_start3A_21 : memref<128x16xf32, #tpu.memory_space<vmem>>) offsets(%dma_start3A_24 : memref<128xi32, #tpu.memory_space<vmem>>) semaphore(%dma_start3A_29 : memref<!tpu.dma_semaphore, #tpu.memory_space<semaphore_mem>>)
    %dma_start3A_30 = arith.constant 1 : i32
    %dma_start3A_31 = arith.constant 1 : i32
    %dma_start3A_32 = arith.constant 128 : i32
    %dma_start3A_33 = arith.constant 0 : i32
    %dma_start3A_34 = tpu.memref_slice %arg8[%dma_start3A_32, %dma_start3A_33] : memref<512x16xf32, #tpu.memory_space<vmem>> -> memref<128x16xf32, #tpu.memory_space<vmem>>
    %dma_start3A_35 = arith.constant 0 : i32
    %dma_start3A_36 = tpu.memref_slice %arg6[%dma_start3A_30, %dma_start3A_35] : memref<80x128xi32, #tpu.memory_space<vmem>> -> memref<1x128xi32, #tpu.memory_space<vmem>>
    %dma_start3A_37 = tpu.memref_squeeze %dma_start3A_36 : memref<1x128xi32, #tpu.memory_space<vmem>> -> memref<128xi32, #tpu.memory_space<vmem>>
    %dma_start3A_38 = arith.constant 0 : i32
    %dma_start3A_39 = arith.constant 0 : i32
    %dma_start3A_40 = tpu.memref_slice %arg2[%dma_start3A_38, %dma_start3A_39] : memref<10000x16xf32, #tpu.memory_space<hbm>> -> memref<10000x16xf32, #tpu.memory_space<hbm>>
    %dma_start3A_41 = tpu.memref_slice %arg11[%dma_start3A_31] : memref<4x!tpu.dma_semaphore, #tpu.memory_space<semaphore_mem>> -> memref<1x!tpu.dma_semaphore, #tpu.memory_space<semaphore_mem>>
    %dma_start3A_42 = tpu.memref_squeeze %dma_start3A_41 : memref<1x!tpu.dma_semaphore, #tpu.memory_space<semaphore_mem>> -> memref<!tpu.dma_semaphore, #tpu.memory_space<semaphore_mem>>
    tpu.enqueue_indirect_dma source(%dma_start3A_40 : memref<10000x16xf32, #tpu.memory_space<hbm>>) target(%dma_start3A_34 : memref<128x16xf32, #tpu.memory_space<vmem>>) offsets(%dma_start3A_37 : memref<128xi32, #tpu.memory_space<vmem>>) semaphore(%dma_start3A_42 : memref<!tpu.dma_semaphore, #tpu.memory_space<semaphore_mem>>)
    %dma_start3A_43 = arith.constant 2 : i32
    %dma_start3A_44 = arith.constant 2 : i32
    %dma_start3A_45 = arith.constant 256 : i32
    %dma_start3A_46 = arith.constant 0 : i32
    %dma_start3A_47 = tpu.memref_slice %arg8[%dma_start3A_45, %dma_start3A_46] : memref<512x16xf32, #tpu.memory_space<vmem>> -> memref<128x16xf32, #tpu.memory_space<vmem>>
    %dma_start3A_48 = arith.constant 0 : i32
    %dma_start3A_49 = tpu.memref_slice %arg6[%dma_start3A_43, %dma_start3A_48] : memref<80x128xi32, #tpu.memory_space<vmem>> -> memref<1x128xi32, #tpu.memory_space<vmem>>
    %dma_start3A_50 = tpu.memref_squeeze %dma_start3A_49 : memref<1x128xi32, #tpu.memory_space<vmem>> -> memref<128xi32, #tpu.memory_space<vmem>>
    %dma_start3A_51 = arith.constant 0 : i32
    %dma_start3A_52 = arith.constant 0 : i32
    %dma_start3A_53 = tpu.memref_slice %arg2[%dma_start3A_51, %dma_start3A_52] : memref<10000x16xf32, #tpu.memory_space<hbm>> -> memref<10000x16xf32, #tpu.memory_space<hbm>>
    %dma_start3A_54 = tpu.memref_slice %arg11[%dma_start3A_44] : memref<4x!tpu.dma_semaphore, #tpu.memory_space<semaphore_mem>> -> memref<1x!tpu.dma_semaphore, #tpu.memory_space<semaphore_mem>>
    %dma_start3A_55 = tpu.memref_squeeze %dma_start3A_54 : memref<1x!tpu.dma_semaphore, #tpu.memory_space<semaphore_mem>> -> memref<!tpu.dma_semaphore, #tpu.memory_space<semaphore_mem>>
    tpu.enqueue_indirect_dma source(%dma_start3A_53 : memref<10000x16xf32, #tpu.memory_space<hbm>>) target(%dma_start3A_47 : memref<128x16xf32, #tpu.memory_space<vmem>>) offsets(%dma_start3A_50 : memref<128xi32, #tpu.memory_space<vmem>>) semaphore(%dma_start3A_55 : memref<!tpu.dma_semaphore, #tpu.memory_space<semaphore_mem>>)
    %dma_start3A_56 = arith.constant 3 : i32
    %dma_start3A_57 = arith.constant 3 : i32
    %dma_start3A_58 = arith.constant 384 : i32
    %dma_start3A_59 = arith.constant 0 : i32
    %dma_start3A_60 = tpu.memref_slice %arg8[%dma_start3A_58, %dma_start3A_59] : memref<512x16xf32, #tpu.memory_space<vmem>> -> memref<128x16xf32, #tpu.memory_space<vmem>>
    %dma_start3A_61 = arith.constant 0 : i32
    %dma_start3A_62 = tpu.memref_slice %arg6[%dma_start3A_56, %dma_start3A_61] : memref<80x128xi32, #tpu.memory_space<vmem>> -> memref<1x128xi32, #tpu.memory_space<vmem>>
    %dma_start3A_63 = tpu.memref_squeeze %dma_start3A_62 : memref<1x128xi32, #tpu.memory_space<vmem>> -> memref<128xi32, #tpu.memory_space<vmem>>
    %dma_start3A_64 = arith.constant 0 : i32
    %dma_start3A_65 = arith.constant 0 : i32
    %dma_start3A_66 = tpu.memref_slice %arg2[%dma_start3A_64, %dma_start3A_65] : memref<10000x16xf32, #tpu.memory_space<hbm>> -> memref<10000x16xf32, #tpu.memory_space<hbm>>
    %dma_start3A_67 = tpu.memref_slice %arg11[%dma_start3A_57] : memref<4x!tpu.dma_semaphore, #tpu.memory_space<semaphore_mem>> -> memref<1x!tpu.dma_semaphore, #tpu.memory_space<semaphore_mem>>
    %dma_start3A_68 = tpu.memref_squeeze %dma_start3A_67 : memref<1x!tpu.dma_semaphore, #tpu.memory_space<semaphore_mem>> -> memref<!tpu.dma_semaphore, #tpu.memory_space<semaphore_mem>>
    tpu.enqueue_indirect_dma source(%dma_start3A_66 : memref<10000x16xf32, #tpu.memory_space<hbm>>) target(%dma_start3A_60 : memref<128x16xf32, #tpu.memory_space<vmem>>) offsets(%dma_start3A_63 : memref<128xi32, #tpu.memory_space<vmem>>) semaphore(%dma_start3A_68 : memref<!tpu.dma_semaphore, #tpu.memory_space<semaphore_mem>>)
    %scan3A_69 = arith.constant 0 : i32
    %scan3A_70 = arith.constant 0 : i32
    %scan3A_71 = arith.constant 20 : i32
    %scan3A_72 = arith.addi %scan3A_70, %scan3A_71 : i32
    %scan3A_73 = arith.constant 1 : i32
    %scan3A_74 = scf.for %scan3A_77 = %scan3A_70 to %scan3A_72 step %scan3A_73 iter_args(%scan3A_78 = %scan3A_69) -> (i32)  : i32 {
      %mul3A_79 = arith.constant 4 : i32
      %mul3A_80 = arith.muli %scan3A_77, %mul3A_79 : i32
      %add3A_81 = arith.constant 0 : i32
      %add3A_82 = arith.addi %mul3A_80, %add3A_81 : i32
      %dma_wait3A = arith.constant 0 : i32
      %dma_wait3A_83 = arith.constant 0 : i32
      %dma_wait3A_84 = arith.constant 0 : i32
      %dma_wait3A_85 = tpu.memref_slice %arg8[%dma_wait3A_83, %dma_wait3A_84] : memref<512x16xf32, #tpu.memory_space<vmem>> -> memref<128x16xf32, #tpu.memory_space<vmem>>
      %dma_wait3A_86 = arith.constant 0 : i32
      %dma_wait3A_87 = tpu.memref_slice %arg6[%add3A_82, %dma_wait3A_86] : memref<80x128xi32, #tpu.memory_space<vmem>> -> memref<1x128xi32, #tpu.memory_space<vmem>>
      %dma_wait3A_88 = tpu.memref_squeeze %dma_wait3A_87 : memref<1x128xi32, #tpu.memory_space<vmem>> -> memref<128xi32, #tpu.memory_space<vmem>>
      %dma_wait3A_89 = arith.constant 0 : i32
      %dma_wait3A_90 = arith.constant 0 : i32
      %dma_wait3A_91 = tpu.memref_slice %arg2[%dma_wait3A_89, %dma_wait3A_90] : memref<10000x16xf32, #tpu.memory_space<hbm>> -> memref<10000x16xf32, #tpu.memory_space<hbm>>
      %dma_wait3A_92 = tpu.memref_slice %arg11[%dma_wait3A] : memref<4x!tpu.dma_semaphore, #tpu.memory_space<semaphore_mem>> -> memref<1x!tpu.dma_semaphore, #tpu.memory_space<semaphore_mem>>
      %dma_wait3A_93 = tpu.memref_squeeze %dma_wait3A_92 : memref<1x!tpu.dma_semaphore, #tpu.memory_space<semaphore_mem>> -> memref<!tpu.dma_semaphore, #tpu.memory_space<semaphore_mem>>
      tpu.wait_indirect_dma semaphore(%dma_wait3A_93 : memref<!tpu.dma_semaphore, #tpu.memory_space<semaphore_mem>>) src(%dma_wait3A_91 : memref<10000x16xf32, #tpu.memory_space<hbm>>) dst(%dma_wait3A_85 : memref<128x16xf32, #tpu.memory_space<vmem>>)
      "tpu.region"() ({
        %run_scoped3A = tpu.sem_alloc : memref<!tpu.dma_semaphore, #tpu.memory_space<semaphore_mem>>
        %dma_start3A_168 = arith.constant 0 : i32
        %dma_start3A_169 = arith.constant 0 : i32
        %dma_start3A_170 = tpu.memref_slice %arg8[%dma_start3A_168, %dma_start3A_169] : memref<512x16xf32, #tpu.memory_space<vmem>> -> memref<128x16xf32, #tpu.memory_space<vmem>>
        %dma_start3A_171 = arith.constant 0 : i32
        %dma_start3A_172 = tpu.memref_slice %arg7[%add3A_82, %dma_start3A_171] : memref<80x128xi32, #tpu.memory_space<vmem>> -> memref<1x128xi32, #tpu.memory_space<vmem>>
        %dma_start3A_173 = tpu.memref_squeeze %dma_start3A_172 : memref<1x128xi32, #tpu.memory_space<vmem>> -> memref<128xi32, #tpu.memory_space<vmem>>
        %dma_start3A_174 = arith.constant 0 : i32
        %dma_start3A_175 = arith.constant 0 : i32
        %dma_start3A_176 = tpu.memref_slice %arg10[%dma_start3A_174, %dma_start3A_175] : memref<10112x16xf32, #tpu.memory_space<vmem_shared>> -> memref<10112x16xf32, #tpu.memory_space<vmem_shared>>
        tpu.enqueue_indirect_dma source(%dma_start3A_170 : memref<128x16xf32, #tpu.memory_space<vmem>>) target(%dma_start3A_176 : memref<10112x16xf32, #tpu.memory_space<vmem_shared>>) offsets(%dma_start3A_173 : memref<128xi32, #tpu.memory_space<vmem>>) semaphore(%run_scoped3A : memref<!tpu.dma_semaphore, #tpu.memory_space<semaphore_mem>>) {add = true}
        %dma_wait3A_177 = arith.constant 0 : i32
        %dma_wait3A_178 = arith.constant 0 : i32
        %dma_wait3A_179 = tpu.memref_slice %arg8[%dma_wait3A_177, %dma_wait3A_178] : memref<512x16xf32, #tpu.memory_space<vmem>> -> memref<128x16xf32, #tpu.memory_space<vmem>>
        %dma_wait3A_180 = arith.constant 0 : i32
        %dma_wait3A_181 = tpu.memref_slice %arg7[%add3A_82, %dma_wait3A_180] : memref<80x128xi32, #tpu.memory_space<vmem>> -> memref<1x128xi32, #tpu.memory_space<vmem>>
        %dma_wait3A_182 = tpu.memref_squeeze %dma_wait3A_181 : memref<1x128xi32, #tpu.memory_space<vmem>> -> memref<128xi32, #tpu.memory_space<vmem>>
        %dma_wait3A_183 = arith.constant 0 : i32
        %dma_wait3A_184 = arith.constant 0 : i32
        %dma_wait3A_185 = tpu.memref_slice %arg10[%dma_wait3A_183, %dma_wait3A_184] : memref<10112x16xf32, #tpu.memory_space<vmem_shared>> -> memref<10112x16xf32, #tpu.memory_space<vmem_shared>>
        tpu.wait_indirect_dma semaphore(%run_scoped3A : memref<!tpu.dma_semaphore, #tpu.memory_space<semaphore_mem>>) src(%dma_wait3A_179 : memref<128x16xf32, #tpu.memory_space<vmem>>) dst(%dma_wait3A_185 : memref<10112x16xf32, #tpu.memory_space<vmem_shared>>)
        tpu.yield
      }) : () -> ()
      %add3A_94 = arith.constant 4 : i32
      %add3A_95 = arith.addi %add3A_82, %add3A_94 : i32
      %lt3A = arith.constant 80 : i32
      %lt3A_96 = arith.cmpi slt, %add3A_95, %lt3A : i32
      %convert_element_type3A = arith.extui %lt3A_96 : i1 to i32
      %cond3A = arith.constant 0 : i32
      %cond3A_97 = arith.cmpi ne, %convert_element_type3A, %cond3A : i32
      scf.if %cond3A_97 {
        %add3A_168 = arith.constant 4 : i32
        %add3A_169 = arith.addi %add3A_82, %add3A_168 : i32
        %dma_start3A_170 = arith.constant 0 : i32
        %dma_start3A_171 = arith.constant 0 : i32
        %dma_start3A_172 = arith.constant 0 : i32
        %dma_start3A_173 = tpu.memref_slice %arg8[%dma_start3A_171, %dma_start3A_172] : memref<512x16xf32, #tpu.memory_space<vmem>> -> memref<128x16xf32, #tpu.memory_space<vmem>>
        %dma_start3A_174 = arith.constant 0 : i32
        %dma_start3A_175 = tpu.memref_slice %arg6[%add3A_169, %dma_start3A_174] : memref<80x128xi32, #tpu.memory_space<vmem>> -> memref<1x128xi32, #tpu.memory_space<vmem>>
        %dma_start3A_176 = tpu.memref_squeeze %dma_start3A_175 : memref<1x128xi32, #tpu.memory_space<vmem>> -> memref<128xi32, #tpu.memory_space<vmem>>
        %dma_start3A_177 = arith.constant 0 : i32
        %dma_start3A_178 = arith.constant 0 : i32
        %dma_start3A_179 = tpu.memref_slice %arg2[%dma_start3A_177, %dma_start3A_178] : memref<10000x16xf32, #tpu.memory_space<hbm>> -> memref<10000x16xf32, #tpu.memory_space<hbm>>
        %dma_start3A_180 = tpu.memref_slice %arg11[%dma_start3A_170] : memref<4x!tpu.dma_semaphore, #tpu.memory_space<semaphore_mem>> -> memref<1x!tpu.dma_semaphore, #tpu.memory_space<semaphore_mem>>
        %dma_start3A_181 = tpu.memref_squeeze %dma_start3A_180 : memref<1x!tpu.dma_semaphore, #tpu.memory_space<semaphore_mem>> -> memref<!tpu.dma_semaphore, #tpu.memory_space<semaphore_mem>>
        tpu.enqueue_indirect_dma source(%dma_start3A_179 : memref<10000x16xf32, #tpu.memory_space<hbm>>) target(%dma_start3A_173 : memref<128x16xf32, #tpu.memory_space<vmem>>) offsets(%dma_start3A_176 : memref<128xi32, #tpu.memory_space<vmem>>) semaphore(%dma_start3A_181 : memref<!tpu.dma_semaphore, #tpu.memory_space<semaphore_mem>>)
      } else {
      }
      %mul3A_98 = arith.constant 4 : i32
      %mul3A_99 = arith.muli %scan3A_77, %mul3A_98 : i32
      %add3A_100 = arith.constant 1 : i32
      %add3A_101 = arith.addi %mul3A_99, %add3A_100 : i32
      %dma_wait3A_102 = arith.constant 1 : i32
      %dma_wait3A_103 = arith.constant 128 : i32
      %dma_wait3A_104 = arith.constant 0 : i32
      %dma_wait3A_105 = tpu.memref_slice %arg8[%dma_wait3A_103, %dma_wait3A_104] : memref<512x16xf32, #tpu.memory_space<vmem>> -> memref<128x16xf32, #tpu.memory_space<vmem>>
      %dma_wait3A_106 = arith.constant 0 : i32
      %dma_wait3A_107 = tpu.memref_slice %arg6[%add3A_101, %dma_wait3A_106] : memref<80x128xi32, #tpu.memory_space<vmem>> -> memref<1x128xi32, #tpu.memory_space<vmem>>
      %dma_wait3A_108 = tpu.memref_squeeze %dma_wait3A_107 : memref<1x128xi32, #tpu.memory_space<vmem>> -> memref<128xi32, #tpu.memory_space<vmem>>
      %dma_wait3A_109 = arith.constant 0 : i32
      %dma_wait3A_110 = arith.constant 0 : i32
      %dma_wait3A_111 = tpu.memref_slice %arg2[%dma_wait3A_109, %dma_wait3A_110] : memref<10000x16xf32, #tpu.memory_space<hbm>> -> memref<10000x16xf32, #tpu.memory_space<hbm>>
      %dma_wait3A_112 = tpu.memref_slice %arg11[%dma_wait3A_102] : memref<4x!tpu.dma_semaphore, #tpu.memory_space<semaphore_mem>> -> memref<1x!tpu.dma_semaphore, #tpu.memory_space<semaphore_mem>>
      %dma_wait3A_113 = tpu.memref_squeeze %dma_wait3A_112 : memref<1x!tpu.dma_semaphore, #tpu.memory_space<semaphore_mem>> -> memref<!tpu.dma_semaphore, #tpu.memory_space<semaphore_mem>>
      tpu.wait_indirect_dma semaphore(%dma_wait3A_113 : memref<!tpu.dma_semaphore, #tpu.memory_space<semaphore_mem>>) src(%dma_wait3A_111 : memref<10000x16xf32, #tpu.memory_space<hbm>>) dst(%dma_wait3A_105 : memref<128x16xf32, #tpu.memory_space<vmem>>)
      "tpu.region"() ({
        %run_scoped3A = tpu.sem_alloc : memref<!tpu.dma_semaphore, #tpu.memory_space<semaphore_mem>>
        %dma_start3A_168 = arith.constant 128 : i32
        %dma_start3A_169 = arith.constant 0 : i32
        %dma_start3A_170 = tpu.memref_slice %arg8[%dma_start3A_168, %dma_start3A_169] : memref<512x16xf32, #tpu.memory_space<vmem>> -> memref<128x16xf32, #tpu.memory_space<vmem>>
        %dma_start3A_171 = arith.constant 0 : i32
        %dma_start3A_172 = tpu.memref_slice %arg7[%add3A_101, %dma_start3A_171] : memref<80x128xi32, #tpu.memory_space<vmem>> -> memref<1x128xi32, #tpu.memory_space<vmem>>
        %dma_start3A_173 = tpu.memref_squeeze %dma_start3A_172 : memref<1x128xi32, #tpu.memory_space<vmem>> -> memref<128xi32, #tpu.memory_space<vmem>>
        %dma_start3A_174 = arith.constant 0 : i32
        %dma_start3A_175 = arith.constant 0 : i32
        %dma_start3A_176 = tpu.memref_slice %arg10[%dma_start3A_174, %dma_start3A_175] : memref<10112x16xf32, #tpu.memory_space<vmem_shared>> -> memref<10112x16xf32, #tpu.memory_space<vmem_shared>>
        tpu.enqueue_indirect_dma source(%dma_start3A_170 : memref<128x16xf32, #tpu.memory_space<vmem>>) target(%dma_start3A_176 : memref<10112x16xf32, #tpu.memory_space<vmem_shared>>) offsets(%dma_start3A_173 : memref<128xi32, #tpu.memory_space<vmem>>) semaphore(%run_scoped3A : memref<!tpu.dma_semaphore, #tpu.memory_space<semaphore_mem>>) {add = true}
        %dma_wait3A_177 = arith.constant 128 : i32
        %dma_wait3A_178 = arith.constant 0 : i32
        %dma_wait3A_179 = tpu.memref_slice %arg8[%dma_wait3A_177, %dma_wait3A_178] : memref<512x16xf32, #tpu.memory_space<vmem>> -> memref<128x16xf32, #tpu.memory_space<vmem>>
        %dma_wait3A_180 = arith.constant 0 : i32
        %dma_wait3A_181 = tpu.memref_slice %arg7[%add3A_101, %dma_wait3A_180] : memref<80x128xi32, #tpu.memory_space<vmem>> -> memref<1x128xi32, #tpu.memory_space<vmem>>
        %dma_wait3A_182 = tpu.memref_squeeze %dma_wait3A_181 : memref<1x128xi32, #tpu.memory_space<vmem>> -> memref<128xi32, #tpu.memory_space<vmem>>
        %dma_wait3A_183 = arith.constant 0 : i32
        %dma_wait3A_184 = arith.constant 0 : i32
        %dma_wait3A_185 = tpu.memref_slice %arg10[%dma_wait3A_183, %dma_wait3A_184] : memref<10112x16xf32, #tpu.memory_space<vmem_shared>> -> memref<10112x16xf32, #tpu.memory_space<vmem_shared>>
        tpu.wait_indirect_dma semaphore(%run_scoped3A : memref<!tpu.dma_semaphore, #tpu.memory_space<semaphore_mem>>) src(%dma_wait3A_179 : memref<128x16xf32, #tpu.memory_space<vmem>>) dst(%dma_wait3A_185 : memref<10112x16xf32, #tpu.memory_space<vmem_shared>>)
        tpu.yield
      }) : () -> ()
      %add3A_114 = arith.constant 4 : i32
      %add3A_115 = arith.addi %add3A_101, %add3A_114 : i32
      %lt3A_116 = arith.constant 80 : i32
      %lt3A_117 = arith.cmpi slt, %add3A_115, %lt3A_116 : i32
      %convert_element_type3A_118 = arith.extui %lt3A_117 : i1 to i32
      %cond3A_119 = arith.constant 0 : i32
      %cond3A_120 = arith.cmpi ne, %convert_element_type3A_118, %cond3A_119 : i32
      scf.if %cond3A_120 {
        %add3A_168 = arith.constant 4 : i32
        %add3A_169 = arith.addi %add3A_101, %add3A_168 : i32
        %dma_start3A_170 = arith.constant 1 : i32
        %dma_start3A_171 = arith.constant 128 : i32
        %dma_start3A_172 = arith.constant 0 : i32
        %dma_start3A_173 = tpu.memref_slice %arg8[%dma_start3A_171, %dma_start3A_172] : memref<512x16xf32, #tpu.memory_space<vmem>> -> memref<128x16xf32, #tpu.memory_space<vmem>>
        %dma_start3A_174 = arith.constant 0 : i32
        %dma_start3A_175 = tpu.memref_slice %arg6[%add3A_169, %dma_start3A_174] : memref<80x128xi32, #tpu.memory_space<vmem>> -> memref<1x128xi32, #tpu.memory_space<vmem>>
        %dma_start3A_176 = tpu.memref_squeeze %dma_start3A_175 : memref<1x128xi32, #tpu.memory_space<vmem>> -> memref<128xi32, #tpu.memory_space<vmem>>
        %dma_start3A_177 = arith.constant 0 : i32
        %dma_start3A_178 = arith.constant 0 : i32
        %dma_start3A_179 = tpu.memref_slice %arg2[%dma_start3A_177, %dma_start3A_178] : memref<10000x16xf32, #tpu.memory_space<hbm>> -> memref<10000x16xf32, #tpu.memory_space<hbm>>
        %dma_start3A_180 = tpu.memref_slice %arg11[%dma_start3A_170] : memref<4x!tpu.dma_semaphore, #tpu.memory_space<semaphore_mem>> -> memref<1x!tpu.dma_semaphore, #tpu.memory_space<semaphore_mem>>
        %dma_start3A_181 = tpu.memref_squeeze %dma_start3A_180 : memref<1x!tpu.dma_semaphore, #tpu.memory_space<semaphore_mem>> -> memref<!tpu.dma_semaphore, #tpu.memory_space<semaphore_mem>>
        tpu.enqueue_indirect_dma source(%dma_start3A_179 : memref<10000x16xf32, #tpu.memory_space<hbm>>) target(%dma_start3A_173 : memref<128x16xf32, #tpu.memory_space<vmem>>) offsets(%dma_start3A_176 : memref<128xi32, #tpu.memory_space<vmem>>) semaphore(%dma_start3A_181 : memref<!tpu.dma_semaphore, #tpu.memory_space<semaphore_mem>>)
      } else {
      }
      %mul3A_121 = arith.constant 4 : i32
      %mul3A_122 = arith.muli %scan3A_77, %mul3A_121 : i32
      %add3A_123 = arith.constant 2 : i32
      %add3A_124 = arith.addi %mul3A_122, %add3A_123 : i32
      %dma_wait3A_125 = arith.constant 2 : i32
      %dma_wait3A_126 = arith.constant 256 : i32
      %dma_wait3A_127 = arith.constant 0 : i32
      %dma_wait3A_128 = tpu.memref_slice %arg8[%dma_wait3A_126, %dma_wait3A_127] : memref<512x16xf32, #tpu.memory_space<vmem>> -> memref<128x16xf32, #tpu.memory_space<vmem>>
      %dma_wait3A_129 = arith.constant 0 : i32
      %dma_wait3A_130 = tpu.memref_slice %arg6[%add3A_124, %dma_wait3A_129] : memref<80x128xi32, #tpu.memory_space<vmem>> -> memref<1x128xi32, #tpu.memory_space<vmem>>
      %dma_wait3A_131 = tpu.memref_squeeze %dma_wait3A_130 : memref<1x128xi32, #tpu.memory_space<vmem>> -> memref<128xi32, #tpu.memory_space<vmem>>
      %dma_wait3A_132 = arith.constant 0 : i32
      %dma_wait3A_133 = arith.constant 0 : i32
      %dma_wait3A_134 = tpu.memref_slice %arg2[%dma_wait3A_132, %dma_wait3A_133] : memref<10000x16xf32, #tpu.memory_space<hbm>> -> memref<10000x16xf32, #tpu.memory_space<hbm>>
      %dma_wait3A_135 = tpu.memref_slice %arg11[%dma_wait3A_125] : memref<4x!tpu.dma_semaphore, #tpu.memory_space<semaphore_mem>> -> memref<1x!tpu.dma_semaphore, #tpu.memory_space<semaphore_mem>>
      %dma_wait3A_136 = tpu.memref_squeeze %dma_wait3A_135 : memref<1x!tpu.dma_semaphore, #tpu.memory_space<semaphore_mem>> -> memref<!tpu.dma_semaphore, #tpu.memory_space<semaphore_mem>>
      tpu.wait_indirect_dma semaphore(%dma_wait3A_136 : memref<!tpu.dma_semaphore, #tpu.memory_space<semaphore_mem>>) src(%dma_wait3A_134 : memref<10000x16xf32, #tpu.memory_space<hbm>>) dst(%dma_wait3A_128 : memref<128x16xf32, #tpu.memory_space<vmem>>)
      "tpu.region"() ({
        %run_scoped3A = tpu.sem_alloc : memref<!tpu.dma_semaphore, #tpu.memory_space<semaphore_mem>>
        %dma_start3A_168 = arith.constant 256 : i32
        %dma_start3A_169 = arith.constant 0 : i32
        %dma_start3A_170 = tpu.memref_slice %arg8[%dma_start3A_168, %dma_start3A_169] : memref<512x16xf32, #tpu.memory_space<vmem>> -> memref<128x16xf32, #tpu.memory_space<vmem>>
        %dma_start3A_171 = arith.constant 0 : i32
        %dma_start3A_172 = tpu.memref_slice %arg7[%add3A_124, %dma_start3A_171] : memref<80x128xi32, #tpu.memory_space<vmem>> -> memref<1x128xi32, #tpu.memory_space<vmem>>
        %dma_start3A_173 = tpu.memref_squeeze %dma_start3A_172 : memref<1x128xi32, #tpu.memory_space<vmem>> -> memref<128xi32, #tpu.memory_space<vmem>>
        %dma_start3A_174 = arith.constant 0 : i32
        %dma_start3A_175 = arith.constant 0 : i32
        %dma_start3A_176 = tpu.memref_slice %arg10[%dma_start3A_174, %dma_start3A_175] : memref<10112x16xf32, #tpu.memory_space<vmem_shared>> -> memref<10112x16xf32, #tpu.memory_space<vmem_shared>>
        tpu.enqueue_indirect_dma source(%dma_start3A_170 : memref<128x16xf32, #tpu.memory_space<vmem>>) target(%dma_start3A_176 : memref<10112x16xf32, #tpu.memory_space<vmem_shared>>) offsets(%dma_start3A_173 : memref<128xi32, #tpu.memory_space<vmem>>) semaphore(%run_scoped3A : memref<!tpu.dma_semaphore, #tpu.memory_space<semaphore_mem>>) {add = true}
        %dma_wait3A_177 = arith.constant 256 : i32
        %dma_wait3A_178 = arith.constant 0 : i32
        %dma_wait3A_179 = tpu.memref_slice %arg8[%dma_wait3A_177, %dma_wait3A_178] : memref<512x16xf32, #tpu.memory_space<vmem>> -> memref<128x16xf32, #tpu.memory_space<vmem>>
        %dma_wait3A_180 = arith.constant 0 : i32
        %dma_wait3A_181 = tpu.memref_slice %arg7[%add3A_124, %dma_wait3A_180] : memref<80x128xi32, #tpu.memory_space<vmem>> -> memref<1x128xi32, #tpu.memory_space<vmem>>
        %dma_wait3A_182 = tpu.memref_squeeze %dma_wait3A_181 : memref<1x128xi32, #tpu.memory_space<vmem>> -> memref<128xi32, #tpu.memory_space<vmem>>
        %dma_wait3A_183 = arith.constant 0 : i32
        %dma_wait3A_184 = arith.constant 0 : i32
        %dma_wait3A_185 = tpu.memref_slice %arg10[%dma_wait3A_183, %dma_wait3A_184] : memref<10112x16xf32, #tpu.memory_space<vmem_shared>> -> memref<10112x16xf32, #tpu.memory_space<vmem_shared>>
        tpu.wait_indirect_dma semaphore(%run_scoped3A : memref<!tpu.dma_semaphore, #tpu.memory_space<semaphore_mem>>) src(%dma_wait3A_179 : memref<128x16xf32, #tpu.memory_space<vmem>>) dst(%dma_wait3A_185 : memref<10112x16xf32, #tpu.memory_space<vmem_shared>>)
        tpu.yield
      }) : () -> ()
      %add3A_137 = arith.constant 4 : i32
      %add3A_138 = arith.addi %add3A_124, %add3A_137 : i32
      %lt3A_139 = arith.constant 80 : i32
      %lt3A_140 = arith.cmpi slt, %add3A_138, %lt3A_139 : i32
      %convert_element_type3A_141 = arith.extui %lt3A_140 : i1 to i32
      %cond3A_142 = arith.constant 0 : i32
      %cond3A_143 = arith.cmpi ne, %convert_element_type3A_141, %cond3A_142 : i32
      scf.if %cond3A_143 {
        %add3A_168 = arith.constant 4 : i32
        %add3A_169 = arith.addi %add3A_124, %add3A_168 : i32
        %dma_start3A_170 = arith.constant 2 : i32
        %dma_start3A_171 = arith.constant 256 : i32
        %dma_start3A_172 = arith.constant 0 : i32
        %dma_start3A_173 = tpu.memref_slice %arg8[%dma_start3A_171, %dma_start3A_172] : memref<512x16xf32, #tpu.memory_space<vmem>> -> memref<128x16xf32, #tpu.memory_space<vmem>>
        %dma_start3A_174 = arith.constant 0 : i32
        %dma_start3A_175 = tpu.memref_slice %arg6[%add3A_169, %dma_start3A_174] : memref<80x128xi32, #tpu.memory_space<vmem>> -> memref<1x128xi32, #tpu.memory_space<vmem>>
        %dma_start3A_176 = tpu.memref_squeeze %dma_start3A_175 : memref<1x128xi32, #tpu.memory_space<vmem>> -> memref<128xi32, #tpu.memory_space<vmem>>
        %dma_start3A_177 = arith.constant 0 : i32
        %dma_start3A_178 = arith.constant 0 : i32
        %dma_start3A_179 = tpu.memref_slice %arg2[%dma_start3A_177, %dma_start3A_178] : memref<10000x16xf32, #tpu.memory_space<hbm>> -> memref<10000x16xf32, #tpu.memory_space<hbm>>
        %dma_start3A_180 = tpu.memref_slice %arg11[%dma_start3A_170] : memref<4x!tpu.dma_semaphore, #tpu.memory_space<semaphore_mem>> -> memref<1x!tpu.dma_semaphore, #tpu.memory_space<semaphore_mem>>
        %dma_start3A_181 = tpu.memref_squeeze %dma_start3A_180 : memref<1x!tpu.dma_semaphore, #tpu.memory_space<semaphore_mem>> -> memref<!tpu.dma_semaphore, #tpu.memory_space<semaphore_mem>>
        tpu.enqueue_indirect_dma source(%dma_start3A_179 : memref<10000x16xf32, #tpu.memory_space<hbm>>) target(%dma_start3A_173 : memref<128x16xf32, #tpu.memory_space<vmem>>) offsets(%dma_start3A_176 : memref<128xi32, #tpu.memory_space<vmem>>) semaphore(%dma_start3A_181 : memref<!tpu.dma_semaphore, #tpu.memory_space<semaphore_mem>>)
      } else {
      }
      %mul3A_144 = arith.constant 4 : i32
      %mul3A_145 = arith.muli %scan3A_77, %mul3A_144 : i32
      %add3A_146 = arith.constant 3 : i32
      %add3A_147 = arith.addi %mul3A_145, %add3A_146 : i32
      %dma_wait3A_148 = arith.constant 3 : i32
      %dma_wait3A_149 = arith.constant 384 : i32
      %dma_wait3A_150 = arith.constant 0 : i32
      %dma_wait3A_151 = tpu.memref_slice %arg8[%dma_wait3A_149, %dma_wait3A_150] : memref<512x16xf32, #tpu.memory_space<vmem>> -> memref<128x16xf32, #tpu.memory_space<vmem>>
      %dma_wait3A_152 = arith.constant 0 : i32
      %dma_wait3A_153 = tpu.memref_slice %arg6[%add3A_147, %dma_wait3A_152] : memref<80x128xi32, #tpu.memory_space<vmem>> -> memref<1x128xi32, #tpu.memory_space<vmem>>
      %dma_wait3A_154 = tpu.memref_squeeze %dma_wait3A_153 : memref<1x128xi32, #tpu.memory_space<vmem>> -> memref<128xi32, #tpu.memory_space<vmem>>
      %dma_wait3A_155 = arith.constant 0 : i32
      %dma_wait3A_156 = arith.constant 0 : i32
      %dma_wait3A_157 = tpu.memref_slice %arg2[%dma_wait3A_155, %dma_wait3A_156] : memref<10000x16xf32, #tpu.memory_space<hbm>> -> memref<10000x16xf32, #tpu.memory_space<hbm>>
      %dma_wait3A_158 = tpu.memref_slice %arg11[%dma_wait3A_148] : memref<4x!tpu.dma_semaphore, #tpu.memory_space<semaphore_mem>> -> memref<1x!tpu.dma_semaphore, #tpu.memory_space<semaphore_mem>>
      %dma_wait3A_159 = tpu.memref_squeeze %dma_wait3A_158 : memref<1x!tpu.dma_semaphore, #tpu.memory_space<semaphore_mem>> -> memref<!tpu.dma_semaphore, #tpu.memory_space<semaphore_mem>>
      tpu.wait_indirect_dma semaphore(%dma_wait3A_159 : memref<!tpu.dma_semaphore, #tpu.memory_space<semaphore_mem>>) src(%dma_wait3A_157 : memref<10000x16xf32, #tpu.memory_space<hbm>>) dst(%dma_wait3A_151 : memref<128x16xf32, #tpu.memory_space<vmem>>)
      "tpu.region"() ({
        %run_scoped3A = tpu.sem_alloc : memref<!tpu.dma_semaphore, #tpu.memory_space<semaphore_mem>>
        %dma_start3A_168 = arith.constant 384 : i32
        %dma_start3A_169 = arith.constant 0 : i32
        %dma_start3A_170 = tpu.memref_slice %arg8[%dma_start3A_168, %dma_start3A_169] : memref<512x16xf32, #tpu.memory_space<vmem>> -> memref<128x16xf32, #tpu.memory_space<vmem>>
        %dma_start3A_171 = arith.constant 0 : i32
        %dma_start3A_172 = tpu.memref_slice %arg7[%add3A_147, %dma_start3A_171] : memref<80x128xi32, #tpu.memory_space<vmem>> -> memref<1x128xi32, #tpu.memory_space<vmem>>
        %dma_start3A_173 = tpu.memref_squeeze %dma_start3A_172 : memref<1x128xi32, #tpu.memory_space<vmem>> -> memref<128xi32, #tpu.memory_space<vmem>>
        %dma_start3A_174 = arith.constant 0 : i32
        %dma_start3A_175 = arith.constant 0 : i32
        %dma_start3A_176 = tpu.memref_slice %arg10[%dma_start3A_174, %dma_start3A_175] : memref<10112x16xf32, #tpu.memory_space<vmem_shared>> -> memref<10112x16xf32, #tpu.memory_space<vmem_shared>>
        tpu.enqueue_indirect_dma source(%dma_start3A_170 : memref<128x16xf32, #tpu.memory_space<vmem>>) target(%dma_start3A_176 : memref<10112x16xf32, #tpu.memory_space<vmem_shared>>) offsets(%dma_start3A_173 : memref<128xi32, #tpu.memory_space<vmem>>) semaphore(%run_scoped3A : memref<!tpu.dma_semaphore, #tpu.memory_space<semaphore_mem>>) {add = true}
        %dma_wait3A_177 = arith.constant 384 : i32
        %dma_wait3A_178 = arith.constant 0 : i32
        %dma_wait3A_179 = tpu.memref_slice %arg8[%dma_wait3A_177, %dma_wait3A_178] : memref<512x16xf32, #tpu.memory_space<vmem>> -> memref<128x16xf32, #tpu.memory_space<vmem>>
        %dma_wait3A_180 = arith.constant 0 : i32
        %dma_wait3A_181 = tpu.memref_slice %arg7[%add3A_147, %dma_wait3A_180] : memref<80x128xi32, #tpu.memory_space<vmem>> -> memref<1x128xi32, #tpu.memory_space<vmem>>
        %dma_wait3A_182 = tpu.memref_squeeze %dma_wait3A_181 : memref<1x128xi32, #tpu.memory_space<vmem>> -> memref<128xi32, #tpu.memory_space<vmem>>
        %dma_wait3A_183 = arith.constant 0 : i32
        %dma_wait3A_184 = arith.constant 0 : i32
        %dma_wait3A_185 = tpu.memref_slice %arg10[%dma_wait3A_183, %dma_wait3A_184] : memref<10112x16xf32, #tpu.memory_space<vmem_shared>> -> memref<10112x16xf32, #tpu.memory_space<vmem_shared>>
        tpu.wait_indirect_dma semaphore(%run_scoped3A : memref<!tpu.dma_semaphore, #tpu.memory_space<semaphore_mem>>) src(%dma_wait3A_179 : memref<128x16xf32, #tpu.memory_space<vmem>>) dst(%dma_wait3A_185 : memref<10112x16xf32, #tpu.memory_space<vmem_shared>>)
        tpu.yield
      }) : () -> ()
      %add3A_160 = arith.constant 4 : i32
      %add3A_161 = arith.addi %add3A_147, %add3A_160 : i32
      %lt3A_162 = arith.constant 80 : i32
      %lt3A_163 = arith.cmpi slt, %add3A_161, %lt3A_162 : i32
      %convert_element_type3A_164 = arith.extui %lt3A_163 : i1 to i32
      %cond3A_165 = arith.constant 0 : i32
      %cond3A_166 = arith.cmpi ne, %convert_element_type3A_164, %cond3A_165 : i32
      scf.if %cond3A_166 {
        %add3A_168 = arith.constant 4 : i32
        %add3A_169 = arith.addi %add3A_147, %add3A_168 : i32
        %dma_start3A_170 = arith.constant 3 : i32
        %dma_start3A_171 = arith.constant 384 : i32
        %dma_start3A_172 = arith.constant 0 : i32
        %dma_start3A_173 = tpu.memref_slice %arg8[%dma_start3A_171, %dma_start3A_172] : memref<512x16xf32, #tpu.memory_space<vmem>> -> memref<128x16xf32, #tpu.memory_space<vmem>>
        %dma_start3A_174 = arith.constant 0 : i32
        %dma_start3A_175 = tpu.memref_slice %arg6[%add3A_169, %dma_start3A_174] : memref<80x128xi32, #tpu.memory_space<vmem>> -> memref<1x128xi32, #tpu.memory_space<vmem>>
        %dma_start3A_176 = tpu.memref_squeeze %dma_start3A_175 : memref<1x128xi32, #tpu.memory_space<vmem>> -> memref<128xi32, #tpu.memory_space<vmem>>
        %dma_start3A_177 = arith.constant 0 : i32
        %dma_start3A_178 = arith.constant 0 : i32
        %dma_start3A_179 = tpu.memref_slice %arg2[%dma_start3A_177, %dma_start3A_178] : memref<10000x16xf32, #tpu.memory_space<hbm>> -> memref<10000x16xf32, #tpu.memory_space<hbm>>
        %dma_start3A_180 = tpu.memref_slice %arg11[%dma_start3A_170] : memref<4x!tpu.dma_semaphore, #tpu.memory_space<semaphore_mem>> -> memref<1x!tpu.dma_semaphore, #tpu.memory_space<semaphore_mem>>
        %dma_start3A_181 = tpu.memref_squeeze %dma_start3A_180 : memref<1x!tpu.dma_semaphore, #tpu.memory_space<semaphore_mem>> -> memref<!tpu.dma_semaphore, #tpu.memory_space<semaphore_mem>>
        tpu.enqueue_indirect_dma source(%dma_start3A_179 : memref<10000x16xf32, #tpu.memory_space<hbm>>) target(%dma_start3A_173 : memref<128x16xf32, #tpu.memory_space<vmem>>) offsets(%dma_start3A_176 : memref<128xi32, #tpu.memory_space<vmem>>) semaphore(%dma_start3A_181 : memref<!tpu.dma_semaphore, #tpu.memory_space<semaphore_mem>>)
      } else {
      }
      %scan3A_167 = arith.constant 0 : i32
      scf.yield %scan3A_167 : i32
    }
    %scan3A_75 = arith.constant 20 : i32
    %barrier3A_76 = arith.constant 0 : index
    tpu.barrier barrier_id(%barrier3A_76)
    "tpu.region"() ({
      %run_scoped3A = tpu.sem_alloc : memref<!tpu.dma_semaphore, #tpu.memory_space<semaphore_mem>>
      %dma_start3A_77 = arith.constant 0 : i32
      %dma_start3A_78 = tpu.memref_slice %arg10[%multiple_of3A_5, %dma_start3A_77] : memref<10112x16xf32, #tpu.memory_space<vmem_shared>> -> memref<632x16xf32, #tpu.memory_space<vmem_shared>>
      %dma_start3A_79 = arith.constant 0 : i32
      %dma_start3A_80 = tpu.memref_slice %arg10[%multiple_of3A_5, %dma_start3A_79] : memref<10112x16xf32, #tpu.memory_space<vmem_shared>> -> memref<632x16xf32, #tpu.memory_space<vmem_shared>>
      tpu.enqueue_dma source(%dma_start3A_80 : memref<632x16xf32, #tpu.memory_space<vmem_shared>>) target(%arg9 : memref<632x16xf32, #tpu.memory_space<vmem>>) target_semaphore(%run_scoped3A : memref<!tpu.dma_semaphore, #tpu.memory_space<semaphore_mem>>)
      %dma_wait3A = arith.constant 0 : i32
      %dma_wait3A_81 = tpu.memref_slice %arg10[%multiple_of3A_5, %dma_wait3A] : memref<10112x16xf32, #tpu.memory_space<vmem_shared>> -> memref<632x16xf32, #tpu.memory_space<vmem_shared>>
      %dma_wait3A_82 = arith.constant 0 : i32
      %dma_wait3A_83 = tpu.memref_slice %arg10[%multiple_of3A_5, %dma_wait3A_82] : memref<10112x16xf32, #tpu.memory_space<vmem_shared>> -> memref<632x16xf32, #tpu.memory_space<vmem_shared>>
      tpu.wait_dma2 semaphore(%run_scoped3A : memref<!tpu.dma_semaphore, #tpu.memory_space<semaphore_mem>>) src(%dma_wait3A_83 : memref<632x16xf32, #tpu.memory_space<vmem_shared>>) dst(%arg9 : memref<632x16xf32, #tpu.memory_space<vmem>>)
      tpu.yield
    }) : () -> ()
    "tpu.region"() ({
      %run_scoped3A = tpu.sem_alloc : memref<!tpu.dma_semaphore, #tpu.memory_space<semaphore_mem>>
      %dma_start3A_77 = arith.constant 0 : i32
      %dma_start3A_78 = tpu.memref_slice %arg5[%multiple_of3A_11, %dma_start3A_77] : memref<20224x16xf32, #tpu.memory_space<hbm>> -> memref<632x16xf32, #tpu.memory_space<hbm>>
      %dma_start3A_79 = arith.constant 0 : i32
      %dma_start3A_80 = tpu.memref_slice %arg5[%multiple_of3A_11, %dma_start3A_79] : memref<20224x16xf32, #tpu.memory_space<hbm>> -> memref<632x16xf32, #tpu.memory_space<hbm>>
      tpu.enqueue_dma source(%arg9 : memref<632x16xf32, #tpu.memory_space<vmem>>) target(%dma_start3A_80 : memref<632x16xf32, #tpu.memory_space<hbm>>) target_semaphore(%run_scoped3A : memref<!tpu.dma_semaphore, #tpu.memory_space<semaphore_mem>>)
      %dma_wait3A = arith.constant 0 : i32
      %dma_wait3A_81 = tpu.memref_slice %arg5[%multiple_of3A_11, %dma_wait3A] : memref<20224x16xf32, #tpu.memory_space<hbm>> -> memref<632x16xf32, #tpu.memory_space<hbm>>
      %dma_wait3A_82 = arith.constant 0 : i32
      %dma_wait3A_83 = tpu.memref_slice %arg5[%multiple_of3A_11, %dma_wait3A_82] : memref<20224x16xf32, #tpu.memory_space<hbm>> -> memref<632x16xf32, #tpu.memory_space<hbm>>
      tpu.wait_dma2 semaphore(%run_scoped3A : memref<!tpu.dma_semaphore, #tpu.memory_space<semaphore_mem>>) src(%arg9 : memref<632x16xf32, #tpu.memory_space<vmem>>) dst(%dma_wait3A_83 : memref<632x16xf32, #tpu.memory_space<hbm>>)
      tpu.yield
    }) : () -> ()
    return
  }
}

#map = affine_map<(d0, d1) -> (0, 0)>
module attributes {stable_mosaic.version = 14 : i64} {
  func.func @_prop_body(%arg0: i32, %arg1: i32, %arg2: memref<10000x16xf32, #tpu.memory_space<hbm>>, %arg3: memref<2560x128xi32, #tpu.memory_space<hbm>>, %arg4: memref<2560x128xi32, #tpu.memory_space<hbm>>, %arg5: memref<20224x16xf32, #tpu.memory_space<hbm>>, %arg6: memref<80x128xi32, #tpu.memory_space<vmem>>, %arg7: memref<80x128xi32, #tpu.memory_space<vmem>>, %arg8: memref<512x16xf32, #tpu.memory_space<vmem>>, %arg9: memref<632x16xf32, #tpu.memory_space<vmem>>, %arg10: memref<10112x16xf32, #tpu.memory_space<vmem_shared>>, %arg11: memref<4x!tpu.dma_semaphore, #tpu.memory_space<semaphore_mem>>, %arg12: memref<4x!tpu.dma_semaphore, #tpu.memory_space<semaphore_mem>>) attributes {dimension_semantics = [#tpu.dimension_semantics<core_parallel>, #tpu.dimension_semantics<subcore_parallel>], iteration_bounds = array<i64: 2, 16>, scalar_prefetch = 0 : i64, scratch_operands = 7 : i64, tpu.core_type = #tpu.core_type<sc_vector_subcore>, window_params = [{transform_indices = #map}, {transform_indices = #map}, {transform_indices = #map}, {transform_indices = #map}]} {
    %mul3A = arith.constant 2 : i32
    %mul3A_0 = arith.muli %arg1, %mul3A : i32
    %add3A = arith.addi %mul3A_0, %arg0 : i32
    %mul3A_1 = arith.constant 80 : i32
    %mul3A_2 = arith.muli %add3A, %mul3A_1 : i32
    %multiple_of3A = tpu.assume_multiple %mul3A_2, 8 : i32
    %mul3A_3 = arith.constant 632 : i32
    %mul3A_4 = arith.muli %arg1, %mul3A_3 : i32
    %multiple_of3A_5 = tpu.assume_multiple %mul3A_4, 8 : i32
    %mul3A_6 = arith.constant 10112 : i32
    %mul3A_7 = arith.muli %arg0, %mul3A_6 : i32
    %mul3A_8 = arith.constant 632 : i32
    %mul3A_9 = arith.muli %arg1, %mul3A_8 : i32
    %add3A_10 = arith.addi %mul3A_7, %mul3A_9 : i32
    %multiple_of3A_11 = tpu.assume_multiple %add3A_10, 8 : i32
    %scan3A = arith.constant 0 : i32
    %scan3A_12 = arith.constant 0 : i32
    %scan3A_13 = arith.constant 632 : i32
    %scan3A_14 = arith.addi %scan3A_12, %scan3A_13 : i32
    %scan3A_15 = arith.constant 1 : i32
    %scan3A_16 = scf.for %scan3A_77 = %scan3A_12 to %scan3A_14 step %scan3A_15 iter_args(%scan3A_78 = %scan3A) -> (i32)  : i32 {
      %broadcast_in_dim3A = arith.constant 0.000000e+00 : f32
      %broadcast_in_dim3A_79 = vector.broadcast %broadcast_in_dim3A : f32 to vector<16xf32>
      %swap3A = arith.index_cast %scan3A_77 : i32 to index
      %swap3A_80 = arith.constant 0 : index
      %swap3A_81 = tpu.vector_load %arg9[%swap3A, %swap3A_80] {strides = array<i32>} : memref<632x16xf32, #tpu.memory_space<vmem>>, vector<1x16xf32>,
      %swap3A_82 = vector.shape_cast %swap3A_81 : vector<1x16xf32> to vector<16xf32>
      %swap3A_83 = vector.shape_cast %broadcast_in_dim3A_79 : vector<16xf32> to vector<1x16xf32>
      tpu.vector_store %arg9[%swap3A, %swap3A_80], %swap3A_83 {strides = array<i32>} : memref<632x16xf32, #tpu.memory_space<vmem>>, vector<1x16xf32>,
      %scan3A_84 = arith.constant 0 : i32
      scf.yield %scan3A_84 : i32
    }
    %scan3A_17 = arith.constant 632 : i32
    "tpu.region"() ({
      %run_scoped3A = tpu.sem_alloc : memref<!tpu.dma_semaphore, #tpu.memory_space<semaphore_mem>>
      %dma_start3A_77 = arith.constant 0 : i32
      %dma_start3A_78 = tpu.memref_slice %arg10[%multiple_of3A_5, %dma_start3A_77] : memref<10112x16xf32, #tpu.memory_space<vmem_shared>> -> memref<632x16xf32, #tpu.memory_space<vmem_shared>>
      %dma_start3A_79 = arith.constant 0 : i32
      %dma_start3A_80 = tpu.memref_slice %arg10[%multiple_of3A_5, %dma_start3A_79] : memref<10112x16xf32, #tpu.memory_space<vmem_shared>> -> memref<632x16xf32, #tpu.memory_space<vmem_shared>>
      tpu.enqueue_dma source(%arg9 : memref<632x16xf32, #tpu.memory_space<vmem>>) target(%dma_start3A_80 : memref<632x16xf32, #tpu.memory_space<vmem_shared>>) target_semaphore(%run_scoped3A : memref<!tpu.dma_semaphore, #tpu.memory_space<semaphore_mem>>)
      %dma_wait3A = arith.constant 0 : i32
      %dma_wait3A_81 = tpu.memref_slice %arg10[%multiple_of3A_5, %dma_wait3A] : memref<10112x16xf32, #tpu.memory_space<vmem_shared>> -> memref<632x16xf32, #tpu.memory_space<vmem_shared>>
      %dma_wait3A_82 = arith.constant 0 : i32
      %dma_wait3A_83 = tpu.memref_slice %arg10[%multiple_of3A_5, %dma_wait3A_82] : memref<10112x16xf32, #tpu.memory_space<vmem_shared>> -> memref<632x16xf32, #tpu.memory_space<vmem_shared>>
      tpu.wait_dma2 semaphore(%run_scoped3A : memref<!tpu.dma_semaphore, #tpu.memory_space<semaphore_mem>>) src(%arg9 : memref<632x16xf32, #tpu.memory_space<vmem>>) dst(%dma_wait3A_83 : memref<632x16xf32, #tpu.memory_space<vmem_shared>>)
      tpu.yield
    }) : () -> ()
    "tpu.region"() ({
      %run_scoped3A = tpu.sem_alloc : memref<!tpu.dma_semaphore, #tpu.memory_space<semaphore_mem>>
      %dma_start3A_77 = arith.constant 0 : i32
      %dma_start3A_78 = tpu.memref_slice %arg3[%multiple_of3A, %dma_start3A_77] : memref<2560x128xi32, #tpu.memory_space<hbm>> -> memref<80x128xi32, #tpu.memory_space<hbm>>
      %dma_start3A_79 = arith.constant 0 : i32
      %dma_start3A_80 = tpu.memref_slice %arg3[%multiple_of3A, %dma_start3A_79] : memref<2560x128xi32, #tpu.memory_space<hbm>> -> memref<80x128xi32, #tpu.memory_space<hbm>>
      tpu.enqueue_dma source(%dma_start3A_80 : memref<80x128xi32, #tpu.memory_space<hbm>>) target(%arg6 : memref<80x128xi32, #tpu.memory_space<vmem>>) target_semaphore(%run_scoped3A : memref<!tpu.dma_semaphore, #tpu.memory_space<semaphore_mem>>)
      %dma_wait3A = arith.constant 0 : i32
      %dma_wait3A_81 = tpu.memref_slice %arg3[%multiple_of3A, %dma_wait3A] : memref<2560x128xi32, #tpu.memory_space<hbm>> -> memref<80x128xi32, #tpu.memory_space<hbm>>
      %dma_wait3A_82 = arith.constant 0 : i32
      %dma_wait3A_83 = tpu.memref_slice %arg3[%multiple_of3A, %dma_wait3A_82] : memref<2560x128xi32, #tpu.memory_space<hbm>> -> memref<80x128xi32, #tpu.memory_space<hbm>>
      tpu.wait_dma2 semaphore(%run_scoped3A : memref<!tpu.dma_semaphore, #tpu.memory_space<semaphore_mem>>) src(%dma_wait3A_83 : memref<80x128xi32, #tpu.memory_space<hbm>>) dst(%arg6 : memref<80x128xi32, #tpu.memory_space<vmem>>)
      tpu.yield
    }) : () -> ()
    "tpu.region"() ({
      %run_scoped3A = tpu.sem_alloc : memref<!tpu.dma_semaphore, #tpu.memory_space<semaphore_mem>>
      %dma_start3A_77 = arith.constant 0 : i32
      %dma_start3A_78 = tpu.memref_slice %arg4[%multiple_of3A, %dma_start3A_77] : memref<2560x128xi32, #tpu.memory_space<hbm>> -> memref<80x128xi32, #tpu.memory_space<hbm>>
      %dma_start3A_79 = arith.constant 0 : i32
      %dma_start3A_80 = tpu.memref_slice %arg4[%multiple_of3A, %dma_start3A_79] : memref<2560x128xi32, #tpu.memory_space<hbm>> -> memref<80x128xi32, #tpu.memory_space<hbm>>
      tpu.enqueue_dma source(%dma_start3A_80 : memref<80x128xi32, #tpu.memory_space<hbm>>) target(%arg7 : memref<80x128xi32, #tpu.memory_space<vmem>>) target_semaphore(%run_scoped3A : memref<!tpu.dma_semaphore, #tpu.memory_space<semaphore_mem>>)
      %dma_wait3A = arith.constant 0 : i32
      %dma_wait3A_81 = tpu.memref_slice %arg4[%multiple_of3A, %dma_wait3A] : memref<2560x128xi32, #tpu.memory_space<hbm>> -> memref<80x128xi32, #tpu.memory_space<hbm>>
      %dma_wait3A_82 = arith.constant 0 : i32
      %dma_wait3A_83 = tpu.memref_slice %arg4[%multiple_of3A, %dma_wait3A_82] : memref<2560x128xi32, #tpu.memory_space<hbm>> -> memref<80x128xi32, #tpu.memory_space<hbm>>
      tpu.wait_dma2 semaphore(%run_scoped3A : memref<!tpu.dma_semaphore, #tpu.memory_space<semaphore_mem>>) src(%dma_wait3A_83 : memref<80x128xi32, #tpu.memory_space<hbm>>) dst(%arg7 : memref<80x128xi32, #tpu.memory_space<vmem>>)
      tpu.yield
    }) : () -> ()
    %barrier3A = arith.constant 0 : index
    tpu.barrier barrier_id(%barrier3A)
    %dma_start3A = arith.constant 0 : i32
    %dma_start3A_18 = arith.constant 0 : i32
    %dma_start3A_19 = arith.constant 0 : i32
    %dma_start3A_20 = arith.constant 0 : i32
    %dma_start3A_21 = tpu.memref_slice %arg8[%dma_start3A_19, %dma_start3A_20] : memref<512x16xf32, #tpu.memory_space<vmem>> -> memref<128x16xf32, #tpu.memory_space<vmem>>
    %dma_start3A_22 = arith.constant 0 : i32
    %dma_start3A_23 = tpu.memref_slice %arg6[%dma_start3A, %dma_start3A_22] : memref<80x128xi32, #tpu.memory_space<vmem>> -> memref<1x128xi32, #tpu.memory_space<vmem>>
    %dma_start3A_24 = tpu.memref_squeeze %dma_start3A_23 : memref<1x128xi32, #tpu.memory_space<vmem>> -> memref<128xi32, #tpu.memory_space<vmem>>
    %dma_start3A_25 = arith.constant 0 : i32
    %dma_start3A_26 = arith.constant 0 : i32
    %dma_start3A_27 = tpu.memref_slice %arg2[%dma_start3A_25, %dma_start3A_26] : memref<10000x16xf32, #tpu.memory_space<hbm>> -> memref<10000x16xf32, #tpu.memory_space<hbm>>
    %dma_start3A_28 = tpu.memref_slice %arg11[%dma_start3A_18] : memref<4x!tpu.dma_semaphore, #tpu.memory_space<semaphore_mem>> -> memref<1x!tpu.dma_semaphore, #tpu.memory_space<semaphore_mem>>
    %dma_start3A_29 = tpu.memref_squeeze %dma_start3A_28 : memref<1x!tpu.dma_semaphore, #tpu.memory_space<semaphore_mem>> -> memref<!tpu.dma_semaphore, #tpu.memory_space<semaphore_mem>>
    tpu.enqueue_indirect_dma source(%dma_start3A_27 : memref<10000x16xf32, #tpu.memory_space<hbm>>) target(%dma_start3A_21 : memref<128x16xf32, #tpu.memory_space<vmem>>) offsets(%dma_start3A_24 : memref<128xi32, #tpu.memory_space<vmem>>) semaphore(%dma_start3A_29 : memref<!tpu.dma_semaphore, #tpu.memory_space<semaphore_mem>>)
    %dma_start3A_30 = arith.constant 1 : i32
    %dma_start3A_31 = arith.constant 1 : i32
    %dma_start3A_32 = arith.constant 128 : i32
    %dma_start3A_33 = arith.constant 0 : i32
    %dma_start3A_34 = tpu.memref_slice %arg8[%dma_start3A_32, %dma_start3A_33] : memref<512x16xf32, #tpu.memory_space<vmem>> -> memref<128x16xf32, #tpu.memory_space<vmem>>
    %dma_start3A_35 = arith.constant 0 : i32
    %dma_start3A_36 = tpu.memref_slice %arg6[%dma_start3A_30, %dma_start3A_35] : memref<80x128xi32, #tpu.memory_space<vmem>> -> memref<1x128xi32, #tpu.memory_space<vmem>>
    %dma_start3A_37 = tpu.memref_squeeze %dma_start3A_36 : memref<1x128xi32, #tpu.memory_space<vmem>> -> memref<128xi32, #tpu.memory_space<vmem>>
    %dma_start3A_38 = arith.constant 0 : i32
    %dma_start3A_39 = arith.constant 0 : i32
    %dma_start3A_40 = tpu.memref_slice %arg2[%dma_start3A_38, %dma_start3A_39] : memref<10000x16xf32, #tpu.memory_space<hbm>> -> memref<10000x16xf32, #tpu.memory_space<hbm>>
    %dma_start3A_41 = tpu.memref_slice %arg11[%dma_start3A_31] : memref<4x!tpu.dma_semaphore, #tpu.memory_space<semaphore_mem>> -> memref<1x!tpu.dma_semaphore, #tpu.memory_space<semaphore_mem>>
    %dma_start3A_42 = tpu.memref_squeeze %dma_start3A_41 : memref<1x!tpu.dma_semaphore, #tpu.memory_space<semaphore_mem>> -> memref<!tpu.dma_semaphore, #tpu.memory_space<semaphore_mem>>
    tpu.enqueue_indirect_dma source(%dma_start3A_40 : memref<10000x16xf32, #tpu.memory_space<hbm>>) target(%dma_start3A_34 : memref<128x16xf32, #tpu.memory_space<vmem>>) offsets(%dma_start3A_37 : memref<128xi32, #tpu.memory_space<vmem>>) semaphore(%dma_start3A_42 : memref<!tpu.dma_semaphore, #tpu.memory_space<semaphore_mem>>)
    %dma_start3A_43 = arith.constant 2 : i32
    %dma_start3A_44 = arith.constant 2 : i32
    %dma_start3A_45 = arith.constant 256 : i32
    %dma_start3A_46 = arith.constant 0 : i32
    %dma_start3A_47 = tpu.memref_slice %arg8[%dma_start3A_45, %dma_start3A_46] : memref<512x16xf32, #tpu.memory_space<vmem>> -> memref<128x16xf32, #tpu.memory_space<vmem>>
    %dma_start3A_48 = arith.constant 0 : i32
    %dma_start3A_49 = tpu.memref_slice %arg6[%dma_start3A_43, %dma_start3A_48] : memref<80x128xi32, #tpu.memory_space<vmem>> -> memref<1x128xi32, #tpu.memory_space<vmem>>
    %dma_start3A_50 = tpu.memref_squeeze %dma_start3A_49 : memref<1x128xi32, #tpu.memory_space<vmem>> -> memref<128xi32, #tpu.memory_space<vmem>>
    %dma_start3A_51 = arith.constant 0 : i32
    %dma_start3A_52 = arith.constant 0 : i32
    %dma_start3A_53 = tpu.memref_slice %arg2[%dma_start3A_51, %dma_start3A_52] : memref<10000x16xf32, #tpu.memory_space<hbm>> -> memref<10000x16xf32, #tpu.memory_space<hbm>>
    %dma_start3A_54 = tpu.memref_slice %arg11[%dma_start3A_44] : memref<4x!tpu.dma_semaphore, #tpu.memory_space<semaphore_mem>> -> memref<1x!tpu.dma_semaphore, #tpu.memory_space<semaphore_mem>>
    %dma_start3A_55 = tpu.memref_squeeze %dma_start3A_54 : memref<1x!tpu.dma_semaphore, #tpu.memory_space<semaphore_mem>> -> memref<!tpu.dma_semaphore, #tpu.memory_space<semaphore_mem>>
    tpu.enqueue_indirect_dma source(%dma_start3A_53 : memref<10000x16xf32, #tpu.memory_space<hbm>>) target(%dma_start3A_47 : memref<128x16xf32, #tpu.memory_space<vmem>>) offsets(%dma_start3A_50 : memref<128xi32, #tpu.memory_space<vmem>>) semaphore(%dma_start3A_55 : memref<!tpu.dma_semaphore, #tpu.memory_space<semaphore_mem>>)
    %dma_start3A_56 = arith.constant 3 : i32
    %dma_start3A_57 = arith.constant 3 : i32
    %dma_start3A_58 = arith.constant 384 : i32
    %dma_start3A_59 = arith.constant 0 : i32
    %dma_start3A_60 = tpu.memref_slice %arg8[%dma_start3A_58, %dma_start3A_59] : memref<512x16xf32, #tpu.memory_space<vmem>> -> memref<128x16xf32, #tpu.memory_space<vmem>>
    %dma_start3A_61 = arith.constant 0 : i32
    %dma_start3A_62 = tpu.memref_slice %arg6[%dma_start3A_56, %dma_start3A_61] : memref<80x128xi32, #tpu.memory_space<vmem>> -> memref<1x128xi32, #tpu.memory_space<vmem>>
    %dma_start3A_63 = tpu.memref_squeeze %dma_start3A_62 : memref<1x128xi32, #tpu.memory_space<vmem>> -> memref<128xi32, #tpu.memory_space<vmem>>
    %dma_start3A_64 = arith.constant 0 : i32
    %dma_start3A_65 = arith.constant 0 : i32
    %dma_start3A_66 = tpu.memref_slice %arg2[%dma_start3A_64, %dma_start3A_65] : memref<10000x16xf32, #tpu.memory_space<hbm>> -> memref<10000x16xf32, #tpu.memory_space<hbm>>
    %dma_start3A_67 = tpu.memref_slice %arg11[%dma_start3A_57] : memref<4x!tpu.dma_semaphore, #tpu.memory_space<semaphore_mem>> -> memref<1x!tpu.dma_semaphore, #tpu.memory_space<semaphore_mem>>
    %dma_start3A_68 = tpu.memref_squeeze %dma_start3A_67 : memref<1x!tpu.dma_semaphore, #tpu.memory_space<semaphore_mem>> -> memref<!tpu.dma_semaphore, #tpu.memory_space<semaphore_mem>>
    tpu.enqueue_indirect_dma source(%dma_start3A_66 : memref<10000x16xf32, #tpu.memory_space<hbm>>) target(%dma_start3A_60 : memref<128x16xf32, #tpu.memory_space<vmem>>) offsets(%dma_start3A_63 : memref<128xi32, #tpu.memory_space<vmem>>) semaphore(%dma_start3A_68 : memref<!tpu.dma_semaphore, #tpu.memory_space<semaphore_mem>>)
    %scan3A_69 = arith.constant 0 : i32
    %scan3A_70 = arith.constant 0 : i32
    %scan3A_71 = arith.constant 20 : i32
    %scan3A_72 = arith.addi %scan3A_70, %scan3A_71 : i32
    %scan3A_73 = arith.constant 1 : i32
    %scan3A_74 = scf.for %scan3A_77 = %scan3A_70 to %scan3A_72 step %scan3A_73 iter_args(%scan3A_78 = %scan3A_69) -> (i32)  : i32 {
      %mul3A_79 = arith.constant 4 : i32
      %mul3A_80 = arith.muli %scan3A_77, %mul3A_79 : i32
      %add3A_81 = arith.constant 0 : i32
      %add3A_82 = arith.addi %mul3A_80, %add3A_81 : i32
      %dma_wait3A = arith.constant 0 : i32
      %dma_wait3A_83 = arith.constant 0 : i32
      %dma_wait3A_84 = arith.constant 0 : i32
      %dma_wait3A_85 = tpu.memref_slice %arg8[%dma_wait3A_83, %dma_wait3A_84] : memref<512x16xf32, #tpu.memory_space<vmem>> -> memref<128x16xf32, #tpu.memory_space<vmem>>
      %dma_wait3A_86 = arith.constant 0 : i32
      %dma_wait3A_87 = tpu.memref_slice %arg6[%add3A_82, %dma_wait3A_86] : memref<80x128xi32, #tpu.memory_space<vmem>> -> memref<1x128xi32, #tpu.memory_space<vmem>>
      %dma_wait3A_88 = tpu.memref_squeeze %dma_wait3A_87 : memref<1x128xi32, #tpu.memory_space<vmem>> -> memref<128xi32, #tpu.memory_space<vmem>>
      %dma_wait3A_89 = arith.constant 0 : i32
      %dma_wait3A_90 = arith.constant 0 : i32
      %dma_wait3A_91 = tpu.memref_slice %arg2[%dma_wait3A_89, %dma_wait3A_90] : memref<10000x16xf32, #tpu.memory_space<hbm>> -> memref<10000x16xf32, #tpu.memory_space<hbm>>
      %dma_wait3A_92 = tpu.memref_slice %arg11[%dma_wait3A] : memref<4x!tpu.dma_semaphore, #tpu.memory_space<semaphore_mem>> -> memref<1x!tpu.dma_semaphore, #tpu.memory_space<semaphore_mem>>
      %dma_wait3A_93 = tpu.memref_squeeze %dma_wait3A_92 : memref<1x!tpu.dma_semaphore, #tpu.memory_space<semaphore_mem>> -> memref<!tpu.dma_semaphore, #tpu.memory_space<semaphore_mem>>
      tpu.wait_indirect_dma semaphore(%dma_wait3A_93 : memref<!tpu.dma_semaphore, #tpu.memory_space<semaphore_mem>>) src(%dma_wait3A_91 : memref<10000x16xf32, #tpu.memory_space<hbm>>) dst(%dma_wait3A_85 : memref<128x16xf32, #tpu.memory_space<vmem>>)
      "tpu.region"() ({
        %run_scoped3A = tpu.sem_alloc : memref<!tpu.dma_semaphore, #tpu.memory_space<semaphore_mem>>
        %dma_start3A_168 = arith.constant 0 : i32
        %dma_start3A_169 = arith.constant 0 : i32
        %dma_start3A_170 = tpu.memref_slice %arg8[%dma_start3A_168, %dma_start3A_169] : memref<512x16xf32, #tpu.memory_space<vmem>> -> memref<128x16xf32, #tpu.memory_space<vmem>>
        %dma_start3A_171 = arith.constant 0 : i32
        %dma_start3A_172 = tpu.memref_slice %arg7[%add3A_82, %dma_start3A_171] : memref<80x128xi32, #tpu.memory_space<vmem>> -> memref<1x128xi32, #tpu.memory_space<vmem>>
        %dma_start3A_173 = tpu.memref_squeeze %dma_start3A_172 : memref<1x128xi32, #tpu.memory_space<vmem>> -> memref<128xi32, #tpu.memory_space<vmem>>
        %dma_start3A_174 = arith.constant 0 : i32
        %dma_start3A_175 = arith.constant 0 : i32
        %dma_start3A_176 = tpu.memref_slice %arg10[%dma_start3A_174, %dma_start3A_175] : memref<10112x16xf32, #tpu.memory_space<vmem_shared>> -> memref<10112x16xf32, #tpu.memory_space<vmem_shared>>
        tpu.enqueue_indirect_dma source(%dma_start3A_170 : memref<128x16xf32, #tpu.memory_space<vmem>>) target(%dma_start3A_176 : memref<10112x16xf32, #tpu.memory_space<vmem_shared>>) offsets(%dma_start3A_173 : memref<128xi32, #tpu.memory_space<vmem>>) semaphore(%run_scoped3A : memref<!tpu.dma_semaphore, #tpu.memory_space<semaphore_mem>>) {add = true}
        %dma_wait3A_177 = arith.constant 0 : i32
        %dma_wait3A_178 = arith.constant 0 : i32
        %dma_wait3A_179 = tpu.memref_slice %arg8[%dma_wait3A_177, %dma_wait3A_178] : memref<512x16xf32, #tpu.memory_space<vmem>> -> memref<128x16xf32, #tpu.memory_space<vmem>>
        %dma_wait3A_180 = arith.constant 0 : i32
        %dma_wait3A_181 = tpu.memref_slice %arg7[%add3A_82, %dma_wait3A_180] : memref<80x128xi32, #tpu.memory_space<vmem>> -> memref<1x128xi32, #tpu.memory_space<vmem>>
        %dma_wait3A_182 = tpu.memref_squeeze %dma_wait3A_181 : memref<1x128xi32, #tpu.memory_space<vmem>> -> memref<128xi32, #tpu.memory_space<vmem>>
        %dma_wait3A_183 = arith.constant 0 : i32
        %dma_wait3A_184 = arith.constant 0 : i32
        %dma_wait3A_185 = tpu.memref_slice %arg10[%dma_wait3A_183, %dma_wait3A_184] : memref<10112x16xf32, #tpu.memory_space<vmem_shared>> -> memref<10112x16xf32, #tpu.memory_space<vmem_shared>>
        tpu.wait_indirect_dma semaphore(%run_scoped3A : memref<!tpu.dma_semaphore, #tpu.memory_space<semaphore_mem>>) src(%dma_wait3A_179 : memref<128x16xf32, #tpu.memory_space<vmem>>) dst(%dma_wait3A_185 : memref<10112x16xf32, #tpu.memory_space<vmem_shared>>)
        tpu.yield
      }) : () -> ()
      %add3A_94 = arith.constant 4 : i32
      %add3A_95 = arith.addi %add3A_82, %add3A_94 : i32
      %lt3A = arith.constant 80 : i32
      %lt3A_96 = arith.cmpi slt, %add3A_95, %lt3A : i32
      %convert_element_type3A = arith.extui %lt3A_96 : i1 to i32
      %cond3A = arith.constant 0 : i32
      %cond3A_97 = arith.cmpi ne, %convert_element_type3A, %cond3A : i32
      scf.if %cond3A_97 {
        %add3A_168 = arith.constant 4 : i32
        %add3A_169 = arith.addi %add3A_82, %add3A_168 : i32
        %dma_start3A_170 = arith.constant 0 : i32
        %dma_start3A_171 = arith.constant 0 : i32
        %dma_start3A_172 = arith.constant 0 : i32
        %dma_start3A_173 = tpu.memref_slice %arg8[%dma_start3A_171, %dma_start3A_172] : memref<512x16xf32, #tpu.memory_space<vmem>> -> memref<128x16xf32, #tpu.memory_space<vmem>>
        %dma_start3A_174 = arith.constant 0 : i32
        %dma_start3A_175 = tpu.memref_slice %arg6[%add3A_169, %dma_start3A_174] : memref<80x128xi32, #tpu.memory_space<vmem>> -> memref<1x128xi32, #tpu.memory_space<vmem>>
        %dma_start3A_176 = tpu.memref_squeeze %dma_start3A_175 : memref<1x128xi32, #tpu.memory_space<vmem>> -> memref<128xi32, #tpu.memory_space<vmem>>
        %dma_start3A_177 = arith.constant 0 : i32
        %dma_start3A_178 = arith.constant 0 : i32
        %dma_start3A_179 = tpu.memref_slice %arg2[%dma_start3A_177, %dma_start3A_178] : memref<10000x16xf32, #tpu.memory_space<hbm>> -> memref<10000x16xf32, #tpu.memory_space<hbm>>
        %dma_start3A_180 = tpu.memref_slice %arg11[%dma_start3A_170] : memref<4x!tpu.dma_semaphore, #tpu.memory_space<semaphore_mem>> -> memref<1x!tpu.dma_semaphore, #tpu.memory_space<semaphore_mem>>
        %dma_start3A_181 = tpu.memref_squeeze %dma_start3A_180 : memref<1x!tpu.dma_semaphore, #tpu.memory_space<semaphore_mem>> -> memref<!tpu.dma_semaphore, #tpu.memory_space<semaphore_mem>>
        tpu.enqueue_indirect_dma source(%dma_start3A_179 : memref<10000x16xf32, #tpu.memory_space<hbm>>) target(%dma_start3A_173 : memref<128x16xf32, #tpu.memory_space<vmem>>) offsets(%dma_start3A_176 : memref<128xi32, #tpu.memory_space<vmem>>) semaphore(%dma_start3A_181 : memref<!tpu.dma_semaphore, #tpu.memory_space<semaphore_mem>>)
      } else {
      }
      %mul3A_98 = arith.constant 4 : i32
      %mul3A_99 = arith.muli %scan3A_77, %mul3A_98 : i32
      %add3A_100 = arith.constant 1 : i32
      %add3A_101 = arith.addi %mul3A_99, %add3A_100 : i32
      %dma_wait3A_102 = arith.constant 1 : i32
      %dma_wait3A_103 = arith.constant 128 : i32
      %dma_wait3A_104 = arith.constant 0 : i32
      %dma_wait3A_105 = tpu.memref_slice %arg8[%dma_wait3A_103, %dma_wait3A_104] : memref<512x16xf32, #tpu.memory_space<vmem>> -> memref<128x16xf32, #tpu.memory_space<vmem>>
      %dma_wait3A_106 = arith.constant 0 : i32
      %dma_wait3A_107 = tpu.memref_slice %arg6[%add3A_101, %dma_wait3A_106] : memref<80x128xi32, #tpu.memory_space<vmem>> -> memref<1x128xi32, #tpu.memory_space<vmem>>
      %dma_wait3A_108 = tpu.memref_squeeze %dma_wait3A_107 : memref<1x128xi32, #tpu.memory_space<vmem>> -> memref<128xi32, #tpu.memory_space<vmem>>
      %dma_wait3A_109 = arith.constant 0 : i32
      %dma_wait3A_110 = arith.constant 0 : i32
      %dma_wait3A_111 = tpu.memref_slice %arg2[%dma_wait3A_109, %dma_wait3A_110] : memref<10000x16xf32, #tpu.memory_space<hbm>> -> memref<10000x16xf32, #tpu.memory_space<hbm>>
      %dma_wait3A_112 = tpu.memref_slice %arg11[%dma_wait3A_102] : memref<4x!tpu.dma_semaphore, #tpu.memory_space<semaphore_mem>> -> memref<1x!tpu.dma_semaphore, #tpu.memory_space<semaphore_mem>>
      %dma_wait3A_113 = tpu.memref_squeeze %dma_wait3A_112 : memref<1x!tpu.dma_semaphore, #tpu.memory_space<semaphore_mem>> -> memref<!tpu.dma_semaphore, #tpu.memory_space<semaphore_mem>>
      tpu.wait_indirect_dma semaphore(%dma_wait3A_113 : memref<!tpu.dma_semaphore, #tpu.memory_space<semaphore_mem>>) src(%dma_wait3A_111 : memref<10000x16xf32, #tpu.memory_space<hbm>>) dst(%dma_wait3A_105 : memref<128x16xf32, #tpu.memory_space<vmem>>)
      "tpu.region"() ({
        %run_scoped3A = tpu.sem_alloc : memref<!tpu.dma_semaphore, #tpu.memory_space<semaphore_mem>>
        %dma_start3A_168 = arith.constant 128 : i32
        %dma_start3A_169 = arith.constant 0 : i32
        %dma_start3A_170 = tpu.memref_slice %arg8[%dma_start3A_168, %dma_start3A_169] : memref<512x16xf32, #tpu.memory_space<vmem>> -> memref<128x16xf32, #tpu.memory_space<vmem>>
        %dma_start3A_171 = arith.constant 0 : i32
        %dma_start3A_172 = tpu.memref_slice %arg7[%add3A_101, %dma_start3A_171] : memref<80x128xi32, #tpu.memory_space<vmem>> -> memref<1x128xi32, #tpu.memory_space<vmem>>
        %dma_start3A_173 = tpu.memref_squeeze %dma_start3A_172 : memref<1x128xi32, #tpu.memory_space<vmem>> -> memref<128xi32, #tpu.memory_space<vmem>>
        %dma_start3A_174 = arith.constant 0 : i32
        %dma_start3A_175 = arith.constant 0 : i32
        %dma_start3A_176 = tpu.memref_slice %arg10[%dma_start3A_174, %dma_start3A_175] : memref<10112x16xf32, #tpu.memory_space<vmem_shared>> -> memref<10112x16xf32, #tpu.memory_space<vmem_shared>>
        tpu.enqueue_indirect_dma source(%dma_start3A_170 : memref<128x16xf32, #tpu.memory_space<vmem>>) target(%dma_start3A_176 : memref<10112x16xf32, #tpu.memory_space<vmem_shared>>) offsets(%dma_start3A_173 : memref<128xi32, #tpu.memory_space<vmem>>) semaphore(%run_scoped3A : memref<!tpu.dma_semaphore, #tpu.memory_space<semaphore_mem>>) {add = true}
        %dma_wait3A_177 = arith.constant 128 : i32
        %dma_wait3A_178 = arith.constant 0 : i32
        %dma_wait3A_179 = tpu.memref_slice %arg8[%dma_wait3A_177, %dma_wait3A_178] : memref<512x16xf32, #tpu.memory_space<vmem>> -> memref<128x16xf32, #tpu.memory_space<vmem>>
        %dma_wait3A_180 = arith.constant 0 : i32
        %dma_wait3A_181 = tpu.memref_slice %arg7[%add3A_101, %dma_wait3A_180] : memref<80x128xi32, #tpu.memory_space<vmem>> -> memref<1x128xi32, #tpu.memory_space<vmem>>
        %dma_wait3A_182 = tpu.memref_squeeze %dma_wait3A_181 : memref<1x128xi32, #tpu.memory_space<vmem>> -> memref<128xi32, #tpu.memory_space<vmem>>
        %dma_wait3A_183 = arith.constant 0 : i32
        %dma_wait3A_184 = arith.constant 0 : i32
        %dma_wait3A_185 = tpu.memref_slice %arg10[%dma_wait3A_183, %dma_wait3A_184] : memref<10112x16xf32, #tpu.memory_space<vmem_shared>> -> memref<10112x16xf32, #tpu.memory_space<vmem_shared>>
        tpu.wait_indirect_dma semaphore(%run_scoped3A : memref<!tpu.dma_semaphore, #tpu.memory_space<semaphore_mem>>) src(%dma_wait3A_179 : memref<128x16xf32, #tpu.memory_space<vmem>>) dst(%dma_wait3A_185 : memref<10112x16xf32, #tpu.memory_space<vmem_shared>>)
        tpu.yield
      }) : () -> ()
      %add3A_114 = arith.constant 4 : i32
      %add3A_115 = arith.addi %add3A_101, %add3A_114 : i32
      %lt3A_116 = arith.constant 80 : i32
      %lt3A_117 = arith.cmpi slt, %add3A_115, %lt3A_116 : i32
      %convert_element_type3A_118 = arith.extui %lt3A_117 : i1 to i32
      %cond3A_119 = arith.constant 0 : i32
      %cond3A_120 = arith.cmpi ne, %convert_element_type3A_118, %cond3A_119 : i32
      scf.if %cond3A_120 {
        %add3A_168 = arith.constant 4 : i32
        %add3A_169 = arith.addi %add3A_101, %add3A_168 : i32
        %dma_start3A_170 = arith.constant 1 : i32
        %dma_start3A_171 = arith.constant 128 : i32
        %dma_start3A_172 = arith.constant 0 : i32
        %dma_start3A_173 = tpu.memref_slice %arg8[%dma_start3A_171, %dma_start3A_172] : memref<512x16xf32, #tpu.memory_space<vmem>> -> memref<128x16xf32, #tpu.memory_space<vmem>>
        %dma_start3A_174 = arith.constant 0 : i32
        %dma_start3A_175 = tpu.memref_slice %arg6[%add3A_169, %dma_start3A_174] : memref<80x128xi32, #tpu.memory_space<vmem>> -> memref<1x128xi32, #tpu.memory_space<vmem>>
        %dma_start3A_176 = tpu.memref_squeeze %dma_start3A_175 : memref<1x128xi32, #tpu.memory_space<vmem>> -> memref<128xi32, #tpu.memory_space<vmem>>
        %dma_start3A_177 = arith.constant 0 : i32
        %dma_start3A_178 = arith.constant 0 : i32
        %dma_start3A_179 = tpu.memref_slice %arg2[%dma_start3A_177, %dma_start3A_178] : memref<10000x16xf32, #tpu.memory_space<hbm>> -> memref<10000x16xf32, #tpu.memory_space<hbm>>
        %dma_start3A_180 = tpu.memref_slice %arg11[%dma_start3A_170] : memref<4x!tpu.dma_semaphore, #tpu.memory_space<semaphore_mem>> -> memref<1x!tpu.dma_semaphore, #tpu.memory_space<semaphore_mem>>
        %dma_start3A_181 = tpu.memref_squeeze %dma_start3A_180 : memref<1x!tpu.dma_semaphore, #tpu.memory_space<semaphore_mem>> -> memref<!tpu.dma_semaphore, #tpu.memory_space<semaphore_mem>>
        tpu.enqueue_indirect_dma source(%dma_start3A_179 : memref<10000x16xf32, #tpu.memory_space<hbm>>) target(%dma_start3A_173 : memref<128x16xf32, #tpu.memory_space<vmem>>) offsets(%dma_start3A_176 : memref<128xi32, #tpu.memory_space<vmem>>) semaphore(%dma_start3A_181 : memref<!tpu.dma_semaphore, #tpu.memory_space<semaphore_mem>>)
      } else {
      }
      %mul3A_121 = arith.constant 4 : i32
      %mul3A_122 = arith.muli %scan3A_77, %mul3A_121 : i32
      %add3A_123 = arith.constant 2 : i32
      %add3A_124 = arith.addi %mul3A_122, %add3A_123 : i32
      %dma_wait3A_125 = arith.constant 2 : i32
      %dma_wait3A_126 = arith.constant 256 : i32
      %dma_wait3A_127 = arith.constant 0 : i32
      %dma_wait3A_128 = tpu.memref_slice %arg8[%dma_wait3A_126, %dma_wait3A_127] : memref<512x16xf32, #tpu.memory_space<vmem>> -> memref<128x16xf32, #tpu.memory_space<vmem>>
      %dma_wait3A_129 = arith.constant 0 : i32
      %dma_wait3A_130 = tpu.memref_slice %arg6[%add3A_124, %dma_wait3A_129] : memref<80x128xi32, #tpu.memory_space<vmem>> -> memref<1x128xi32, #tpu.memory_space<vmem>>
      %dma_wait3A_131 = tpu.memref_squeeze %dma_wait3A_130 : memref<1x128xi32, #tpu.memory_space<vmem>> -> memref<128xi32, #tpu.memory_space<vmem>>
      %dma_wait3A_132 = arith.constant 0 : i32
      %dma_wait3A_133 = arith.constant 0 : i32
      %dma_wait3A_134 = tpu.memref_slice %arg2[%dma_wait3A_132, %dma_wait3A_133] : memref<10000x16xf32, #tpu.memory_space<hbm>> -> memref<10000x16xf32, #tpu.memory_space<hbm>>
      %dma_wait3A_135 = tpu.memref_slice %arg11[%dma_wait3A_125] : memref<4x!tpu.dma_semaphore, #tpu.memory_space<semaphore_mem>> -> memref<1x!tpu.dma_semaphore, #tpu.memory_space<semaphore_mem>>
      %dma_wait3A_136 = tpu.memref_squeeze %dma_wait3A_135 : memref<1x!tpu.dma_semaphore, #tpu.memory_space<semaphore_mem>> -> memref<!tpu.dma_semaphore, #tpu.memory_space<semaphore_mem>>
      tpu.wait_indirect_dma semaphore(%dma_wait3A_136 : memref<!tpu.dma_semaphore, #tpu.memory_space<semaphore_mem>>) src(%dma_wait3A_134 : memref<10000x16xf32, #tpu.memory_space<hbm>>) dst(%dma_wait3A_128 : memref<128x16xf32, #tpu.memory_space<vmem>>)
      "tpu.region"() ({
        %run_scoped3A = tpu.sem_alloc : memref<!tpu.dma_semaphore, #tpu.memory_space<semaphore_mem>>
        %dma_start3A_168 = arith.constant 256 : i32
        %dma_start3A_169 = arith.constant 0 : i32
        %dma_start3A_170 = tpu.memref_slice %arg8[%dma_start3A_168, %dma_start3A_169] : memref<512x16xf32, #tpu.memory_space<vmem>> -> memref<128x16xf32, #tpu.memory_space<vmem>>
        %dma_start3A_171 = arith.constant 0 : i32
        %dma_start3A_172 = tpu.memref_slice %arg7[%add3A_124, %dma_start3A_171] : memref<80x128xi32, #tpu.memory_space<vmem>> -> memref<1x128xi32, #tpu.memory_space<vmem>>
        %dma_start3A_173 = tpu.memref_squeeze %dma_start3A_172 : memref<1x128xi32, #tpu.memory_space<vmem>> -> memref<128xi32, #tpu.memory_space<vmem>>
        %dma_start3A_174 = arith.constant 0 : i32
        %dma_start3A_175 = arith.constant 0 : i32
        %dma_start3A_176 = tpu.memref_slice %arg10[%dma_start3A_174, %dma_start3A_175] : memref<10112x16xf32, #tpu.memory_space<vmem_shared>> -> memref<10112x16xf32, #tpu.memory_space<vmem_shared>>
        tpu.enqueue_indirect_dma source(%dma_start3A_170 : memref<128x16xf32, #tpu.memory_space<vmem>>) target(%dma_start3A_176 : memref<10112x16xf32, #tpu.memory_space<vmem_shared>>) offsets(%dma_start3A_173 : memref<128xi32, #tpu.memory_space<vmem>>) semaphore(%run_scoped3A : memref<!tpu.dma_semaphore, #tpu.memory_space<semaphore_mem>>) {add = true}
        %dma_wait3A_177 = arith.constant 256 : i32
        %dma_wait3A_178 = arith.constant 0 : i32
        %dma_wait3A_179 = tpu.memref_slice %arg8[%dma_wait3A_177, %dma_wait3A_178] : memref<512x16xf32, #tpu.memory_space<vmem>> -> memref<128x16xf32, #tpu.memory_space<vmem>>
        %dma_wait3A_180 = arith.constant 0 : i32
        %dma_wait3A_181 = tpu.memref_slice %arg7[%add3A_124, %dma_wait3A_180] : memref<80x128xi32, #tpu.memory_space<vmem>> -> memref<1x128xi32, #tpu.memory_space<vmem>>
        %dma_wait3A_182 = tpu.memref_squeeze %dma_wait3A_181 : memref<1x128xi32, #tpu.memory_space<vmem>> -> memref<128xi32, #tpu.memory_space<vmem>>
        %dma_wait3A_183 = arith.constant 0 : i32
        %dma_wait3A_184 = arith.constant 0 : i32
        %dma_wait3A_185 = tpu.memref_slice %arg10[%dma_wait3A_183, %dma_wait3A_184] : memref<10112x16xf32, #tpu.memory_space<vmem_shared>> -> memref<10112x16xf32, #tpu.memory_space<vmem_shared>>
        tpu.wait_indirect_dma semaphore(%run_scoped3A : memref<!tpu.dma_semaphore, #tpu.memory_space<semaphore_mem>>) src(%dma_wait3A_179 : memref<128x16xf32, #tpu.memory_space<vmem>>) dst(%dma_wait3A_185 : memref<10112x16xf32, #tpu.memory_space<vmem_shared>>)
        tpu.yield
      }) : () -> ()
      %add3A_137 = arith.constant 4 : i32
      %add3A_138 = arith.addi %add3A_124, %add3A_137 : i32
      %lt3A_139 = arith.constant 80 : i32
      %lt3A_140 = arith.cmpi slt, %add3A_138, %lt3A_139 : i32
      %convert_element_type3A_141 = arith.extui %lt3A_140 : i1 to i32
      %cond3A_142 = arith.constant 0 : i32
      %cond3A_143 = arith.cmpi ne, %convert_element_type3A_141, %cond3A_142 : i32
      scf.if %cond3A_143 {
        %add3A_168 = arith.constant 4 : i32
        %add3A_169 = arith.addi %add3A_124, %add3A_168 : i32
        %dma_start3A_170 = arith.constant 2 : i32
        %dma_start3A_171 = arith.constant 256 : i32
        %dma_start3A_172 = arith.constant 0 : i32
        %dma_start3A_173 = tpu.memref_slice %arg8[%dma_start3A_171, %dma_start3A_172] : memref<512x16xf32, #tpu.memory_space<vmem>> -> memref<128x16xf32, #tpu.memory_space<vmem>>
        %dma_start3A_174 = arith.constant 0 : i32
        %dma_start3A_175 = tpu.memref_slice %arg6[%add3A_169, %dma_start3A_174] : memref<80x128xi32, #tpu.memory_space<vmem>> -> memref<1x128xi32, #tpu.memory_space<vmem>>
        %dma_start3A_176 = tpu.memref_squeeze %dma_start3A_175 : memref<1x128xi32, #tpu.memory_space<vmem>> -> memref<128xi32, #tpu.memory_space<vmem>>
        %dma_start3A_177 = arith.constant 0 : i32
        %dma_start3A_178 = arith.constant 0 : i32
        %dma_start3A_179 = tpu.memref_slice %arg2[%dma_start3A_177, %dma_start3A_178] : memref<10000x16xf32, #tpu.memory_space<hbm>> -> memref<10000x16xf32, #tpu.memory_space<hbm>>
        %dma_start3A_180 = tpu.memref_slice %arg11[%dma_start3A_170] : memref<4x!tpu.dma_semaphore, #tpu.memory_space<semaphore_mem>> -> memref<1x!tpu.dma_semaphore, #tpu.memory_space<semaphore_mem>>
        %dma_start3A_181 = tpu.memref_squeeze %dma_start3A_180 : memref<1x!tpu.dma_semaphore, #tpu.memory_space<semaphore_mem>> -> memref<!tpu.dma_semaphore, #tpu.memory_space<semaphore_mem>>
        tpu.enqueue_indirect_dma source(%dma_start3A_179 : memref<10000x16xf32, #tpu.memory_space<hbm>>) target(%dma_start3A_173 : memref<128x16xf32, #tpu.memory_space<vmem>>) offsets(%dma_start3A_176 : memref<128xi32, #tpu.memory_space<vmem>>) semaphore(%dma_start3A_181 : memref<!tpu.dma_semaphore, #tpu.memory_space<semaphore_mem>>)
      } else {
      }
      %mul3A_144 = arith.constant 4 : i32
      %mul3A_145 = arith.muli %scan3A_77, %mul3A_144 : i32
      %add3A_146 = arith.constant 3 : i32
      %add3A_147 = arith.addi %mul3A_145, %add3A_146 : i32
      %dma_wait3A_148 = arith.constant 3 : i32
      %dma_wait3A_149 = arith.constant 384 : i32
      %dma_wait3A_150 = arith.constant 0 : i32
      %dma_wait3A_151 = tpu.memref_slice %arg8[%dma_wait3A_149, %dma_wait3A_150] : memref<512x16xf32, #tpu.memory_space<vmem>> -> memref<128x16xf32, #tpu.memory_space<vmem>>
      %dma_wait3A_152 = arith.constant 0 : i32
      %dma_wait3A_153 = tpu.memref_slice %arg6[%add3A_147, %dma_wait3A_152] : memref<80x128xi32, #tpu.memory_space<vmem>> -> memref<1x128xi32, #tpu.memory_space<vmem>>
      %dma_wait3A_154 = tpu.memref_squeeze %dma_wait3A_153 : memref<1x128xi32, #tpu.memory_space<vmem>> -> memref<128xi32, #tpu.memory_space<vmem>>
      %dma_wait3A_155 = arith.constant 0 : i32
      %dma_wait3A_156 = arith.constant 0 : i32
      %dma_wait3A_157 = tpu.memref_slice %arg2[%dma_wait3A_155, %dma_wait3A_156] : memref<10000x16xf32, #tpu.memory_space<hbm>> -> memref<10000x16xf32, #tpu.memory_space<hbm>>
      %dma_wait3A_158 = tpu.memref_slice %arg11[%dma_wait3A_148] : memref<4x!tpu.dma_semaphore, #tpu.memory_space<semaphore_mem>> -> memref<1x!tpu.dma_semaphore, #tpu.memory_space<semaphore_mem>>
      %dma_wait3A_159 = tpu.memref_squeeze %dma_wait3A_158 : memref<1x!tpu.dma_semaphore, #tpu.memory_space<semaphore_mem>> -> memref<!tpu.dma_semaphore, #tpu.memory_space<semaphore_mem>>
      tpu.wait_indirect_dma semaphore(%dma_wait3A_159 : memref<!tpu.dma_semaphore, #tpu.memory_space<semaphore_mem>>) src(%dma_wait3A_157 : memref<10000x16xf32, #tpu.memory_space<hbm>>) dst(%dma_wait3A_151 : memref<128x16xf32, #tpu.memory_space<vmem>>)
      "tpu.region"() ({
        %run_scoped3A = tpu.sem_alloc : memref<!tpu.dma_semaphore, #tpu.memory_space<semaphore_mem>>
        %dma_start3A_168 = arith.constant 384 : i32
        %dma_start3A_169 = arith.constant 0 : i32
        %dma_start3A_170 = tpu.memref_slice %arg8[%dma_start3A_168, %dma_start3A_169] : memref<512x16xf32, #tpu.memory_space<vmem>> -> memref<128x16xf32, #tpu.memory_space<vmem>>
        %dma_start3A_171 = arith.constant 0 : i32
        %dma_start3A_172 = tpu.memref_slice %arg7[%add3A_147, %dma_start3A_171] : memref<80x128xi32, #tpu.memory_space<vmem>> -> memref<1x128xi32, #tpu.memory_space<vmem>>
        %dma_start3A_173 = tpu.memref_squeeze %dma_start3A_172 : memref<1x128xi32, #tpu.memory_space<vmem>> -> memref<128xi32, #tpu.memory_space<vmem>>
        %dma_start3A_174 = arith.constant 0 : i32
        %dma_start3A_175 = arith.constant 0 : i32
        %dma_start3A_176 = tpu.memref_slice %arg10[%dma_start3A_174, %dma_start3A_175] : memref<10112x16xf32, #tpu.memory_space<vmem_shared>> -> memref<10112x16xf32, #tpu.memory_space<vmem_shared>>
        tpu.enqueue_indirect_dma source(%dma_start3A_170 : memref<128x16xf32, #tpu.memory_space<vmem>>) target(%dma_start3A_176 : memref<10112x16xf32, #tpu.memory_space<vmem_shared>>) offsets(%dma_start3A_173 : memref<128xi32, #tpu.memory_space<vmem>>) semaphore(%run_scoped3A : memref<!tpu.dma_semaphore, #tpu.memory_space<semaphore_mem>>) {add = true}
        %dma_wait3A_177 = arith.constant 384 : i32
        %dma_wait3A_178 = arith.constant 0 : i32
        %dma_wait3A_179 = tpu.memref_slice %arg8[%dma_wait3A_177, %dma_wait3A_178] : memref<512x16xf32, #tpu.memory_space<vmem>> -> memref<128x16xf32, #tpu.memory_space<vmem>>
        %dma_wait3A_180 = arith.constant 0 : i32
        %dma_wait3A_181 = tpu.memref_slice %arg7[%add3A_147, %dma_wait3A_180] : memref<80x128xi32, #tpu.memory_space<vmem>> -> memref<1x128xi32, #tpu.memory_space<vmem>>
        %dma_wait3A_182 = tpu.memref_squeeze %dma_wait3A_181 : memref<1x128xi32, #tpu.memory_space<vmem>> -> memref<128xi32, #tpu.memory_space<vmem>>
        %dma_wait3A_183 = arith.constant 0 : i32
        %dma_wait3A_184 = arith.constant 0 : i32
        %dma_wait3A_185 = tpu.memref_slice %arg10[%dma_wait3A_183, %dma_wait3A_184] : memref<10112x16xf32, #tpu.memory_space<vmem_shared>> -> memref<10112x16xf32, #tpu.memory_space<vmem_shared>>
        tpu.wait_indirect_dma semaphore(%run_scoped3A : memref<!tpu.dma_semaphore, #tpu.memory_space<semaphore_mem>>) src(%dma_wait3A_179 : memref<128x16xf32, #tpu.memory_space<vmem>>) dst(%dma_wait3A_185 : memref<10112x16xf32, #tpu.memory_space<vmem_shared>>)
        tpu.yield
      }) : () -> ()
      %add3A_160 = arith.constant 4 : i32
      %add3A_161 = arith.addi %add3A_147, %add3A_160 : i32
      %lt3A_162 = arith.constant 80 : i32
      %lt3A_163 = arith.cmpi slt, %add3A_161, %lt3A_162 : i32
      %convert_element_type3A_164 = arith.extui %lt3A_163 : i1 to i32
      %cond3A_165 = arith.constant 0 : i32
      %cond3A_166 = arith.cmpi ne, %convert_element_type3A_164, %cond3A_165 : i32
      scf.if %cond3A_166 {
        %add3A_168 = arith.constant 4 : i32
        %add3A_169 = arith.addi %add3A_147, %add3A_168 : i32
        %dma_start3A_170 = arith.constant 3 : i32
        %dma_start3A_171 = arith.constant 384 : i32
        %dma_start3A_172 = arith.constant 0 : i32
        %dma_start3A_173 = tpu.memref_slice %arg8[%dma_start3A_171, %dma_start3A_172] : memref<512x16xf32, #tpu.memory_space<vmem>> -> memref<128x16xf32, #tpu.memory_space<vmem>>
        %dma_start3A_174 = arith.constant 0 : i32
        %dma_start3A_175 = tpu.memref_slice %arg6[%add3A_169, %dma_start3A_174] : memref<80x128xi32, #tpu.memory_space<vmem>> -> memref<1x128xi32, #tpu.memory_space<vmem>>
        %dma_start3A_176 = tpu.memref_squeeze %dma_start3A_175 : memref<1x128xi32, #tpu.memory_space<vmem>> -> memref<128xi32, #tpu.memory_space<vmem>>
        %dma_start3A_177 = arith.constant 0 : i32
        %dma_start3A_178 = arith.constant 0 : i32
        %dma_start3A_179 = tpu.memref_slice %arg2[%dma_start3A_177, %dma_start3A_178] : memref<10000x16xf32, #tpu.memory_space<hbm>> -> memref<10000x16xf32, #tpu.memory_space<hbm>>
        %dma_start3A_180 = tpu.memref_slice %arg11[%dma_start3A_170] : memref<4x!tpu.dma_semaphore, #tpu.memory_space<semaphore_mem>> -> memref<1x!tpu.dma_semaphore, #tpu.memory_space<semaphore_mem>>
        %dma_start3A_181 = tpu.memref_squeeze %dma_start3A_180 : memref<1x!tpu.dma_semaphore, #tpu.memory_space<semaphore_mem>> -> memref<!tpu.dma_semaphore, #tpu.memory_space<semaphore_mem>>
        tpu.enqueue_indirect_dma source(%dma_start3A_179 : memref<10000x16xf32, #tpu.memory_space<hbm>>) target(%dma_start3A_173 : memref<128x16xf32, #tpu.memory_space<vmem>>) offsets(%dma_start3A_176 : memref<128xi32, #tpu.memory_space<vmem>>) semaphore(%dma_start3A_181 : memref<!tpu.dma_semaphore, #tpu.memory_space<semaphore_mem>>)
      } else {
      }
      %scan3A_167 = arith.constant 0 : i32
      scf.yield %scan3A_167 : i32
    }
    %scan3A_75 = arith.constant 20 : i32
    %barrier3A_76 = arith.constant 0 : index
    tpu.barrier barrier_id(%barrier3A_76)
    "tpu.region"() ({
      %run_scoped3A = tpu.sem_alloc : memref<!tpu.dma_semaphore, #tpu.memory_space<semaphore_mem>>
      %dma_start3A_77 = arith.constant 0 : i32
      %dma_start3A_78 = tpu.memref_slice %arg10[%multiple_of3A_5, %dma_start3A_77] : memref<10112x16xf32, #tpu.memory_space<vmem_shared>> -> memref<632x16xf32, #tpu.memory_space<vmem_shared>>
      %dma_start3A_79 = arith.constant 0 : i32
      %dma_start3A_80 = tpu.memref_slice %arg10[%multiple_of3A_5, %dma_start3A_79] : memref<10112x16xf32, #tpu.memory_space<vmem_shared>> -> memref<632x16xf32, #tpu.memory_space<vmem_shared>>
      tpu.enqueue_dma source(%dma_start3A_80 : memref<632x16xf32, #tpu.memory_space<vmem_shared>>) target(%arg9 : memref<632x16xf32, #tpu.memory_space<vmem>>) target_semaphore(%run_scoped3A : memref<!tpu.dma_semaphore, #tpu.memory_space<semaphore_mem>>)
      %dma_wait3A = arith.constant 0 : i32
      %dma_wait3A_81 = tpu.memref_slice %arg10[%multiple_of3A_5, %dma_wait3A] : memref<10112x16xf32, #tpu.memory_space<vmem_shared>> -> memref<632x16xf32, #tpu.memory_space<vmem_shared>>
      %dma_wait3A_82 = arith.constant 0 : i32
      %dma_wait3A_83 = tpu.memref_slice %arg10[%multiple_of3A_5, %dma_wait3A_82] : memref<10112x16xf32, #tpu.memory_space<vmem_shared>> -> memref<632x16xf32, #tpu.memory_space<vmem_shared>>
      tpu.wait_dma2 semaphore(%run_scoped3A : memref<!tpu.dma_semaphore, #tpu.memory_space<semaphore_mem>>) src(%dma_wait3A_83 : memref<632x16xf32, #tpu.memory_space<vmem_shared>>) dst(%arg9 : memref<632x16xf32, #tpu.memory_space<vmem>>)
      tpu.yield
    }) : () -> ()
    "tpu.region"() ({
      %run_scoped3A = tpu.sem_alloc : memref<!tpu.dma_semaphore, #tpu.memory_space<semaphore_mem>>
      %dma_start3A_77 = arith.constant 0 : i32
      %dma_start3A_78 = tpu.memref_slice %arg5[%multiple_of3A_11, %dma_start3A_77] : memref<20224x16xf32, #tpu.memory_space<hbm>> -> memref<632x16xf32, #tpu.memory_space<hbm>>
      %dma_start3A_79 = arith.constant 0 : i32
      %dma_start3A_80 = tpu.memref_slice %arg5[%multiple_of3A_11, %dma_start3A_79] : memref<20224x16xf32, #tpu.memory_space<hbm>> -> memref<632x16xf32, #tpu.memory_space<hbm>>
      tpu.enqueue_dma source(%arg9 : memref<632x16xf32, #tpu.memory_space<vmem>>) target(%dma_start3A_80 : memref<632x16xf32, #tpu.memory_space<hbm>>) target_semaphore(%run_scoped3A : memref<!tpu.dma_semaphore, #tpu.memory_space<semaphore_mem>>)
      %dma_wait3A = arith.constant 0 : i32
      %dma_wait3A_81 = tpu.memref_slice %arg5[%multiple_of3A_11, %dma_wait3A] : memref<20224x16xf32, #tpu.memory_space<hbm>> -> memref<632x16xf32, #tpu.memory_space<hbm>>
      %dma_wait3A_82 = arith.constant 0 : i32
      %dma_wait3A_83 = tpu.memref_slice %arg5[%multiple_of3A_11, %dma_wait3A_82] : memref<20224x16xf32, #tpu.memory_space<hbm>> -> memref<632x16xf32, #tpu.memory_space<hbm>>
      tpu.wait_dma2 semaphore(%run_scoped3A : memref<!tpu.dma_semaphore, #tpu.memory_space<semaphore_mem>>) src(%arg9 : memref<632x16xf32, #tpu.memory_space<vmem>>) dst(%dma_wait3A_83 : memref<632x16xf32, #tpu.memory_space<hbm>>)
      tpu.yield
    }) : () -> ()
    return
  }
}

#map = affine_map<(d0, d1) -> (0, 0)>
module attributes {stable_mosaic.version = 14 : i64} {
  func.func @_prop_body(%arg0: i32, %arg1: i32, %arg2: memref<10000x16xf32, #tpu.memory_space<hbm>>, %arg3: memref<2560x128xi32, #tpu.memory_space<hbm>>, %arg4: memref<2560x128xi32, #tpu.memory_space<hbm>>, %arg5: memref<20224x16xf32, #tpu.memory_space<hbm>>, %arg6: memref<80x128xi32, #tpu.memory_space<vmem>>, %arg7: memref<80x128xi32, #tpu.memory_space<vmem>>, %arg8: memref<512x16xf32, #tpu.memory_space<vmem>>, %arg9: memref<632x16xf32, #tpu.memory_space<vmem>>, %arg10: memref<10112x16xf32, #tpu.memory_space<vmem_shared>>, %arg11: memref<4x!tpu.dma_semaphore, #tpu.memory_space<semaphore_mem>>, %arg12: memref<4x!tpu.dma_semaphore, #tpu.memory_space<semaphore_mem>>) attributes {dimension_semantics = [#tpu.dimension_semantics<core_parallel>, #tpu.dimension_semantics<subcore_parallel>], iteration_bounds = array<i64: 2, 16>, scalar_prefetch = 0 : i64, scratch_operands = 7 : i64, tpu.core_type = #tpu.core_type<sc_vector_subcore>, window_params = [{transform_indices = #map}, {transform_indices = #map}, {transform_indices = #map}, {transform_indices = #map}]} {
    %mul3A = arith.constant 2 : i32
    %mul3A_0 = arith.muli %arg1, %mul3A : i32
    %add3A = arith.addi %mul3A_0, %arg0 : i32
    %mul3A_1 = arith.constant 80 : i32
    %mul3A_2 = arith.muli %add3A, %mul3A_1 : i32
    %multiple_of3A = tpu.assume_multiple %mul3A_2, 8 : i32
    %mul3A_3 = arith.constant 632 : i32
    %mul3A_4 = arith.muli %arg1, %mul3A_3 : i32
    %multiple_of3A_5 = tpu.assume_multiple %mul3A_4, 8 : i32
    %mul3A_6 = arith.constant 10112 : i32
    %mul3A_7 = arith.muli %arg0, %mul3A_6 : i32
    %mul3A_8 = arith.constant 632 : i32
    %mul3A_9 = arith.muli %arg1, %mul3A_8 : i32
    %add3A_10 = arith.addi %mul3A_7, %mul3A_9 : i32
    %multiple_of3A_11 = tpu.assume_multiple %add3A_10, 8 : i32
    %scan3A = arith.constant 0 : i32
    %scan3A_12 = arith.constant 0 : i32
    %scan3A_13 = arith.constant 632 : i32
    %scan3A_14 = arith.addi %scan3A_12, %scan3A_13 : i32
    %scan3A_15 = arith.constant 1 : i32
    %scan3A_16 = scf.for %scan3A_77 = %scan3A_12 to %scan3A_14 step %scan3A_15 iter_args(%scan3A_78 = %scan3A) -> (i32)  : i32 {
      %broadcast_in_dim3A = arith.constant 0.000000e+00 : f32
      %broadcast_in_dim3A_79 = vector.broadcast %broadcast_in_dim3A : f32 to vector<16xf32>
      %swap3A = arith.index_cast %scan3A_77 : i32 to index
      %swap3A_80 = arith.constant 0 : index
      %swap3A_81 = tpu.vector_load %arg9[%swap3A, %swap3A_80] {strides = array<i32>} : memref<632x16xf32, #tpu.memory_space<vmem>>, vector<1x16xf32>,
      %swap3A_82 = vector.shape_cast %swap3A_81 : vector<1x16xf32> to vector<16xf32>
      %swap3A_83 = vector.shape_cast %broadcast_in_dim3A_79 : vector<16xf32> to vector<1x16xf32>
      tpu.vector_store %arg9[%swap3A, %swap3A_80], %swap3A_83 {strides = array<i32>} : memref<632x16xf32, #tpu.memory_space<vmem>>, vector<1x16xf32>,
      %scan3A_84 = arith.constant 0 : i32
      scf.yield %scan3A_84 : i32
    }
    %scan3A_17 = arith.constant 632 : i32
    "tpu.region"() ({
      %run_scoped3A = tpu.sem_alloc : memref<!tpu.dma_semaphore, #tpu.memory_space<semaphore_mem>>
      %dma_start3A_77 = arith.constant 0 : i32
      %dma_start3A_78 = tpu.memref_slice %arg10[%multiple_of3A_5, %dma_start3A_77] : memref<10112x16xf32, #tpu.memory_space<vmem_shared>> -> memref<632x16xf32, #tpu.memory_space<vmem_shared>>
      %dma_start3A_79 = arith.constant 0 : i32
      %dma_start3A_80 = tpu.memref_slice %arg10[%multiple_of3A_5, %dma_start3A_79] : memref<10112x16xf32, #tpu.memory_space<vmem_shared>> -> memref<632x16xf32, #tpu.memory_space<vmem_shared>>
      tpu.enqueue_dma source(%arg9 : memref<632x16xf32, #tpu.memory_space<vmem>>) target(%dma_start3A_80 : memref<632x16xf32, #tpu.memory_space<vmem_shared>>) target_semaphore(%run_scoped3A : memref<!tpu.dma_semaphore, #tpu.memory_space<semaphore_mem>>)
      %dma_wait3A = arith.constant 0 : i32
      %dma_wait3A_81 = tpu.memref_slice %arg10[%multiple_of3A_5, %dma_wait3A] : memref<10112x16xf32, #tpu.memory_space<vmem_shared>> -> memref<632x16xf32, #tpu.memory_space<vmem_shared>>
      %dma_wait3A_82 = arith.constant 0 : i32
      %dma_wait3A_83 = tpu.memref_slice %arg10[%multiple_of3A_5, %dma_wait3A_82] : memref<10112x16xf32, #tpu.memory_space<vmem_shared>> -> memref<632x16xf32, #tpu.memory_space<vmem_shared>>
      tpu.wait_dma2 semaphore(%run_scoped3A : memref<!tpu.dma_semaphore, #tpu.memory_space<semaphore_mem>>) src(%arg9 : memref<632x16xf32, #tpu.memory_space<vmem>>) dst(%dma_wait3A_83 : memref<632x16xf32, #tpu.memory_space<vmem_shared>>)
      tpu.yield
    }) : () -> ()
    "tpu.region"() ({
      %run_scoped3A = tpu.sem_alloc : memref<!tpu.dma_semaphore, #tpu.memory_space<semaphore_mem>>
      %dma_start3A_77 = arith.constant 0 : i32
      %dma_start3A_78 = tpu.memref_slice %arg3[%multiple_of3A, %dma_start3A_77] : memref<2560x128xi32, #tpu.memory_space<hbm>> -> memref<80x128xi32, #tpu.memory_space<hbm>>
      %dma_start3A_79 = arith.constant 0 : i32
      %dma_start3A_80 = tpu.memref_slice %arg3[%multiple_of3A, %dma_start3A_79] : memref<2560x128xi32, #tpu.memory_space<hbm>> -> memref<80x128xi32, #tpu.memory_space<hbm>>
      tpu.enqueue_dma source(%dma_start3A_80 : memref<80x128xi32, #tpu.memory_space<hbm>>) target(%arg6 : memref<80x128xi32, #tpu.memory_space<vmem>>) target_semaphore(%run_scoped3A : memref<!tpu.dma_semaphore, #tpu.memory_space<semaphore_mem>>)
      %dma_wait3A = arith.constant 0 : i32
      %dma_wait3A_81 = tpu.memref_slice %arg3[%multiple_of3A, %dma_wait3A] : memref<2560x128xi32, #tpu.memory_space<hbm>> -> memref<80x128xi32, #tpu.memory_space<hbm>>
      %dma_wait3A_82 = arith.constant 0 : i32
      %dma_wait3A_83 = tpu.memref_slice %arg3[%multiple_of3A, %dma_wait3A_82] : memref<2560x128xi32, #tpu.memory_space<hbm>> -> memref<80x128xi32, #tpu.memory_space<hbm>>
      tpu.wait_dma2 semaphore(%run_scoped3A : memref<!tpu.dma_semaphore, #tpu.memory_space<semaphore_mem>>) src(%dma_wait3A_83 : memref<80x128xi32, #tpu.memory_space<hbm>>) dst(%arg6 : memref<80x128xi32, #tpu.memory_space<vmem>>)
      tpu.yield
    }) : () -> ()
    "tpu.region"() ({
      %run_scoped3A = tpu.sem_alloc : memref<!tpu.dma_semaphore, #tpu.memory_space<semaphore_mem>>
      %dma_start3A_77 = arith.constant 0 : i32
      %dma_start3A_78 = tpu.memref_slice %arg4[%multiple_of3A, %dma_start3A_77] : memref<2560x128xi32, #tpu.memory_space<hbm>> -> memref<80x128xi32, #tpu.memory_space<hbm>>
      %dma_start3A_79 = arith.constant 0 : i32
      %dma_start3A_80 = tpu.memref_slice %arg4[%multiple_of3A, %dma_start3A_79] : memref<2560x128xi32, #tpu.memory_space<hbm>> -> memref<80x128xi32, #tpu.memory_space<hbm>>
      tpu.enqueue_dma source(%dma_start3A_80 : memref<80x128xi32, #tpu.memory_space<hbm>>) target(%arg7 : memref<80x128xi32, #tpu.memory_space<vmem>>) target_semaphore(%run_scoped3A : memref<!tpu.dma_semaphore, #tpu.memory_space<semaphore_mem>>)
      %dma_wait3A = arith.constant 0 : i32
      %dma_wait3A_81 = tpu.memref_slice %arg4[%multiple_of3A, %dma_wait3A] : memref<2560x128xi32, #tpu.memory_space<hbm>> -> memref<80x128xi32, #tpu.memory_space<hbm>>
      %dma_wait3A_82 = arith.constant 0 : i32
      %dma_wait3A_83 = tpu.memref_slice %arg4[%multiple_of3A, %dma_wait3A_82] : memref<2560x128xi32, #tpu.memory_space<hbm>> -> memref<80x128xi32, #tpu.memory_space<hbm>>
      tpu.wait_dma2 semaphore(%run_scoped3A : memref<!tpu.dma_semaphore, #tpu.memory_space<semaphore_mem>>) src(%dma_wait3A_83 : memref<80x128xi32, #tpu.memory_space<hbm>>) dst(%arg7 : memref<80x128xi32, #tpu.memory_space<vmem>>)
      tpu.yield
    }) : () -> ()
    %barrier3A = arith.constant 0 : index
    tpu.barrier barrier_id(%barrier3A)
    %dma_start3A = arith.constant 0 : i32
    %dma_start3A_18 = arith.constant 0 : i32
    %dma_start3A_19 = arith.constant 0 : i32
    %dma_start3A_20 = arith.constant 0 : i32
    %dma_start3A_21 = tpu.memref_slice %arg8[%dma_start3A_19, %dma_start3A_20] : memref<512x16xf32, #tpu.memory_space<vmem>> -> memref<128x16xf32, #tpu.memory_space<vmem>>
    %dma_start3A_22 = arith.constant 0 : i32
    %dma_start3A_23 = tpu.memref_slice %arg6[%dma_start3A, %dma_start3A_22] : memref<80x128xi32, #tpu.memory_space<vmem>> -> memref<1x128xi32, #tpu.memory_space<vmem>>
    %dma_start3A_24 = tpu.memref_squeeze %dma_start3A_23 : memref<1x128xi32, #tpu.memory_space<vmem>> -> memref<128xi32, #tpu.memory_space<vmem>>
    %dma_start3A_25 = arith.constant 0 : i32
    %dma_start3A_26 = arith.constant 0 : i32
    %dma_start3A_27 = tpu.memref_slice %arg2[%dma_start3A_25, %dma_start3A_26] : memref<10000x16xf32, #tpu.memory_space<hbm>> -> memref<10000x16xf32, #tpu.memory_space<hbm>>
    %dma_start3A_28 = tpu.memref_slice %arg11[%dma_start3A_18] : memref<4x!tpu.dma_semaphore, #tpu.memory_space<semaphore_mem>> -> memref<1x!tpu.dma_semaphore, #tpu.memory_space<semaphore_mem>>
    %dma_start3A_29 = tpu.memref_squeeze %dma_start3A_28 : memref<1x!tpu.dma_semaphore, #tpu.memory_space<semaphore_mem>> -> memref<!tpu.dma_semaphore, #tpu.memory_space<semaphore_mem>>
    tpu.enqueue_indirect_dma source(%dma_start3A_27 : memref<10000x16xf32, #tpu.memory_space<hbm>>) target(%dma_start3A_21 : memref<128x16xf32, #tpu.memory_space<vmem>>) offsets(%dma_start3A_24 : memref<128xi32, #tpu.memory_space<vmem>>) semaphore(%dma_start3A_29 : memref<!tpu.dma_semaphore, #tpu.memory_space<semaphore_mem>>)
    %dma_start3A_30 = arith.constant 1 : i32
    %dma_start3A_31 = arith.constant 1 : i32
    %dma_start3A_32 = arith.constant 128 : i32
    %dma_start3A_33 = arith.constant 0 : i32
    %dma_start3A_34 = tpu.memref_slice %arg8[%dma_start3A_32, %dma_start3A_33] : memref<512x16xf32, #tpu.memory_space<vmem>> -> memref<128x16xf32, #tpu.memory_space<vmem>>
    %dma_start3A_35 = arith.constant 0 : i32
    %dma_start3A_36 = tpu.memref_slice %arg6[%dma_start3A_30, %dma_start3A_35] : memref<80x128xi32, #tpu.memory_space<vmem>> -> memref<1x128xi32, #tpu.memory_space<vmem>>
    %dma_start3A_37 = tpu.memref_squeeze %dma_start3A_36 : memref<1x128xi32, #tpu.memory_space<vmem>> -> memref<128xi32, #tpu.memory_space<vmem>>
    %dma_start3A_38 = arith.constant 0 : i32
    %dma_start3A_39 = arith.constant 0 : i32
    %dma_start3A_40 = tpu.memref_slice %arg2[%dma_start3A_38, %dma_start3A_39] : memref<10000x16xf32, #tpu.memory_space<hbm>> -> memref<10000x16xf32, #tpu.memory_space<hbm>>
    %dma_start3A_41 = tpu.memref_slice %arg11[%dma_start3A_31] : memref<4x!tpu.dma_semaphore, #tpu.memory_space<semaphore_mem>> -> memref<1x!tpu.dma_semaphore, #tpu.memory_space<semaphore_mem>>
    %dma_start3A_42 = tpu.memref_squeeze %dma_start3A_41 : memref<1x!tpu.dma_semaphore, #tpu.memory_space<semaphore_mem>> -> memref<!tpu.dma_semaphore, #tpu.memory_space<semaphore_mem>>
    tpu.enqueue_indirect_dma source(%dma_start3A_40 : memref<10000x16xf32, #tpu.memory_space<hbm>>) target(%dma_start3A_34 : memref<128x16xf32, #tpu.memory_space<vmem>>) offsets(%dma_start3A_37 : memref<128xi32, #tpu.memory_space<vmem>>) semaphore(%dma_start3A_42 : memref<!tpu.dma_semaphore, #tpu.memory_space<semaphore_mem>>)
    %dma_start3A_43 = arith.constant 2 : i32
    %dma_start3A_44 = arith.constant 2 : i32
    %dma_start3A_45 = arith.constant 256 : i32
    %dma_start3A_46 = arith.constant 0 : i32
    %dma_start3A_47 = tpu.memref_slice %arg8[%dma_start3A_45, %dma_start3A_46] : memref<512x16xf32, #tpu.memory_space<vmem>> -> memref<128x16xf32, #tpu.memory_space<vmem>>
    %dma_start3A_48 = arith.constant 0 : i32
    %dma_start3A_49 = tpu.memref_slice %arg6[%dma_start3A_43, %dma_start3A_48] : memref<80x128xi32, #tpu.memory_space<vmem>> -> memref<1x128xi32, #tpu.memory_space<vmem>>
    %dma_start3A_50 = tpu.memref_squeeze %dma_start3A_49 : memref<1x128xi32, #tpu.memory_space<vmem>> -> memref<128xi32, #tpu.memory_space<vmem>>
    %dma_start3A_51 = arith.constant 0 : i32
    %dma_start3A_52 = arith.constant 0 : i32
    %dma_start3A_53 = tpu.memref_slice %arg2[%dma_start3A_51, %dma_start3A_52] : memref<10000x16xf32, #tpu.memory_space<hbm>> -> memref<10000x16xf32, #tpu.memory_space<hbm>>
    %dma_start3A_54 = tpu.memref_slice %arg11[%dma_start3A_44] : memref<4x!tpu.dma_semaphore, #tpu.memory_space<semaphore_mem>> -> memref<1x!tpu.dma_semaphore, #tpu.memory_space<semaphore_mem>>
    %dma_start3A_55 = tpu.memref_squeeze %dma_start3A_54 : memref<1x!tpu.dma_semaphore, #tpu.memory_space<semaphore_mem>> -> memref<!tpu.dma_semaphore, #tpu.memory_space<semaphore_mem>>
    tpu.enqueue_indirect_dma source(%dma_start3A_53 : memref<10000x16xf32, #tpu.memory_space<hbm>>) target(%dma_start3A_47 : memref<128x16xf32, #tpu.memory_space<vmem>>) offsets(%dma_start3A_50 : memref<128xi32, #tpu.memory_space<vmem>>) semaphore(%dma_start3A_55 : memref<!tpu.dma_semaphore, #tpu.memory_space<semaphore_mem>>)
    %dma_start3A_56 = arith.constant 3 : i32
    %dma_start3A_57 = arith.constant 3 : i32
    %dma_start3A_58 = arith.constant 384 : i32
    %dma_start3A_59 = arith.constant 0 : i32
    %dma_start3A_60 = tpu.memref_slice %arg8[%dma_start3A_58, %dma_start3A_59] : memref<512x16xf32, #tpu.memory_space<vmem>> -> memref<128x16xf32, #tpu.memory_space<vmem>>
    %dma_start3A_61 = arith.constant 0 : i32
    %dma_start3A_62 = tpu.memref_slice %arg6[%dma_start3A_56, %dma_start3A_61] : memref<80x128xi32, #tpu.memory_space<vmem>> -> memref<1x128xi32, #tpu.memory_space<vmem>>
    %dma_start3A_63 = tpu.memref_squeeze %dma_start3A_62 : memref<1x128xi32, #tpu.memory_space<vmem>> -> memref<128xi32, #tpu.memory_space<vmem>>
    %dma_start3A_64 = arith.constant 0 : i32
    %dma_start3A_65 = arith.constant 0 : i32
    %dma_start3A_66 = tpu.memref_slice %arg2[%dma_start3A_64, %dma_start3A_65] : memref<10000x16xf32, #tpu.memory_space<hbm>> -> memref<10000x16xf32, #tpu.memory_space<hbm>>
    %dma_start3A_67 = tpu.memref_slice %arg11[%dma_start3A_57] : memref<4x!tpu.dma_semaphore, #tpu.memory_space<semaphore_mem>> -> memref<1x!tpu.dma_semaphore, #tpu.memory_space<semaphore_mem>>
    %dma_start3A_68 = tpu.memref_squeeze %dma_start3A_67 : memref<1x!tpu.dma_semaphore, #tpu.memory_space<semaphore_mem>> -> memref<!tpu.dma_semaphore, #tpu.memory_space<semaphore_mem>>
    tpu.enqueue_indirect_dma source(%dma_start3A_66 : memref<10000x16xf32, #tpu.memory_space<hbm>>) target(%dma_start3A_60 : memref<128x16xf32, #tpu.memory_space<vmem>>) offsets(%dma_start3A_63 : memref<128xi32, #tpu.memory_space<vmem>>) semaphore(%dma_start3A_68 : memref<!tpu.dma_semaphore, #tpu.memory_space<semaphore_mem>>)
    %scan3A_69 = arith.constant 0 : i32
    %scan3A_70 = arith.constant 0 : i32
    %scan3A_71 = arith.constant 20 : i32
    %scan3A_72 = arith.addi %scan3A_70, %scan3A_71 : i32
    %scan3A_73 = arith.constant 1 : i32
    %scan3A_74 = scf.for %scan3A_77 = %scan3A_70 to %scan3A_72 step %scan3A_73 iter_args(%scan3A_78 = %scan3A_69) -> (i32)  : i32 {
      %mul3A_79 = arith.constant 4 : i32
      %mul3A_80 = arith.muli %scan3A_77, %mul3A_79 : i32
      %add3A_81 = arith.constant 0 : i32
      %add3A_82 = arith.addi %mul3A_80, %add3A_81 : i32
      %dma_wait3A = arith.constant 0 : i32
      %dma_wait3A_83 = arith.constant 0 : i32
      %dma_wait3A_84 = arith.constant 0 : i32
      %dma_wait3A_85 = tpu.memref_slice %arg8[%dma_wait3A_83, %dma_wait3A_84] : memref<512x16xf32, #tpu.memory_space<vmem>> -> memref<128x16xf32, #tpu.memory_space<vmem>>
      %dma_wait3A_86 = arith.constant 0 : i32
      %dma_wait3A_87 = tpu.memref_slice %arg6[%add3A_82, %dma_wait3A_86] : memref<80x128xi32, #tpu.memory_space<vmem>> -> memref<1x128xi32, #tpu.memory_space<vmem>>
      %dma_wait3A_88 = tpu.memref_squeeze %dma_wait3A_87 : memref<1x128xi32, #tpu.memory_space<vmem>> -> memref<128xi32, #tpu.memory_space<vmem>>
      %dma_wait3A_89 = arith.constant 0 : i32
      %dma_wait3A_90 = arith.constant 0 : i32
      %dma_wait3A_91 = tpu.memref_slice %arg2[%dma_wait3A_89, %dma_wait3A_90] : memref<10000x16xf32, #tpu.memory_space<hbm>> -> memref<10000x16xf32, #tpu.memory_space<hbm>>
      %dma_wait3A_92 = tpu.memref_slice %arg11[%dma_wait3A] : memref<4x!tpu.dma_semaphore, #tpu.memory_space<semaphore_mem>> -> memref<1x!tpu.dma_semaphore, #tpu.memory_space<semaphore_mem>>
      %dma_wait3A_93 = tpu.memref_squeeze %dma_wait3A_92 : memref<1x!tpu.dma_semaphore, #tpu.memory_space<semaphore_mem>> -> memref<!tpu.dma_semaphore, #tpu.memory_space<semaphore_mem>>
      tpu.wait_indirect_dma semaphore(%dma_wait3A_93 : memref<!tpu.dma_semaphore, #tpu.memory_space<semaphore_mem>>) src(%dma_wait3A_91 : memref<10000x16xf32, #tpu.memory_space<hbm>>) dst(%dma_wait3A_85 : memref<128x16xf32, #tpu.memory_space<vmem>>)
      "tpu.region"() ({
        %run_scoped3A = tpu.sem_alloc : memref<!tpu.dma_semaphore, #tpu.memory_space<semaphore_mem>>
        %dma_start3A_168 = arith.constant 0 : i32
        %dma_start3A_169 = arith.constant 0 : i32
        %dma_start3A_170 = tpu.memref_slice %arg8[%dma_start3A_168, %dma_start3A_169] : memref<512x16xf32, #tpu.memory_space<vmem>> -> memref<128x16xf32, #tpu.memory_space<vmem>>
        %dma_start3A_171 = arith.constant 0 : i32
        %dma_start3A_172 = tpu.memref_slice %arg7[%add3A_82, %dma_start3A_171] : memref<80x128xi32, #tpu.memory_space<vmem>> -> memref<1x128xi32, #tpu.memory_space<vmem>>
        %dma_start3A_173 = tpu.memref_squeeze %dma_start3A_172 : memref<1x128xi32, #tpu.memory_space<vmem>> -> memref<128xi32, #tpu.memory_space<vmem>>
        %dma_start3A_174 = arith.constant 0 : i32
        %dma_start3A_175 = arith.constant 0 : i32
        %dma_start3A_176 = tpu.memref_slice %arg10[%dma_start3A_174, %dma_start3A_175] : memref<10112x16xf32, #tpu.memory_space<vmem_shared>> -> memref<10112x16xf32, #tpu.memory_space<vmem_shared>>
        tpu.enqueue_indirect_dma source(%dma_start3A_170 : memref<128x16xf32, #tpu.memory_space<vmem>>) target(%dma_start3A_176 : memref<10112x16xf32, #tpu.memory_space<vmem_shared>>) offsets(%dma_start3A_173 : memref<128xi32, #tpu.memory_space<vmem>>) semaphore(%run_scoped3A : memref<!tpu.dma_semaphore, #tpu.memory_space<semaphore_mem>>) {add = true}
        %dma_wait3A_177 = arith.constant 0 : i32
        %dma_wait3A_178 = arith.constant 0 : i32
        %dma_wait3A_179 = tpu.memref_slice %arg8[%dma_wait3A_177, %dma_wait3A_178] : memref<512x16xf32, #tpu.memory_space<vmem>> -> memref<128x16xf32, #tpu.memory_space<vmem>>
        %dma_wait3A_180 = arith.constant 0 : i32
        %dma_wait3A_181 = tpu.memref_slice %arg7[%add3A_82, %dma_wait3A_180] : memref<80x128xi32, #tpu.memory_space<vmem>> -> memref<1x128xi32, #tpu.memory_space<vmem>>
        %dma_wait3A_182 = tpu.memref_squeeze %dma_wait3A_181 : memref<1x128xi32, #tpu.memory_space<vmem>> -> memref<128xi32, #tpu.memory_space<vmem>>
        %dma_wait3A_183 = arith.constant 0 : i32
        %dma_wait3A_184 = arith.constant 0 : i32
        %dma_wait3A_185 = tpu.memref_slice %arg10[%dma_wait3A_183, %dma_wait3A_184] : memref<10112x16xf32, #tpu.memory_space<vmem_shared>> -> memref<10112x16xf32, #tpu.memory_space<vmem_shared>>
        tpu.wait_indirect_dma semaphore(%run_scoped3A : memref<!tpu.dma_semaphore, #tpu.memory_space<semaphore_mem>>) src(%dma_wait3A_179 : memref<128x16xf32, #tpu.memory_space<vmem>>) dst(%dma_wait3A_185 : memref<10112x16xf32, #tpu.memory_space<vmem_shared>>)
        tpu.yield
      }) : () -> ()
      %add3A_94 = arith.constant 4 : i32
      %add3A_95 = arith.addi %add3A_82, %add3A_94 : i32
      %lt3A = arith.constant 80 : i32
      %lt3A_96 = arith.cmpi slt, %add3A_95, %lt3A : i32
      %convert_element_type3A = arith.extui %lt3A_96 : i1 to i32
      %cond3A = arith.constant 0 : i32
      %cond3A_97 = arith.cmpi ne, %convert_element_type3A, %cond3A : i32
      scf.if %cond3A_97 {
        %add3A_168 = arith.constant 4 : i32
        %add3A_169 = arith.addi %add3A_82, %add3A_168 : i32
        %dma_start3A_170 = arith.constant 0 : i32
        %dma_start3A_171 = arith.constant 0 : i32
        %dma_start3A_172 = arith.constant 0 : i32
        %dma_start3A_173 = tpu.memref_slice %arg8[%dma_start3A_171, %dma_start3A_172] : memref<512x16xf32, #tpu.memory_space<vmem>> -> memref<128x16xf32, #tpu.memory_space<vmem>>
        %dma_start3A_174 = arith.constant 0 : i32
        %dma_start3A_175 = tpu.memref_slice %arg6[%add3A_169, %dma_start3A_174] : memref<80x128xi32, #tpu.memory_space<vmem>> -> memref<1x128xi32, #tpu.memory_space<vmem>>
        %dma_start3A_176 = tpu.memref_squeeze %dma_start3A_175 : memref<1x128xi32, #tpu.memory_space<vmem>> -> memref<128xi32, #tpu.memory_space<vmem>>
        %dma_start3A_177 = arith.constant 0 : i32
        %dma_start3A_178 = arith.constant 0 : i32
        %dma_start3A_179 = tpu.memref_slice %arg2[%dma_start3A_177, %dma_start3A_178] : memref<10000x16xf32, #tpu.memory_space<hbm>> -> memref<10000x16xf32, #tpu.memory_space<hbm>>
        %dma_start3A_180 = tpu.memref_slice %arg11[%dma_start3A_170] : memref<4x!tpu.dma_semaphore, #tpu.memory_space<semaphore_mem>> -> memref<1x!tpu.dma_semaphore, #tpu.memory_space<semaphore_mem>>
        %dma_start3A_181 = tpu.memref_squeeze %dma_start3A_180 : memref<1x!tpu.dma_semaphore, #tpu.memory_space<semaphore_mem>> -> memref<!tpu.dma_semaphore, #tpu.memory_space<semaphore_mem>>
        tpu.enqueue_indirect_dma source(%dma_start3A_179 : memref<10000x16xf32, #tpu.memory_space<hbm>>) target(%dma_start3A_173 : memref<128x16xf32, #tpu.memory_space<vmem>>) offsets(%dma_start3A_176 : memref<128xi32, #tpu.memory_space<vmem>>) semaphore(%dma_start3A_181 : memref<!tpu.dma_semaphore, #tpu.memory_space<semaphore_mem>>)
      } else {
      }
      %mul3A_98 = arith.constant 4 : i32
      %mul3A_99 = arith.muli %scan3A_77, %mul3A_98 : i32
      %add3A_100 = arith.constant 1 : i32
      %add3A_101 = arith.addi %mul3A_99, %add3A_100 : i32
      %dma_wait3A_102 = arith.constant 1 : i32
      %dma_wait3A_103 = arith.constant 128 : i32
      %dma_wait3A_104 = arith.constant 0 : i32
      %dma_wait3A_105 = tpu.memref_slice %arg8[%dma_wait3A_103, %dma_wait3A_104] : memref<512x16xf32, #tpu.memory_space<vmem>> -> memref<128x16xf32, #tpu.memory_space<vmem>>
      %dma_wait3A_106 = arith.constant 0 : i32
      %dma_wait3A_107 = tpu.memref_slice %arg6[%add3A_101, %dma_wait3A_106] : memref<80x128xi32, #tpu.memory_space<vmem>> -> memref<1x128xi32, #tpu.memory_space<vmem>>
      %dma_wait3A_108 = tpu.memref_squeeze %dma_wait3A_107 : memref<1x128xi32, #tpu.memory_space<vmem>> -> memref<128xi32, #tpu.memory_space<vmem>>
      %dma_wait3A_109 = arith.constant 0 : i32
      %dma_wait3A_110 = arith.constant 0 : i32
      %dma_wait3A_111 = tpu.memref_slice %arg2[%dma_wait3A_109, %dma_wait3A_110] : memref<10000x16xf32, #tpu.memory_space<hbm>> -> memref<10000x16xf32, #tpu.memory_space<hbm>>
      %dma_wait3A_112 = tpu.memref_slice %arg11[%dma_wait3A_102] : memref<4x!tpu.dma_semaphore, #tpu.memory_space<semaphore_mem>> -> memref<1x!tpu.dma_semaphore, #tpu.memory_space<semaphore_mem>>
      %dma_wait3A_113 = tpu.memref_squeeze %dma_wait3A_112 : memref<1x!tpu.dma_semaphore, #tpu.memory_space<semaphore_mem>> -> memref<!tpu.dma_semaphore, #tpu.memory_space<semaphore_mem>>
      tpu.wait_indirect_dma semaphore(%dma_wait3A_113 : memref<!tpu.dma_semaphore, #tpu.memory_space<semaphore_mem>>) src(%dma_wait3A_111 : memref<10000x16xf32, #tpu.memory_space<hbm>>) dst(%dma_wait3A_105 : memref<128x16xf32, #tpu.memory_space<vmem>>)
      "tpu.region"() ({
        %run_scoped3A = tpu.sem_alloc : memref<!tpu.dma_semaphore, #tpu.memory_space<semaphore_mem>>
        %dma_start3A_168 = arith.constant 128 : i32
        %dma_start3A_169 = arith.constant 0 : i32
        %dma_start3A_170 = tpu.memref_slice %arg8[%dma_start3A_168, %dma_start3A_169] : memref<512x16xf32, #tpu.memory_space<vmem>> -> memref<128x16xf32, #tpu.memory_space<vmem>>
        %dma_start3A_171 = arith.constant 0 : i32
        %dma_start3A_172 = tpu.memref_slice %arg7[%add3A_101, %dma_start3A_171] : memref<80x128xi32, #tpu.memory_space<vmem>> -> memref<1x128xi32, #tpu.memory_space<vmem>>
        %dma_start3A_173 = tpu.memref_squeeze %dma_start3A_172 : memref<1x128xi32, #tpu.memory_space<vmem>> -> memref<128xi32, #tpu.memory_space<vmem>>
        %dma_start3A_174 = arith.constant 0 : i32
        %dma_start3A_175 = arith.constant 0 : i32
        %dma_start3A_176 = tpu.memref_slice %arg10[%dma_start3A_174, %dma_start3A_175] : memref<10112x16xf32, #tpu.memory_space<vmem_shared>> -> memref<10112x16xf32, #tpu.memory_space<vmem_shared>>
        tpu.enqueue_indirect_dma source(%dma_start3A_170 : memref<128x16xf32, #tpu.memory_space<vmem>>) target(%dma_start3A_176 : memref<10112x16xf32, #tpu.memory_space<vmem_shared>>) offsets(%dma_start3A_173 : memref<128xi32, #tpu.memory_space<vmem>>) semaphore(%run_scoped3A : memref<!tpu.dma_semaphore, #tpu.memory_space<semaphore_mem>>) {add = true}
        %dma_wait3A_177 = arith.constant 128 : i32
        %dma_wait3A_178 = arith.constant 0 : i32
        %dma_wait3A_179 = tpu.memref_slice %arg8[%dma_wait3A_177, %dma_wait3A_178] : memref<512x16xf32, #tpu.memory_space<vmem>> -> memref<128x16xf32, #tpu.memory_space<vmem>>
        %dma_wait3A_180 = arith.constant 0 : i32
        %dma_wait3A_181 = tpu.memref_slice %arg7[%add3A_101, %dma_wait3A_180] : memref<80x128xi32, #tpu.memory_space<vmem>> -> memref<1x128xi32, #tpu.memory_space<vmem>>
        %dma_wait3A_182 = tpu.memref_squeeze %dma_wait3A_181 : memref<1x128xi32, #tpu.memory_space<vmem>> -> memref<128xi32, #tpu.memory_space<vmem>>
        %dma_wait3A_183 = arith.constant 0 : i32
        %dma_wait3A_184 = arith.constant 0 : i32
        %dma_wait3A_185 = tpu.memref_slice %arg10[%dma_wait3A_183, %dma_wait3A_184] : memref<10112x16xf32, #tpu.memory_space<vmem_shared>> -> memref<10112x16xf32, #tpu.memory_space<vmem_shared>>
        tpu.wait_indirect_dma semaphore(%run_scoped3A : memref<!tpu.dma_semaphore, #tpu.memory_space<semaphore_mem>>) src(%dma_wait3A_179 : memref<128x16xf32, #tpu.memory_space<vmem>>) dst(%dma_wait3A_185 : memref<10112x16xf32, #tpu.memory_space<vmem_shared>>)
        tpu.yield
      }) : () -> ()
      %add3A_114 = arith.constant 4 : i32
      %add3A_115 = arith.addi %add3A_101, %add3A_114 : i32
      %lt3A_116 = arith.constant 80 : i32
      %lt3A_117 = arith.cmpi slt, %add3A_115, %lt3A_116 : i32
      %convert_element_type3A_118 = arith.extui %lt3A_117 : i1 to i32
      %cond3A_119 = arith.constant 0 : i32
      %cond3A_120 = arith.cmpi ne, %convert_element_type3A_118, %cond3A_119 : i32
      scf.if %cond3A_120 {
        %add3A_168 = arith.constant 4 : i32
        %add3A_169 = arith.addi %add3A_101, %add3A_168 : i32
        %dma_start3A_170 = arith.constant 1 : i32
        %dma_start3A_171 = arith.constant 128 : i32
        %dma_start3A_172 = arith.constant 0 : i32
        %dma_start3A_173 = tpu.memref_slice %arg8[%dma_start3A_171, %dma_start3A_172] : memref<512x16xf32, #tpu.memory_space<vmem>> -> memref<128x16xf32, #tpu.memory_space<vmem>>
        %dma_start3A_174 = arith.constant 0 : i32
        %dma_start3A_175 = tpu.memref_slice %arg6[%add3A_169, %dma_start3A_174] : memref<80x128xi32, #tpu.memory_space<vmem>> -> memref<1x128xi32, #tpu.memory_space<vmem>>
        %dma_start3A_176 = tpu.memref_squeeze %dma_start3A_175 : memref<1x128xi32, #tpu.memory_space<vmem>> -> memref<128xi32, #tpu.memory_space<vmem>>
        %dma_start3A_177 = arith.constant 0 : i32
        %dma_start3A_178 = arith.constant 0 : i32
        %dma_start3A_179 = tpu.memref_slice %arg2[%dma_start3A_177, %dma_start3A_178] : memref<10000x16xf32, #tpu.memory_space<hbm>> -> memref<10000x16xf32, #tpu.memory_space<hbm>>
        %dma_start3A_180 = tpu.memref_slice %arg11[%dma_start3A_170] : memref<4x!tpu.dma_semaphore, #tpu.memory_space<semaphore_mem>> -> memref<1x!tpu.dma_semaphore, #tpu.memory_space<semaphore_mem>>
        %dma_start3A_181 = tpu.memref_squeeze %dma_start3A_180 : memref<1x!tpu.dma_semaphore, #tpu.memory_space<semaphore_mem>> -> memref<!tpu.dma_semaphore, #tpu.memory_space<semaphore_mem>>
        tpu.enqueue_indirect_dma source(%dma_start3A_179 : memref<10000x16xf32, #tpu.memory_space<hbm>>) target(%dma_start3A_173 : memref<128x16xf32, #tpu.memory_space<vmem>>) offsets(%dma_start3A_176 : memref<128xi32, #tpu.memory_space<vmem>>) semaphore(%dma_start3A_181 : memref<!tpu.dma_semaphore, #tpu.memory_space<semaphore_mem>>)
      } else {
      }
      %mul3A_121 = arith.constant 4 : i32
      %mul3A_122 = arith.muli %scan3A_77, %mul3A_121 : i32
      %add3A_123 = arith.constant 2 : i32
      %add3A_124 = arith.addi %mul3A_122, %add3A_123 : i32
      %dma_wait3A_125 = arith.constant 2 : i32
      %dma_wait3A_126 = arith.constant 256 : i32
      %dma_wait3A_127 = arith.constant 0 : i32
      %dma_wait3A_128 = tpu.memref_slice %arg8[%dma_wait3A_126, %dma_wait3A_127] : memref<512x16xf32, #tpu.memory_space<vmem>> -> memref<128x16xf32, #tpu.memory_space<vmem>>
      %dma_wait3A_129 = arith.constant 0 : i32
      %dma_wait3A_130 = tpu.memref_slice %arg6[%add3A_124, %dma_wait3A_129] : memref<80x128xi32, #tpu.memory_space<vmem>> -> memref<1x128xi32, #tpu.memory_space<vmem>>
      %dma_wait3A_131 = tpu.memref_squeeze %dma_wait3A_130 : memref<1x128xi32, #tpu.memory_space<vmem>> -> memref<128xi32, #tpu.memory_space<vmem>>
      %dma_wait3A_132 = arith.constant 0 : i32
      %dma_wait3A_133 = arith.constant 0 : i32
      %dma_wait3A_134 = tpu.memref_slice %arg2[%dma_wait3A_132, %dma_wait3A_133] : memref<10000x16xf32, #tpu.memory_space<hbm>> -> memref<10000x16xf32, #tpu.memory_space<hbm>>
      %dma_wait3A_135 = tpu.memref_slice %arg11[%dma_wait3A_125] : memref<4x!tpu.dma_semaphore, #tpu.memory_space<semaphore_mem>> -> memref<1x!tpu.dma_semaphore, #tpu.memory_space<semaphore_mem>>
      %dma_wait3A_136 = tpu.memref_squeeze %dma_wait3A_135 : memref<1x!tpu.dma_semaphore, #tpu.memory_space<semaphore_mem>> -> memref<!tpu.dma_semaphore, #tpu.memory_space<semaphore_mem>>
      tpu.wait_indirect_dma semaphore(%dma_wait3A_136 : memref<!tpu.dma_semaphore, #tpu.memory_space<semaphore_mem>>) src(%dma_wait3A_134 : memref<10000x16xf32, #tpu.memory_space<hbm>>) dst(%dma_wait3A_128 : memref<128x16xf32, #tpu.memory_space<vmem>>)
      "tpu.region"() ({
        %run_scoped3A = tpu.sem_alloc : memref<!tpu.dma_semaphore, #tpu.memory_space<semaphore_mem>>
        %dma_start3A_168 = arith.constant 256 : i32
        %dma_start3A_169 = arith.constant 0 : i32
        %dma_start3A_170 = tpu.memref_slice %arg8[%dma_start3A_168, %dma_start3A_169] : memref<512x16xf32, #tpu.memory_space<vmem>> -> memref<128x16xf32, #tpu.memory_space<vmem>>
        %dma_start3A_171 = arith.constant 0 : i32
        %dma_start3A_172 = tpu.memref_slice %arg7[%add3A_124, %dma_start3A_171] : memref<80x128xi32, #tpu.memory_space<vmem>> -> memref<1x128xi32, #tpu.memory_space<vmem>>
        %dma_start3A_173 = tpu.memref_squeeze %dma_start3A_172 : memref<1x128xi32, #tpu.memory_space<vmem>> -> memref<128xi32, #tpu.memory_space<vmem>>
        %dma_start3A_174 = arith.constant 0 : i32
        %dma_start3A_175 = arith.constant 0 : i32
        %dma_start3A_176 = tpu.memref_slice %arg10[%dma_start3A_174, %dma_start3A_175] : memref<10112x16xf32, #tpu.memory_space<vmem_shared>> -> memref<10112x16xf32, #tpu.memory_space<vmem_shared>>
        tpu.enqueue_indirect_dma source(%dma_start3A_170 : memref<128x16xf32, #tpu.memory_space<vmem>>) target(%dma_start3A_176 : memref<10112x16xf32, #tpu.memory_space<vmem_shared>>) offsets(%dma_start3A_173 : memref<128xi32, #tpu.memory_space<vmem>>) semaphore(%run_scoped3A : memref<!tpu.dma_semaphore, #tpu.memory_space<semaphore_mem>>) {add = true}
        %dma_wait3A_177 = arith.constant 256 : i32
        %dma_wait3A_178 = arith.constant 0 : i32
        %dma_wait3A_179 = tpu.memref_slice %arg8[%dma_wait3A_177, %dma_wait3A_178] : memref<512x16xf32, #tpu.memory_space<vmem>> -> memref<128x16xf32, #tpu.memory_space<vmem>>
        %dma_wait3A_180 = arith.constant 0 : i32
        %dma_wait3A_181 = tpu.memref_slice %arg7[%add3A_124, %dma_wait3A_180] : memref<80x128xi32, #tpu.memory_space<vmem>> -> memref<1x128xi32, #tpu.memory_space<vmem>>
        %dma_wait3A_182 = tpu.memref_squeeze %dma_wait3A_181 : memref<1x128xi32, #tpu.memory_space<vmem>> -> memref<128xi32, #tpu.memory_space<vmem>>
        %dma_wait3A_183 = arith.constant 0 : i32
        %dma_wait3A_184 = arith.constant 0 : i32
        %dma_wait3A_185 = tpu.memref_slice %arg10[%dma_wait3A_183, %dma_wait3A_184] : memref<10112x16xf32, #tpu.memory_space<vmem_shared>> -> memref<10112x16xf32, #tpu.memory_space<vmem_shared>>
        tpu.wait_indirect_dma semaphore(%run_scoped3A : memref<!tpu.dma_semaphore, #tpu.memory_space<semaphore_mem>>) src(%dma_wait3A_179 : memref<128x16xf32, #tpu.memory_space<vmem>>) dst(%dma_wait3A_185 : memref<10112x16xf32, #tpu.memory_space<vmem_shared>>)
        tpu.yield
      }) : () -> ()
      %add3A_137 = arith.constant 4 : i32
      %add3A_138 = arith.addi %add3A_124, %add3A_137 : i32
      %lt3A_139 = arith.constant 80 : i32
      %lt3A_140 = arith.cmpi slt, %add3A_138, %lt3A_139 : i32
      %convert_element_type3A_141 = arith.extui %lt3A_140 : i1 to i32
      %cond3A_142 = arith.constant 0 : i32
      %cond3A_143 = arith.cmpi ne, %convert_element_type3A_141, %cond3A_142 : i32
      scf.if %cond3A_143 {
        %add3A_168 = arith.constant 4 : i32
        %add3A_169 = arith.addi %add3A_124, %add3A_168 : i32
        %dma_start3A_170 = arith.constant 2 : i32
        %dma_start3A_171 = arith.constant 256 : i32
        %dma_start3A_172 = arith.constant 0 : i32
        %dma_start3A_173 = tpu.memref_slice %arg8[%dma_start3A_171, %dma_start3A_172] : memref<512x16xf32, #tpu.memory_space<vmem>> -> memref<128x16xf32, #tpu.memory_space<vmem>>
        %dma_start3A_174 = arith.constant 0 : i32
        %dma_start3A_175 = tpu.memref_slice %arg6[%add3A_169, %dma_start3A_174] : memref<80x128xi32, #tpu.memory_space<vmem>> -> memref<1x128xi32, #tpu.memory_space<vmem>>
        %dma_start3A_176 = tpu.memref_squeeze %dma_start3A_175 : memref<1x128xi32, #tpu.memory_space<vmem>> -> memref<128xi32, #tpu.memory_space<vmem>>
        %dma_start3A_177 = arith.constant 0 : i32
        %dma_start3A_178 = arith.constant 0 : i32
        %dma_start3A_179 = tpu.memref_slice %arg2[%dma_start3A_177, %dma_start3A_178] : memref<10000x16xf32, #tpu.memory_space<hbm>> -> memref<10000x16xf32, #tpu.memory_space<hbm>>
        %dma_start3A_180 = tpu.memref_slice %arg11[%dma_start3A_170] : memref<4x!tpu.dma_semaphore, #tpu.memory_space<semaphore_mem>> -> memref<1x!tpu.dma_semaphore, #tpu.memory_space<semaphore_mem>>
        %dma_start3A_181 = tpu.memref_squeeze %dma_start3A_180 : memref<1x!tpu.dma_semaphore, #tpu.memory_space<semaphore_mem>> -> memref<!tpu.dma_semaphore, #tpu.memory_space<semaphore_mem>>
        tpu.enqueue_indirect_dma source(%dma_start3A_179 : memref<10000x16xf32, #tpu.memory_space<hbm>>) target(%dma_start3A_173 : memref<128x16xf32, #tpu.memory_space<vmem>>) offsets(%dma_start3A_176 : memref<128xi32, #tpu.memory_space<vmem>>) semaphore(%dma_start3A_181 : memref<!tpu.dma_semaphore, #tpu.memory_space<semaphore_mem>>)
      } else {
      }
      %mul3A_144 = arith.constant 4 : i32
      %mul3A_145 = arith.muli %scan3A_77, %mul3A_144 : i32
      %add3A_146 = arith.constant 3 : i32
      %add3A_147 = arith.addi %mul3A_145, %add3A_146 : i32
      %dma_wait3A_148 = arith.constant 3 : i32
      %dma_wait3A_149 = arith.constant 384 : i32
      %dma_wait3A_150 = arith.constant 0 : i32
      %dma_wait3A_151 = tpu.memref_slice %arg8[%dma_wait3A_149, %dma_wait3A_150] : memref<512x16xf32, #tpu.memory_space<vmem>> -> memref<128x16xf32, #tpu.memory_space<vmem>>
      %dma_wait3A_152 = arith.constant 0 : i32
      %dma_wait3A_153 = tpu.memref_slice %arg6[%add3A_147, %dma_wait3A_152] : memref<80x128xi32, #tpu.memory_space<vmem>> -> memref<1x128xi32, #tpu.memory_space<vmem>>
      %dma_wait3A_154 = tpu.memref_squeeze %dma_wait3A_153 : memref<1x128xi32, #tpu.memory_space<vmem>> -> memref<128xi32, #tpu.memory_space<vmem>>
      %dma_wait3A_155 = arith.constant 0 : i32
      %dma_wait3A_156 = arith.constant 0 : i32
      %dma_wait3A_157 = tpu.memref_slice %arg2[%dma_wait3A_155, %dma_wait3A_156] : memref<10000x16xf32, #tpu.memory_space<hbm>> -> memref<10000x16xf32, #tpu.memory_space<hbm>>
      %dma_wait3A_158 = tpu.memref_slice %arg11[%dma_wait3A_148] : memref<4x!tpu.dma_semaphore, #tpu.memory_space<semaphore_mem>> -> memref<1x!tpu.dma_semaphore, #tpu.memory_space<semaphore_mem>>
      %dma_wait3A_159 = tpu.memref_squeeze %dma_wait3A_158 : memref<1x!tpu.dma_semaphore, #tpu.memory_space<semaphore_mem>> -> memref<!tpu.dma_semaphore, #tpu.memory_space<semaphore_mem>>
      tpu.wait_indirect_dma semaphore(%dma_wait3A_159 : memref<!tpu.dma_semaphore, #tpu.memory_space<semaphore_mem>>) src(%dma_wait3A_157 : memref<10000x16xf32, #tpu.memory_space<hbm>>) dst(%dma_wait3A_151 : memref<128x16xf32, #tpu.memory_space<vmem>>)
      "tpu.region"() ({
        %run_scoped3A = tpu.sem_alloc : memref<!tpu.dma_semaphore, #tpu.memory_space<semaphore_mem>>
        %dma_start3A_168 = arith.constant 384 : i32
        %dma_start3A_169 = arith.constant 0 : i32
        %dma_start3A_170 = tpu.memref_slice %arg8[%dma_start3A_168, %dma_start3A_169] : memref<512x16xf32, #tpu.memory_space<vmem>> -> memref<128x16xf32, #tpu.memory_space<vmem>>
        %dma_start3A_171 = arith.constant 0 : i32
        %dma_start3A_172 = tpu.memref_slice %arg7[%add3A_147, %dma_start3A_171] : memref<80x128xi32, #tpu.memory_space<vmem>> -> memref<1x128xi32, #tpu.memory_space<vmem>>
        %dma_start3A_173 = tpu.memref_squeeze %dma_start3A_172 : memref<1x128xi32, #tpu.memory_space<vmem>> -> memref<128xi32, #tpu.memory_space<vmem>>
        %dma_start3A_174 = arith.constant 0 : i32
        %dma_start3A_175 = arith.constant 0 : i32
        %dma_start3A_176 = tpu.memref_slice %arg10[%dma_start3A_174, %dma_start3A_175] : memref<10112x16xf32, #tpu.memory_space<vmem_shared>> -> memref<10112x16xf32, #tpu.memory_space<vmem_shared>>
        tpu.enqueue_indirect_dma source(%dma_start3A_170 : memref<128x16xf32, #tpu.memory_space<vmem>>) target(%dma_start3A_176 : memref<10112x16xf32, #tpu.memory_space<vmem_shared>>) offsets(%dma_start3A_173 : memref<128xi32, #tpu.memory_space<vmem>>) semaphore(%run_scoped3A : memref<!tpu.dma_semaphore, #tpu.memory_space<semaphore_mem>>) {add = true}
        %dma_wait3A_177 = arith.constant 384 : i32
        %dma_wait3A_178 = arith.constant 0 : i32
        %dma_wait3A_179 = tpu.memref_slice %arg8[%dma_wait3A_177, %dma_wait3A_178] : memref<512x16xf32, #tpu.memory_space<vmem>> -> memref<128x16xf32, #tpu.memory_space<vmem>>
        %dma_wait3A_180 = arith.constant 0 : i32
        %dma_wait3A_181 = tpu.memref_slice %arg7[%add3A_147, %dma_wait3A_180] : memref<80x128xi32, #tpu.memory_space<vmem>> -> memref<1x128xi32, #tpu.memory_space<vmem>>
        %dma_wait3A_182 = tpu.memref_squeeze %dma_wait3A_181 : memref<1x128xi32, #tpu.memory_space<vmem>> -> memref<128xi32, #tpu.memory_space<vmem>>
        %dma_wait3A_183 = arith.constant 0 : i32
        %dma_wait3A_184 = arith.constant 0 : i32
        %dma_wait3A_185 = tpu.memref_slice %arg10[%dma_wait3A_183, %dma_wait3A_184] : memref<10112x16xf32, #tpu.memory_space<vmem_shared>> -> memref<10112x16xf32, #tpu.memory_space<vmem_shared>>
        tpu.wait_indirect_dma semaphore(%run_scoped3A : memref<!tpu.dma_semaphore, #tpu.memory_space<semaphore_mem>>) src(%dma_wait3A_179 : memref<128x16xf32, #tpu.memory_space<vmem>>) dst(%dma_wait3A_185 : memref<10112x16xf32, #tpu.memory_space<vmem_shared>>)
        tpu.yield
      }) : () -> ()
      %add3A_160 = arith.constant 4 : i32
      %add3A_161 = arith.addi %add3A_147, %add3A_160 : i32
      %lt3A_162 = arith.constant 80 : i32
      %lt3A_163 = arith.cmpi slt, %add3A_161, %lt3A_162 : i32
      %convert_element_type3A_164 = arith.extui %lt3A_163 : i1 to i32
      %cond3A_165 = arith.constant 0 : i32
      %cond3A_166 = arith.cmpi ne, %convert_element_type3A_164, %cond3A_165 : i32
      scf.if %cond3A_166 {
        %add3A_168 = arith.constant 4 : i32
        %add3A_169 = arith.addi %add3A_147, %add3A_168 : i32
        %dma_start3A_170 = arith.constant 3 : i32
        %dma_start3A_171 = arith.constant 384 : i32
        %dma_start3A_172 = arith.constant 0 : i32
        %dma_start3A_173 = tpu.memref_slice %arg8[%dma_start3A_171, %dma_start3A_172] : memref<512x16xf32, #tpu.memory_space<vmem>> -> memref<128x16xf32, #tpu.memory_space<vmem>>
        %dma_start3A_174 = arith.constant 0 : i32
        %dma_start3A_175 = tpu.memref_slice %arg6[%add3A_169, %dma_start3A_174] : memref<80x128xi32, #tpu.memory_space<vmem>> -> memref<1x128xi32, #tpu.memory_space<vmem>>
        %dma_start3A_176 = tpu.memref_squeeze %dma_start3A_175 : memref<1x128xi32, #tpu.memory_space<vmem>> -> memref<128xi32, #tpu.memory_space<vmem>>
        %dma_start3A_177 = arith.constant 0 : i32
        %dma_start3A_178 = arith.constant 0 : i32
        %dma_start3A_179 = tpu.memref_slice %arg2[%dma_start3A_177, %dma_start3A_178] : memref<10000x16xf32, #tpu.memory_space<hbm>> -> memref<10000x16xf32, #tpu.memory_space<hbm>>
        %dma_start3A_180 = tpu.memref_slice %arg11[%dma_start3A_170] : memref<4x!tpu.dma_semaphore, #tpu.memory_space<semaphore_mem>> -> memref<1x!tpu.dma_semaphore, #tpu.memory_space<semaphore_mem>>
        %dma_start3A_181 = tpu.memref_squeeze %dma_start3A_180 : memref<1x!tpu.dma_semaphore, #tpu.memory_space<semaphore_mem>> -> memref<!tpu.dma_semaphore, #tpu.memory_space<semaphore_mem>>
        tpu.enqueue_indirect_dma source(%dma_start3A_179 : memref<10000x16xf32, #tpu.memory_space<hbm>>) target(%dma_start3A_173 : memref<128x16xf32, #tpu.memory_space<vmem>>) offsets(%dma_start3A_176 : memref<128xi32, #tpu.memory_space<vmem>>) semaphore(%dma_start3A_181 : memref<!tpu.dma_semaphore, #tpu.memory_space<semaphore_mem>>)
      } else {
      }
      %scan3A_167 = arith.constant 0 : i32
      scf.yield %scan3A_167 : i32
    }
    %scan3A_75 = arith.constant 20 : i32
    %barrier3A_76 = arith.constant 0 : index
    tpu.barrier barrier_id(%barrier3A_76)
    "tpu.region"() ({
      %run_scoped3A = tpu.sem_alloc : memref<!tpu.dma_semaphore, #tpu.memory_space<semaphore_mem>>
      %dma_start3A_77 = arith.constant 0 : i32
      %dma_start3A_78 = tpu.memref_slice %arg10[%multiple_of3A_5, %dma_start3A_77] : memref<10112x16xf32, #tpu.memory_space<vmem_shared>> -> memref<632x16xf32, #tpu.memory_space<vmem_shared>>
      %dma_start3A_79 = arith.constant 0 : i32
      %dma_start3A_80 = tpu.memref_slice %arg10[%multiple_of3A_5, %dma_start3A_79] : memref<10112x16xf32, #tpu.memory_space<vmem_shared>> -> memref<632x16xf32, #tpu.memory_space<vmem_shared>>
      tpu.enqueue_dma source(%dma_start3A_80 : memref<632x16xf32, #tpu.memory_space<vmem_shared>>) target(%arg9 : memref<632x16xf32, #tpu.memory_space<vmem>>) target_semaphore(%run_scoped3A : memref<!tpu.dma_semaphore, #tpu.memory_space<semaphore_mem>>)
      %dma_wait3A = arith.constant 0 : i32
      %dma_wait3A_81 = tpu.memref_slice %arg10[%multiple_of3A_5, %dma_wait3A] : memref<10112x16xf32, #tpu.memory_space<vmem_shared>> -> memref<632x16xf32, #tpu.memory_space<vmem_shared>>
      %dma_wait3A_82 = arith.constant 0 : i32
      %dma_wait3A_83 = tpu.memref_slice %arg10[%multiple_of3A_5, %dma_wait3A_82] : memref<10112x16xf32, #tpu.memory_space<vmem_shared>> -> memref<632x16xf32, #tpu.memory_space<vmem_shared>>
      tpu.wait_dma2 semaphore(%run_scoped3A : memref<!tpu.dma_semaphore, #tpu.memory_space<semaphore_mem>>) src(%dma_wait3A_83 : memref<632x16xf32, #tpu.memory_space<vmem_shared>>) dst(%arg9 : memref<632x16xf32, #tpu.memory_space<vmem>>)
      tpu.yield
    }) : () -> ()
    "tpu.region"() ({
      %run_scoped3A = tpu.sem_alloc : memref<!tpu.dma_semaphore, #tpu.memory_space<semaphore_mem>>
      %dma_start3A_77 = arith.constant 0 : i32
      %dma_start3A_78 = tpu.memref_slice %arg5[%multiple_of3A_11, %dma_start3A_77] : memref<20224x16xf32, #tpu.memory_space<hbm>> -> memref<632x16xf32, #tpu.memory_space<hbm>>
      %dma_start3A_79 = arith.constant 0 : i32
      %dma_start3A_80 = tpu.memref_slice %arg5[%multiple_of3A_11, %dma_start3A_79] : memref<20224x16xf32, #tpu.memory_space<hbm>> -> memref<632x16xf32, #tpu.memory_space<hbm>>
      tpu.enqueue_dma source(%arg9 : memref<632x16xf32, #tpu.memory_space<vmem>>) target(%dma_start3A_80 : memref<632x16xf32, #tpu.memory_space<hbm>>) target_semaphore(%run_scoped3A : memref<!tpu.dma_semaphore, #tpu.memory_space<semaphore_mem>>)
      %dma_wait3A = arith.constant 0 : i32
      %dma_wait3A_81 = tpu.memref_slice %arg5[%multiple_of3A_11, %dma_wait3A] : memref<20224x16xf32, #tpu.memory_space<hbm>> -> memref<632x16xf32, #tpu.memory_space<hbm>>
      %dma_wait3A_82 = arith.constant 0 : i32
      %dma_wait3A_83 = tpu.memref_slice %arg5[%multiple_of3A_11, %dma_wait3A_82] : memref<20224x16xf32, #tpu.memory_space<hbm>> -> memref<632x16xf32, #tpu.memory_space<hbm>>
      tpu.wait_dma2 semaphore(%run_scoped3A : memref<!tpu.dma_semaphore, #tpu.memory_space<semaphore_mem>>) src(%arg9 : memref<632x16xf32, #tpu.memory_space<vmem>>) dst(%dma_wait3A_83 : memref<632x16xf32, #tpu.memory_space<hbm>>)
      tpu.yield
    }) : () -> ()
    return
  }
}

module attributes {stable_mosaic.version = 14 : i64} {
  func.func @_pre_body(%arg0: memref<2528x128xf32, #tpu.memory_space<vmem>>, %arg1: memref<1250x1024xf32, #tpu.memory_space<vmem>>, %arg2: memref<1024x128xf32, #tpu.memory_space<vmem>>, %arg3: memref<1250x128xf32, #tpu.memory_space<vmem>>, %arg4: memref<1250x128xf32, #tpu.memory_space<vmem>>) attributes {dimension_semantics = [], scalar_prefetch = 0 : i64, scratch_operands = 0 : i64, tpu.core_type = #tpu.core_type<tc>} {
    %get3A = arith.constant 0 : index
    %get3A_0 = arith.constant 0 : index
    %get3A_1 = vector.load %arg0[%get3A, %get3A_0] : memref<2528x128xf32, #tpu.memory_space<vmem>>, vector<1250x128xf32>
    %get3A_2 = arith.constant 1264 : index
    %get3A_3 = arith.constant 0 : index
    %get3A_4 = vector.load %arg0[%get3A_2, %get3A_3] : memref<2528x128xf32, #tpu.memory_space<vmem>>, vector<1250x128xf32>
    %add3A = arith.addf %get3A_1, %get3A_4 : vector<1250x128xf32>
    %add3A_5 = arith.constant 1.000000e+00 : f32
    %add3A_6 = vector.broadcast %add3A_5 : f32 to vector<1250x128xf32>
    %add3A_7 = arith.addf %add3A, %add3A_6 : vector<1250x128xf32>
    %rsqrt3A = math.rsqrt %add3A_7 : vector<1250x128xf32>
    %get3A_8 = arith.constant 0 : index
    %get3A_9 = arith.constant 0 : index
    %get3A_10 = vector.load %arg1[%get3A_8, %get3A_9] : memref<1250x1024xf32, #tpu.memory_space<vmem>>, vector<1250x1024xf32>
    %get3A_11 = arith.constant 0 : index
    %get3A_12 = arith.constant 0 : index
    %get3A_13 = vector.load %arg2[%get3A_11, %get3A_12] : memref<1024x128xf32, #tpu.memory_space<vmem>>, vector<1024x128xf32>
    %dot_general3A = arith.constant dense<0.000000e+00> : vector<1250x128xf32>
    %dot_general3A_14 = tpu.matmul %get3A_10, %get3A_13, %dot_general3A {dimension_numbers = #tpu.dot_dimension_numbers<[1], [0], [0], [1], [0, 0, 1, 1], [], []>, transpose_lhs_hint = false} : vector<1250x1024xf32>, vector<1024x128xf32>, vector<1250x128xf32> -> vector<1250x128xf32>
    %swap3A = arith.constant 0 : index
    %swap3A_15 = arith.constant 0 : index
    %swap3A_16 = vector.load %arg3[%swap3A, %swap3A_15] : memref<1250x128xf32, #tpu.memory_space<vmem>>, vector<1250x128xf32>
    tpu.vector_store %arg3[%swap3A, %swap3A_15], %rsqrt3A {strides = array<i32>} : memref<1250x128xf32, #tpu.memory_space<vmem>>, vector<1250x128xf32>,
    %mul3A = arith.mulf %rsqrt3A, %dot_general3A_14 : vector<1250x128xf32>
    %swap3A_17 = arith.constant 0 : index
    %swap3A_18 = arith.constant 0 : index
    %swap3A_19 = vector.load %arg4[%swap3A_17, %swap3A_18] : memref<1250x128xf32, #tpu.memory_space<vmem>>, vector<1250x128xf32>
    tpu.vector_store %arg4[%swap3A_17, %swap3A_18], %mul3A {strides = array<i32>} : memref<1250x128xf32, #tpu.memory_space<vmem>>, vector<1250x128xf32>,
    return
  }
}

module attributes {stable_mosaic.version = 14 : i64} {
  func.func @_layer_body(%arg0: memref<2528x128xf32, #tpu.memory_space<vmem>>, %arg1: memref<1250x128xf32, #tpu.memory_space<vmem>>, %arg2: memref<1250x128xf32, #tpu.memory_space<vmem>>, %arg3: memref<1250x128xf32, #tpu.memory_space<vmem>>, %arg4: memref<1x128xf32, #tpu.memory_space<vmem>>, %arg5: memref<128x128xf32, #tpu.memory_space<vmem>>, %arg6: memref<1250x128xf32, #tpu.memory_space<vmem>>, %arg7: memref<1250x128xf32, #tpu.memory_space<vmem>>) attributes {dimension_semantics = [], scalar_prefetch = 0 : i64, scratch_operands = 0 : i64, tpu.core_type = #tpu.core_type<tc>} {
    %get3A = arith.constant 0 : index
    %get3A_0 = arith.constant 0 : index
    %get3A_1 = vector.load %arg0[%get3A, %get3A_0] : memref<2528x128xf32, #tpu.memory_space<vmem>>, vector<1250x128xf32>
    %get3A_2 = arith.constant 1264 : index
    %get3A_3 = arith.constant 0 : index
    %get3A_4 = vector.load %arg0[%get3A_2, %get3A_3] : memref<2528x128xf32, #tpu.memory_space<vmem>>, vector<1250x128xf32>
    %add3A = arith.addf %get3A_1, %get3A_4 : vector<1250x128xf32>
    %get3A_5 = arith.constant 0 : index
    %get3A_6 = arith.constant 0 : index
    %get3A_7 = vector.load %arg2[%get3A_5, %get3A_6] : memref<1250x128xf32, #tpu.memory_space<vmem>>, vector<1250x128xf32>
    %get3A_8 = arith.constant 0 : index
    %get3A_9 = arith.constant 0 : index
    %get3A_10 = vector.load %arg1[%get3A_8, %get3A_9] : memref<1250x128xf32, #tpu.memory_space<vmem>>, vector<1250x128xf32>
    %add3A_11 = arith.addf %add3A, %get3A_10 : vector<1250x128xf32>
    %mul3A = arith.mulf %get3A_7, %add3A_11 : vector<1250x128xf32>
    %get3A_12 = arith.constant 0 : index
    %get3A_13 = arith.constant 0 : index
    %get3A_14 = vector.load %arg4[%get3A_12, %get3A_13] : memref<1x128xf32, #tpu.memory_space<vmem>>, vector<1x128xf32>
    %add3A_15 = vector.broadcast %get3A_14 : vector<1x128xf32> to vector<1250x128xf32>
    %add3A_16 = arith.addf %mul3A, %add3A_15 : vector<1250x128xf32>
    %max3A = arith.constant 0.000000e+00 : f32
    %max3A_17 = vector.broadcast %max3A : f32 to vector<1250x128xf32>
    %max3A_18 = arith.maximumf %add3A_16, %max3A_17 : vector<1250x128xf32>
    %get3A_19 = arith.constant 0 : index
    %get3A_20 = arith.constant 0 : index
    %get3A_21 = vector.load %arg3[%get3A_19, %get3A_20] : memref<1250x128xf32, #tpu.memory_space<vmem>>, vector<1250x128xf32>
    %max3A_22 = arith.maximumf %get3A_21, %max3A_18 : vector<1250x128xf32>
    %swap3A = arith.constant 0 : index
    %swap3A_23 = arith.constant 0 : index
    %swap3A_24 = vector.load %arg7[%swap3A, %swap3A_23] : memref<1250x128xf32, #tpu.memory_space<vmem>>, vector<1250x128xf32>
    tpu.vector_store %arg7[%swap3A, %swap3A_23], %max3A_22 {strides = array<i32>} : memref<1250x128xf32, #tpu.memory_space<vmem>>, vector<1250x128xf32>,
    %get3A_25 = arith.constant 0 : index
    %get3A_26 = arith.constant 0 : index
    %get3A_27 = vector.load %arg5[%get3A_25, %get3A_26] : memref<128x128xf32, #tpu.memory_space<vmem>>, vector<128x128xf32>
    %dot_general3A = arith.constant dense<0.000000e+00> : vector<1250x128xf32>
    %dot_general3A_28 = tpu.matmul %max3A_18, %get3A_27, %dot_general3A {dimension_numbers = #tpu.dot_dimension_numbers<[1], [0], [0], [1], [0, 0, 1, 1], [], []>, transpose_lhs_hint = false} : vector<1250x128xf32>, vector<128x128xf32>, vector<1250x128xf32> -> vector<1250x128xf32>
    %mul3A_29 = arith.mulf %get3A_7, %dot_general3A_28 : vector<1250x128xf32>
    %swap3A_30 = arith.constant 0 : index
    %swap3A_31 = arith.constant 0 : index
    %swap3A_32 = vector.load %arg6[%swap3A_30, %swap3A_31] : memref<1250x128xf32, #tpu.memory_space<vmem>>, vector<1250x128xf32>
    tpu.vector_store %arg6[%swap3A_30, %swap3A_31], %mul3A_29 {strides = array<i32>} : memref<1250x128xf32, #tpu.memory_space<vmem>>, vector<1250x128xf32>,
    return
  }
}

module attributes {stable_mosaic.version = 14 : i64} {
  func.func @_final_body(%arg0: memref<2528x128xf32, #tpu.memory_space<vmem>>, %arg1: memref<1250x128xf32, #tpu.memory_space<vmem>>, %arg2: memref<1250x128xf32, #tpu.memory_space<vmem>>, %arg3: memref<1250x128xf32, #tpu.memory_space<vmem>>, %arg4: memref<1x128xf32, #tpu.memory_space<vmem>>, %arg5: memref<128x320xf32, #tpu.memory_space<vmem>>, %arg6: memref<1x320xf32, #tpu.memory_space<vmem>>, %arg7: memref<320x8xf32, #tpu.memory_space<vmem>>, %arg8: memref<8x320xf32, #tpu.memory_space<vmem>>, %arg9: memref<1250x320xf32, #tpu.memory_space<vmem>>) attributes {dimension_semantics = [], scalar_prefetch = 0 : i64, scratch_operands = 0 : i64, tpu.core_type = #tpu.core_type<tc>} {
    %get3A = arith.constant 0 : index
    %get3A_0 = arith.constant 0 : index
    %get3A_1 = vector.load %arg0[%get3A, %get3A_0] : memref<2528x128xf32, #tpu.memory_space<vmem>>, vector<1250x128xf32>
    %get3A_2 = arith.constant 1264 : index
    %get3A_3 = arith.constant 0 : index
    %get3A_4 = vector.load %arg0[%get3A_2, %get3A_3] : memref<2528x128xf32, #tpu.memory_space<vmem>>, vector<1250x128xf32>
    %add3A = arith.addf %get3A_1, %get3A_4 : vector<1250x128xf32>
    %get3A_5 = arith.constant 0 : index
    %get3A_6 = arith.constant 0 : index
    %get3A_7 = vector.load %arg2[%get3A_5, %get3A_6] : memref<1250x128xf32, #tpu.memory_space<vmem>>, vector<1250x128xf32>
    %get3A_8 = arith.constant 0 : index
    %get3A_9 = arith.constant 0 : index
    %get3A_10 = vector.load %arg1[%get3A_8, %get3A_9] : memref<1250x128xf32, #tpu.memory_space<vmem>>, vector<1250x128xf32>
    %add3A_11 = arith.addf %add3A, %get3A_10 : vector<1250x128xf32>
    %mul3A = arith.mulf %get3A_7, %add3A_11 : vector<1250x128xf32>
    %get3A_12 = arith.constant 0 : index
    %get3A_13 = arith.constant 0 : index
    %get3A_14 = vector.load %arg4[%get3A_12, %get3A_13] : memref<1x128xf32, #tpu.memory_space<vmem>>, vector<1x128xf32>
    %add3A_15 = vector.broadcast %get3A_14 : vector<1x128xf32> to vector<1250x128xf32>
    %add3A_16 = arith.addf %mul3A, %add3A_15 : vector<1250x128xf32>
    %max3A = arith.constant 0.000000e+00 : f32
    %max3A_17 = vector.broadcast %max3A : f32 to vector<1250x128xf32>
    %max3A_18 = arith.maximumf %add3A_16, %max3A_17 : vector<1250x128xf32>
    %get3A_19 = arith.constant 0 : index
    %get3A_20 = arith.constant 0 : index
    %get3A_21 = vector.load %arg3[%get3A_19, %get3A_20] : memref<1250x128xf32, #tpu.memory_space<vmem>>, vector<1250x128xf32>
    %max3A_22 = arith.maximumf %get3A_21, %max3A_18 : vector<1250x128xf32>
    %get3A_23 = arith.constant 0 : index
    %get3A_24 = arith.constant 0 : index
    %get3A_25 = vector.load %arg5[%get3A_23, %get3A_24] : memref<128x320xf32, #tpu.memory_space<vmem>>, vector<128x320xf32>
    %dot_general3A = arith.constant dense<0.000000e+00> : vector<1250x320xf32>
    %dot_general3A_26 = tpu.matmul %max3A_22, %get3A_25, %dot_general3A {dimension_numbers = #tpu.dot_dimension_numbers<[1], [0], [0], [1], [0, 0, 1, 1], [], []>, transpose_lhs_hint = false} : vector<1250x128xf32>, vector<128x320xf32>, vector<1250x320xf32> -> vector<1250x320xf32>
    %get3A_27 = arith.constant 0 : index
    %get3A_28 = arith.constant 0 : index
    %get3A_29 = vector.load %arg6[%get3A_27, %get3A_28] : memref<1x320xf32, #tpu.memory_space<vmem>>, vector<1x320xf32>
    %add3A_30 = vector.broadcast %get3A_29 : vector<1x320xf32> to vector<1250x320xf32>
    %add3A_31 = arith.addf %dot_general3A_26, %add3A_30 : vector<1250x320xf32>
    %reduce_max3A = arith.constant dense<0xFF800000> : vector<1250xf32>
    %reduce_max3A_32 = vector.multi_reduction <maximumf>, %add3A_31, %reduce_max3A [1] : vector<1250x320xf32> to vector<1250xf32>
    %broadcast_in_dim3A = vector.shape_cast %reduce_max3A_32 : vector<1250xf32> to vector<1250x1xf32>
    %sub3A = vector.broadcast %broadcast_in_dim3A : vector<1250x1xf32> to vector<1250x320xf32>
    %sub3A_33 = arith.subf %add3A_31, %sub3A : vector<1250x320xf32>
    %exp3A = math.exp %sub3A_33 : vector<1250x320xf32>
    %get3A_34 = arith.constant 0 : index
    %get3A_35 = arith.constant 0 : index
    %get3A_36 = vector.load %arg7[%get3A_34, %get3A_35] : memref<320x8xf32, #tpu.memory_space<vmem>>, vector<320x8xf32>
    %dot_general3A_37 = arith.constant dense<0.000000e+00> : vector<1250x8xf32>
    %dot_general3A_38 = tpu.matmul %exp3A, %get3A_36, %dot_general3A_37 {dimension_numbers = #tpu.dot_dimension_numbers<[1], [0], [0], [1], [0, 0, 1, 1], [], []>, transpose_lhs_hint = false} : vector<1250x320xf32>, vector<320x8xf32>, vector<1250x8xf32> -> vector<1250x8xf32>
    %log3A = math.log %dot_general3A_38 : vector<1250x8xf32>
    %get3A_39 = arith.constant 0 : index
    %get3A_40 = arith.constant 0 : index
    %get3A_41 = vector.load %arg8[%get3A_39, %get3A_40] : memref<8x320xf32, #tpu.memory_space<vmem>>, vector<8x320xf32>
    %dot_general3A_42 = arith.constant dense<0.000000e+00> : vector<1250x320xf32>
    %dot_general3A_43 = tpu.matmul %log3A, %get3A_41, %dot_general3A_42 {dimension_numbers = #tpu.dot_dimension_numbers<[1], [0], [0], [1], [0, 0, 1, 1], [], []>, transpose_lhs_hint = false} : vector<1250x8xf32>, vector<8x320xf32>, vector<1250x320xf32> -> vector<1250x320xf32>
    %sub3A_44 = vector.broadcast %broadcast_in_dim3A : vector<1250x1xf32> to vector<1250x320xf32>
    %sub3A_45 = arith.subf %add3A_31, %sub3A_44 : vector<1250x320xf32>
    %sub3A_46 = arith.subf %sub3A_45, %dot_general3A_43 : vector<1250x320xf32>
    %swap3A = arith.constant 0 : index
    %swap3A_47 = arith.constant 0 : index
    %swap3A_48 = vector.load %arg9[%swap3A, %swap3A_47] : memref<1250x320xf32, #tpu.memory_space<vmem>>, vector<1250x320xf32>
    tpu.vector_store %arg9[%swap3A, %swap3A_47], %sub3A_46 {strides = array<i32>} : memref<1250x320xf32, #tpu.memory_space<vmem>>, vector<1250x320xf32>,
    return
  }
}

</mosaic_0001>

<sc_bundles>
// kernel: kernel.16.cloned.1.call-start
scs
__scs_entry_jumppad:
0x0: {  	(pc) =	sbr.rel $0x88, $3  }
0x1: {  	(tag) =	ssettag $0x0;
	lr =	simm.s32 $0x1  }
0x2: {  	[smem:$0x3F91] =	sst lr;
	_ =	strace $0xD0000000  }
0x3: {  	_ = 	snop  }
0x4: {  	_ = 	snop  }
0x5: {  	_ = 	snop  }
0x6: {  	_ = 	snop  }
0x7: {  	_ = 	snop  }
__scs_overlays_trampoline_lowered:
0x8: {  	[smem:$0x3FA0] =	sst s0  }
0x9: {  	[smem:$0x3FA1] =	sst s1  }
0xa: {  	[smem:$0x3FA2] =	sst s2  }
0xb: {  	[smem:$0x3FA3] =	sst s3  }
0xc: {  	[smem:$0x3FA4] =	sst s4  }
0xd: {  	[smem:$0x3FA5] =	sst s5  }
0xe: {  	[smem:$0x3FA6] =	sst s6  }
0xf: {  	[smem:$0x3FA7] =	sst s7  }
0x10: {  	[smem:$0x3FA8] =	sst s8  }
0x11: {  	[smem:$0x3FA9] =	sst s9;
	s0 =	simm.s32 @!p0 $0x0  }
0x12: {  	s1 =	sld [smem:$0x3F8F];
	s0 =	simm.s32 @p0 $0x1  }
0x13: {  	[smem:$0x3FAA] =	sst s0;
	s0 =	simm.s32 @!p1 $0x0  }
0x14: {  	s2 =	sld [smem:$0x3F8E];
	s0 =	simm.s32 @p1 $0x1  }
0x15: {  	[smem:$0x3FAB] =	sst s0;
	s0 =	simm.s32 @!p2 $0x0  }
0x16: {  	s3 =	sld [smem:$0x3FDB];
	s0 =	simm.s32 @p2 $0x1  }
0x17: {  	s4 =	simm.s32 $0x1BF5;
	[smem:$0x3FAD] =	sst s0  }
0x18: {  	s0 =	sld [smem:$0x3F90];
	_ =	swait.ge [sflag:s4], $0x0  }
0x19: {  	s7 =	sld [smem:$0x3F91]  }
0x1a: {  	s8 =	sadd.s32 $0xFFFFE003, lr  }
0x1b: {  	s9 =	sadd.s32 $0xFFFFFEF7, lr;
	s5 =	simm.s32 $0xFFFFFFFF;
	p2 =	slt.u32 s8, $0xFFFFF086  }
0x1c: {  	p1 =	slt.u32 s9, $0xF7A;
	s5 =	simm.s32 @!p2 $0x0  }
0x1d: {  	s5 =	simm.s32 @p1 $0x1;
	p0 =	seq.s32 s7, s2  }
0x1e: {  	s7 =	smul.u32 @!p0 $0xF7A, s2;
	p2 =	seq.s32 @!p0 s5, $0x0  }
0x1f: {  	s9 =	smul.u32 $0xF7A, s1;
	s8 =	simm.s32 @!p0 $0x1BF5;
	p2 =	por !p2, p0  }
0x20: {  	[sflag:s8] =	ssyncset.s32 @!p0 $0xFFFFF086;
	s6 =	sadd.s32 @!p0 s3, s7;
	s7 =	simm.s32 @!p0 $0x108  }
0x21: {  	s3 =	sadd.s32 s3, s9;
	s6 =	sadd.s32 @!p0 $0x88, s6;
	s7 =	simm.s32 @p2 $0x1082  }
0x22: {  	[simem:s7], [sflag:s8] =	dma.local @!p0 [hbm:s6], $0xF7A  }
0x23: {  	s9 =	sor.u32 $0xD0000000, s2;
	s6 =	simm.s32 $0x108;
	_ =	swait.ge @!p0 [sflag:s8], $0x0  }
0x24: {  	s3 =	sadd.s32 $0x88, s3;
	s6 =	simm.s32 @!p1 $0x1082;
	[sflag:s4] =	ssyncset.s32 $0xFFFFF086  }
0x25: {  	[simem:s6], [sflag:s4] =	dma.local [hbm:s3], $0xF7A  }
0x26: {  	[smem:$0x3F91] =	sst s1;
	(tag) =	ssettag s2;
	_ =	strace s9  }
0x27: {  	s1 =	sld [smem:$0x3FA1]  }
0x28: {  	s2 =	sld [smem:$0x3FA2]  }
0x29: {  	s4 =	sld [smem:$0x3FA4]  }
0x2a: {  	p0 =	seq.s32 s5, $0x0;
	s5 =	sld [smem:$0x3FA5]  }
0x2b: {  	s6 =	sld [smem:$0x3FA6]  }
0x2c: {  	s7 =	sld [smem:$0x3FA7]  }
0x2d: {  	s3 =	simm.s32 $0x108;
	s8 =	sld [smem:$0x3FA8]  }
0x2e: {  	s3 =	simm.s32 @!p0 $0x1082;
	s9 =	sld [smem:$0x3FA9]  }
0x2f: {  	lr =	sadd.s32 s0, s3;
	s0 =	sld [smem:$0x3FA0]  }
0x30: {  	s3 =	sld [smem:$0x3FA3]  }
0x31: {  	[smem:$0x3FAC] =	sst s10  }
0x32: {  	s10 =	sld [smem:$0x3FAA];
	_ =	sdelay $0x3  }
0x33: {  	p0 =	seq.s32 s10, $0x1;
	s10 =	sld [smem:$0x3FAC];
	_ =	sdelay $0x3  }
0x34: {  	[smem:$0x3FAC] =	sst s10  }
0x35: {  	s10 =	sld [smem:$0x3FAB];
	_ =	sdelay $0x3  }
0x36: {  	p1 =	seq.s32 s10, $0x1;
	s10 =	sld [smem:$0x3FAC];
	_ =	sdelay $0x3  }
0x37: {  	[smem:$0x3FAC] =	sst s10  }
0x38: {  	s10 =	sld [smem:$0x3FAD]  }
0x39: {  	_ = 	snop;
	(pc) =	sbr.ind lr, $3  }
0x3a: {  	_ = 	snop  }
0x3b: {  	_ = 	snop  }
0x3c: {  	p2 =	seq.s32 s10, $0x1;
	s10 =	sld [smem:$0x3FAC]  }
0x3d: {  	_ =	shalt  }
0x3e: {  	_ =	shalt  }
0x3f: {  	_ =	shalt  }
0x40: {  	_ =	shalt  }
0x41: {  	_ =	shalt  }
0x42: {  	_ =	shalt  }
0x43: {  	_ =	shalt  }
0x44: {  	_ =	shalt  }
0x45: {  	_ =	shalt  }
0x46: {  	_ =	shalt  }
0x47: {  	_ =	shalt  }
0x48: {  	_ =	shalt  }
0x49: {  	_ =	shalt  }
0x4a: {  	_ =	shalt  }
0x4b: {  	_ =	shalt  }
0x4c: {  	_ =	shalt  }
0x4d: {  	_ =	shalt  }
0x4e: {  	_ =	shalt  }
0x4f: {  	_ =	shalt  }
0x50: {  	_ =	shalt  }
0x51: {  	_ =	shalt  }
0x52: {  	_ =	shalt  }
0x53: {  	_ =	shalt  }
0x54: {  	_ =	shalt  }
0x55: {  	_ =	shalt  }
0x56: {  	_ =	shalt  }
0x57: {  	_ =	shalt  }
0x58: {  	_ =	shalt  }
0x59: {  	_ =	shalt  }
0x5a: {  	_ =	shalt  }
0x5b: {  	_ =	shalt  }
0x5c: {  	_ =	shalt  }
0x5d: {  	_ =	shalt  }
0x5e: {  	_ =	shalt  }
0x5f: {  	_ =	shalt  }
0x60: {  	_ =	shalt  }
0x61: {  	_ =	shalt  }
0x62: {  	_ =	shalt  }
0x63: {  	_ =	shalt  }
0x64: {  	_ =	shalt  }
0x65: {  	_ =	shalt  }
0x66: {  	_ =	shalt  }
0x67: {  	_ =	shalt  }
0x68: {  	_ =	shalt  }
0x69: {  	_ =	shalt  }
0x6a: {  	_ =	shalt  }
0x6b: {  	_ =	shalt  }
0x6c: {  	_ =	shalt  }
0x6d: {  	_ =	shalt  }
0x6e: {  	_ =	shalt  }
0x6f: {  	_ =	shalt  }
0x70: {  	_ =	shalt  }
0x71: {  	_ =	shalt  }
0x72: {  	_ =	shalt  }
0x73: {  	_ =	shalt  }
0x74: {  	_ =	shalt  }
0x75: {  	_ =	shalt  }
0x76: {  	_ =	shalt  }
0x77: {  	_ =	shalt  }
0x78: {  	_ =	shalt  }
0x79: {  	_ =	shalt  }
0x7a: {  	_ =	shalt  }
0x7b: {  	_ =	shalt  }
0x7c: {  	_ =	shalt  }
0x7d: {  	_ =	shalt  }
0x7e: {  	_ =	shalt  }
0x7f: {  	_ =	shalt  }
0x80: {  	_ =	shalt  }
0x81: {  	_ =	shalt  }
0x82: {  	_ =	shalt  }
0x83: {  	_ =	shalt  }
0x84: {  	_ =	shalt  }
0x85: {  	_ =	shalt  }
0x86: {  	_ =	shalt  }
0x87: {  	_ =	shalt  }
.Lfunc_end0:
.L_simem_size_0:
called_computation_lowered:
.L_overlay_start_0:
0x88: {  	s2 =	sld [smem:$0x3FD9]  }
0x89: {  	s3 =	sld [smem:$0x3FFE];
	_ =	sdelay $0x1  }
0x8a: {  	s1 =	srdreg.scid  }
0x8b: {  	s0 =	sand.u32 $0x1, s1  }
0x8c: {  	s17 =	sshll.u32 s0, $0xA;
	s2 =	sadd.s32 s3, s2  }
0x8d: {  	s2 =	sadd.s32 s2, s17  }
0x8e: {  	[smem:$0x3FB8] =	sst s2  }
0x8f: {  	_ = 	snop  }
0x90: {  	s2 =	sld [smem:$0x3FD0];
	(tm) =	ssettm $0x1  }
0x91: {  	s18 =	sld [smem:$0x3FFB];
	_ =	sdelay $0x3  }
0x92: {  	_ =	strace s18  }
0x93: {  	s3 =	sld [smem:$0x3FFC];
	_ =	sdelay $0x3  }
0x94: {  	_ =	strace s3  }
0x95: {  	s3 =	sld [smem:$0x3FFD];
	_ =	sdelay $0x3  }
0x96: {  	_ =	strace s3  }
0x97: {  	_ =	strace $0x8FFFFFFF  }
0x98: {  	s19 =	sld [smem:$0x3FDB];
	_ =	sdelay $0x1  }
0x99: {  	s4 =	simm.s32 $_scs_section_size  }
0x9a: {  	s5 =	simm.s32 $_size__tile_overlayer_lowered;
	s6 =	simm.s32 $_tile_overlayer_lowered  }
0x9b: {  	s22 =	simm.s32 $0x1BFF;
	s21 =	sshll.u32 s6, $0x1;
	s3 =	sadd.s32 s4, s19  }
0x9c: {  	s7 =	simm.s32 $0x0;
	s20 =	sshll.u32 s5, $0x1;
	s5 =	sadd.s32 s21, s3  }
0x9d: {  	[timem:s7], [sflag:s22] =	dma.local [hbm:s5], s20  }
0x9e: {  	_ =	swait.ge [sflag:s22], s20  }
0x9f: {  	s4 =	ssub.s32 $0x0, s20;
	[sflag:s22] =	ssyncset.done $0x0  }
0xa0: {  	[sflag:s22] =	ssyncadd.s32 s4;
	_ =	sdelay $0x1  }
0xa1: {  	s23 =	simm.s32 $0x1B8B  }
0xa2: {  	_ =	swait.ge [sflag:s23], $0x1  }
0xa3: {  	[sflag:s23] =	ssyncset.done $0x0  }
0xa4: {  	s25 =	simm.s32 $0x1B8E;
	s24 =	sld [smem:$0x3FFE];
	[sflag:s23] =	ssyncadd.s32 $0xFFFFFFFF  }
0xa5: {  	s26 =	simm.s32 $execute0_lowered;
	[smem:$0x3FD2] =	sst s25  }
0xa6: {  	s5 =	sshll.u32 s26, $0x1;
	_ =	strace $0x80000046;
	[dreg:$0x1] =	wrdreg $0xFFFFFFFF  }
0xa7: {  	s28 =	simm.s32 $_size_execute0_lowered;
	s3 =	sadd.s32 s3, s5;
	[dreg:$0x0] =	wrdreg $0x0  }
0xa8: {  	s5 =	sshll.u32 s28, $0x1;
	[dreg:$0x2] =	wrdreg s3  }
0xa9: {  	[dreg:$0x3] =	wrdreg s5  }
0xaa: {  	[dreg:$0x4] =	wrdreg $0xC0  }
0xab: {  	_ =	task [dreg:s7], $0x5FFFF  }
0xac: {  	[dreg:$0x1] =	wrdreg $0xFFFFFFFF  }
0xad: {  	[dreg:$0x0] =	wrdreg $0x60  }
0xae: {  	[dreg:$0x2] =	wrdreg s2  }
0xaf: {  	[dreg:$0x3] =	wrdreg s24  }
0xb0: {  	[dreg:$0x4] =	wrdreg $0x57800  }
0xb1: {  	[dreg:$0x5] =	wrdreg $0x9  }
0xb2: {  	_ =	task.clear_ibuf [dreg:s7], $0x6FFFF;
	_ =	strace $0x90000046  }
0xb3: {  	s29 =	simm.s32 $0x9;
	_ =	strace $0x80000048  }
0xb4: {  	_ =	swait.ge [sflag:s29], $0x1  }
0xb5: {  	[sflag:s29] =	ssyncadd.s32 $0xFFFFFFFF  }
0xb6: {  	_ =	strace $0x90000048  }
0xb7: {  	_ =	sfence  }
0xb8: {  	s30 =	sld [smem:$0x0];
	_ =	sdelay $0x2  }
0xb9: {  	s31 =	sshll.u32 s1, $0xD;
	s1 =	sshrl.u32 s1, $0x2  }
0xba: {  	s3 =	sand.u32 $0x4000, s31;
	s1 =	sadd.s32 s1, s30  }
0xbb: {  	s0 =	sor.u32 s3, s0;
	s1 =	sshll.u32 s1, $0x11  }
0xbc: {  	s0 =	sor.u32 s1, s0  }
0xbd: {  	s0 =	sadd.s32 $0x8F2B, s0  }
0xbe: {  	[sflag:s0] =	ssyncadd.remote.s32 $0x1  }
0xbf: {  	_ =	sfence.sel $0xFFFF  }
0xc0: {  	[dreg:$0x0] =	wrdreg $0xFFFFFFFF;
	(pc) =	sbr.abs _section_cstart, $3  }
0xc1: {  	[dreg:$0x1] =	wrdreg $0xFFFFFFFF  }
0xc2: {  	_ =	task.clear_ibuf [dreg:s7], $0x2FFFF;
	_ =	strace $0x9FFFFFFF  }
0xc3: {  	(tm) =	ssettm $0x7FFFFFFF  }
tec
execute0_lowered:
.L_overlay_start_1:
0x0: {  	(tag) =	ssettag $0x1  }
0x1: {  	s5 =	rddreg [dreg:$0x0]  }
0x2: {  	s4 =	rddreg [dreg:$0x1]  }
0x3: {  	s2 =	rddreg [dreg:$0x2]  }
0x4: {  	s0 =	rddreg [dreg:$0x3];
	s6 =	srdreg.scid  }
0x5: {  	s1 =	stileid.u32;
	s3 =	simm.s32 $0x0;
	s11 =	simm.s32 $0x2800  }
0x6: {  	s12 =	simm.s32 $0x1;
	s13 =	simm.s32 $0x0;
	s7 =	smul.u32 $0x4F0, s1  }
0x7: {  	s6 =	sand.u32 $0x1, s6;
	[smem:$0x7FF] =	sst s3;
	s10 =	smul.u32 $0x9E00, s1  }
0x8: {  	s9 =	sshll.u32 s1, $0x1;
	s8 =	smul.u32 $0x4F00, s6;
	_ =	strace $0x80000047  }
0x9: {  	s30 =	ssub.s32 $0x2, s6;
	s6 =	sor.u32 s6, s9;
	s9 =	simm.s32 $0x2  }
0xa: {  	s31 =	sshrl.u32 s30, $0x1;
	s6 =	smul.u32 $0x500, s6;
	s7 =	sadd.s32 s7, s8  }
0xb: {  	s10 =	sshrl.u32 s10, $0x2;
	s8 =	ssub.s32 s30, s31;
	s7 =	sadd.s32 s7, s4  }
0xc: {  	s4 =	sadd.s32 s10, s2;
	s5 =	sadd.s32 s5, s6;
	s10 =	simm.s32 $0x80  }
0xd: {  	v0 =	vimm.f32 $1.000000000e+00;
	v1 =	vimm.f32 $0.0e+00;
	s6 =	sadd.s32 $0x6C00, s7;
	s7 =	smax.u32 s8, $0x1;
	s8 =	simm.s32 $0x3000  }
.LBB2_1:
0xe: {  	s14 =	simm.s32 $0x0  }
.LBB2_2:
0xf: {  	p0 =	sne.s32 s14, $0x1FC0  }
.Ltmp0:
0x10: {  	_ = 	snop;
	(pc) =	sbr.rel @p0 .LBB2_2-.Ltmp0, $3  }
0x11: {  	_ =	sdelay $0x1  }
0x12: {  	s15 =	sshra.s32 s14, $0x2  }
0x13: {  	s14 =	sadd.s32 $0x40, s14;
	[tilespmem:s15+$0x2800] =	vst v0  }
0x14: {  	s14 =	simm.s32 $0x40;
	s15 =	simm.s32 $0x0  }
.LBB2_4:
0x15: {  	p0 =	sne.s32 s14, $0x9DC0;
	[tilespmem:s15+$0x3000] =	vst v1;
	s15 =	smov.u32 s14;
	s14 =	sadd.s32 $0x40, s14  }
.Ltmp1:
0x16: {  	(pc) =	sbr.rel @p0 .LBB2_4-.Ltmp1, $2  }
0x17: {  	_ =	sdelay $0x2  }
0x18: {  	s15 =	sshra.s32 s15, $0x2  }
0x19: {  	[tilespmem:s15+$0x3000] =	vst v1  }
0x1a: {  	[spmem:s4] =	stream.linear.scatter [tilespmem:s8], [sflag:$0x2], $0x2780, $0x38;
	[tilespmem:$0x7F00] =	vst v63  }
0x1b: {  	_ =	swait.ge [sflag:s9], $0x2780  }
0x1c: {  	[sflag:s9] =	ssyncset.done $0x0  }
0x1d: {  	s14 =	simm.s32 $0x0;
	[sflag:s9] =	ssyncadd.s32 $0xFFFFD880  }
0x1e: {  	[tilespmem:s14], [sflag:$0x2] =	stream.linear.gather [hbm4b:s5+s14], $0x2800, $0x38;
	[tilespmem:$0x7F00] =	vst v63  }
0x1f: {  	_ =	swait.ge [sflag:s9], $0x2800  }
0x20: {  	[sflag:s9] =	ssyncset.done $0x0  }
0x21: {  	[sflag:s9] =	ssyncadd.s32 $0xFFFFD800  }
0x22: {  	[bflag:$0x0] =	sbarrier.arrive $0xFFFF  }
.LBB2_6:
0x23: {  	p0 =	sne.s32 s14, $0x9E00  }
.Ltmp2:
0x24: {  	_ = 	snop;
	(pc) =	sbr.rel @p0 .LBB2_6-.Ltmp2, $3  }
0x25: {  	_ =	sdelay $0x1  }
0x26: {  	s15 =	sshra.s32 s14, $0x2;
	s14 =	sadd.s32 $0x200, s14  }
0x27: {  	[spmem:s2] =	stream.indirect.scatter.add.f32 [tilespmem:s11], [sflag:$0x1], $0x10, s15, s10, $0xb8;
	[tilespmem:$0x7F00] =	vst v63  }
0x28: {  	_ =	swait.ge [sflag:s12], $0x800  }
0x29: {  	s14 =	simm.s32 $0x4F;
	[sflag:s12] =	ssyncset.done $0x0  }
.LBB2_8:
0x2a: {  	p0 =	sne.s32 s14, $0x1;
	s14 =	sadd.s32 $0xFFFFFFFF, s14;
	[sflag:s12] =	ssyncadd.s32 $0xFFFFF800  }
.Ltmp3:
0x2b: {  	(pc) =	sbr.rel @p0 .LBB2_8-.Ltmp3, $3  }
0x2c: {  	_ =	sdelay $0x1  }
0x2d: {  	_ =	swait.ge [sflag:s12], $0x800  }
0x2e: {  	[sflag:s12] =	ssyncset.done $0x0  }
0x2f: {  	[sflag:s12] =	ssyncadd.s32 $0xFFFFF800  }
0x30: {  	[bflag:$0x0] =	sbarrier.arrive $0xFFFF  }
0x31: {  	[tilespmem:s8], [sflag:$0x2] =	stream.linear.gather [spmem:s4], $0x2780, $0x38;
	[tilespmem:$0x7F00] =	vst v63  }
0x32: {  	s13 =	sadd.s32 $0x1, s13;
	_ =	swait.ge [sflag:s9], $0x2780  }
0x33: {  	p0 =	sne.s32 s13, s7;
	[sflag:s9] =	ssyncset.done $0x0  }
.Ltmp4:
0x34: {  	[sflag:s9] =	ssyncadd.s32 $0xFFFFD880;
	(pc) =	sbr.rel @p0 .LBB2_1-.Ltmp4, $4  }
0x35: {  	[hbm4b:s6+s3] =	stream.linear.scatter [tilespmem:s8], [sflag:$0x2], $0x2780, $0x38;
	[tilespmem:$0x7F00] =	vst v63  }
0x36: {  	_ =	swait.ge [sflag:s9], $0x2780  }
0x37: {  	[sflag:s9] =	ssyncset.done $0x0  }
0x38: {  	[sflag:s9] =	ssyncadd.s32 $0xFFFFD880  }
0x39: {  	_ =	sfence.sel $0x180000  }
0x3a: {  	[bflag:$0x0] =	sbarrier.arrive $0xFFFF  }
0x3b: {  	p0 =	sne.s32 s1, $0x0;
	_ =	strace $0x90000047  }
0x3c: {  	s0 =	sadd.s32 @!p0 $0x100000, s0;
	[bflag:$0x2] =	sbarrier.arrive $0xFFFF  }
0x3d: {  	[sflag:s0] =	ssyncadd.tile.s32 @!p0 $0x1;
	_ =	shalt  }
.Lfunc_end2:
_tile_overlayer_lowered:
.L_overlay_start_2:
0x3e: {  	(tag) =	ssettag $0x2  }
0x3f: {  	s0 =	rddreg [dreg:$0x0];
	s2 =	stileid.u32  }
0x40: {  	s1 =	rddreg [dreg:$0x1];
	p0 =	sne.s32 s2, $0x0  }
0x41: {  	s3 =	rddreg [dreg:$0x2];
	[bflag:$0x3] =	sbarrier.arrive $0xFFFF;
	s2 =	simm.s32 @!p0 $0x1C02  }
0x42: {  	[timem:s3], [sflag:s2] =	dma.local @!p0 [hbm:s0], s1  }
0x43: {  	s0 =	simm.s32 @!p0 $0x2  }
0x44: {  	_ =	swait.ge @!p0 [sflag:s0], s1  }
0x45: {  	s1 =	ssub.s32 @!p0 $0x0, s1;
	[sflag:s0] =	ssyncset.done @!p0 $0x0  }
0x46: {  	[sflag:s0] =	ssyncadd.s32 @!p0 s1  }
0x47: {  	[bflag:$0x3] =	sbarrier.arrive $0xFFFF  }
0x48: {  	_ =	shalt  }

// kernel: kernel.19.cloned.1.call-start
scs
__scs_entry_jumppad:
0x0: {  	(pc) =	sbr.rel $0x88, $3  }
0x1: {  	(tag) =	ssettag $0x0;
	lr =	simm.s32 $0x1  }
0x2: {  	[smem:$0x3F91] =	sst lr;
	_ =	strace $0xD0000000  }
0x3: {  	_ = 	snop  }
0x4: {  	_ = 	snop  }
0x5: {  	_ = 	snop  }
0x6: {  	_ = 	snop  }
0x7: {  	_ = 	snop  }
__scs_overlays_trampoline_lowered:
0x8: {  	[smem:$0x3FA0] =	sst s0  }
0x9: {  	[smem:$0x3FA1] =	sst s1  }
0xa: {  	[smem:$0x3FA2] =	sst s2  }
0xb: {  	[smem:$0x3FA3] =	sst s3  }
0xc: {  	[smem:$0x3FA4] =	sst s4  }
0xd: {  	[smem:$0x3FA5] =	sst s5  }
0xe: {  	[smem:$0x3FA6] =	sst s6  }
0xf: {  	[smem:$0x3FA7] =	sst s7  }
0x10: {  	[smem:$0x3FA8] =	sst s8  }
0x11: {  	[smem:$0x3FA9] =	sst s9;
	s0 =	simm.s32 @!p0 $0x0  }
0x12: {  	s1 =	sld [smem:$0x3F8F];
	s0 =	simm.s32 @p0 $0x1  }
0x13: {  	[smem:$0x3FAA] =	sst s0;
	s0 =	simm.s32 @!p1 $0x0  }
0x14: {  	s2 =	sld [smem:$0x3F8E];
	s0 =	simm.s32 @p1 $0x1  }
0x15: {  	[smem:$0x3FAB] =	sst s0;
	s0 =	simm.s32 @!p2 $0x0  }
0x16: {  	s3 =	sld [smem:$0x3FDB];
	s0 =	simm.s32 @p2 $0x1  }
0x17: {  	s4 =	simm.s32 $0x1BF5;
	[smem:$0x3FAD] =	sst s0  }
0x18: {  	s0 =	sld [smem:$0x3F90];
	_ =	swait.ge [sflag:s4], $0x0  }
0x19: {  	s7 =	sld [smem:$0x3F91]  }
0x1a: {  	s8 =	sadd.s32 $0xFFFFE003, lr  }
0x1b: {  	s9 =	sadd.s32 $0xFFFFFEF7, lr;
	s5 =	simm.s32 $0xFFFFFFFF;
	p2 =	slt.u32 s8, $0xFFFFF086  }
0x1c: {  	p1 =	slt.u32 s9, $0xF7A;
	s5 =	simm.s32 @!p2 $0x0  }
0x1d: {  	s5 =	simm.s32 @p1 $0x1;
	p0 =	seq.s32 s7, s2  }
0x1e: {  	s7 =	smul.u32 @!p0 $0xF7A, s2;
	p2 =	seq.s32 @!p0 s5, $0x0  }
0x1f: {  	s9 =	smul.u32 $0xF7A, s1;
	s8 =	simm.s32 @!p0 $0x1BF5;
	p2 =	por !p2, p0  }
0x20: {  	[sflag:s8] =	ssyncset.s32 @!p0 $0xFFFFF086;
	s6 =	sadd.s32 @!p0 s3, s7;
	s7 =	simm.s32 @!p0 $0x108  }
0x21: {  	s3 =	sadd.s32 s3, s9;
	s6 =	sadd.s32 @!p0 $0x88, s6;
	s7 =	simm.s32 @p2 $0x1082  }
0x22: {  	[simem:s7], [sflag:s8] =	dma.local @!p0 [hbm:s6], $0xF7A  }
0x23: {  	s9 =	sor.u32 $0xD0000000, s2;
	s6 =	simm.s32 $0x108;
	_ =	swait.ge @!p0 [sflag:s8], $0x0  }
0x24: {  	s3 =	sadd.s32 $0x88, s3;
	s6 =	simm.s32 @!p1 $0x1082;
	[sflag:s4] =	ssyncset.s32 $0xFFFFF086  }
0x25: {  	[simem:s6], [sflag:s4] =	dma.local [hbm:s3], $0xF7A  }
0x26: {  	[smem:$0x3F91] =	sst s1;
	(tag) =	ssettag s2;
	_ =	strace s9  }
0x27: {  	s1 =	sld [smem:$0x3FA1]  }
0x28: {  	s2 =	sld [smem:$0x3FA2]  }
0x29: {  	s4 =	sld [smem:$0x3FA4]  }
0x2a: {  	p0 =	seq.s32 s5, $0x0;
	s5 =	sld [smem:$0x3FA5]  }
0x2b: {  	s6 =	sld [smem:$0x3FA6]  }
0x2c: {  	s7 =	sld [smem:$0x3FA7]  }
0x2d: {  	s3 =	simm.s32 $0x108;
	s8 =	sld [smem:$0x3FA8]  }
0x2e: {  	s3 =	simm.s32 @!p0 $0x1082;
	s9 =	sld [smem:$0x3FA9]  }
0x2f: {  	lr =	sadd.s32 s0, s3;
	s0 =	sld [smem:$0x3FA0]  }
0x30: {  	s3 =	sld [smem:$0x3FA3]  }
0x31: {  	[smem:$0x3FAC] =	sst s10  }
0x32: {  	s10 =	sld [smem:$0x3FAA];
	_ =	sdelay $0x3  }
0x33: {  	p0 =	seq.s32 s10, $0x1;
	s10 =	sld [smem:$0x3FAC];
	_ =	sdelay $0x3  }
0x34: {  	[smem:$0x3FAC] =	sst s10  }
0x35: {  	s10 =	sld [smem:$0x3FAB];
	_ =	sdelay $0x3  }
0x36: {  	p1 =	seq.s32 s10, $0x1;
	s10 =	sld [smem:$0x3FAC];
	_ =	sdelay $0x3  }
0x37: {  	[smem:$0x3FAC] =	sst s10  }
0x38: {  	s10 =	sld [smem:$0x3FAD]  }
0x39: {  	_ = 	snop;
	(pc) =	sbr.ind lr, $3  }
0x3a: {  	_ = 	snop  }
0x3b: {  	_ = 	snop  }
0x3c: {  	p2 =	seq.s32 s10, $0x1;
	s10 =	sld [smem:$0x3FAC]  }
0x3d: {  	_ =	shalt  }
0x3e: {  	_ =	shalt  }
0x3f: {  	_ =	shalt  }
0x40: {  	_ =	shalt  }
0x41: {  	_ =	shalt  }
0x42: {  	_ =	shalt  }
0x43: {  	_ =	shalt  }
0x44: {  	_ =	shalt  }
0x45: {  	_ =	shalt  }
0x46: {  	_ =	shalt  }
0x47: {  	_ =	shalt  }
0x48: {  	_ =	shalt  }
0x49: {  	_ =	shalt  }
0x4a: {  	_ =	shalt  }
0x4b: {  	_ =	shalt  }
0x4c: {  	_ =	shalt  }
0x4d: {  	_ =	shalt  }
0x4e: {  	_ =	shalt  }
0x4f: {  	_ =	shalt  }
0x50: {  	_ =	shalt  }
0x51: {  	_ =	shalt  }
0x52: {  	_ =	shalt  }
0x53: {  	_ =	shalt  }
0x54: {  	_ =	shalt  }
0x55: {  	_ =	shalt  }
0x56: {  	_ =	shalt  }
0x57: {  	_ =	shalt  }
0x58: {  	_ =	shalt  }
0x59: {  	_ =	shalt  }
0x5a: {  	_ =	shalt  }
0x5b: {  	_ =	shalt  }
0x5c: {  	_ =	shalt  }
0x5d: {  	_ =	shalt  }
0x5e: {  	_ =	shalt  }
0x5f: {  	_ =	shalt  }
0x60: {  	_ =	shalt  }
0x61: {  	_ =	shalt  }
0x62: {  	_ =	shalt  }
0x63: {  	_ =	shalt  }
0x64: {  	_ =	shalt  }
0x65: {  	_ =	shalt  }
0x66: {  	_ =	shalt  }
0x67: {  	_ =	shalt  }
0x68: {  	_ =	shalt  }
0x69: {  	_ =	shalt  }
0x6a: {  	_ =	shalt  }
0x6b: {  	_ =	shalt  }
0x6c: {  	_ =	shalt  }
0x6d: {  	_ =	shalt  }
0x6e: {  	_ =	shalt  }
0x6f: {  	_ =	shalt  }
0x70: {  	_ =	shalt  }
0x71: {  	_ =	shalt  }
0x72: {  	_ =	shalt  }
0x73: {  	_ =	shalt  }
0x74: {  	_ =	shalt  }
0x75: {  	_ =	shalt  }
0x76: {  	_ =	shalt  }
0x77: {  	_ =	shalt  }
0x78: {  	_ =	shalt  }
0x79: {  	_ =	shalt  }
0x7a: {  	_ =	shalt  }
0x7b: {  	_ =	shalt  }
0x7c: {  	_ =	shalt  }
0x7d: {  	_ =	shalt  }
0x7e: {  	_ =	shalt  }
0x7f: {  	_ =	shalt  }
0x80: {  	_ =	shalt  }
0x81: {  	_ =	shalt  }
0x82: {  	_ =	shalt  }
0x83: {  	_ =	shalt  }
0x84: {  	_ =	shalt  }
0x85: {  	_ =	shalt  }
0x86: {  	_ =	shalt  }
0x87: {  	_ =	shalt  }
.Lfunc_end0:
.L_simem_size_0:
called_computation.1_lowered:
.L_overlay_start_0:
0x88: {  	s2 =	sld [smem:$0x3FD9]  }
0x89: {  	s3 =	sld [smem:$0x3FFE];
	_ =	sdelay $0x1  }
0x8a: {  	s1 =	srdreg.scid  }
0x8b: {  	s0 =	sand.u32 $0x1, s1  }
0x8c: {  	s17 =	sshll.u32 s0, $0xA;
	s2 =	sadd.s32 s3, s2  }
0x8d: {  	s2 =	sadd.s32 s2, s17  }
0x8e: {  	[smem:$0x3FB8] =	sst s2  }
0x8f: {  	_ = 	snop  }
0x90: {  	s2 =	sld [smem:$0x3FD0];
	(tm) =	ssettm $0x1  }
0x91: {  	s18 =	sld [smem:$0x3FFB];
	_ =	sdelay $0x3  }
0x92: {  	_ =	strace s18  }
0x93: {  	s3 =	sld [smem:$0x3FFC];
	_ =	sdelay $0x3  }
0x94: {  	_ =	strace s3  }
0x95: {  	s3 =	sld [smem:$0x3FFD];
	_ =	sdelay $0x3  }
0x96: {  	_ =	strace s3  }
0x97: {  	_ =	strace $0x8FFFFFFF  }
0x98: {  	s19 =	sld [smem:$0x3FDB];
	_ =	sdelay $0x1  }
0x99: {  	s4 =	simm.s32 $_scs_section_size  }
0x9a: {  	s5 =	simm.s32 $_size__tile_overlayer_lowered;
	s6 =	simm.s32 $_tile_overlayer_lowered  }
0x9b: {  	s22 =	simm.s32 $0x1BFF;
	s21 =	sshll.u32 s6, $0x1;
	s3 =	sadd.s32 s4, s19  }
0x9c: {  	s7 =	simm.s32 $0x0;
	s20 =	sshll.u32 s5, $0x1;
	s5 =	sadd.s32 s21, s3  }
0x9d: {  	[timem:s7], [sflag:s22] =	dma.local [hbm:s5], s20  }
0x9e: {  	_ =	swait.ge [sflag:s22], s20  }
0x9f: {  	s4 =	ssub.s32 $0x0, s20;
	[sflag:s22] =	ssyncset.done $0x0  }
0xa0: {  	[sflag:s22] =	ssyncadd.s32 s4;
	_ =	sdelay $0x1  }
0xa1: {  	s23 =	simm.s32 $0x1B8B  }
0xa2: {  	_ =	swait.ge [sflag:s23], $0x1  }
0xa3: {  	[sflag:s23] =	ssyncset.done $0x0  }
0xa4: {  	s25 =	simm.s32 $0x1B8E;
	s24 =	sld [smem:$0x3FFE];
	[sflag:s23] =	ssyncadd.s32 $0xFFFFFFFF  }
0xa5: {  	s26 =	simm.s32 $execute0_lowered;
	[smem:$0x3FD2] =	sst s25  }
0xa6: {  	s5 =	sshll.u32 s26, $0x1;
	_ =	strace $0x80000049;
	[dreg:$0x1] =	wrdreg $0xFFFFFFFF  }
0xa7: {  	s28 =	simm.s32 $_size_execute0_lowered;
	s3 =	sadd.s32 s3, s5;
	[dreg:$0x0] =	wrdreg $0x0  }
0xa8: {  	s5 =	sshll.u32 s28, $0x1;
	[dreg:$0x2] =	wrdreg s3  }
0xa9: {  	[dreg:$0x3] =	wrdreg s5  }
0xaa: {  	[dreg:$0x4] =	wrdreg $0xC0  }
0xab: {  	_ =	task [dreg:s7], $0x5FFFF  }
0xac: {  	[dreg:$0x1] =	wrdreg $0xFFFFFFFF  }
0xad: {  	[dreg:$0x0] =	wrdreg $0x60  }
0xae: {  	[dreg:$0x2] =	wrdreg s24  }
0xaf: {  	[dreg:$0x3] =	wrdreg s2  }
0xb0: {  	[dreg:$0x4] =	wrdreg $0x97800  }
0xb1: {  	[dreg:$0x5] =	wrdreg $0x9  }
0xb2: {  	_ =	task.clear_ibuf [dreg:s7], $0x6FFFF;
	_ =	strace $0x90000049  }
0xb3: {  	s29 =	simm.s32 $0x9;
	_ =	strace $0x8000004B  }
0xb4: {  	_ =	swait.ge [sflag:s29], $0x1  }
0xb5: {  	[sflag:s29] =	ssyncadd.s32 $0xFFFFFFFF  }
0xb6: {  	_ =	strace $0x9000004B  }
0xb7: {  	_ =	sfence  }
0xb8: {  	s30 =	sld [smem:$0x0];
	_ =	sdelay $0x2  }
0xb9: {  	s31 =	sshll.u32 s1, $0xD;
	s1 =	sshrl.u32 s1, $0x2  }
0xba: {  	s3 =	sand.u32 $0x4000, s31;
	s1 =	sadd.s32 s1, s30  }
0xbb: {  	s0 =	sor.u32 s3, s0;
	s1 =	sshll.u32 s1, $0x11  }
0xbc: {  	s0 =	sor.u32 s1, s0  }
0xbd: {  	s0 =	sadd.s32 $0x8F2B, s0  }
0xbe: {  	[sflag:s0] =	ssyncadd.remote.s32 $0x1  }
0xbf: {  	_ =	sfence.sel $0xFFFF  }
0xc0: {  	[dreg:$0x0] =	wrdreg $0xFFFFFFFF;
	(pc) =	sbr.abs _section_cstart, $3  }
0xc1: {  	[dreg:$0x1] =	wrdreg $0xFFFFFFFF  }
0xc2: {  	_ =	task.clear_ibuf [dreg:s7], $0x2FFFF;
	_ =	strace $0x9FFFFFFF  }
0xc3: {  	(tm) =	ssettm $0x7FFFFFFF  }
tec
execute0_lowered:
.L_overlay_start_1:
0x0: {  	(tag) =	ssettag $0x1  }
0x1: {  	s5 =	rddreg [dreg:$0x0]  }
0x2: {  	s1 =	srdreg.scid;
	s7 =	rddreg [dreg:$0x1]  }
0x3: {  	s0 =	stileid.u32;
	s2 =	rddreg [dreg:$0x2]  }
0x4: {  	s3 =	simm.s32 $0x0;
	s13 =	simm.s32 $0x80;
	s14 =	simm.s32 $0x5000  }
0x5: {  	s15 =	simm.s32 $0x5800;
	s16 =	simm.s32 $0x100;
	s17 =	simm.s32 $0x6000  }
0x6: {  	s18 =	simm.s32 $0x180;
	s19 =	simm.s32 $0x6800;
	s20 =	simm.s32 $0x1  }
0x7: {  	s21 =	simm.s32 $0x2;
	s22 =	simm.s32 $0x3;
	s23 =	simm.s32 $0x4  }
0x8: {  	s24 =	simm.s32 $0x4E00;
	s25 =	simm.s32 $0x4E80;
	s28 =	simm.s32 $0x4F80  }
0x9: {  	s29 =	simm.s32 $0x0;
	s6 =	sand.u32 $0x1, s1;
	s9 =	smul.u32 $0x4F0, s0  }
0xa: {  	s26 =	sshll.u32 s0, $0x1;
	[smem:$0x7FF] =	sst s3;
	s11 =	smul.u32 $0x9E00, s0  }
0xb: {  	s4 =	sor.u32 s6, s26;
	_ =	strace $0x8000004A;
	s10 =	smul.u32 $0x4F00, s6  }
0xc: {  	s6 =	ssub.s32 $0x2, s6;
	s26 =	simm.s32 $0x4F00;
	s8 =	smul.u32 $0x500, s4  }
0xd: {  	s4 =	sadd.s32 $0x6C00, s5;
	s30 =	sshrl.u32 s6, $0x1;
	s31 =	sshrl.u32 s11, $0x2  }
0xe: {  	s11 =	simm.s32 $0x5;
	s9 =	sadd.s32 s9, s10;
	s10 =	ssub.s32 s6, s30  }
0xf: {  	s12 =	sadd.s32 s8, s5;
	s9 =	sadd.s32 s9, s5;
	s5 =	sadd.s32 s31, s2  }
0x10: {  	s7 =	sadd.s32 s7, s8;
	s6 =	sadd.s32 $0x10A00, s12;
	s8 =	sadd.s32 $0x1AA00, s9  }
0x11: {  	v0 =	vimm.f32 $0.0e+00;
	s9 =	smax.u32 s10, $0x1;
	s10 =	simm.s32 $0x7000;
	s12 =	simm.s32 $0x2800  }
.LBB2_1:
0x12: {  	s30 =	simm.s32 $0x40;
	s31 =	simm.s32 $0x0  }
.LBB2_2:
0x13: {  	p0 =	sne.s32 s30, $0x9DC0;
	[tilespmem:s31+$0x7000] =	vst v0;
	s31 =	smov.u32 s30;
	s30 =	sadd.s32 $0x40, s30  }
.Ltmp0:
0x14: {  	(pc) =	sbr.rel @p0 .LBB2_2-.Ltmp0, $2  }
0x15: {  	_ =	sdelay $0x2  }
0x16: {  	s31 =	sshra.s32 s31, $0x2  }
0x17: {  	[tilespmem:s31+$0x7000] =	vst v0  }
0x18: {  	[spmem:s5] =	stream.linear.scatter [tilespmem:s10], [sflag:$0x5], $0x2780, $0x38;
	[tilespmem:$0xBF00] =	vst v63  }
0x19: {  	_ =	swait.ge [sflag:s11], $0x2780  }
0x1a: {  	[sflag:s11] =	ssyncset.done $0x0  }
0x1b: {  	s30 =	simm.s32 $0x0;
	[sflag:s11] =	ssyncadd.s32 $0xFFFFD880  }
0x1c: {  	[tilespmem:s30], [sflag:$0x5] =	stream.linear.gather [hbm4b:s6+s30], $0x2800, $0x38;
	[tilespmem:$0xBF00] =	vst v63  }
0x1d: {  	_ =	swait.ge [sflag:s11], $0x2800  }
0x1e: {  	[sflag:s11] =	ssyncset.done $0x0  }
0x1f: {  	[sflag:s11] =	ssyncadd.s32 $0xFFFFD800  }
0x20: {  	[tilespmem:s12], [sflag:$0x5] =	stream.linear.gather [hbm4b:s7+s30], $0x2800, $0x38;
	[tilespmem:$0xBF00] =	vst v63  }
0x21: {  	_ =	swait.ge [sflag:s11], $0x2800  }
0x22: {  	[sflag:s11] =	ssyncset.done $0x0  }
0x23: {  	[sflag:s11] =	ssyncadd.s32 $0xFFFFD800  }
0x24: {  	[bflag:$0x0] =	sbarrier.arrive $0xFFFF  }
0x25: {  	[tilespmem:s14], [sflag:$0x1] =	stream.indirect.gather [hbm4b:s4+s13], $0x10, s30, s13, $0xb8;
	[tilespmem:$0xBF00] =	vst v63  }
0x26: {  	_ = 	snop  }
0x27: {  	[tilespmem:s15], [sflag:$0x2] =	stream.indirect.gather [hbm4b:s4+s13], $0x10, s13, s13, $0xb8;
	[tilespmem:$0xBF00] =	vst v63  }
0x28: {  	_ = 	snop  }
0x29: {  	[tilespmem:s17], [sflag:$0x3] =	stream.indirect.gather [hbm4b:s4+s13], $0x10, s16, s13, $0xb8;
	[tilespmem:$0xBF00] =	vst v63  }
0x2a: {  	_ = 	snop  }
0x2b: {  	[tilespmem:s19], [sflag:$0x4] =	stream.indirect.gather [hbm4b:s4+s13], $0x10, s18, s13, $0xb8;
	[tilespmem:$0xBF00] =	vst v63  }
0x2c: {  	_ =	swait.ge [sflag:s20], $0x800  }
0x2d: {  	[sflag:s20] =	ssyncset.done $0x0  }
0x2e: {  	s30 =	simm.s32 $0x2800;
	[sflag:s20] =	ssyncadd.s32 $0xFFFFF800  }
0x2f: {  	[spmem:s2] =	stream.indirect.scatter.add.f32 [tilespmem:s14], [sflag:$0x5], $0x10, s30, s13, $0xb8;
	[tilespmem:$0xBF00] =	vst v63  }
0x30: {  	_ =	swait.ge [sflag:s11], $0x800  }
0x31: {  	[sflag:s11] =	ssyncset.done $0x0  }
0x32: {  	s30 =	simm.s32 $0x200;
	[sflag:s11] =	ssyncadd.s32 $0xFFFFF800  }
0x33: {  	[tilespmem:s14], [sflag:$0x1] =	stream.indirect.gather [hbm4b:s4+s13], $0x10, s30, s13, $0xb8;
	[tilespmem:$0xBF00] =	vst v63  }
0x34: {  	_ =	swait.ge [sflag:s21], $0x800  }
0x35: {  	[sflag:s21] =	ssyncset.done $0x0  }
0x36: {  	s30 =	simm.s32 $0x2880;
	[sflag:s21] =	ssyncadd.s32 $0xFFFFF800  }
0x37: {  	[spmem:s2] =	stream.indirect.scatter.add.f32 [tilespmem:s15], [sflag:$0x5], $0x10, s30, s13, $0xb8;
	[tilespmem:$0xBF00] =	vst v63  }
0x38: {  	_ =	swait.ge [sflag:s11], $0x800  }
0x39: {  	[sflag:s11] =	ssyncset.done $0x0  }
0x3a: {  	s30 =	simm.s32 $0x280;
	[sflag:s11] =	ssyncadd.s32 $0xFFFFF800  }
0x3b: {  	[tilespmem:s15], [sflag:$0x2] =	stream.indirect.gather [hbm4b:s4+s13], $0x10, s30, s13, $0xb8;
	[tilespmem:$0xBF00] =	vst v63  }
0x3c: {  	_ =	swait.ge [sflag:s22], $0x800  }
0x3d: {  	[sflag:s22] =	ssyncset.done $0x0  }
0x3e: {  	s30 =	simm.s32 $0x2900;
	[sflag:s22] =	ssyncadd.s32 $0xFFFFF800  }
0x3f: {  	[spmem:s2] =	stream.indirect.scatter.add.f32 [tilespmem:s17], [sflag:$0x5], $0x10, s30, s13, $0xb8;
	[tilespmem:$0xBF00] =	vst v63  }
0x40: {  	_ =	swait.ge [sflag:s11], $0x800  }
0x41: {  	[sflag:s11] =	ssyncset.done $0x0  }
0x42: {  	s30 =	simm.s32 $0x300;
	[sflag:s11] =	ssyncadd.s32 $0xFFFFF800  }
0x43: {  	[tilespmem:s17], [sflag:$0x3] =	stream.indirect.gather [hbm4b:s4+s13], $0x10, s30, s13, $0xb8;
	[tilespmem:$0xBF00] =	vst v63  }
0x44: {  	_ =	swait.ge [sflag:s23], $0x800  }
0x45: {  	[sflag:s23] =	ssyncset.done $0x0  }
0x46: {  	s30 =	simm.s32 $0x2980;
	[sflag:s23] =	ssyncadd.s32 $0xFFFFF800  }
0x47: {  	[spmem:s2] =	stream.indirect.scatter.add.f32 [tilespmem:s19], [sflag:$0x5], $0x10, s30, s13, $0xb8;
	[tilespmem:$0xBF00] =	vst v63  }
0x48: {  	_ =	swait.ge [sflag:s11], $0x800  }
0x49: {  	[sflag:s11] =	ssyncset.done $0x0  }
0x4a: {  	s31 =	simm.s32 $0x380;
	s30 =	simm.s32 $0x800;
	[sflag:s11] =	ssyncadd.s32 $0xFFFFF800  }
.LBB2_4:
0x4b: {  	[tilespmem:s19], [sflag:$0x4] =	stream.indirect.gather [hbm4b:s4+s13], $0x10, s31, s13, $0xb8;
	[tilespmem:$0xBF00] =	vst v63  }
0x4c: {  	s31 =	smov.u32 s30  }
0x4d: {  	p0 =	sne.s32 s30, $0x9000;
	s30 =	sadd.s32 $0x800, s30;
	_ =	swait.ge [sflag:s20], $0x800  }
0x4e: {  	s31 =	sshra.s32 s31, $0x2;
	[sflag:s20] =	ssyncset.done $0x0  }
0x4f: {  	s1 =	sadd.s32 $0x2800, s31;
	[sflag:s20] =	ssyncadd.s32 $0xFFFFF800  }
0x50: {  	[spmem:s2] =	stream.indirect.scatter.add.f32 [tilespmem:s14], [sflag:$0x5], $0x10, s1, s13, $0xb8;
	[tilespmem:$0xBF00] =	vst v63  }
0x51: {  	_ =	swait.ge [sflag:s11], $0x800  }
0x52: {  	[sflag:s11] =	ssyncset.done $0x0  }
0x53: {  	s1 =	sadd.s32 $0x200, s31;
	[sflag:s11] =	ssyncadd.s32 $0xFFFFF800  }
0x54: {  	[tilespmem:s14], [sflag:$0x1] =	stream.indirect.gather [hbm4b:s4+s13], $0x10, s1, s13, $0xb8;
	[tilespmem:$0xBF00] =	vst v63  }
0x55: {  	_ =	swait.ge [sflag:s21], $0x800  }
0x56: {  	[sflag:s21] =	ssyncset.done $0x0  }
0x57: {  	s1 =	sadd.s32 $0x2880, s31;
	[sflag:s21] =	ssyncadd.s32 $0xFFFFF800  }
0x58: {  	[spmem:s2] =	stream.indirect.scatter.add.f32 [tilespmem:s15], [sflag:$0x5], $0x10, s1, s13, $0xb8;
	[tilespmem:$0xBF00] =	vst v63  }
0x59: {  	_ =	swait.ge [sflag:s11], $0x800  }
0x5a: {  	[sflag:s11] =	ssyncset.done $0x0  }
0x5b: {  	s1 =	sadd.s32 $0x280, s31;
	[sflag:s11] =	ssyncadd.s32 $0xFFFFF800  }
0x5c: {  	[tilespmem:s15], [sflag:$0x2] =	stream.indirect.gather [hbm4b:s4+s13], $0x10, s1, s13, $0xb8;
	[tilespmem:$0xBF00] =	vst v63  }
0x5d: {  	_ =	swait.ge [sflag:s22], $0x800  }
0x5e: {  	[sflag:s22] =	ssyncset.done $0x0  }
0x5f: {  	s1 =	sadd.s32 $0x2900, s31;
	[sflag:s22] =	ssyncadd.s32 $0xFFFFF800  }
0x60: {  	[spmem:s2] =	stream.indirect.scatter.add.f32 [tilespmem:s17], [sflag:$0x5], $0x10, s1, s13, $0xb8;
	[tilespmem:$0xBF00] =	vst v63  }
0x61: {  	_ =	swait.ge [sflag:s11], $0x800  }
0x62: {  	[sflag:s11] =	ssyncset.done $0x0  }
0x63: {  	s1 =	sadd.s32 $0x300, s31;
	[sflag:s11] =	ssyncadd.s32 $0xFFFFF800  }
0x64: {  	[tilespmem:s17], [sflag:$0x3] =	stream.indirect.gather [hbm4b:s4+s13], $0x10, s1, s13, $0xb8;
	[tilespmem:$0xBF00] =	vst v63  }
0x65: {  	_ =	swait.ge [sflag:s23], $0x800  }
0x66: {  	[sflag:s23] =	ssyncset.done $0x0  }
.Ltmp1:
0x67: {  	s1 =	sadd.s32 $0x2980, s31;
	[sflag:s23] =	ssyncadd.s32 $0xFFFFF800;
	(pc) =	sbr.rel @p0 .LBB2_4-.Ltmp1, $4  }
0x68: {  	[spmem:s2] =	stream.indirect.scatter.add.f32 [tilespmem:s19], [sflag:$0x5], $0x10, s1, s13, $0xb8;
	[tilespmem:$0xBF00] =	vst v63  }
0x69: {  	_ =	swait.ge [sflag:s11], $0x800  }
0x6a: {  	[sflag:s11] =	ssyncset.done $0x0  }
0x6b: {  	s31 =	sadd.s32 $0x380, s31;
	[sflag:s11] =	ssyncadd.s32 $0xFFFFF800  }
0x6c: {  	[tilespmem:s19], [sflag:$0x4] =	stream.indirect.gather [hbm4b:s4+s13], $0x10, s31, s13, $0xb8;
	[tilespmem:$0xBF00] =	vst v63  }
0x6d: {  	_ =	swait.ge [sflag:s20], $0x800  }
0x6e: {  	[sflag:s20] =	ssyncset.done $0x0  }
0x6f: {  	[sflag:s20] =	ssyncadd.s32 $0xFFFFF800  }
0x70: {  	[spmem:s2] =	stream.indirect.scatter.add.f32 [tilespmem:s14], [sflag:$0x5], $0x10, s24, s13, $0xb8;
	[tilespmem:$0xBF00] =	vst v63  }
0x71: {  	_ =	swait.ge [sflag:s11], $0x800  }
0x72: {  	[sflag:s11] =	ssyncset.done $0x0  }
0x73: {  	[sflag:s11] =	ssyncadd.s32 $0xFFFFF800  }
0x74: {  	_ =	swait.ge [sflag:s21], $0x800  }
0x75: {  	[sflag:s21] =	ssyncset.done $0x0  }
0x76: {  	[sflag:s21] =	ssyncadd.s32 $0xFFFFF800  }
0x77: {  	[spmem:s2] =	stream.indirect.scatter.add.f32 [tilespmem:s15], [sflag:$0x5], $0x10, s25, s13, $0xb8;
	[tilespmem:$0xBF00] =	vst v63  }
0x78: {  	_ =	swait.ge [sflag:s11], $0x800  }
0x79: {  	[sflag:s11] =	ssyncset.done $0x0  }
0x7a: {  	[sflag:s11] =	ssyncadd.s32 $0xFFFFF800  }
0x7b: {  	_ =	swait.ge [sflag:s22], $0x800  }
0x7c: {  	[sflag:s22] =	ssyncset.done $0x0  }
0x7d: {  	[sflag:s22] =	ssyncadd.s32 $0xFFFFF800  }
0x7e: {  	[spmem:s2] =	stream.indirect.scatter.add.f32 [tilespmem:s17], [sflag:$0x5], $0x10, s26, s13, $0xb8;
	[tilespmem:$0xBF00] =	vst v63  }
0x7f: {  	_ =	swait.ge [sflag:s11], $0x800  }
0x80: {  	[sflag:s11] =	ssyncset.done $0x0  }
0x81: {  	[sflag:s11] =	ssyncadd.s32 $0xFFFFF800  }
0x82: {  	_ =	swait.ge [sflag:s23], $0x800  }
0x83: {  	[sflag:s23] =	ssyncset.done $0x0  }
0x84: {  	[sflag:s23] =	ssyncadd.s32 $0xFFFFF800  }
0x85: {  	[spmem:s2] =	stream.indirect.scatter.add.f32 [tilespmem:s19], [sflag:$0x5], $0x10, s28, s13, $0xb8;
	[tilespmem:$0xBF00] =	vst v63  }
0x86: {  	_ =	swait.ge [sflag:s11], $0x800  }
0x87: {  	[sflag:s11] =	ssyncset.done $0x0  }
0x88: {  	[sflag:s11] =	ssyncadd.s32 $0xFFFFF800  }
0x89: {  	[bflag:$0x0] =	sbarrier.arrive $0xFFFF  }
0x8a: {  	[tilespmem:s10], [sflag:$0x5] =	stream.linear.gather [spmem:s5], $0x2780, $0x38;
	[tilespmem:$0xBF00] =	vst v63  }
0x8b: {  	s29 =	sadd.s32 $0x1, s29;
	_ =	swait.ge [sflag:s11], $0x2780  }
0x8c: {  	p0 =	sne.s32 s29, s9;
	[sflag:s11] =	ssyncset.done $0x0  }
.Ltmp2:
0x8d: {  	[sflag:s11] =	ssyncadd.s32 $0xFFFFD880;
	(pc) =	sbr.rel @p0 .LBB2_1-.Ltmp2, $4  }
0x8e: {  	[hbm4b:s8+s3] =	stream.linear.scatter [tilespmem:s10], [sflag:$0x5], $0x2780, $0x38;
	[tilespmem:$0xBF00] =	vst v63  }
0x8f: {  	_ =	swait.ge [sflag:s11], $0x2780  }
0x90: {  	[sflag:s11] =	ssyncset.done $0x0  }
0x91: {  	[sflag:s11] =	ssyncadd.s32 $0xFFFFD880  }
0x92: {  	_ =	sfence.sel $0x180000  }
0x93: {  	[bflag:$0x0] =	sbarrier.arrive $0xFFFF  }
0x94: {  	_ =	strace $0x9000004A  }
0x95: {  	[bflag:$0x2] =	sbarrier.arrive $0xFFFF  }
0x96: {  	p0 =	sne.s32 s0, $0x0;
	s0 =	rddreg [dreg:$0x3]  }
0x97: {  	s0 =	sadd.s32 @!p0 $0x100000, s0  }
0x98: {  	[sflag:s0] =	ssyncadd.tile.s32 @!p0 $0x1;
	_ =	shalt  }
.Lfunc_end2:
_tile_overlayer_lowered:
.L_overlay_start_2:
0x99: {  	(tag) =	ssettag $0x2  }
0x9a: {  	s0 =	rddreg [dreg:$0x0];
	s2 =	stileid.u32  }
0x9b: {  	s1 =	rddreg [dreg:$0x1];
	p0 =	sne.s32 s2, $0x0  }
0x9c: {  	s3 =	rddreg [dreg:$0x2];
	[bflag:$0x3] =	sbarrier.arrive $0xFFFF;
	s2 =	simm.s32 @!p0 $0x1C05  }
0x9d: {  	[timem:s3], [sflag:s2] =	dma.local @!p0 [hbm:s0], s1  }
0x9e: {  	s0 =	simm.s32 @!p0 $0x5  }
0x9f: {  	_ =	swait.ge @!p0 [sflag:s0], s1  }
0xa0: {  	s1 =	ssub.s32 @!p0 $0x0, s1;
	[sflag:s0] =	ssyncset.done @!p0 $0x0  }
0xa1: {  	[sflag:s0] =	ssyncadd.s32 @!p0 s1  }
0xa2: {  	[bflag:$0x3] =	sbarrier.arrive $0xFFFF  }
0xa3: {  	_ =	shalt  }

// kernel: kernel.22.cloned.1.call-start
scs
__scs_entry_jumppad:
0x0: {  	(pc) =	sbr.rel $0x88, $3  }
0x1: {  	(tag) =	ssettag $0x0;
	lr =	simm.s32 $0x1  }
0x2: {  	[smem:$0x3F91] =	sst lr;
	_ =	strace $0xD0000000  }
0x3: {  	_ = 	snop  }
0x4: {  	_ = 	snop  }
0x5: {  	_ = 	snop  }
0x6: {  	_ = 	snop  }
0x7: {  	_ = 	snop  }
__scs_overlays_trampoline_lowered:
0x8: {  	[smem:$0x3FA0] =	sst s0  }
0x9: {  	[smem:$0x3FA1] =	sst s1  }
0xa: {  	[smem:$0x3FA2] =	sst s2  }
0xb: {  	[smem:$0x3FA3] =	sst s3  }
0xc: {  	[smem:$0x3FA4] =	sst s4  }
0xd: {  	[smem:$0x3FA5] =	sst s5  }
0xe: {  	[smem:$0x3FA6] =	sst s6  }
0xf: {  	[smem:$0x3FA7] =	sst s7  }
0x10: {  	[smem:$0x3FA8] =	sst s8  }
0x11: {  	[smem:$0x3FA9] =	sst s9;
	s0 =	simm.s32 @!p0 $0x0  }
0x12: {  	s1 =	sld [smem:$0x3F8F];
	s0 =	simm.s32 @p0 $0x1  }
0x13: {  	[smem:$0x3FAA] =	sst s0;
	s0 =	simm.s32 @!p1 $0x0  }
0x14: {  	s2 =	sld [smem:$0x3F8E];
	s0 =	simm.s32 @p1 $0x1  }
0x15: {  	[smem:$0x3FAB] =	sst s0;
	s0 =	simm.s32 @!p2 $0x0  }
0x16: {  	s3 =	sld [smem:$0x3FDB];
	s0 =	simm.s32 @p2 $0x1  }
0x17: {  	s4 =	simm.s32 $0x1BF5;
	[smem:$0x3FAD] =	sst s0  }
0x18: {  	s0 =	sld [smem:$0x3F90];
	_ =	swait.ge [sflag:s4], $0x0  }
0x19: {  	s7 =	sld [smem:$0x3F91]  }
0x1a: {  	s8 =	sadd.s32 $0xFFFFE003, lr  }
0x1b: {  	s9 =	sadd.s32 $0xFFFFFEF7, lr;
	s5 =	simm.s32 $0xFFFFFFFF;
	p2 =	slt.u32 s8, $0xFFFFF086  }
0x1c: {  	p1 =	slt.u32 s9, $0xF7A;
	s5 =	simm.s32 @!p2 $0x0  }
0x1d: {  	s5 =	simm.s32 @p1 $0x1;
	p0 =	seq.s32 s7, s2  }
0x1e: {  	s7 =	smul.u32 @!p0 $0xF7A, s2;
	p2 =	seq.s32 @!p0 s5, $0x0  }
0x1f: {  	s9 =	smul.u32 $0xF7A, s1;
	s8 =	simm.s32 @!p0 $0x1BF5;
	p2 =	por !p2, p0  }
0x20: {  	[sflag:s8] =	ssyncset.s32 @!p0 $0xFFFFF086;
	s6 =	sadd.s32 @!p0 s3, s7;
	s7 =	simm.s32 @!p0 $0x108  }
0x21: {  	s3 =	sadd.s32 s3, s9;
	s6 =	sadd.s32 @!p0 $0x88, s6;
	s7 =	simm.s32 @p2 $0x1082  }
0x22: {  	[simem:s7], [sflag:s8] =	dma.local @!p0 [hbm:s6], $0xF7A  }
0x23: {  	s9 =	sor.u32 $0xD0000000, s2;
	s6 =	simm.s32 $0x108;
	_ =	swait.ge @!p0 [sflag:s8], $0x0  }
0x24: {  	s3 =	sadd.s32 $0x88, s3;
	s6 =	simm.s32 @!p1 $0x1082;
	[sflag:s4] =	ssyncset.s32 $0xFFFFF086  }
0x25: {  	[simem:s6], [sflag:s4] =	dma.local [hbm:s3], $0xF7A  }
0x26: {  	[smem:$0x3F91] =	sst s1;
	(tag) =	ssettag s2;
	_ =	strace s9  }
0x27: {  	s1 =	sld [smem:$0x3FA1]  }
0x28: {  	s2 =	sld [smem:$0x3FA2]  }
0x29: {  	s4 =	sld [smem:$0x3FA4]  }
0x2a: {  	p0 =	seq.s32 s5, $0x0;
	s5 =	sld [smem:$0x3FA5]  }
0x2b: {  	s6 =	sld [smem:$0x3FA6]  }
0x2c: {  	s7 =	sld [smem:$0x3FA7]  }
0x2d: {  	s3 =	simm.s32 $0x108;
	s8 =	sld [smem:$0x3FA8]  }
0x2e: {  	s3 =	simm.s32 @!p0 $0x1082;
	s9 =	sld [smem:$0x3FA9]  }
0x2f: {  	lr =	sadd.s32 s0, s3;
	s0 =	sld [smem:$0x3FA0]  }
0x30: {  	s3 =	sld [smem:$0x3FA3]  }
0x31: {  	[smem:$0x3FAC] =	sst s10  }
0x32: {  	s10 =	sld [smem:$0x3FAA];
	_ =	sdelay $0x3  }
0x33: {  	p0 =	seq.s32 s10, $0x1;
	s10 =	sld [smem:$0x3FAC];
	_ =	sdelay $0x3  }
0x34: {  	[smem:$0x3FAC] =	sst s10  }
0x35: {  	s10 =	sld [smem:$0x3FAB];
	_ =	sdelay $0x3  }
0x36: {  	p1 =	seq.s32 s10, $0x1;
	s10 =	sld [smem:$0x3FAC];
	_ =	sdelay $0x3  }
0x37: {  	[smem:$0x3FAC] =	sst s10  }
0x38: {  	s10 =	sld [smem:$0x3FAD]  }
0x39: {  	_ = 	snop;
	(pc) =	sbr.ind lr, $3  }
0x3a: {  	_ = 	snop  }
0x3b: {  	_ = 	snop  }
0x3c: {  	p2 =	seq.s32 s10, $0x1;
	s10 =	sld [smem:$0x3FAC]  }
0x3d: {  	_ =	shalt  }
0x3e: {  	_ =	shalt  }
0x3f: {  	_ =	shalt  }
0x40: {  	_ =	shalt  }
0x41: {  	_ =	shalt  }
0x42: {  	_ =	shalt  }
0x43: {  	_ =	shalt  }
0x44: {  	_ =	shalt  }
0x45: {  	_ =	shalt  }
0x46: {  	_ =	shalt  }
0x47: {  	_ =	shalt  }
0x48: {  	_ =	shalt  }
0x49: {  	_ =	shalt  }
0x4a: {  	_ =	shalt  }
0x4b: {  	_ =	shalt  }
0x4c: {  	_ =	shalt  }
0x4d: {  	_ =	shalt  }
0x4e: {  	_ =	shalt  }
0x4f: {  	_ =	shalt  }
0x50: {  	_ =	shalt  }
0x51: {  	_ =	shalt  }
0x52: {  	_ =	shalt  }
0x53: {  	_ =	shalt  }
0x54: {  	_ =	shalt  }
0x55: {  	_ =	shalt  }
0x56: {  	_ =	shalt  }
0x57: {  	_ =	shalt  }
0x58: {  	_ =	shalt  }
0x59: {  	_ =	shalt  }
0x5a: {  	_ =	shalt  }
0x5b: {  	_ =	shalt  }
0x5c: {  	_ =	shalt  }
0x5d: {  	_ =	shalt  }
0x5e: {  	_ =	shalt  }
0x5f: {  	_ =	shalt  }
0x60: {  	_ =	shalt  }
0x61: {  	_ =	shalt  }
0x62: {  	_ =	shalt  }
0x63: {  	_ =	shalt  }
0x64: {  	_ =	shalt  }
0x65: {  	_ =	shalt  }
0x66: {  	_ =	shalt  }
0x67: {  	_ =	shalt  }
0x68: {  	_ =	shalt  }
0x69: {  	_ =	shalt  }
0x6a: {  	_ =	shalt  }
0x6b: {  	_ =	shalt  }
0x6c: {  	_ =	shalt  }
0x6d: {  	_ =	shalt  }
0x6e: {  	_ =	shalt  }
0x6f: {  	_ =	shalt  }
0x70: {  	_ =	shalt  }
0x71: {  	_ =	shalt  }
0x72: {  	_ =	shalt  }
0x73: {  	_ =	shalt  }
0x74: {  	_ =	shalt  }
0x75: {  	_ =	shalt  }
0x76: {  	_ =	shalt  }
0x77: {  	_ =	shalt  }
0x78: {  	_ =	shalt  }
0x79: {  	_ =	shalt  }
0x7a: {  	_ =	shalt  }
0x7b: {  	_ =	shalt  }
0x7c: {  	_ =	shalt  }
0x7d: {  	_ =	shalt  }
0x7e: {  	_ =	shalt  }
0x7f: {  	_ =	shalt  }
0x80: {  	_ =	shalt  }
0x81: {  	_ =	shalt  }
0x82: {  	_ =	shalt  }
0x83: {  	_ =	shalt  }
0x84: {  	_ =	shalt  }
0x85: {  	_ =	shalt  }
0x86: {  	_ =	shalt  }
0x87: {  	_ =	shalt  }
.Lfunc_end0:
.L_simem_size_0:
called_computation.2_lowered:
.L_overlay_start_0:
0x88: {  	s2 =	sld [smem:$0x3FD9]  }
0x89: {  	s3 =	sld [smem:$0x3FFE];
	_ =	sdelay $0x1  }
0x8a: {  	s1 =	srdreg.scid  }
0x8b: {  	s0 =	sand.u32 $0x1, s1  }
0x8c: {  	s17 =	sshll.u32 s0, $0xA;
	s2 =	sadd.s32 s3, s2  }
0x8d: {  	s2 =	sadd.s32 s2, s17  }
0x8e: {  	[smem:$0x3FB8] =	sst s2  }
0x8f: {  	_ = 	snop  }
0x90: {  	s2 =	sld [smem:$0x3FD0];
	(tm) =	ssettm $0x1  }
0x91: {  	s18 =	sld [smem:$0x3FFB];
	_ =	sdelay $0x3  }
0x92: {  	_ =	strace s18  }
0x93: {  	s3 =	sld [smem:$0x3FFC];
	_ =	sdelay $0x3  }
0x94: {  	_ =	strace s3  }
0x95: {  	s3 =	sld [smem:$0x3FFD];
	_ =	sdelay $0x3  }
0x96: {  	_ =	strace s3  }
0x97: {  	_ =	strace $0x8FFFFFFF  }
0x98: {  	s19 =	sld [smem:$0x3FDB];
	_ =	sdelay $0x1  }
0x99: {  	s4 =	simm.s32 $_scs_section_size  }
0x9a: {  	s5 =	simm.s32 $_size__tile_overlayer_lowered;
	s6 =	simm.s32 $_tile_overlayer_lowered  }
0x9b: {  	s22 =	simm.s32 $0x1BFF;
	s21 =	sshll.u32 s6, $0x1;
	s3 =	sadd.s32 s4, s19  }
0x9c: {  	s7 =	simm.s32 $0x0;
	s20 =	sshll.u32 s5, $0x1;
	s5 =	sadd.s32 s21, s3  }
0x9d: {  	[timem:s7], [sflag:s22] =	dma.local [hbm:s5], s20  }
0x9e: {  	_ =	swait.ge [sflag:s22], s20  }
0x9f: {  	s4 =	ssub.s32 $0x0, s20;
	[sflag:s22] =	ssyncset.done $0x0  }
0xa0: {  	[sflag:s22] =	ssyncadd.s32 s4;
	_ =	sdelay $0x1  }
0xa1: {  	s23 =	simm.s32 $0x1B8B  }
0xa2: {  	_ =	swait.ge [sflag:s23], $0x1  }
0xa3: {  	[sflag:s23] =	ssyncset.done $0x0  }
0xa4: {  	s25 =	simm.s32 $0x1B8E;
	s24 =	sld [smem:$0x3FFE];
	[sflag:s23] =	ssyncadd.s32 $0xFFFFFFFF  }
0xa5: {  	s26 =	simm.s32 $execute0_lowered;
	[smem:$0x3FD2] =	sst s25  }
0xa6: {  	s5 =	sshll.u32 s26, $0x1;
	_ =	strace $0x8000004C;
	[dreg:$0x1] =	wrdreg $0xFFFFFFFF  }
0xa7: {  	s28 =	simm.s32 $_size_execute0_lowered;
	s3 =	sadd.s32 s3, s5;
	[dreg:$0x0] =	wrdreg $0x0  }
0xa8: {  	s5 =	sshll.u32 s28, $0x1;
	[dreg:$0x2] =	wrdreg s3  }
0xa9: {  	[dreg:$0x3] =	wrdreg s5  }
0xaa: {  	[dreg:$0x4] =	wrdreg $0xC0  }
0xab: {  	_ =	task [dreg:s7], $0x5FFFF  }
0xac: {  	[dreg:$0x1] =	wrdreg $0xFFFFFFFF  }
0xad: {  	[dreg:$0x0] =	wrdreg $0x60  }
0xae: {  	[dreg:$0x2] =	wrdreg s24  }
0xaf: {  	[dreg:$0x3] =	wrdreg s2  }
0xb0: {  	[dreg:$0x4] =	wrdreg $0x97800  }
0xb1: {  	[dreg:$0x5] =	wrdreg $0x9  }
0xb2: {  	_ =	task.clear_ibuf [dreg:s7], $0x6FFFF;
	_ =	strace $0x9000004C  }
0xb3: {  	s29 =	simm.s32 $0x9;
	_ =	strace $0x8000004E  }
0xb4: {  	_ =	swait.ge [sflag:s29], $0x1  }
0xb5: {  	[sflag:s29] =	ssyncadd.s32 $0xFFFFFFFF  }
0xb6: {  	_ =	strace $0x9000004E  }
0xb7: {  	_ =	sfence  }
0xb8: {  	s30 =	sld [smem:$0x0];
	_ =	sdelay $0x2  }
0xb9: {  	s31 =	sshll.u32 s1, $0xD;
	s1 =	sshrl.u32 s1, $0x2  }
0xba: {  	s3 =	sand.u32 $0x4000, s31;
	s1 =	sadd.s32 s1, s30  }
0xbb: {  	s0 =	sor.u32 s3, s0;
	s1 =	sshll.u32 s1, $0x11  }
0xbc: {  	s0 =	sor.u32 s1, s0  }
0xbd: {  	s0 =	sadd.s32 $0x8F2B, s0  }
0xbe: {  	[sflag:s0] =	ssyncadd.remote.s32 $0x1  }
0xbf: {  	_ =	sfence.sel $0xFFFF  }
0xc0: {  	[dreg:$0x0] =	wrdreg $0xFFFFFFFF;
	(pc) =	sbr.abs _section_cstart, $3  }
0xc1: {  	[dreg:$0x1] =	wrdreg $0xFFFFFFFF  }
0xc2: {  	_ =	task.clear_ibuf [dreg:s7], $0x2FFFF;
	_ =	strace $0x9FFFFFFF  }
0xc3: {  	(tm) =	ssettm $0x7FFFFFFF  }
tec
execute0_lowered:
.L_overlay_start_1:
0x0: {  	(tag) =	ssettag $0x1  }
0x1: {  	s5 =	rddreg [dreg:$0x0]  }
0x2: {  	s1 =	srdreg.scid;
	s7 =	rddreg [dreg:$0x1]  }
0x3: {  	s0 =	stileid.u32;
	s2 =	rddreg [dreg:$0x2]  }
0x4: {  	s3 =	simm.s32 $0x0;
	s13 =	simm.s32 $0x80;
	s14 =	simm.s32 $0x5000  }
0x5: {  	s15 =	simm.s32 $0x5800;
	s16 =	simm.s32 $0x100;
	s17 =	simm.s32 $0x6000  }
0x6: {  	s18 =	simm.s32 $0x180;
	s19 =	simm.s32 $0x6800;
	s20 =	simm.s32 $0x1  }
0x7: {  	s21 =	simm.s32 $0x2;
	s22 =	simm.s32 $0x3;
	s23 =	simm.s32 $0x4  }
0x8: {  	s24 =	simm.s32 $0x4E00;
	s25 =	simm.s32 $0x4E80;
	s28 =	simm.s32 $0x4F80  }
0x9: {  	s29 =	simm.s32 $0x0;
	s6 =	sand.u32 $0x1, s1;
	s9 =	smul.u32 $0x4F0, s0  }
0xa: {  	s26 =	sshll.u32 s0, $0x1;
	[smem:$0x7FF] =	sst s3;
	s11 =	smul.u32 $0x9E00, s0  }
0xb: {  	s4 =	sor.u32 s6, s26;
	_ =	strace $0x8000004D;
	s10 =	smul.u32 $0x4F00, s6  }
0xc: {  	s6 =	ssub.s32 $0x2, s6;
	s26 =	simm.s32 $0x4F00;
	s8 =	smul.u32 $0x500, s4  }
0xd: {  	s4 =	sadd.s32 $0x6C00, s5;
	s30 =	sshrl.u32 s6, $0x1;
	s31 =	sshrl.u32 s11, $0x2  }
0xe: {  	s11 =	simm.s32 $0x5;
	s9 =	sadd.s32 s9, s10;
	s10 =	ssub.s32 s6, s30  }
0xf: {  	s12 =	sadd.s32 s8, s5;
	s9 =	sadd.s32 s9, s5;
	s5 =	sadd.s32 s31, s2  }
0x10: {  	s7 =	sadd.s32 s7, s8;
	s6 =	sadd.s32 $0x10A00, s12;
	s8 =	sadd.s32 $0x1AA00, s9  }
0x11: {  	v0 =	vimm.f32 $0.0e+00;
	s9 =	smax.u32 s10, $0x1;
	s10 =	simm.s32 $0x7000;
	s12 =	simm.s32 $0x2800  }
.LBB2_1:
0x12: {  	s30 =	simm.s32 $0x40;
	s31 =	simm.s32 $0x0  }
.LBB2_2:
0x13: {  	p0 =	sne.s32 s30, $0x9DC0;
	[tilespmem:s31+$0x7000] =	vst v0;
	s31 =	smov.u32 s30;
	s30 =	sadd.s32 $0x40, s30  }
.Ltmp0:
0x14: {  	(pc) =	sbr.rel @p0 .LBB2_2-.Ltmp0, $2  }
0x15: {  	_ =	sdelay $0x2  }
0x16: {  	s31 =	sshra.s32 s31, $0x2  }
0x17: {  	[tilespmem:s31+$0x7000] =	vst v0  }
0x18: {  	[spmem:s5] =	stream.linear.scatter [tilespmem:s10], [sflag:$0x5], $0x2780, $0x38;
	[tilespmem:$0xBF00] =	vst v63  }
0x19: {  	_ =	swait.ge [sflag:s11], $0x2780  }
0x1a: {  	[sflag:s11] =	ssyncset.done $0x0  }
0x1b: {  	s30 =	simm.s32 $0x0;
	[sflag:s11] =	ssyncadd.s32 $0xFFFFD880  }
0x1c: {  	[tilespmem:s30], [sflag:$0x5] =	stream.linear.gather [hbm4b:s6+s30], $0x2800, $0x38;
	[tilespmem:$0xBF00] =	vst v63  }
0x1d: {  	_ =	swait.ge [sflag:s11], $0x2800  }
0x1e: {  	[sflag:s11] =	ssyncset.done $0x0  }
0x1f: {  	[sflag:s11] =	ssyncadd.s32 $0xFFFFD800  }
0x20: {  	[tilespmem:s12], [sflag:$0x5] =	stream.linear.gather [hbm4b:s7+s30], $0x2800, $0x38;
	[tilespmem:$0xBF00] =	vst v63  }
0x21: {  	_ =	swait.ge [sflag:s11], $0x2800  }
0x22: {  	[sflag:s11] =	ssyncset.done $0x0  }
0x23: {  	[sflag:s11] =	ssyncadd.s32 $0xFFFFD800  }
0x24: {  	[bflag:$0x0] =	sbarrier.arrive $0xFFFF  }
0x25: {  	[tilespmem:s14], [sflag:$0x1] =	stream.indirect.gather [hbm4b:s4+s13], $0x10, s30, s13, $0xb8;
	[tilespmem:$0xBF00] =	vst v63  }
0x26: {  	_ = 	snop  }
0x27: {  	[tilespmem:s15], [sflag:$0x2] =	stream.indirect.gather [hbm4b:s4+s13], $0x10, s13, s13, $0xb8;
	[tilespmem:$0xBF00] =	vst v63  }
0x28: {  	_ = 	snop  }
0x29: {  	[tilespmem:s17], [sflag:$0x3] =	stream.indirect.gather [hbm4b:s4+s13], $0x10, s16, s13, $0xb8;
	[tilespmem:$0xBF00] =	vst v63  }
0x2a: {  	_ = 	snop  }
0x2b: {  	[tilespmem:s19], [sflag:$0x4] =	stream.indirect.gather [hbm4b:s4+s13], $0x10, s18, s13, $0xb8;
	[tilespmem:$0xBF00] =	vst v63  }
0x2c: {  	_ =	swait.ge [sflag:s20], $0x800  }
0x2d: {  	[sflag:s20] =	ssyncset.done $0x0  }
0x2e: {  	s30 =	simm.s32 $0x2800;
	[sflag:s20] =	ssyncadd.s32 $0xFFFFF800  }
0x2f: {  	[spmem:s2] =	stream.indirect.scatter.add.f32 [tilespmem:s14], [sflag:$0x5], $0x10, s30, s13, $0xb8;
	[tilespmem:$0xBF00] =	vst v63  }
0x30: {  	_ =	swait.ge [sflag:s11], $0x800  }
0x31: {  	[sflag:s11] =	ssyncset.done $0x0  }
0x32: {  	s30 =	simm.s32 $0x200;
	[sflag:s11] =	ssyncadd.s32 $0xFFFFF800  }
0x33: {  	[tilespmem:s14], [sflag:$0x1] =	stream.indirect.gather [hbm4b:s4+s13], $0x10, s30, s13, $0xb8;
	[tilespmem:$0xBF00] =	vst v63  }
0x34: {  	_ =	swait.ge [sflag:s21], $0x800  }
0x35: {  	[sflag:s21] =	ssyncset.done $0x0  }
0x36: {  	s30 =	simm.s32 $0x2880;
	[sflag:s21] =	ssyncadd.s32 $0xFFFFF800  }
0x37: {  	[spmem:s2] =	stream.indirect.scatter.add.f32 [tilespmem:s15], [sflag:$0x5], $0x10, s30, s13, $0xb8;
	[tilespmem:$0xBF00] =	vst v63  }
0x38: {  	_ =	swait.ge [sflag:s11], $0x800  }
0x39: {  	[sflag:s11] =	ssyncset.done $0x0  }
0x3a: {  	s30 =	simm.s32 $0x280;
	[sflag:s11] =	ssyncadd.s32 $0xFFFFF800  }
0x3b: {  	[tilespmem:s15], [sflag:$0x2] =	stream.indirect.gather [hbm4b:s4+s13], $0x10, s30, s13, $0xb8;
	[tilespmem:$0xBF00] =	vst v63  }
0x3c: {  	_ =	swait.ge [sflag:s22], $0x800  }
0x3d: {  	[sflag:s22] =	ssyncset.done $0x0  }
0x3e: {  	s30 =	simm.s32 $0x2900;
	[sflag:s22] =	ssyncadd.s32 $0xFFFFF800  }
0x3f: {  	[spmem:s2] =	stream.indirect.scatter.add.f32 [tilespmem:s17], [sflag:$0x5], $0x10, s30, s13, $0xb8;
	[tilespmem:$0xBF00] =	vst v63  }
0x40: {  	_ =	swait.ge [sflag:s11], $0x800  }
0x41: {  	[sflag:s11] =	ssyncset.done $0x0  }
0x42: {  	s30 =	simm.s32 $0x300;
	[sflag:s11] =	ssyncadd.s32 $0xFFFFF800  }
0x43: {  	[tilespmem:s17], [sflag:$0x3] =	stream.indirect.gather [hbm4b:s4+s13], $0x10, s30, s13, $0xb8;
	[tilespmem:$0xBF00] =	vst v63  }
0x44: {  	_ =	swait.ge [sflag:s23], $0x800  }
0x45: {  	[sflag:s23] =	ssyncset.done $0x0  }
0x46: {  	s30 =	simm.s32 $0x2980;
	[sflag:s23] =	ssyncadd.s32 $0xFFFFF800  }
0x47: {  	[spmem:s2] =	stream.indirect.scatter.add.f32 [tilespmem:s19], [sflag:$0x5], $0x10, s30, s13, $0xb8;
	[tilespmem:$0xBF00] =	vst v63  }
0x48: {  	_ =	swait.ge [sflag:s11], $0x800  }
0x49: {  	[sflag:s11] =	ssyncset.done $0x0  }
0x4a: {  	s31 =	simm.s32 $0x380;
	s30 =	simm.s32 $0x800;
	[sflag:s11] =	ssyncadd.s32 $0xFFFFF800  }
.LBB2_4:
0x4b: {  	[tilespmem:s19], [sflag:$0x4] =	stream.indirect.gather [hbm4b:s4+s13], $0x10, s31, s13, $0xb8;
	[tilespmem:$0xBF00] =	vst v63  }
0x4c: {  	s31 =	smov.u32 s30  }
0x4d: {  	p0 =	sne.s32 s30, $0x9000;
	s30 =	sadd.s32 $0x800, s30;
	_ =	swait.ge [sflag:s20], $0x800  }
0x4e: {  	s31 =	sshra.s32 s31, $0x2;
	[sflag:s20] =	ssyncset.done $0x0  }
0x4f: {  	s1 =	sadd.s32 $0x2800, s31;
	[sflag:s20] =	ssyncadd.s32 $0xFFFFF800  }
0x50: {  	[spmem:s2] =	stream.indirect.scatter.add.f32 [tilespmem:s14], [sflag:$0x5], $0x10, s1, s13, $0xb8;
	[tilespmem:$0xBF00] =	vst v63  }
0x51: {  	_ =	swait.ge [sflag:s11], $0x800  }
0x52: {  	[sflag:s11] =	ssyncset.done $0x0  }
0x53: {  	s1 =	sadd.s32 $0x200, s31;
	[sflag:s11] =	ssyncadd.s32 $0xFFFFF800  }
0x54: {  	[tilespmem:s14], [sflag:$0x1] =	stream.indirect.gather [hbm4b:s4+s13], $0x10, s1, s13, $0xb8;
	[tilespmem:$0xBF00] =	vst v63  }
0x55: {  	_ =	swait.ge [sflag:s21], $0x800  }
0x56: {  	[sflag:s21] =	ssyncset.done $0x0  }
0x57: {  	s1 =	sadd.s32 $0x2880, s31;
	[sflag:s21] =	ssyncadd.s32 $0xFFFFF800  }
0x58: {  	[spmem:s2] =	stream.indirect.scatter.add.f32 [tilespmem:s15], [sflag:$0x5], $0x10, s1, s13, $0xb8;
	[tilespmem:$0xBF00] =	vst v63  }
0x59: {  	_ =	swait.ge [sflag:s11], $0x800  }
0x5a: {  	[sflag:s11] =	ssyncset.done $0x0  }
0x5b: {  	s1 =	sadd.s32 $0x280, s31;
	[sflag:s11] =	ssyncadd.s32 $0xFFFFF800  }
0x5c: {  	[tilespmem:s15], [sflag:$0x2] =	stream.indirect.gather [hbm4b:s4+s13], $0x10, s1, s13, $0xb8;
	[tilespmem:$0xBF00] =	vst v63  }
0x5d: {  	_ =	swait.ge [sflag:s22], $0x800  }
0x5e: {  	[sflag:s22] =	ssyncset.done $0x0  }
0x5f: {  	s1 =	sadd.s32 $0x2900, s31;
	[sflag:s22] =	ssyncadd.s32 $0xFFFFF800  }
0x60: {  	[spmem:s2] =	stream.indirect.scatter.add.f32 [tilespmem:s17], [sflag:$0x5], $0x10, s1, s13, $0xb8;
	[tilespmem:$0xBF00] =	vst v63  }
0x61: {  	_ =	swait.ge [sflag:s11], $0x800  }
0x62: {  	[sflag:s11] =	ssyncset.done $0x0  }
0x63: {  	s1 =	sadd.s32 $0x300, s31;
	[sflag:s11] =	ssyncadd.s32 $0xFFFFF800  }
0x64: {  	[tilespmem:s17], [sflag:$0x3] =	stream.indirect.gather [hbm4b:s4+s13], $0x10, s1, s13, $0xb8;
	[tilespmem:$0xBF00] =	vst v63  }
0x65: {  	_ =	swait.ge [sflag:s23], $0x800  }
0x66: {  	[sflag:s23] =	ssyncset.done $0x0  }
.Ltmp1:
0x67: {  	s1 =	sadd.s32 $0x2980, s31;
	[sflag:s23] =	ssyncadd.s32 $0xFFFFF800;
	(pc) =	sbr.rel @p0 .LBB2_4-.Ltmp1, $4  }
0x68: {  	[spmem:s2] =	stream.indirect.scatter.add.f32 [tilespmem:s19], [sflag:$0x5], $0x10, s1, s13, $0xb8;
	[tilespmem:$0xBF00] =	vst v63  }
0x69: {  	_ =	swait.ge [sflag:s11], $0x800  }
0x6a: {  	[sflag:s11] =	ssyncset.done $0x0  }
0x6b: {  	s31 =	sadd.s32 $0x380, s31;
	[sflag:s11] =	ssyncadd.s32 $0xFFFFF800  }
0x6c: {  	[tilespmem:s19], [sflag:$0x4] =	stream.indirect.gather [hbm4b:s4+s13], $0x10, s31, s13, $0xb8;
	[tilespmem:$0xBF00] =	vst v63  }
0x6d: {  	_ =	swait.ge [sflag:s20], $0x800  }
0x6e: {  	[sflag:s20] =	ssyncset.done $0x0  }
0x6f: {  	[sflag:s20] =	ssyncadd.s32 $0xFFFFF800  }
0x70: {  	[spmem:s2] =	stream.indirect.scatter.add.f32 [tilespmem:s14], [sflag:$0x5], $0x10, s24, s13, $0xb8;
	[tilespmem:$0xBF00] =	vst v63  }
0x71: {  	_ =	swait.ge [sflag:s11], $0x800  }
0x72: {  	[sflag:s11] =	ssyncset.done $0x0  }
0x73: {  	[sflag:s11] =	ssyncadd.s32 $0xFFFFF800  }
0x74: {  	_ =	swait.ge [sflag:s21], $0x800  }
0x75: {  	[sflag:s21] =	ssyncset.done $0x0  }
0x76: {  	[sflag:s21] =	ssyncadd.s32 $0xFFFFF800  }
0x77: {  	[spmem:s2] =	stream.indirect.scatter.add.f32 [tilespmem:s15], [sflag:$0x5], $0x10, s25, s13, $0xb8;
	[tilespmem:$0xBF00] =	vst v63  }
0x78: {  	_ =	swait.ge [sflag:s11], $0x800  }
0x79: {  	[sflag:s11] =	ssyncset.done $0x0  }
0x7a: {  	[sflag:s11] =	ssyncadd.s32 $0xFFFFF800  }
0x7b: {  	_ =	swait.ge [sflag:s22], $0x800  }
0x7c: {  	[sflag:s22] =	ssyncset.done $0x0  }
0x7d: {  	[sflag:s22] =	ssyncadd.s32 $0xFFFFF800  }
0x7e: {  	[spmem:s2] =	stream.indirect.scatter.add.f32 [tilespmem:s17], [sflag:$0x5], $0x10, s26, s13, $0xb8;
	[tilespmem:$0xBF00] =	vst v63  }
0x7f: {  	_ =	swait.ge [sflag:s11], $0x800  }
0x80: {  	[sflag:s11] =	ssyncset.done $0x0  }
0x81: {  	[sflag:s11] =	ssyncadd.s32 $0xFFFFF800  }
0x82: {  	_ =	swait.ge [sflag:s23], $0x800  }
0x83: {  	[sflag:s23] =	ssyncset.done $0x0  }
0x84: {  	[sflag:s23] =	ssyncadd.s32 $0xFFFFF800  }
0x85: {  	[spmem:s2] =	stream.indirect.scatter.add.f32 [tilespmem:s19], [sflag:$0x5], $0x10, s28, s13, $0xb8;
	[tilespmem:$0xBF00] =	vst v63  }
0x86: {  	_ =	swait.ge [sflag:s11], $0x800  }
0x87: {  	[sflag:s11] =	ssyncset.done $0x0  }
0x88: {  	[sflag:s11] =	ssyncadd.s32 $0xFFFFF800  }
0x89: {  	[bflag:$0x0] =	sbarrier.arrive $0xFFFF  }
0x8a: {  	[tilespmem:s10], [sflag:$0x5] =	stream.linear.gather [spmem:s5], $0x2780, $0x38;
	[tilespmem:$0xBF00] =	vst v63  }
0x8b: {  	s29 =	sadd.s32 $0x1, s29;
	_ =	swait.ge [sflag:s11], $0x2780  }
0x8c: {  	p0 =	sne.s32 s29, s9;
	[sflag:s11] =	ssyncset.done $0x0  }
.Ltmp2:
0x8d: {  	[sflag:s11] =	ssyncadd.s32 $0xFFFFD880;
	(pc) =	sbr.rel @p0 .LBB2_1-.Ltmp2, $4  }
0x8e: {  	[hbm4b:s8+s3] =	stream.linear.scatter [tilespmem:s10], [sflag:$0x5], $0x2780, $0x38;
	[tilespmem:$0xBF00] =	vst v63  }
0x8f: {  	_ =	swait.ge [sflag:s11], $0x2780  }
0x90: {  	[sflag:s11] =	ssyncset.done $0x0  }
0x91: {  	[sflag:s11] =	ssyncadd.s32 $0xFFFFD880  }
0x92: {  	_ =	sfence.sel $0x180000  }
0x93: {  	[bflag:$0x0] =	sbarrier.arrive $0xFFFF  }
0x94: {  	_ =	strace $0x9000004D  }
0x95: {  	[bflag:$0x2] =	sbarrier.arrive $0xFFFF  }
0x96: {  	p0 =	sne.s32 s0, $0x0;
	s0 =	rddreg [dreg:$0x3]  }
0x97: {  	s0 =	sadd.s32 @!p0 $0x100000, s0  }
0x98: {  	[sflag:s0] =	ssyncadd.tile.s32 @!p0 $0x1;
	_ =	shalt  }
.Lfunc_end2:
_tile_overlayer_lowered:
.L_overlay_start_2:
0x99: {  	(tag) =	ssettag $0x2  }
0x9a: {  	s0 =	rddreg [dreg:$0x0];
	s2 =	stileid.u32  }
0x9b: {  	s1 =	rddreg [dreg:$0x1];
	p0 =	sne.s32 s2, $0x0  }
0x9c: {  	s3 =	rddreg [dreg:$0x2];
	[bflag:$0x3] =	sbarrier.arrive $0xFFFF;
	s2 =	simm.s32 @!p0 $0x1C05  }
0x9d: {  	[timem:s3], [sflag:s2] =	dma.local @!p0 [hbm:s0], s1  }
0x9e: {  	s0 =	simm.s32 @!p0 $0x5  }
0x9f: {  	_ =	swait.ge @!p0 [sflag:s0], s1  }
0xa0: {  	s1 =	ssub.s32 @!p0 $0x0, s1;
	[sflag:s0] =	ssyncset.done @!p0 $0x0  }
0xa1: {  	[sflag:s0] =	ssyncadd.s32 @!p0 s1  }
0xa2: {  	[bflag:$0x3] =	sbarrier.arrive $0xFFFF  }
0xa3: {  	_ =	shalt  }

// kernel: kernel.25.cloned.1.call-start
scs
__scs_entry_jumppad:
0x0: {  	(pc) =	sbr.rel $0x88, $3  }
0x1: {  	(tag) =	ssettag $0x0;
	lr =	simm.s32 $0x1  }
0x2: {  	[smem:$0x3F91] =	sst lr;
	_ =	strace $0xD0000000  }
0x3: {  	_ = 	snop  }
0x4: {  	_ = 	snop  }
0x5: {  	_ = 	snop  }
0x6: {  	_ = 	snop  }
0x7: {  	_ = 	snop  }
__scs_overlays_trampoline_lowered:
0x8: {  	[smem:$0x3FA0] =	sst s0  }
0x9: {  	[smem:$0x3FA1] =	sst s1  }
0xa: {  	[smem:$0x3FA2] =	sst s2  }
0xb: {  	[smem:$0x3FA3] =	sst s3  }
0xc: {  	[smem:$0x3FA4] =	sst s4  }
0xd: {  	[smem:$0x3FA5] =	sst s5  }
0xe: {  	[smem:$0x3FA6] =	sst s6  }
0xf: {  	[smem:$0x3FA7] =	sst s7  }
0x10: {  	[smem:$0x3FA8] =	sst s8  }
0x11: {  	[smem:$0x3FA9] =	sst s9;
	s0 =	simm.s32 @!p0 $0x0  }
0x12: {  	s1 =	sld [smem:$0x3F8F];
	s0 =	simm.s32 @p0 $0x1  }
0x13: {  	[smem:$0x3FAA] =	sst s0;
	s0 =	simm.s32 @!p1 $0x0  }
0x14: {  	s2 =	sld [smem:$0x3F8E];
	s0 =	simm.s32 @p1 $0x1  }
0x15: {  	[smem:$0x3FAB] =	sst s0;
	s0 =	simm.s32 @!p2 $0x0  }
0x16: {  	s3 =	sld [smem:$0x3FDB];
	s0 =	simm.s32 @p2 $0x1  }
0x17: {  	s4 =	simm.s32 $0x1BF5;
	[smem:$0x3FAD] =	sst s0  }
0x18: {  	s0 =	sld [smem:$0x3F90];
	_ =	swait.ge [sflag:s4], $0x0  }
0x19: {  	s7 =	sld [smem:$0x3F91]  }
0x1a: {  	s8 =	sadd.s32 $0xFFFFE003, lr  }
0x1b: {  	s9 =	sadd.s32 $0xFFFFFEF7, lr;
	s5 =	simm.s32 $0xFFFFFFFF;
	p2 =	slt.u32 s8, $0xFFFFF086  }
0x1c: {  	p1 =	slt.u32 s9, $0xF7A;
	s5 =	simm.s32 @!p2 $0x0  }
0x1d: {  	s5 =	simm.s32 @p1 $0x1;
	p0 =	seq.s32 s7, s2  }
0x1e: {  	s7 =	smul.u32 @!p0 $0xF7A, s2;
	p2 =	seq.s32 @!p0 s5, $0x0  }
0x1f: {  	s9 =	smul.u32 $0xF7A, s1;
	s8 =	simm.s32 @!p0 $0x1BF5;
	p2 =	por !p2, p0  }
0x20: {  	[sflag:s8] =	ssyncset.s32 @!p0 $0xFFFFF086;
	s6 =	sadd.s32 @!p0 s3, s7;
	s7 =	simm.s32 @!p0 $0x108  }
0x21: {  	s3 =	sadd.s32 s3, s9;
	s6 =	sadd.s32 @!p0 $0x88, s6;
	s7 =	simm.s32 @p2 $0x1082  }
0x22: {  	[simem:s7], [sflag:s8] =	dma.local @!p0 [hbm:s6], $0xF7A  }
0x23: {  	s9 =	sor.u32 $0xD0000000, s2;
	s6 =	simm.s32 $0x108;
	_ =	swait.ge @!p0 [sflag:s8], $0x0  }
0x24: {  	s3 =	sadd.s32 $0x88, s3;
	s6 =	simm.s32 @!p1 $0x1082;
	[sflag:s4] =	ssyncset.s32 $0xFFFFF086  }
0x25: {  	[simem:s6], [sflag:s4] =	dma.local [hbm:s3], $0xF7A  }
0x26: {  	[smem:$0x3F91] =	sst s1;
	(tag) =	ssettag s2;
	_ =	strace s9  }
0x27: {  	s1 =	sld [smem:$0x3FA1]  }
0x28: {  	s2 =	sld [smem:$0x3FA2]  }
0x29: {  	s4 =	sld [smem:$0x3FA4]  }
0x2a: {  	p0 =	seq.s32 s5, $0x0;
	s5 =	sld [smem:$0x3FA5]  }
0x2b: {  	s6 =	sld [smem:$0x3FA6]  }
0x2c: {  	s7 =	sld [smem:$0x3FA7]  }
0x2d: {  	s3 =	simm.s32 $0x108;
	s8 =	sld [smem:$0x3FA8]  }
0x2e: {  	s3 =	simm.s32 @!p0 $0x1082;
	s9 =	sld [smem:$0x3FA9]  }
0x2f: {  	lr =	sadd.s32 s0, s3;
	s0 =	sld [smem:$0x3FA0]  }
0x30: {  	s3 =	sld [smem:$0x3FA3]  }
0x31: {  	[smem:$0x3FAC] =	sst s10  }
0x32: {  	s10 =	sld [smem:$0x3FAA];
	_ =	sdelay $0x3  }
0x33: {  	p0 =	seq.s32 s10, $0x1;
	s10 =	sld [smem:$0x3FAC];
	_ =	sdelay $0x3  }
0x34: {  	[smem:$0x3FAC] =	sst s10  }
0x35: {  	s10 =	sld [smem:$0x3FAB];
	_ =	sdelay $0x3  }
0x36: {  	p1 =	seq.s32 s10, $0x1;
	s10 =	sld [smem:$0x3FAC];
	_ =	sdelay $0x3  }
0x37: {  	[smem:$0x3FAC] =	sst s10  }
0x38: {  	s10 =	sld [smem:$0x3FAD]  }
0x39: {  	_ = 	snop;
	(pc) =	sbr.ind lr, $3  }
0x3a: {  	_ = 	snop  }
0x3b: {  	_ = 	snop  }
0x3c: {  	p2 =	seq.s32 s10, $0x1;
	s10 =	sld [smem:$0x3FAC]  }
0x3d: {  	_ =	shalt  }
0x3e: {  	_ =	shalt  }
0x3f: {  	_ =	shalt  }
0x40: {  	_ =	shalt  }
0x41: {  	_ =	shalt  }
0x42: {  	_ =	shalt  }
0x43: {  	_ =	shalt  }
0x44: {  	_ =	shalt  }
0x45: {  	_ =	shalt  }
0x46: {  	_ =	shalt  }
0x47: {  	_ =	shalt  }
0x48: {  	_ =	shalt  }
0x49: {  	_ =	shalt  }
0x4a: {  	_ =	shalt  }
0x4b: {  	_ =	shalt  }
0x4c: {  	_ =	shalt  }
0x4d: {  	_ =	shalt  }
0x4e: {  	_ =	shalt  }
0x4f: {  	_ =	shalt  }
0x50: {  	_ =	shalt  }
0x51: {  	_ =	shalt  }
0x52: {  	_ =	shalt  }
0x53: {  	_ =	shalt  }
0x54: {  	_ =	shalt  }
0x55: {  	_ =	shalt  }
0x56: {  	_ =	shalt  }
0x57: {  	_ =	shalt  }
0x58: {  	_ =	shalt  }
0x59: {  	_ =	shalt  }
0x5a: {  	_ =	shalt  }
0x5b: {  	_ =	shalt  }
0x5c: {  	_ =	shalt  }
0x5d: {  	_ =	shalt  }
0x5e: {  	_ =	shalt  }
0x5f: {  	_ =	shalt  }
0x60: {  	_ =	shalt  }
0x61: {  	_ =	shalt  }
0x62: {  	_ =	shalt  }
0x63: {  	_ =	shalt  }
0x64: {  	_ =	shalt  }
0x65: {  	_ =	shalt  }
0x66: {  	_ =	shalt  }
0x67: {  	_ =	shalt  }
0x68: {  	_ =	shalt  }
0x69: {  	_ =	shalt  }
0x6a: {  	_ =	shalt  }
0x6b: {  	_ =	shalt  }
0x6c: {  	_ =	shalt  }
0x6d: {  	_ =	shalt  }
0x6e: {  	_ =	shalt  }
0x6f: {  	_ =	shalt  }
0x70: {  	_ =	shalt  }
0x71: {  	_ =	shalt  }
0x72: {  	_ =	shalt  }
0x73: {  	_ =	shalt  }
0x74: {  	_ =	shalt  }
0x75: {  	_ =	shalt  }
0x76: {  	_ =	shalt  }
0x77: {  	_ =	shalt  }
0x78: {  	_ =	shalt  }
0x79: {  	_ =	shalt  }
0x7a: {  	_ =	shalt  }
0x7b: {  	_ =	shalt  }
0x7c: {  	_ =	shalt  }
0x7d: {  	_ =	shalt  }
0x7e: {  	_ =	shalt  }
0x7f: {  	_ =	shalt  }
0x80: {  	_ =	shalt  }
0x81: {  	_ =	shalt  }
0x82: {  	_ =	shalt  }
0x83: {  	_ =	shalt  }
0x84: {  	_ =	shalt  }
0x85: {  	_ =	shalt  }
0x86: {  	_ =	shalt  }
0x87: {  	_ =	shalt  }
.Lfunc_end0:
.L_simem_size_0:
called_computation.3_lowered:
.L_overlay_start_0:
0x88: {  	s2 =	sld [smem:$0x3FD9]  }
0x89: {  	s3 =	sld [smem:$0x3FFE];
	_ =	sdelay $0x1  }
0x8a: {  	s1 =	srdreg.scid  }
0x8b: {  	s0 =	sand.u32 $0x1, s1  }
0x8c: {  	s17 =	sshll.u32 s0, $0xA;
	s2 =	sadd.s32 s3, s2  }
0x8d: {  	s2 =	sadd.s32 s2, s17  }
0x8e: {  	[smem:$0x3FB8] =	sst s2  }
0x8f: {  	_ = 	snop  }
0x90: {  	s2 =	sld [smem:$0x3FD0];
	(tm) =	ssettm $0x1  }
0x91: {  	s18 =	sld [smem:$0x3FFB];
	_ =	sdelay $0x3  }
0x92: {  	_ =	strace s18  }
0x93: {  	s3 =	sld [smem:$0x3FFC];
	_ =	sdelay $0x3  }
0x94: {  	_ =	strace s3  }
0x95: {  	s3 =	sld [smem:$0x3FFD];
	_ =	sdelay $0x3  }
0x96: {  	_ =	strace s3  }
0x97: {  	_ =	strace $0x8FFFFFFF  }
0x98: {  	s19 =	sld [smem:$0x3FDB];
	_ =	sdelay $0x1  }
0x99: {  	s4 =	simm.s32 $_scs_section_size  }
0x9a: {  	s5 =	simm.s32 $_size__tile_overlayer_lowered;
	s6 =	simm.s32 $_tile_overlayer_lowered  }
0x9b: {  	s22 =	simm.s32 $0x1BFF;
	s21 =	sshll.u32 s6, $0x1;
	s3 =	sadd.s32 s4, s19  }
0x9c: {  	s7 =	simm.s32 $0x0;
	s20 =	sshll.u32 s5, $0x1;
	s5 =	sadd.s32 s21, s3  }
0x9d: {  	[timem:s7], [sflag:s22] =	dma.local [hbm:s5], s20  }
0x9e: {  	_ =	swait.ge [sflag:s22], s20  }
0x9f: {  	s4 =	ssub.s32 $0x0, s20;
	[sflag:s22] =	ssyncset.done $0x0  }
0xa0: {  	[sflag:s22] =	ssyncadd.s32 s4;
	_ =	sdelay $0x1  }
0xa1: {  	s23 =	simm.s32 $0x1B8B  }
0xa2: {  	_ =	swait.ge [sflag:s23], $0x1  }
0xa3: {  	[sflag:s23] =	ssyncset.done $0x0  }
0xa4: {  	s25 =	simm.s32 $0x1B8E;
	s24 =	sld [smem:$0x3FFE];
	[sflag:s23] =	ssyncadd.s32 $0xFFFFFFFF  }
0xa5: {  	s26 =	simm.s32 $execute0_lowered;
	[smem:$0x3FD2] =	sst s25  }
0xa6: {  	s5 =	sshll.u32 s26, $0x1;
	_ =	strace $0x8000004F;
	[dreg:$0x1] =	wrdreg $0xFFFFFFFF  }
0xa7: {  	s28 =	simm.s32 $_size_execute0_lowered;
	s3 =	sadd.s32 s3, s5;
	[dreg:$0x0] =	wrdreg $0x0  }
0xa8: {  	s5 =	sshll.u32 s28, $0x1;
	[dreg:$0x2] =	wrdreg s3  }
0xa9: {  	[dreg:$0x3] =	wrdreg s5  }
0xaa: {  	[dreg:$0x4] =	wrdreg $0xC0  }
0xab: {  	_ =	task [dreg:s7], $0x5FFFF  }
0xac: {  	[dreg:$0x1] =	wrdreg $0xFFFFFFFF  }
0xad: {  	[dreg:$0x0] =	wrdreg $0x60  }
0xae: {  	[dreg:$0x2] =	wrdreg s24  }
0xaf: {  	[dreg:$0x3] =	wrdreg s2  }
0xb0: {  	[dreg:$0x4] =	wrdreg $0x97800  }
0xb1: {  	[dreg:$0x5] =	wrdreg $0x9  }
0xb2: {  	_ =	task.clear_ibuf [dreg:s7], $0x6FFFF;
	_ =	strace $0x9000004F  }
0xb3: {  	s29 =	simm.s32 $0x9;
	_ =	strace $0x80000051  }
0xb4: {  	_ =	swait.ge [sflag:s29], $0x1  }
0xb5: {  	[sflag:s29] =	ssyncadd.s32 $0xFFFFFFFF  }
0xb6: {  	_ =	strace $0x90000051  }
0xb7: {  	_ =	sfence  }
0xb8: {  	s30 =	sld [smem:$0x0];
	_ =	sdelay $0x2  }
0xb9: {  	s31 =	sshll.u32 s1, $0xD;
	s1 =	sshrl.u32 s1, $0x2  }
0xba: {  	s3 =	sand.u32 $0x4000, s31;
	s1 =	sadd.s32 s1, s30  }
0xbb: {  	s0 =	sor.u32 s3, s0;
	s1 =	sshll.u32 s1, $0x11  }
0xbc: {  	s0 =	sor.u32 s1, s0  }
0xbd: {  	s0 =	sadd.s32 $0x8F2B, s0  }
0xbe: {  	[sflag:s0] =	ssyncadd.remote.s32 $0x1  }
0xbf: {  	_ =	sfence.sel $0xFFFF  }
0xc0: {  	[dreg:$0x0] =	wrdreg $0xFFFFFFFF;
	(pc) =	sbr.abs _section_cstart, $3  }
0xc1: {  	[dreg:$0x1] =	wrdreg $0xFFFFFFFF  }
0xc2: {  	_ =	task.clear_ibuf [dreg:s7], $0x2FFFF;
	_ =	strace $0x9FFFFFFF  }
0xc3: {  	(tm) =	ssettm $0x7FFFFFFF  }
tec
execute0_lowered:
.L_overlay_start_1:
0x0: {  	(tag) =	ssettag $0x1  }
0x1: {  	s5 =	rddreg [dreg:$0x0]  }
0x2: {  	s1 =	srdreg.scid;
	s7 =	rddreg [dreg:$0x1]  }
0x3: {  	s0 =	stileid.u32;
	s2 =	rddreg [dreg:$0x2]  }
0x4: {  	s3 =	simm.s32 $0x0;
	s13 =	simm.s32 $0x80;
	s14 =	simm.s32 $0x5000  }
0x5: {  	s15 =	simm.s32 $0x5800;
	s16 =	simm.s32 $0x100;
	s17 =	simm.s32 $0x6000  }
0x6: {  	s18 =	simm.s32 $0x180;
	s19 =	simm.s32 $0x6800;
	s20 =	simm.s32 $0x1  }
0x7: {  	s21 =	simm.s32 $0x2;
	s22 =	simm.s32 $0x3;
	s23 =	simm.s32 $0x4  }
0x8: {  	s24 =	simm.s32 $0x4E00;
	s25 =	simm.s32 $0x4E80;
	s28 =	simm.s32 $0x4F80  }
0x9: {  	s29 =	simm.s32 $0x0;
	s6 =	sand.u32 $0x1, s1;
	s9 =	smul.u32 $0x4F0, s0  }
0xa: {  	s26 =	sshll.u32 s0, $0x1;
	[smem:$0x7FF] =	sst s3;
	s11 =	smul.u32 $0x9E00, s0  }
0xb: {  	s4 =	sor.u32 s6, s26;
	_ =	strace $0x80000050;
	s10 =	smul.u32 $0x4F00, s6  }
0xc: {  	s6 =	ssub.s32 $0x2, s6;
	s26 =	simm.s32 $0x4F00;
	s8 =	smul.u32 $0x500, s4  }
0xd: {  	s4 =	sadd.s32 $0x6C00, s5;
	s30 =	sshrl.u32 s6, $0x1;
	s31 =	sshrl.u32 s11, $0x2  }
0xe: {  	s11 =	simm.s32 $0x5;
	s9 =	sadd.s32 s9, s10;
	s10 =	ssub.s32 s6, s30  }
0xf: {  	s12 =	sadd.s32 s8, s5;
	s9 =	sadd.s32 s9, s5;
	s5 =	sadd.s32 s31, s2  }
0x10: {  	s7 =	sadd.s32 s7, s8;
	s6 =	sadd.s32 $0x10A00, s12;
	s8 =	sadd.s32 $0x1AA00, s9  }
0x11: {  	v0 =	vimm.f32 $0.0e+00;
	s9 =	smax.u32 s10, $0x1;
	s10 =	simm.s32 $0x7000;
	s12 =	simm.s32 $0x2800  }
.LBB2_1:
0x12: {  	s30 =	simm.s32 $0x40;
	s31 =	simm.s32 $0x0  }
.LBB2_2:
0x13: {  	p0 =	sne.s32 s30, $0x9DC0;
	[tilespmem:s31+$0x7000] =	vst v0;
	s31 =	smov.u32 s30;
	s30 =	sadd.s32 $0x40, s30  }
.Ltmp0:
0x14: {  	(pc) =	sbr.rel @p0 .LBB2_2-.Ltmp0, $2  }
0x15: {  	_ =	sdelay $0x2  }
0x16: {  	s31 =	sshra.s32 s31, $0x2  }
0x17: {  	[tilespmem:s31+$0x7000] =	vst v0  }
0x18: {  	[spmem:s5] =	stream.linear.scatter [tilespmem:s10], [sflag:$0x5], $0x2780, $0x38;
	[tilespmem:$0xBF00] =	vst v63  }
0x19: {  	_ =	swait.ge [sflag:s11], $0x2780  }
0x1a: {  	[sflag:s11] =	ssyncset.done $0x0  }
0x1b: {  	s30 =	simm.s32 $0x0;
	[sflag:s11] =	ssyncadd.s32 $0xFFFFD880  }
0x1c: {  	[tilespmem:s30], [sflag:$0x5] =	stream.linear.gather [hbm4b:s6+s30], $0x2800, $0x38;
	[tilespmem:$0xBF00] =	vst v63  }
0x1d: {  	_ =	swait.ge [sflag:s11], $0x2800  }
0x1e: {  	[sflag:s11] =	ssyncset.done $0x0  }
0x1f: {  	[sflag:s11] =	ssyncadd.s32 $0xFFFFD800  }
0x20: {  	[tilespmem:s12], [sflag:$0x5] =	stream.linear.gather [hbm4b:s7+s30], $0x2800, $0x38;
	[tilespmem:$0xBF00] =	vst v63  }
0x21: {  	_ =	swait.ge [sflag:s11], $0x2800  }
0x22: {  	[sflag:s11] =	ssyncset.done $0x0  }
0x23: {  	[sflag:s11] =	ssyncadd.s32 $0xFFFFD800  }
0x24: {  	[bflag:$0x0] =	sbarrier.arrive $0xFFFF  }
0x25: {  	[tilespmem:s14], [sflag:$0x1] =	stream.indirect.gather [hbm4b:s4+s13], $0x10, s30, s13, $0xb8;
	[tilespmem:$0xBF00] =	vst v63  }
0x26: {  	_ = 	snop  }
0x27: {  	[tilespmem:s15], [sflag:$0x2] =	stream.indirect.gather [hbm4b:s4+s13], $0x10, s13, s13, $0xb8;
	[tilespmem:$0xBF00] =	vst v63  }
0x28: {  	_ = 	snop  }
0x29: {  	[tilespmem:s17], [sflag:$0x3] =	stream.indirect.gather [hbm4b:s4+s13], $0x10, s16, s13, $0xb8;
	[tilespmem:$0xBF00] =	vst v63  }
0x2a: {  	_ = 	snop  }
0x2b: {  	[tilespmem:s19], [sflag:$0x4] =	stream.indirect.gather [hbm4b:s4+s13], $0x10, s18, s13, $0xb8;
	[tilespmem:$0xBF00] =	vst v63  }
0x2c: {  	_ =	swait.ge [sflag:s20], $0x800  }
0x2d: {  	[sflag:s20] =	ssyncset.done $0x0  }
0x2e: {  	s30 =	simm.s32 $0x2800;
	[sflag:s20] =	ssyncadd.s32 $0xFFFFF800  }
0x2f: {  	[spmem:s2] =	stream.indirect.scatter.add.f32 [tilespmem:s14], [sflag:$0x5], $0x10, s30, s13, $0xb8;
	[tilespmem:$0xBF00] =	vst v63  }
0x30: {  	_ =	swait.ge [sflag:s11], $0x800  }
0x31: {  	[sflag:s11] =	ssyncset.done $0x0  }
0x32: {  	s30 =	simm.s32 $0x200;
	[sflag:s11] =	ssyncadd.s32 $0xFFFFF800  }
0x33: {  	[tilespmem:s14], [sflag:$0x1] =	stream.indirect.gather [hbm4b:s4+s13], $0x10, s30, s13, $0xb8;
	[tilespmem:$0xBF00] =	vst v63  }
0x34: {  	_ =	swait.ge [sflag:s21], $0x800  }
0x35: {  	[sflag:s21] =	ssyncset.done $0x0  }
0x36: {  	s30 =	simm.s32 $0x2880;
	[sflag:s21] =	ssyncadd.s32 $0xFFFFF800  }
0x37: {  	[spmem:s2] =	stream.indirect.scatter.add.f32 [tilespmem:s15], [sflag:$0x5], $0x10, s30, s13, $0xb8;
	[tilespmem:$0xBF00] =	vst v63  }
0x38: {  	_ =	swait.ge [sflag:s11], $0x800  }
0x39: {  	[sflag:s11] =	ssyncset.done $0x0  }
0x3a: {  	s30 =	simm.s32 $0x280;
	[sflag:s11] =	ssyncadd.s32 $0xFFFFF800  }
0x3b: {  	[tilespmem:s15], [sflag:$0x2] =	stream.indirect.gather [hbm4b:s4+s13], $0x10, s30, s13, $0xb8;
	[tilespmem:$0xBF00] =	vst v63  }
0x3c: {  	_ =	swait.ge [sflag:s22], $0x800  }
0x3d: {  	[sflag:s22] =	ssyncset.done $0x0  }
0x3e: {  	s30 =	simm.s32 $0x2900;
	[sflag:s22] =	ssyncadd.s32 $0xFFFFF800  }
0x3f: {  	[spmem:s2] =	stream.indirect.scatter.add.f32 [tilespmem:s17], [sflag:$0x5], $0x10, s30, s13, $0xb8;
	[tilespmem:$0xBF00] =	vst v63  }
0x40: {  	_ =	swait.ge [sflag:s11], $0x800  }
0x41: {  	[sflag:s11] =	ssyncset.done $0x0  }
0x42: {  	s30 =	simm.s32 $0x300;
	[sflag:s11] =	ssyncadd.s32 $0xFFFFF800  }
0x43: {  	[tilespmem:s17], [sflag:$0x3] =	stream.indirect.gather [hbm4b:s4+s13], $0x10, s30, s13, $0xb8;
	[tilespmem:$0xBF00] =	vst v63  }
0x44: {  	_ =	swait.ge [sflag:s23], $0x800  }
0x45: {  	[sflag:s23] =	ssyncset.done $0x0  }
0x46: {  	s30 =	simm.s32 $0x2980;
	[sflag:s23] =	ssyncadd.s32 $0xFFFFF800  }
0x47: {  	[spmem:s2] =	stream.indirect.scatter.add.f32 [tilespmem:s19], [sflag:$0x5], $0x10, s30, s13, $0xb8;
	[tilespmem:$0xBF00] =	vst v63  }
0x48: {  	_ =	swait.ge [sflag:s11], $0x800  }
0x49: {  	[sflag:s11] =	ssyncset.done $0x0  }
0x4a: {  	s31 =	simm.s32 $0x380;
	s30 =	simm.s32 $0x800;
	[sflag:s11] =	ssyncadd.s32 $0xFFFFF800  }
.LBB2_4:
0x4b: {  	[tilespmem:s19], [sflag:$0x4] =	stream.indirect.gather [hbm4b:s4+s13], $0x10, s31, s13, $0xb8;
	[tilespmem:$0xBF00] =	vst v63  }
0x4c: {  	s31 =	smov.u32 s30  }
0x4d: {  	p0 =	sne.s32 s30, $0x9000;
	s30 =	sadd.s32 $0x800, s30;
	_ =	swait.ge [sflag:s20], $0x800  }
0x4e: {  	s31 =	sshra.s32 s31, $0x2;
	[sflag:s20] =	ssyncset.done $0x0  }
0x4f: {  	s1 =	sadd.s32 $0x2800, s31;
	[sflag:s20] =	ssyncadd.s32 $0xFFFFF800  }
0x50: {  	[spmem:s2] =	stream.indirect.scatter.add.f32 [tilespmem:s14], [sflag:$0x5], $0x10, s1, s13, $0xb8;
	[tilespmem:$0xBF00] =	vst v63  }
0x51: {  	_ =	swait.ge [sflag:s11], $0x800  }
0x52: {  	[sflag:s11] =	ssyncset.done $0x0  }
0x53: {  	s1 =	sadd.s32 $0x200, s31;
	[sflag:s11] =	ssyncadd.s32 $0xFFFFF800  }
0x54: {  	[tilespmem:s14], [sflag:$0x1] =	stream.indirect.gather [hbm4b:s4+s13], $0x10, s1, s13, $0xb8;
	[tilespmem:$0xBF00] =	vst v63  }
0x55: {  	_ =	swait.ge [sflag:s21], $0x800  }
0x56: {  	[sflag:s21] =	ssyncset.done $0x0  }
0x57: {  	s1 =	sadd.s32 $0x2880, s31;
	[sflag:s21] =	ssyncadd.s32 $0xFFFFF800  }
0x58: {  	[spmem:s2] =	stream.indirect.scatter.add.f32 [tilespmem:s15], [sflag:$0x5], $0x10, s1, s13, $0xb8;
	[tilespmem:$0xBF00] =	vst v63  }
0x59: {  	_ =	swait.ge [sflag:s11], $0x800  }
0x5a: {  	[sflag:s11] =	ssyncset.done $0x0  }
0x5b: {  	s1 =	sadd.s32 $0x280, s31;
	[sflag:s11] =	ssyncadd.s32 $0xFFFFF800  }
0x5c: {  	[tilespmem:s15], [sflag:$0x2] =	stream.indirect.gather [hbm4b:s4+s13], $0x10, s1, s13, $0xb8;
	[tilespmem:$0xBF00] =	vst v63  }
0x5d: {  	_ =	swait.ge [sflag:s22], $0x800  }
0x5e: {  	[sflag:s22] =	ssyncset.done $0x0  }
0x5f: {  	s1 =	sadd.s32 $0x2900, s31;
	[sflag:s22] =	ssyncadd.s32 $0xFFFFF800  }
0x60: {  	[spmem:s2] =	stream.indirect.scatter.add.f32 [tilespmem:s17], [sflag:$0x5], $0x10, s1, s13, $0xb8;
	[tilespmem:$0xBF00] =	vst v63  }
0x61: {  	_ =	swait.ge [sflag:s11], $0x800  }
0x62: {  	[sflag:s11] =	ssyncset.done $0x0  }
0x63: {  	s1 =	sadd.s32 $0x300, s31;
	[sflag:s11] =	ssyncadd.s32 $0xFFFFF800  }
0x64: {  	[tilespmem:s17], [sflag:$0x3] =	stream.indirect.gather [hbm4b:s4+s13], $0x10, s1, s13, $0xb8;
	[tilespmem:$0xBF00] =	vst v63  }
0x65: {  	_ =	swait.ge [sflag:s23], $0x800  }
0x66: {  	[sflag:s23] =	ssyncset.done $0x0  }
.Ltmp1:
0x67: {  	s1 =	sadd.s32 $0x2980, s31;
	[sflag:s23] =	ssyncadd.s32 $0xFFFFF800;
	(pc) =	sbr.rel @p0 .LBB2_4-.Ltmp1, $4  }
0x68: {  	[spmem:s2] =	stream.indirect.scatter.add.f32 [tilespmem:s19], [sflag:$0x5], $0x10, s1, s13, $0xb8;
	[tilespmem:$0xBF00] =	vst v63  }
0x69: {  	_ =	swait.ge [sflag:s11], $0x800  }
0x6a: {  	[sflag:s11] =	ssyncset.done $0x0  }
0x6b: {  	s31 =	sadd.s32 $0x380, s31;
	[sflag:s11] =	ssyncadd.s32 $0xFFFFF800  }
0x6c: {  	[tilespmem:s19], [sflag:$0x4] =	stream.indirect.gather [hbm4b:s4+s13], $0x10, s31, s13, $0xb8;
	[tilespmem:$0xBF00] =	vst v63  }
0x6d: {  	_ =	swait.ge [sflag:s20], $0x800  }
0x6e: {  	[sflag:s20] =	ssyncset.done $0x0  }
0x6f: {  	[sflag:s20] =	ssyncadd.s32 $0xFFFFF800  }
0x70: {  	[spmem:s2] =	stream.indirect.scatter.add.f32 [tilespmem:s14], [sflag:$0x5], $0x10, s24, s13, $0xb8;
	[tilespmem:$0xBF00] =	vst v63  }
0x71: {  	_ =	swait.ge [sflag:s11], $0x800  }
0x72: {  	[sflag:s11] =	ssyncset.done $0x0  }
0x73: {  	[sflag:s11] =	ssyncadd.s32 $0xFFFFF800  }
0x74: {  	_ =	swait.ge [sflag:s21], $0x800  }
0x75: {  	[sflag:s21] =	ssyncset.done $0x0  }
0x76: {  	[sflag:s21] =	ssyncadd.s32 $0xFFFFF800  }
0x77: {  	[spmem:s2] =	stream.indirect.scatter.add.f32 [tilespmem:s15], [sflag:$0x5], $0x10, s25, s13, $0xb8;
	[tilespmem:$0xBF00] =	vst v63  }
0x78: {  	_ =	swait.ge [sflag:s11], $0x800  }
0x79: {  	[sflag:s11] =	ssyncset.done $0x0  }
0x7a: {  	[sflag:s11] =	ssyncadd.s32 $0xFFFFF800  }
0x7b: {  	_ =	swait.ge [sflag:s22], $0x800  }
0x7c: {  	[sflag:s22] =	ssyncset.done $0x0  }
0x7d: {  	[sflag:s22] =	ssyncadd.s32 $0xFFFFF800  }
0x7e: {  	[spmem:s2] =	stream.indirect.scatter.add.f32 [tilespmem:s17], [sflag:$0x5], $0x10, s26, s13, $0xb8;
	[tilespmem:$0xBF00] =	vst v63  }
0x7f: {  	_ =	swait.ge [sflag:s11], $0x800  }
0x80: {  	[sflag:s11] =	ssyncset.done $0x0  }
0x81: {  	[sflag:s11] =	ssyncadd.s32 $0xFFFFF800  }
0x82: {  	_ =	swait.ge [sflag:s23], $0x800  }
0x83: {  	[sflag:s23] =	ssyncset.done $0x0  }
0x84: {  	[sflag:s23] =	ssyncadd.s32 $0xFFFFF800  }
0x85: {  	[spmem:s2] =	stream.indirect.scatter.add.f32 [tilespmem:s19], [sflag:$0x5], $0x10, s28, s13, $0xb8;
	[tilespmem:$0xBF00] =	vst v63  }
0x86: {  	_ =	swait.ge [sflag:s11], $0x800  }
0x87: {  	[sflag:s11] =	ssyncset.done $0x0  }
0x88: {  	[sflag:s11] =	ssyncadd.s32 $0xFFFFF800  }
0x89: {  	[bflag:$0x0] =	sbarrier.arrive $0xFFFF  }
0x8a: {  	[tilespmem:s10], [sflag:$0x5] =	stream.linear.gather [spmem:s5], $0x2780, $0x38;
	[tilespmem:$0xBF00] =	vst v63  }
0x8b: {  	s29 =	sadd.s32 $0x1, s29;
	_ =	swait.ge [sflag:s11], $0x2780  }
0x8c: {  	p0 =	sne.s32 s29, s9;
	[sflag:s11] =	ssyncset.done $0x0  }
.Ltmp2:
0x8d: {  	[sflag:s11] =	ssyncadd.s32 $0xFFFFD880;
	(pc) =	sbr.rel @p0 .LBB2_1-.Ltmp2, $4  }
0x8e: {  	[hbm4b:s8+s3] =	stream.linear.scatter [tilespmem:s10], [sflag:$0x5], $0x2780, $0x38;
	[tilespmem:$0xBF00] =	vst v63  }
0x8f: {  	_ =	swait.ge [sflag:s11], $0x2780  }
0x90: {  	[sflag:s11] =	ssyncset.done $0x0  }
0x91: {  	[sflag:s11] =	ssyncadd.s32 $0xFFFFD880  }
0x92: {  	_ =	sfence.sel $0x180000  }
0x93: {  	[bflag:$0x0] =	sbarrier.arrive $0xFFFF  }
0x94: {  	_ =	strace $0x90000050  }
0x95: {  	[bflag:$0x2] =	sbarrier.arrive $0xFFFF  }
0x96: {  	p0 =	sne.s32 s0, $0x0;
	s0 =	rddreg [dreg:$0x3]  }
0x97: {  	s0 =	sadd.s32 @!p0 $0x100000, s0  }
0x98: {  	[sflag:s0] =	ssyncadd.tile.s32 @!p0 $0x1;
	_ =	shalt  }
.Lfunc_end2:
_tile_overlayer_lowered:
.L_overlay_start_2:
0x99: {  	(tag) =	ssettag $0x2  }
0x9a: {  	s0 =	rddreg [dreg:$0x0];
	s2 =	stileid.u32  }
0x9b: {  	s1 =	rddreg [dreg:$0x1];
	p0 =	sne.s32 s2, $0x0  }
0x9c: {  	s3 =	rddreg [dreg:$0x2];
	[bflag:$0x3] =	sbarrier.arrive $0xFFFF;
	s2 =	simm.s32 @!p0 $0x1C05  }
0x9d: {  	[timem:s3], [sflag:s2] =	dma.local @!p0 [hbm:s0], s1  }
0x9e: {  	s0 =	simm.s32 @!p0 $0x5  }
0x9f: {  	_ =	swait.ge @!p0 [sflag:s0], s1  }
0xa0: {  	s1 =	ssub.s32 @!p0 $0x0, s1;
	[sflag:s0] =	ssyncset.done @!p0 $0x0  }
0xa1: {  	[sflag:s0] =	ssyncadd.s32 @!p0 s1  }
0xa2: {  	[bflag:$0x3] =	sbarrier.arrive $0xFFFF  }
0xa3: {  	_ =	shalt  }

// kernel: kernel.28.cloned.1.call-start
scs
__scs_entry_jumppad:
0x0: {  	(pc) =	sbr.rel $0x88, $3  }
0x1: {  	(tag) =	ssettag $0x0;
	lr =	simm.s32 $0x1  }
0x2: {  	[smem:$0x3F91] =	sst lr;
	_ =	strace $0xD0000000  }
0x3: {  	_ = 	snop  }
0x4: {  	_ = 	snop  }
0x5: {  	_ = 	snop  }
0x6: {  	_ = 	snop  }
0x7: {  	_ = 	snop  }
__scs_overlays_trampoline_lowered:
0x8: {  	[smem:$0x3FA0] =	sst s0  }
0x9: {  	[smem:$0x3FA1] =	sst s1  }
0xa: {  	[smem:$0x3FA2] =	sst s2  }
0xb: {  	[smem:$0x3FA3] =	sst s3  }
0xc: {  	[smem:$0x3FA4] =	sst s4  }
0xd: {  	[smem:$0x3FA5] =	sst s5  }
0xe: {  	[smem:$0x3FA6] =	sst s6  }
0xf: {  	[smem:$0x3FA7] =	sst s7  }
0x10: {  	[smem:$0x3FA8] =	sst s8  }
0x11: {  	[smem:$0x3FA9] =	sst s9;
	s0 =	simm.s32 @!p0 $0x0  }
0x12: {  	s1 =	sld [smem:$0x3F8F];
	s0 =	simm.s32 @p0 $0x1  }
0x13: {  	[smem:$0x3FAA] =	sst s0;
	s0 =	simm.s32 @!p1 $0x0  }
0x14: {  	s2 =	sld [smem:$0x3F8E];
	s0 =	simm.s32 @p1 $0x1  }
0x15: {  	[smem:$0x3FAB] =	sst s0;
	s0 =	simm.s32 @!p2 $0x0  }
0x16: {  	s3 =	sld [smem:$0x3FDB];
	s0 =	simm.s32 @p2 $0x1  }
0x17: {  	s4 =	simm.s32 $0x1BF5;
	[smem:$0x3FAD] =	sst s0  }
0x18: {  	s0 =	sld [smem:$0x3F90];
	_ =	swait.ge [sflag:s4], $0x0  }
0x19: {  	s7 =	sld [smem:$0x3F91]  }
0x1a: {  	s8 =	sadd.s32 $0xFFFFE003, lr  }
0x1b: {  	s9 =	sadd.s32 $0xFFFFFEF7, lr;
	s5 =	simm.s32 $0xFFFFFFFF;
	p2 =	slt.u32 s8, $0xFFFFF086  }
0x1c: {  	p1 =	slt.u32 s9, $0xF7A;
	s5 =	simm.s32 @!p2 $0x0  }
0x1d: {  	s5 =	simm.s32 @p1 $0x1;
	p0 =	seq.s32 s7, s2  }
0x1e: {  	s7 =	smul.u32 @!p0 $0xF7A, s2;
	p2 =	seq.s32 @!p0 s5, $0x0  }
0x1f: {  	s9 =	smul.u32 $0xF7A, s1;
	s8 =	simm.s32 @!p0 $0x1BF5;
	p2 =	por !p2, p0  }
0x20: {  	[sflag:s8] =	ssyncset.s32 @!p0 $0xFFFFF086;
	s6 =	sadd.s32 @!p0 s3, s7;
	s7 =	simm.s32 @!p0 $0x108  }
0x21: {  	s3 =	sadd.s32 s3, s9;
	s6 =	sadd.s32 @!p0 $0x88, s6;
	s7 =	simm.s32 @p2 $0x1082  }
0x22: {  	[simem:s7], [sflag:s8] =	dma.local @!p0 [hbm:s6], $0xF7A  }
0x23: {  	s9 =	sor.u32 $0xD0000000, s2;
	s6 =	simm.s32 $0x108;
	_ =	swait.ge @!p0 [sflag:s8], $0x0  }
0x24: {  	s3 =	sadd.s32 $0x88, s3;
	s6 =	simm.s32 @!p1 $0x1082;
	[sflag:s4] =	ssyncset.s32 $0xFFFFF086  }
0x25: {  	[simem:s6], [sflag:s4] =	dma.local [hbm:s3], $0xF7A  }
0x26: {  	[smem:$0x3F91] =	sst s1;
	(tag) =	ssettag s2;
	_ =	strace s9  }
0x27: {  	s1 =	sld [smem:$0x3FA1]  }
0x28: {  	s2 =	sld [smem:$0x3FA2]  }
0x29: {  	s4 =	sld [smem:$0x3FA4]  }
0x2a: {  	p0 =	seq.s32 s5, $0x0;
	s5 =	sld [smem:$0x3FA5]  }
0x2b: {  	s6 =	sld [smem:$0x3FA6]  }
0x2c: {  	s7 =	sld [smem:$0x3FA7]  }
0x2d: {  	s3 =	simm.s32 $0x108;
	s8 =	sld [smem:$0x3FA8]  }
0x2e: {  	s3 =	simm.s32 @!p0 $0x1082;
	s9 =	sld [smem:$0x3FA9]  }
0x2f: {  	lr =	sadd.s32 s0, s3;
	s0 =	sld [smem:$0x3FA0]  }
0x30: {  	s3 =	sld [smem:$0x3FA3]  }
0x31: {  	[smem:$0x3FAC] =	sst s10  }
0x32: {  	s10 =	sld [smem:$0x3FAA];
	_ =	sdelay $0x3  }
0x33: {  	p0 =	seq.s32 s10, $0x1;
	s10 =	sld [smem:$0x3FAC];
	_ =	sdelay $0x3  }
0x34: {  	[smem:$0x3FAC] =	sst s10  }
0x35: {  	s10 =	sld [smem:$0x3FAB];
	_ =	sdelay $0x3  }
0x36: {  	p1 =	seq.s32 s10, $0x1;
	s10 =	sld [smem:$0x3FAC];
	_ =	sdelay $0x3  }
0x37: {  	[smem:$0x3FAC] =	sst s10  }
0x38: {  	s10 =	sld [smem:$0x3FAD]  }
0x39: {  	_ = 	snop;
	(pc) =	sbr.ind lr, $3  }
0x3a: {  	_ = 	snop  }
0x3b: {  	_ = 	snop  }
0x3c: {  	p2 =	seq.s32 s10, $0x1;
	s10 =	sld [smem:$0x3FAC]  }
0x3d: {  	_ =	shalt  }
0x3e: {  	_ =	shalt  }
0x3f: {  	_ =	shalt  }
0x40: {  	_ =	shalt  }
0x41: {  	_ =	shalt  }
0x42: {  	_ =	shalt  }
0x43: {  	_ =	shalt  }
0x44: {  	_ =	shalt  }
0x45: {  	_ =	shalt  }
0x46: {  	_ =	shalt  }
0x47: {  	_ =	shalt  }
0x48: {  	_ =	shalt  }
0x49: {  	_ =	shalt  }
0x4a: {  	_ =	shalt  }
0x4b: {  	_ =	shalt  }
0x4c: {  	_ =	shalt  }
0x4d: {  	_ =	shalt  }
0x4e: {  	_ =	shalt  }
0x4f: {  	_ =	shalt  }
0x50: {  	_ =	shalt  }
0x51: {  	_ =	shalt  }
0x52: {  	_ =	shalt  }
0x53: {  	_ =	shalt  }
0x54: {  	_ =	shalt  }
0x55: {  	_ =	shalt  }
0x56: {  	_ =	shalt  }
0x57: {  	_ =	shalt  }
0x58: {  	_ =	shalt  }
0x59: {  	_ =	shalt  }
0x5a: {  	_ =	shalt  }
0x5b: {  	_ =	shalt  }
0x5c: {  	_ =	shalt  }
0x5d: {  	_ =	shalt  }
0x5e: {  	_ =	shalt  }
0x5f: {  	_ =	shalt  }
0x60: {  	_ =	shalt  }
0x61: {  	_ =	shalt  }
0x62: {  	_ =	shalt  }
0x63: {  	_ =	shalt  }
0x64: {  	_ =	shalt  }
0x65: {  	_ =	shalt  }
0x66: {  	_ =	shalt  }
0x67: {  	_ =	shalt  }
0x68: {  	_ =	shalt  }
0x69: {  	_ =	shalt  }
0x6a: {  	_ =	shalt  }
0x6b: {  	_ =	shalt  }
0x6c: {  	_ =	shalt  }
0x6d: {  	_ =	shalt  }
0x6e: {  	_ =	shalt  }
0x6f: {  	_ =	shalt  }
0x70: {  	_ =	shalt  }
0x71: {  	_ =	shalt  }
0x72: {  	_ =	shalt  }
0x73: {  	_ =	shalt  }
0x74: {  	_ =	shalt  }
0x75: {  	_ =	shalt  }
0x76: {  	_ =	shalt  }
0x77: {  	_ =	shalt  }
0x78: {  	_ =	shalt  }
0x79: {  	_ =	shalt  }
0x7a: {  	_ =	shalt  }
0x7b: {  	_ =	shalt  }
0x7c: {  	_ =	shalt  }
0x7d: {  	_ =	shalt  }
0x7e: {  	_ =	shalt  }
0x7f: {  	_ =	shalt  }
0x80: {  	_ =	shalt  }
0x81: {  	_ =	shalt  }
0x82: {  	_ =	shalt  }
0x83: {  	_ =	shalt  }
0x84: {  	_ =	shalt  }
0x85: {  	_ =	shalt  }
0x86: {  	_ =	shalt  }
0x87: {  	_ =	shalt  }
.Lfunc_end0:
.L_simem_size_0:
called_computation.4_lowered:
.L_overlay_start_0:
0x88: {  	s2 =	sld [smem:$0x3FD9]  }
0x89: {  	s3 =	sld [smem:$0x3FFE];
	_ =	sdelay $0x1  }
0x8a: {  	s1 =	srdreg.scid  }
0x8b: {  	s0 =	sand.u32 $0x1, s1  }
0x8c: {  	s17 =	sshll.u32 s0, $0xA;
	s2 =	sadd.s32 s3, s2  }
0x8d: {  	s2 =	sadd.s32 s2, s17  }
0x8e: {  	[smem:$0x3FB8] =	sst s2  }
0x8f: {  	_ = 	snop  }
0x90: {  	s2 =	sld [smem:$0x3FD0];
	(tm) =	ssettm $0x1  }
0x91: {  	s18 =	sld [smem:$0x3FFB];
	_ =	sdelay $0x3  }
0x92: {  	_ =	strace s18  }
0x93: {  	s3 =	sld [smem:$0x3FFC];
	_ =	sdelay $0x3  }
0x94: {  	_ =	strace s3  }
0x95: {  	s3 =	sld [smem:$0x3FFD];
	_ =	sdelay $0x3  }
0x96: {  	_ =	strace s3  }
0x97: {  	_ =	strace $0x8FFFFFFF  }
0x98: {  	s19 =	sld [smem:$0x3FDB];
	_ =	sdelay $0x1  }
0x99: {  	s4 =	simm.s32 $_scs_section_size  }
0x9a: {  	s5 =	simm.s32 $_size__tile_overlayer_lowered;
	s6 =	simm.s32 $_tile_overlayer_lowered  }
0x9b: {  	s22 =	simm.s32 $0x1BFF;
	s21 =	sshll.u32 s6, $0x1;
	s3 =	sadd.s32 s4, s19  }
0x9c: {  	s7 =	simm.s32 $0x0;
	s20 =	sshll.u32 s5, $0x1;
	s5 =	sadd.s32 s21, s3  }
0x9d: {  	[timem:s7], [sflag:s22] =	dma.local [hbm:s5], s20  }
0x9e: {  	_ =	swait.ge [sflag:s22], s20  }
0x9f: {  	s4 =	ssub.s32 $0x0, s20;
	[sflag:s22] =	ssyncset.done $0x0  }
0xa0: {  	[sflag:s22] =	ssyncadd.s32 s4;
	_ =	sdelay $0x1  }
0xa1: {  	s23 =	simm.s32 $0x1B8B  }
0xa2: {  	_ =	swait.ge [sflag:s23], $0x1  }
0xa3: {  	[sflag:s23] =	ssyncset.done $0x0  }
0xa4: {  	s25 =	simm.s32 $0x1B8E;
	s24 =	sld [smem:$0x3FFE];
	[sflag:s23] =	ssyncadd.s32 $0xFFFFFFFF  }
0xa5: {  	s26 =	simm.s32 $execute0_lowered;
	[smem:$0x3FD2] =	sst s25  }
0xa6: {  	s5 =	sshll.u32 s26, $0x1;
	_ =	strace $0x80000052;
	[dreg:$0x1] =	wrdreg $0xFFFFFFFF  }
0xa7: {  	s28 =	simm.s32 $_size_execute0_lowered;
	s3 =	sadd.s32 s3, s5;
	[dreg:$0x0] =	wrdreg $0x0  }
0xa8: {  	s5 =	sshll.u32 s28, $0x1;
	[dreg:$0x2] =	wrdreg s3  }
0xa9: {  	[dreg:$0x3] =	wrdreg s5  }
0xaa: {  	[dreg:$0x4] =	wrdreg $0xC0  }
0xab: {  	_ =	task [dreg:s7], $0x5FFFF  }
0xac: {  	[dreg:$0x1] =	wrdreg $0xFFFFFFFF  }
0xad: {  	[dreg:$0x0] =	wrdreg $0x60  }
0xae: {  	[dreg:$0x2] =	wrdreg s24  }
0xaf: {  	[dreg:$0x3] =	wrdreg s2  }
0xb0: {  	[dreg:$0x4] =	wrdreg $0x97800  }
0xb1: {  	[dreg:$0x5] =	wrdreg $0x9  }
0xb2: {  	_ =	task.clear_ibuf [dreg:s7], $0x6FFFF;
	_ =	strace $0x90000052  }
0xb3: {  	s29 =	simm.s32 $0x9;
	_ =	strace $0x80000054  }
0xb4: {  	_ =	swait.ge [sflag:s29], $0x1  }
0xb5: {  	[sflag:s29] =	ssyncadd.s32 $0xFFFFFFFF  }
0xb6: {  	_ =	strace $0x90000054  }
0xb7: {  	_ =	sfence  }
0xb8: {  	s30 =	sld [smem:$0x0];
	_ =	sdelay $0x2  }
0xb9: {  	s31 =	sshll.u32 s1, $0xD;
	s1 =	sshrl.u32 s1, $0x2  }
0xba: {  	s3 =	sand.u32 $0x4000, s31;
	s1 =	sadd.s32 s1, s30  }
0xbb: {  	s0 =	sor.u32 s3, s0;
	s1 =	sshll.u32 s1, $0x11  }
0xbc: {  	s0 =	sor.u32 s1, s0  }
0xbd: {  	s0 =	sadd.s32 $0x8F2B, s0  }
0xbe: {  	[sflag:s0] =	ssyncadd.remote.s32 $0x1  }
0xbf: {  	_ =	sfence.sel $0xFFFF  }
0xc0: {  	[dreg:$0x0] =	wrdreg $0xFFFFFFFF;
	(pc) =	sbr.abs _section_cstart, $3  }
0xc1: {  	[dreg:$0x1] =	wrdreg $0xFFFFFFFF  }
0xc2: {  	_ =	task.clear_ibuf [dreg:s7], $0x2FFFF;
	_ =	strace $0x9FFFFFFF  }
0xc3: {  	(tm) =	ssettm $0x7FFFFFFF  }
tec
execute0_lowered:
.L_overlay_start_1:
0x0: {  	(tag) =	ssettag $0x1  }
0x1: {  	s5 =	rddreg [dreg:$0x0]  }
0x2: {  	s1 =	srdreg.scid;
	s7 =	rddreg [dreg:$0x1]  }
0x3: {  	s0 =	stileid.u32;
	s2 =	rddreg [dreg:$0x2]  }
0x4: {  	s3 =	simm.s32 $0x0;
	s13 =	simm.s32 $0x80;
	s14 =	simm.s32 $0x5000  }
0x5: {  	s15 =	simm.s32 $0x5800;
	s16 =	simm.s32 $0x100;
	s17 =	simm.s32 $0x6000  }
0x6: {  	s18 =	simm.s32 $0x180;
	s19 =	simm.s32 $0x6800;
	s20 =	simm.s32 $0x1  }
0x7: {  	s21 =	simm.s32 $0x2;
	s22 =	simm.s32 $0x3;
	s23 =	simm.s32 $0x4  }
0x8: {  	s24 =	simm.s32 $0x4E00;
	s25 =	simm.s32 $0x4E80;
	s28 =	simm.s32 $0x4F80  }
0x9: {  	s29 =	simm.s32 $0x0;
	s6 =	sand.u32 $0x1, s1;
	s9 =	smul.u32 $0x4F0, s0  }
0xa: {  	s26 =	sshll.u32 s0, $0x1;
	[smem:$0x7FF] =	sst s3;
	s11 =	smul.u32 $0x9E00, s0  }
0xb: {  	s4 =	sor.u32 s6, s26;
	_ =	strace $0x80000053;
	s10 =	smul.u32 $0x4F00, s6  }
0xc: {  	s6 =	ssub.s32 $0x2, s6;
	s26 =	simm.s32 $0x4F00;
	s8 =	smul.u32 $0x500, s4  }
0xd: {  	s4 =	sadd.s32 $0x6C00, s5;
	s30 =	sshrl.u32 s6, $0x1;
	s31 =	sshrl.u32 s11, $0x2  }
0xe: {  	s11 =	simm.s32 $0x5;
	s9 =	sadd.s32 s9, s10;
	s10 =	ssub.s32 s6, s30  }
0xf: {  	s12 =	sadd.s32 s8, s5;
	s9 =	sadd.s32 s9, s5;
	s5 =	sadd.s32 s31, s2  }
0x10: {  	s7 =	sadd.s32 s7, s8;
	s6 =	sadd.s32 $0x10A00, s12;
	s8 =	sadd.s32 $0x1AA00, s9  }
0x11: {  	v0 =	vimm.f32 $0.0e+00;
	s9 =	smax.u32 s10, $0x1;
	s10 =	simm.s32 $0x7000;
	s12 =	simm.s32 $0x2800  }
.LBB2_1:
0x12: {  	s30 =	simm.s32 $0x40;
	s31 =	simm.s32 $0x0  }
.LBB2_2:
0x13: {  	p0 =	sne.s32 s30, $0x9DC0;
	[tilespmem:s31+$0x7000] =	vst v0;
	s31 =	smov.u32 s30;
	s30 =	sadd.s32 $0x40, s30  }
.Ltmp0:
0x14: {  	(pc) =	sbr.rel @p0 .LBB2_2-.Ltmp0, $2  }
0x15: {  	_ =	sdelay $0x2  }
0x16: {  	s31 =	sshra.s32 s31, $0x2  }
0x17: {  	[tilespmem:s31+$0x7000] =	vst v0  }
0x18: {  	[spmem:s5] =	stream.linear.scatter [tilespmem:s10], [sflag:$0x5], $0x2780, $0x38;
	[tilespmem:$0xBF00] =	vst v63  }
0x19: {  	_ =	swait.ge [sflag:s11], $0x2780  }
0x1a: {  	[sflag:s11] =	ssyncset.done $0x0  }
0x1b: {  	s30 =	simm.s32 $0x0;
	[sflag:s11] =	ssyncadd.s32 $0xFFFFD880  }
0x1c: {  	[tilespmem:s30], [sflag:$0x5] =	stream.linear.gather [hbm4b:s6+s30], $0x2800, $0x38;
	[tilespmem:$0xBF00] =	vst v63  }
0x1d: {  	_ =	swait.ge [sflag:s11], $0x2800  }
0x1e: {  	[sflag:s11] =	ssyncset.done $0x0  }
0x1f: {  	[sflag:s11] =	ssyncadd.s32 $0xFFFFD800  }
0x20: {  	[tilespmem:s12], [sflag:$0x5] =	stream.linear.gather [hbm4b:s7+s30], $0x2800, $0x38;
	[tilespmem:$0xBF00] =	vst v63  }
0x21: {  	_ =	swait.ge [sflag:s11], $0x2800  }
0x22: {  	[sflag:s11] =	ssyncset.done $0x0  }
0x23: {  	[sflag:s11] =	ssyncadd.s32 $0xFFFFD800  }
0x24: {  	[bflag:$0x0] =	sbarrier.arrive $0xFFFF  }
0x25: {  	[tilespmem:s14], [sflag:$0x1] =	stream.indirect.gather [hbm4b:s4+s13], $0x10, s30, s13, $0xb8;
	[tilespmem:$0xBF00] =	vst v63  }
0x26: {  	_ = 	snop  }
0x27: {  	[tilespmem:s15], [sflag:$0x2] =	stream.indirect.gather [hbm4b:s4+s13], $0x10, s13, s13, $0xb8;
	[tilespmem:$0xBF00] =	vst v63  }
0x28: {  	_ = 	snop  }
0x29: {  	[tilespmem:s17], [sflag:$0x3] =	stream.indirect.gather [hbm4b:s4+s13], $0x10, s16, s13, $0xb8;
	[tilespmem:$0xBF00] =	vst v63  }
0x2a: {  	_ = 	snop  }
0x2b: {  	[tilespmem:s19], [sflag:$0x4] =	stream.indirect.gather [hbm4b:s4+s13], $0x10, s18, s13, $0xb8;
	[tilespmem:$0xBF00] =	vst v63  }
0x2c: {  	_ =	swait.ge [sflag:s20], $0x800  }
0x2d: {  	[sflag:s20] =	ssyncset.done $0x0  }
0x2e: {  	s30 =	simm.s32 $0x2800;
	[sflag:s20] =	ssyncadd.s32 $0xFFFFF800  }
0x2f: {  	[spmem:s2] =	stream.indirect.scatter.add.f32 [tilespmem:s14], [sflag:$0x5], $0x10, s30, s13, $0xb8;
	[tilespmem:$0xBF00] =	vst v63  }
0x30: {  	_ =	swait.ge [sflag:s11], $0x800  }
0x31: {  	[sflag:s11] =	ssyncset.done $0x0  }
0x32: {  	s30 =	simm.s32 $0x200;
	[sflag:s11] =	ssyncadd.s32 $0xFFFFF800  }
0x33: {  	[tilespmem:s14], [sflag:$0x1] =	stream.indirect.gather [hbm4b:s4+s13], $0x10, s30, s13, $0xb8;
	[tilespmem:$0xBF00] =	vst v63  }
0x34: {  	_ =	swait.ge [sflag:s21], $0x800  }
0x35: {  	[sflag:s21] =	ssyncset.done $0x0  }
0x36: {  	s30 =	simm.s32 $0x2880;
	[sflag:s21] =	ssyncadd.s32 $0xFFFFF800  }
0x37: {  	[spmem:s2] =	stream.indirect.scatter.add.f32 [tilespmem:s15], [sflag:$0x5], $0x10, s30, s13, $0xb8;
	[tilespmem:$0xBF00] =	vst v63  }
0x38: {  	_ =	swait.ge [sflag:s11], $0x800  }
0x39: {  	[sflag:s11] =	ssyncset.done $0x0  }
0x3a: {  	s30 =	simm.s32 $0x280;
	[sflag:s11] =	ssyncadd.s32 $0xFFFFF800  }
0x3b: {  	[tilespmem:s15], [sflag:$0x2] =	stream.indirect.gather [hbm4b:s4+s13], $0x10, s30, s13, $0xb8;
	[tilespmem:$0xBF00] =	vst v63  }
0x3c: {  	_ =	swait.ge [sflag:s22], $0x800  }
0x3d: {  	[sflag:s22] =	ssyncset.done $0x0  }
0x3e: {  	s30 =	simm.s32 $0x2900;
	[sflag:s22] =	ssyncadd.s32 $0xFFFFF800  }
0x3f: {  	[spmem:s2] =	stream.indirect.scatter.add.f32 [tilespmem:s17], [sflag:$0x5], $0x10, s30, s13, $0xb8;
	[tilespmem:$0xBF00] =	vst v63  }
0x40: {  	_ =	swait.ge [sflag:s11], $0x800  }
0x41: {  	[sflag:s11] =	ssyncset.done $0x0  }
0x42: {  	s30 =	simm.s32 $0x300;
	[sflag:s11] =	ssyncadd.s32 $0xFFFFF800  }
0x43: {  	[tilespmem:s17], [sflag:$0x3] =	stream.indirect.gather [hbm4b:s4+s13], $0x10, s30, s13, $0xb8;
	[tilespmem:$0xBF00] =	vst v63  }
0x44: {  	_ =	swait.ge [sflag:s23], $0x800  }
0x45: {  	[sflag:s23] =	ssyncset.done $0x0  }
0x46: {  	s30 =	simm.s32 $0x2980;
	[sflag:s23] =	ssyncadd.s32 $0xFFFFF800  }
0x47: {  	[spmem:s2] =	stream.indirect.scatter.add.f32 [tilespmem:s19], [sflag:$0x5], $0x10, s30, s13, $0xb8;
	[tilespmem:$0xBF00] =	vst v63  }
0x48: {  	_ =	swait.ge [sflag:s11], $0x800  }
0x49: {  	[sflag:s11] =	ssyncset.done $0x0  }
0x4a: {  	s31 =	simm.s32 $0x380;
	s30 =	simm.s32 $0x800;
	[sflag:s11] =	ssyncadd.s32 $0xFFFFF800  }
.LBB2_4:
0x4b: {  	[tilespmem:s19], [sflag:$0x4] =	stream.indirect.gather [hbm4b:s4+s13], $0x10, s31, s13, $0xb8;
	[tilespmem:$0xBF00] =	vst v63  }
0x4c: {  	s31 =	smov.u32 s30  }
0x4d: {  	p0 =	sne.s32 s30, $0x9000;
	s30 =	sadd.s32 $0x800, s30;
	_ =	swait.ge [sflag:s20], $0x800  }
0x4e: {  	s31 =	sshra.s32 s31, $0x2;
	[sflag:s20] =	ssyncset.done $0x0  }
0x4f: {  	s1 =	sadd.s32 $0x2800, s31;
	[sflag:s20] =	ssyncadd.s32 $0xFFFFF800  }
0x50: {  	[spmem:s2] =	stream.indirect.scatter.add.f32 [tilespmem:s14], [sflag:$0x5], $0x10, s1, s13, $0xb8;
	[tilespmem:$0xBF00] =	vst v63  }
0x51: {  	_ =	swait.ge [sflag:s11], $0x800  }
0x52: {  	[sflag:s11] =	ssyncset.done $0x0  }
0x53: {  	s1 =	sadd.s32 $0x200, s31;
	[sflag:s11] =	ssyncadd.s32 $0xFFFFF800  }
0x54: {  	[tilespmem:s14], [sflag:$0x1] =	stream.indirect.gather [hbm4b:s4+s13], $0x10, s1, s13, $0xb8;
	[tilespmem:$0xBF00] =	vst v63  }
0x55: {  	_ =	swait.ge [sflag:s21], $0x800  }
0x56: {  	[sflag:s21] =	ssyncset.done $0x0  }
0x57: {  	s1 =	sadd.s32 $0x2880, s31;
	[sflag:s21] =	ssyncadd.s32 $0xFFFFF800  }
0x58: {  	[spmem:s2] =	stream.indirect.scatter.add.f32 [tilespmem:s15], [sflag:$0x5], $0x10, s1, s13, $0xb8;
	[tilespmem:$0xBF00] =	vst v63  }
0x59: {  	_ =	swait.ge [sflag:s11], $0x800  }
0x5a: {  	[sflag:s11] =	ssyncset.done $0x0  }
0x5b: {  	s1 =	sadd.s32 $0x280, s31;
	[sflag:s11] =	ssyncadd.s32 $0xFFFFF800  }
0x5c: {  	[tilespmem:s15], [sflag:$0x2] =	stream.indirect.gather [hbm4b:s4+s13], $0x10, s1, s13, $0xb8;
	[tilespmem:$0xBF00] =	vst v63  }
0x5d: {  	_ =	swait.ge [sflag:s22], $0x800  }
0x5e: {  	[sflag:s22] =	ssyncset.done $0x0  }
0x5f: {  	s1 =	sadd.s32 $0x2900, s31;
	[sflag:s22] =	ssyncadd.s32 $0xFFFFF800  }
0x60: {  	[spmem:s2] =	stream.indirect.scatter.add.f32 [tilespmem:s17], [sflag:$0x5], $0x10, s1, s13, $0xb8;
	[tilespmem:$0xBF00] =	vst v63  }
0x61: {  	_ =	swait.ge [sflag:s11], $0x800  }
0x62: {  	[sflag:s11] =	ssyncset.done $0x0  }
0x63: {  	s1 =	sadd.s32 $0x300, s31;
	[sflag:s11] =	ssyncadd.s32 $0xFFFFF800  }
0x64: {  	[tilespmem:s17], [sflag:$0x3] =	stream.indirect.gather [hbm4b:s4+s13], $0x10, s1, s13, $0xb8;
	[tilespmem:$0xBF00] =	vst v63  }
0x65: {  	_ =	swait.ge [sflag:s23], $0x800  }
0x66: {  	[sflag:s23] =	ssyncset.done $0x0  }
.Ltmp1:
0x67: {  	s1 =	sadd.s32 $0x2980, s31;
	[sflag:s23] =	ssyncadd.s32 $0xFFFFF800;
	(pc) =	sbr.rel @p0 .LBB2_4-.Ltmp1, $4  }
0x68: {  	[spmem:s2] =	stream.indirect.scatter.add.f32 [tilespmem:s19], [sflag:$0x5], $0x10, s1, s13, $0xb8;
	[tilespmem:$0xBF00] =	vst v63  }
0x69: {  	_ =	swait.ge [sflag:s11], $0x800  }
0x6a: {  	[sflag:s11] =	ssyncset.done $0x0  }
0x6b: {  	s31 =	sadd.s32 $0x380, s31;
	[sflag:s11] =	ssyncadd.s32 $0xFFFFF800  }
0x6c: {  	[tilespmem:s19], [sflag:$0x4] =	stream.indirect.gather [hbm4b:s4+s13], $0x10, s31, s13, $0xb8;
	[tilespmem:$0xBF00] =	vst v63  }
0x6d: {  	_ =	swait.ge [sflag:s20], $0x800  }
0x6e: {  	[sflag:s20] =	ssyncset.done $0x0  }
0x6f: {  	[sflag:s20] =	ssyncadd.s32 $0xFFFFF800  }
0x70: {  	[spmem:s2] =	stream.indirect.scatter.add.f32 [tilespmem:s14], [sflag:$0x5], $0x10, s24, s13, $0xb8;
	[tilespmem:$0xBF00] =	vst v63  }
0x71: {  	_ =	swait.ge [sflag:s11], $0x800  }
0x72: {  	[sflag:s11] =	ssyncset.done $0x0  }
0x73: {  	[sflag:s11] =	ssyncadd.s32 $0xFFFFF800  }
0x74: {  	_ =	swait.ge [sflag:s21], $0x800  }
0x75: {  	[sflag:s21] =	ssyncset.done $0x0  }
0x76: {  	[sflag:s21] =	ssyncadd.s32 $0xFFFFF800  }
0x77: {  	[spmem:s2] =	stream.indirect.scatter.add.f32 [tilespmem:s15], [sflag:$0x5], $0x10, s25, s13, $0xb8;
	[tilespmem:$0xBF00] =	vst v63  }
0x78: {  	_ =	swait.ge [sflag:s11], $0x800  }
0x79: {  	[sflag:s11] =	ssyncset.done $0x0  }
0x7a: {  	[sflag:s11] =	ssyncadd.s32 $0xFFFFF800  }
0x7b: {  	_ =	swait.ge [sflag:s22], $0x800  }
0x7c: {  	[sflag:s22] =	ssyncset.done $0x0  }
0x7d: {  	[sflag:s22] =	ssyncadd.s32 $0xFFFFF800  }
0x7e: {  	[spmem:s2] =	stream.indirect.scatter.add.f32 [tilespmem:s17], [sflag:$0x5], $0x10, s26, s13, $0xb8;
	[tilespmem:$0xBF00] =	vst v63  }
0x7f: {  	_ =	swait.ge [sflag:s11], $0x800  }
0x80: {  	[sflag:s11] =	ssyncset.done $0x0  }
0x81: {  	[sflag:s11] =	ssyncadd.s32 $0xFFFFF800  }
0x82: {  	_ =	swait.ge [sflag:s23], $0x800  }
0x83: {  	[sflag:s23] =	ssyncset.done $0x0  }
0x84: {  	[sflag:s23] =	ssyncadd.s32 $0xFFFFF800  }
0x85: {  	[spmem:s2] =	stream.indirect.scatter.add.f32 [tilespmem:s19], [sflag:$0x5], $0x10, s28, s13, $0xb8;
	[tilespmem:$0xBF00] =	vst v63  }
0x86: {  	_ =	swait.ge [sflag:s11], $0x800  }
0x87: {  	[sflag:s11] =	ssyncset.done $0x0  }
0x88: {  	[sflag:s11] =	ssyncadd.s32 $0xFFFFF800  }
0x89: {  	[bflag:$0x0] =	sbarrier.arrive $0xFFFF  }
0x8a: {  	[tilespmem:s10], [sflag:$0x5] =	stream.linear.gather [spmem:s5], $0x2780, $0x38;
	[tilespmem:$0xBF00] =	vst v63  }
0x8b: {  	s29 =	sadd.s32 $0x1, s29;
	_ =	swait.ge [sflag:s11], $0x2780  }
0x8c: {  	p0 =	sne.s32 s29, s9;
	[sflag:s11] =	ssyncset.done $0x0  }
.Ltmp2:
0x8d: {  	[sflag:s11] =	ssyncadd.s32 $0xFFFFD880;
	(pc) =	sbr.rel @p0 .LBB2_1-.Ltmp2, $4  }
0x8e: {  	[hbm4b:s8+s3] =	stream.linear.scatter [tilespmem:s10], [sflag:$0x5], $0x2780, $0x38;
	[tilespmem:$0xBF00] =	vst v63  }
0x8f: {  	_ =	swait.ge [sflag:s11], $0x2780  }
0x90: {  	[sflag:s11] =	ssyncset.done $0x0  }
0x91: {  	[sflag:s11] =	ssyncadd.s32 $0xFFFFD880  }
0x92: {  	_ =	sfence.sel $0x180000  }
0x93: {  	[bflag:$0x0] =	sbarrier.arrive $0xFFFF  }
0x94: {  	_ =	strace $0x90000053  }
0x95: {  	[bflag:$0x2] =	sbarrier.arrive $0xFFFF  }
0x96: {  	p0 =	sne.s32 s0, $0x0;
	s0 =	rddreg [dreg:$0x3]  }
0x97: {  	s0 =	sadd.s32 @!p0 $0x100000, s0  }
0x98: {  	[sflag:s0] =	ssyncadd.tile.s32 @!p0 $0x1;
	_ =	shalt  }
.Lfunc_end2:
_tile_overlayer_lowered:
.L_overlay_start_2:
0x99: {  	(tag) =	ssettag $0x2  }
0x9a: {  	s0 =	rddreg [dreg:$0x0];
	s2 =	stileid.u32  }
0x9b: {  	s1 =	rddreg [dreg:$0x1];
	p0 =	sne.s32 s2, $0x0  }
0x9c: {  	s3 =	rddreg [dreg:$0x2];
	[bflag:$0x3] =	sbarrier.arrive $0xFFFF;
	s2 =	simm.s32 @!p0 $0x1C05  }
0x9d: {  	[timem:s3], [sflag:s2] =	dma.local @!p0 [hbm:s0], s1  }
0x9e: {  	s0 =	simm.s32 @!p0 $0x5  }
0x9f: {  	_ =	swait.ge @!p0 [sflag:s0], s1  }
0xa0: {  	s1 =	ssub.s32 @!p0 $0x0, s1;
	[sflag:s0] =	ssyncset.done @!p0 $0x0  }
0xa1: {  	[sflag:s0] =	ssyncadd.s32 @!p0 s1  }
0xa2: {  	[bflag:$0x3] =	sbarrier.arrive $0xFFFF  }
0xa3: {  	_ =	shalt  }

// kernel: kernel.31.cloned.1.call-start
scs
__scs_entry_jumppad:
0x0: {  	(pc) =	sbr.rel $0x88, $3  }
0x1: {  	(tag) =	ssettag $0x0;
	lr =	simm.s32 $0x1  }
0x2: {  	[smem:$0x3F91] =	sst lr;
	_ =	strace $0xD0000000  }
0x3: {  	_ = 	snop  }
0x4: {  	_ = 	snop  }
0x5: {  	_ = 	snop  }
0x6: {  	_ = 	snop  }
0x7: {  	_ = 	snop  }
__scs_overlays_trampoline_lowered:
0x8: {  	[smem:$0x3FA0] =	sst s0  }
0x9: {  	[smem:$0x3FA1] =	sst s1  }
0xa: {  	[smem:$0x3FA2] =	sst s2  }
0xb: {  	[smem:$0x3FA3] =	sst s3  }
0xc: {  	[smem:$0x3FA4] =	sst s4  }
0xd: {  	[smem:$0x3FA5] =	sst s5  }
0xe: {  	[smem:$0x3FA6] =	sst s6  }
0xf: {  	[smem:$0x3FA7] =	sst s7  }
0x10: {  	[smem:$0x3FA8] =	sst s8  }
0x11: {  	[smem:$0x3FA9] =	sst s9;
	s0 =	simm.s32 @!p0 $0x0  }
0x12: {  	s1 =	sld [smem:$0x3F8F];
	s0 =	simm.s32 @p0 $0x1  }
0x13: {  	[smem:$0x3FAA] =	sst s0;
	s0 =	simm.s32 @!p1 $0x0  }
0x14: {  	s2 =	sld [smem:$0x3F8E];
	s0 =	simm.s32 @p1 $0x1  }
0x15: {  	[smem:$0x3FAB] =	sst s0;
	s0 =	simm.s32 @!p2 $0x0  }
0x16: {  	s3 =	sld [smem:$0x3FDB];
	s0 =	simm.s32 @p2 $0x1  }
0x17: {  	s4 =	simm.s32 $0x1BF5;
	[smem:$0x3FAD] =	sst s0  }
0x18: {  	s0 =	sld [smem:$0x3F90];
	_ =	swait.ge [sflag:s4], $0x0  }
0x19: {  	s7 =	sld [smem:$0x3F91]  }
0x1a: {  	s8 =	sadd.s32 $0xFFFFE003, lr  }
0x1b: {  	s9 =	sadd.s32 $0xFFFFFEF7, lr;
	s5 =	simm.s32 $0xFFFFFFFF;
	p2 =	slt.u32 s8, $0xFFFFF086  }
0x1c: {  	p1 =	slt.u32 s9, $0xF7A;
	s5 =	simm.s32 @!p2 $0x0  }
0x1d: {  	s5 =	simm.s32 @p1 $0x1;
	p0 =	seq.s32 s7, s2  }
0x1e: {  	s7 =	smul.u32 @!p0 $0xF7A, s2;
	p2 =	seq.s32 @!p0 s5, $0x0  }
0x1f: {  	s9 =	smul.u32 $0xF7A, s1;
	s8 =	simm.s32 @!p0 $0x1BF5;
	p2 =	por !p2, p0  }
0x20: {  	[sflag:s8] =	ssyncset.s32 @!p0 $0xFFFFF086;
	s6 =	sadd.s32 @!p0 s3, s7;
	s7 =	simm.s32 @!p0 $0x108  }
0x21: {  	s3 =	sadd.s32 s3, s9;
	s6 =	sadd.s32 @!p0 $0x88, s6;
	s7 =	simm.s32 @p2 $0x1082  }
0x22: {  	[simem:s7], [sflag:s8] =	dma.local @!p0 [hbm:s6], $0xF7A  }
0x23: {  	s9 =	sor.u32 $0xD0000000, s2;
	s6 =	simm.s32 $0x108;
	_ =	swait.ge @!p0 [sflag:s8], $0x0  }
0x24: {  	s3 =	sadd.s32 $0x88, s3;
	s6 =	simm.s32 @!p1 $0x1082;
	[sflag:s4] =	ssyncset.s32 $0xFFFFF086  }
0x25: {  	[simem:s6], [sflag:s4] =	dma.local [hbm:s3], $0xF7A  }
0x26: {  	[smem:$0x3F91] =	sst s1;
	(tag) =	ssettag s2;
	_ =	strace s9  }
0x27: {  	s1 =	sld [smem:$0x3FA1]  }
0x28: {  	s2 =	sld [smem:$0x3FA2]  }
0x29: {  	s4 =	sld [smem:$0x3FA4]  }
0x2a: {  	p0 =	seq.s32 s5, $0x0;
	s5 =	sld [smem:$0x3FA5]  }
0x2b: {  	s6 =	sld [smem:$0x3FA6]  }
0x2c: {  	s7 =	sld [smem:$0x3FA7]  }
0x2d: {  	s3 =	simm.s32 $0x108;
	s8 =	sld [smem:$0x3FA8]  }
0x2e: {  	s3 =	simm.s32 @!p0 $0x1082;
	s9 =	sld [smem:$0x3FA9]  }
0x2f: {  	lr =	sadd.s32 s0, s3;
	s0 =	sld [smem:$0x3FA0]  }
0x30: {  	s3 =	sld [smem:$0x3FA3]  }
0x31: {  	[smem:$0x3FAC] =	sst s10  }
0x32: {  	s10 =	sld [smem:$0x3FAA];
	_ =	sdelay $0x3  }
0x33: {  	p0 =	seq.s32 s10, $0x1;
	s10 =	sld [smem:$0x3FAC];
	_ =	sdelay $0x3  }
0x34: {  	[smem:$0x3FAC] =	sst s10  }
0x35: {  	s10 =	sld [smem:$0x3FAB];
	_ =	sdelay $0x3  }
0x36: {  	p1 =	seq.s32 s10, $0x1;
	s10 =	sld [smem:$0x3FAC];
	_ =	sdelay $0x3  }
0x37: {  	[smem:$0x3FAC] =	sst s10  }
0x38: {  	s10 =	sld [smem:$0x3FAD]  }
0x39: {  	_ = 	snop;
	(pc) =	sbr.ind lr, $3  }
0x3a: {  	_ = 	snop  }
0x3b: {  	_ = 	snop  }
0x3c: {  	p2 =	seq.s32 s10, $0x1;
	s10 =	sld [smem:$0x3FAC]  }
0x3d: {  	_ =	shalt  }
0x3e: {  	_ =	shalt  }
0x3f: {  	_ =	shalt  }
0x40: {  	_ =	shalt  }
0x41: {  	_ =	shalt  }
0x42: {  	_ =	shalt  }
0x43: {  	_ =	shalt  }
0x44: {  	_ =	shalt  }
0x45: {  	_ =	shalt  }
0x46: {  	_ =	shalt  }
0x47: {  	_ =	shalt  }
0x48: {  	_ =	shalt  }
0x49: {  	_ =	shalt  }
0x4a: {  	_ =	shalt  }
0x4b: {  	_ =	shalt  }
0x4c: {  	_ =	shalt  }
0x4d: {  	_ =	shalt  }
0x4e: {  	_ =	shalt  }
0x4f: {  	_ =	shalt  }
0x50: {  	_ =	shalt  }
0x51: {  	_ =	shalt  }
0x52: {  	_ =	shalt  }
0x53: {  	_ =	shalt  }
0x54: {  	_ =	shalt  }
0x55: {  	_ =	shalt  }
0x56: {  	_ =	shalt  }
0x57: {  	_ =	shalt  }
0x58: {  	_ =	shalt  }
0x59: {  	_ =	shalt  }
0x5a: {  	_ =	shalt  }
0x5b: {  	_ =	shalt  }
0x5c: {  	_ =	shalt  }
0x5d: {  	_ =	shalt  }
0x5e: {  	_ =	shalt  }
0x5f: {  	_ =	shalt  }
0x60: {  	_ =	shalt  }
0x61: {  	_ =	shalt  }
0x62: {  	_ =	shalt  }
0x63: {  	_ =	shalt  }
0x64: {  	_ =	shalt  }
0x65: {  	_ =	shalt  }
0x66: {  	_ =	shalt  }
0x67: {  	_ =	shalt  }
0x68: {  	_ =	shalt  }
0x69: {  	_ =	shalt  }
0x6a: {  	_ =	shalt  }
0x6b: {  	_ =	shalt  }
0x6c: {  	_ =	shalt  }
0x6d: {  	_ =	shalt  }
0x6e: {  	_ =	shalt  }
0x6f: {  	_ =	shalt  }
0x70: {  	_ =	shalt  }
0x71: {  	_ =	shalt  }
0x72: {  	_ =	shalt  }
0x73: {  	_ =	shalt  }
0x74: {  	_ =	shalt  }
0x75: {  	_ =	shalt  }
0x76: {  	_ =	shalt  }
0x77: {  	_ =	shalt  }
0x78: {  	_ =	shalt  }
0x79: {  	_ =	shalt  }
0x7a: {  	_ =	shalt  }
0x7b: {  	_ =	shalt  }
0x7c: {  	_ =	shalt  }
0x7d: {  	_ =	shalt  }
0x7e: {  	_ =	shalt  }
0x7f: {  	_ =	shalt  }
0x80: {  	_ =	shalt  }
0x81: {  	_ =	shalt  }
0x82: {  	_ =	shalt  }
0x83: {  	_ =	shalt  }
0x84: {  	_ =	shalt  }
0x85: {  	_ =	shalt  }
0x86: {  	_ =	shalt  }
0x87: {  	_ =	shalt  }
.Lfunc_end0:
.L_simem_size_0:
called_computation.5_lowered:
.L_overlay_start_0:
0x88: {  	s2 =	sld [smem:$0x3FD9]  }
0x89: {  	s3 =	sld [smem:$0x3FFE];
	_ =	sdelay $0x1  }
0x8a: {  	s1 =	srdreg.scid  }
0x8b: {  	s0 =	sand.u32 $0x1, s1  }
0x8c: {  	s17 =	sshll.u32 s0, $0xA;
	s2 =	sadd.s32 s3, s2  }
0x8d: {  	s2 =	sadd.s32 s2, s17  }
0x8e: {  	[smem:$0x3FB8] =	sst s2  }
0x8f: {  	_ = 	snop  }
0x90: {  	s2 =	sld [smem:$0x3FD0];
	(tm) =	ssettm $0x1  }
0x91: {  	s18 =	sld [smem:$0x3FFB];
	_ =	sdelay $0x3  }
0x92: {  	_ =	strace s18  }
0x93: {  	s3 =	sld [smem:$0x3FFC];
	_ =	sdelay $0x3  }
0x94: {  	_ =	strace s3  }
0x95: {  	s3 =	sld [smem:$0x3FFD];
	_ =	sdelay $0x3  }
0x96: {  	_ =	strace s3  }
0x97: {  	_ =	strace $0x8FFFFFFF  }
0x98: {  	s19 =	sld [smem:$0x3FDB];
	_ =	sdelay $0x1  }
0x99: {  	s4 =	simm.s32 $_scs_section_size  }
0x9a: {  	s5 =	simm.s32 $_size__tile_overlayer_lowered;
	s6 =	simm.s32 $_tile_overlayer_lowered  }
0x9b: {  	s22 =	simm.s32 $0x1BFF;
	s21 =	sshll.u32 s6, $0x1;
	s3 =	sadd.s32 s4, s19  }
0x9c: {  	s7 =	simm.s32 $0x0;
	s20 =	sshll.u32 s5, $0x1;
	s5 =	sadd.s32 s21, s3  }
0x9d: {  	[timem:s7], [sflag:s22] =	dma.local [hbm:s5], s20  }
0x9e: {  	_ =	swait.ge [sflag:s22], s20  }
0x9f: {  	s4 =	ssub.s32 $0x0, s20;
	[sflag:s22] =	ssyncset.done $0x0  }
0xa0: {  	[sflag:s22] =	ssyncadd.s32 s4;
	_ =	sdelay $0x1  }
0xa1: {  	s23 =	simm.s32 $0x1B8B  }
0xa2: {  	_ =	swait.ge [sflag:s23], $0x1  }
0xa3: {  	[sflag:s23] =	ssyncset.done $0x0  }
0xa4: {  	s25 =	simm.s32 $0x1B8E;
	s24 =	sld [smem:$0x3FFE];
	[sflag:s23] =	ssyncadd.s32 $0xFFFFFFFF  }
0xa5: {  	s26 =	simm.s32 $execute0_lowered;
	[smem:$0x3FD2] =	sst s25  }
0xa6: {  	s5 =	sshll.u32 s26, $0x1;
	_ =	strace $0x80000055;
	[dreg:$0x1] =	wrdreg $0xFFFFFFFF  }
0xa7: {  	s28 =	simm.s32 $_size_execute0_lowered;
	s3 =	sadd.s32 s3, s5;
	[dreg:$0x0] =	wrdreg $0x0  }
0xa8: {  	s5 =	sshll.u32 s28, $0x1;
	[dreg:$0x2] =	wrdreg s3  }
0xa9: {  	[dreg:$0x3] =	wrdreg s5  }
0xaa: {  	[dreg:$0x4] =	wrdreg $0xC0  }
0xab: {  	_ =	task [dreg:s7], $0x5FFFF  }
0xac: {  	[dreg:$0x1] =	wrdreg $0xFFFFFFFF  }
0xad: {  	[dreg:$0x0] =	wrdreg $0x60  }
0xae: {  	[dreg:$0x2] =	wrdreg s24  }
0xaf: {  	[dreg:$0x3] =	wrdreg s2  }
0xb0: {  	[dreg:$0x4] =	wrdreg $0x97800  }
0xb1: {  	[dreg:$0x5] =	wrdreg $0x9  }
0xb2: {  	_ =	task.clear_ibuf [dreg:s7], $0x6FFFF;
	_ =	strace $0x90000055  }
0xb3: {  	s29 =	simm.s32 $0x9;
	_ =	strace $0x80000057  }
0xb4: {  	_ =	swait.ge [sflag:s29], $0x1  }
0xb5: {  	[sflag:s29] =	ssyncadd.s32 $0xFFFFFFFF  }
0xb6: {  	_ =	strace $0x90000057  }
0xb7: {  	_ =	sfence  }
0xb8: {  	s30 =	sld [smem:$0x0];
	_ =	sdelay $0x2  }
0xb9: {  	s31 =	sshll.u32 s1, $0xD;
	s1 =	sshrl.u32 s1, $0x2  }
0xba: {  	s3 =	sand.u32 $0x4000, s31;
	s1 =	sadd.s32 s1, s30  }
0xbb: {  	s0 =	sor.u32 s3, s0;
	s1 =	sshll.u32 s1, $0x11  }
0xbc: {  	s0 =	sor.u32 s1, s0  }
0xbd: {  	s0 =	sadd.s32 $0x8F2B, s0  }
0xbe: {  	[sflag:s0] =	ssyncadd.remote.s32 $0x1  }
0xbf: {  	_ =	sfence.sel $0xFFFF  }
0xc0: {  	[dreg:$0x0] =	wrdreg $0xFFFFFFFF;
	(pc) =	sbr.abs _section_cstart, $3  }
0xc1: {  	[dreg:$0x1] =	wrdreg $0xFFFFFFFF  }
0xc2: {  	_ =	task.clear_ibuf [dreg:s7], $0x2FFFF;
	_ =	strace $0x9FFFFFFF  }
0xc3: {  	(tm) =	ssettm $0x7FFFFFFF  }
tec
execute0_lowered:
.L_overlay_start_1:
0x0: {  	(tag) =	ssettag $0x1  }
0x1: {  	s5 =	rddreg [dreg:$0x0]  }
0x2: {  	s1 =	srdreg.scid;
	s7 =	rddreg [dreg:$0x1]  }
0x3: {  	s0 =	stileid.u32;
	s2 =	rddreg [dreg:$0x2]  }
0x4: {  	s3 =	simm.s32 $0x0;
	s13 =	simm.s32 $0x80;
	s14 =	simm.s32 $0x5000  }
0x5: {  	s15 =	simm.s32 $0x5800;
	s16 =	simm.s32 $0x100;
	s17 =	simm.s32 $0x6000  }
0x6: {  	s18 =	simm.s32 $0x180;
	s19 =	simm.s32 $0x6800;
	s20 =	simm.s32 $0x1  }
0x7: {  	s21 =	simm.s32 $0x2;
	s22 =	simm.s32 $0x3;
	s23 =	simm.s32 $0x4  }
0x8: {  	s24 =	simm.s32 $0x4E00;
	s25 =	simm.s32 $0x4E80;
	s28 =	simm.s32 $0x4F80  }
0x9: {  	s29 =	simm.s32 $0x0;
	s6 =	sand.u32 $0x1, s1;
	s9 =	smul.u32 $0x4F0, s0  }
0xa: {  	s26 =	sshll.u32 s0, $0x1;
	[smem:$0x7FF] =	sst s3;
	s11 =	smul.u32 $0x9E00, s0  }
0xb: {  	s4 =	sor.u32 s6, s26;
	_ =	strace $0x80000056;
	s10 =	smul.u32 $0x4F00, s6  }
0xc: {  	s6 =	ssub.s32 $0x2, s6;
	s26 =	simm.s32 $0x4F00;
	s8 =	smul.u32 $0x500, s4  }
0xd: {  	s4 =	sadd.s32 $0x6C00, s5;
	s30 =	sshrl.u32 s6, $0x1;
	s31 =	sshrl.u32 s11, $0x2  }
0xe: {  	s11 =	simm.s32 $0x5;
	s9 =	sadd.s32 s9, s10;
	s10 =	ssub.s32 s6, s30  }
0xf: {  	s12 =	sadd.s32 s8, s5;
	s9 =	sadd.s32 s9, s5;
	s5 =	sadd.s32 s31, s2  }
0x10: {  	s7 =	sadd.s32 s7, s8;
	s6 =	sadd.s32 $0x10A00, s12;
	s8 =	sadd.s32 $0x1AA00, s9  }
0x11: {  	v0 =	vimm.f32 $0.0e+00;
	s9 =	smax.u32 s10, $0x1;
	s10 =	simm.s32 $0x7000;
	s12 =	simm.s32 $0x2800  }
.LBB2_1:
0x12: {  	s30 =	simm.s32 $0x40;
	s31 =	simm.s32 $0x0  }
.LBB2_2:
0x13: {  	p0 =	sne.s32 s30, $0x9DC0;
	[tilespmem:s31+$0x7000] =	vst v0;
	s31 =	smov.u32 s30;
	s30 =	sadd.s32 $0x40, s30  }
.Ltmp0:
0x14: {  	(pc) =	sbr.rel @p0 .LBB2_2-.Ltmp0, $2  }
0x15: {  	_ =	sdelay $0x2  }
0x16: {  	s31 =	sshra.s32 s31, $0x2  }
0x17: {  	[tilespmem:s31+$0x7000] =	vst v0  }
0x18: {  	[spmem:s5] =	stream.linear.scatter [tilespmem:s10], [sflag:$0x5], $0x2780, $0x38;
	[tilespmem:$0xBF00] =	vst v63  }
0x19: {  	_ =	swait.ge [sflag:s11], $0x2780  }
0x1a: {  	[sflag:s11] =	ssyncset.done $0x0  }
0x1b: {  	s30 =	simm.s32 $0x0;
	[sflag:s11] =	ssyncadd.s32 $0xFFFFD880  }
0x1c: {  	[tilespmem:s30], [sflag:$0x5] =	stream.linear.gather [hbm4b:s6+s30], $0x2800, $0x38;
	[tilespmem:$0xBF00] =	vst v63  }
0x1d: {  	_ =	swait.ge [sflag:s11], $0x2800  }
0x1e: {  	[sflag:s11] =	ssyncset.done $0x0  }
0x1f: {  	[sflag:s11] =	ssyncadd.s32 $0xFFFFD800  }
0x20: {  	[tilespmem:s12], [sflag:$0x5] =	stream.linear.gather [hbm4b:s7+s30], $0x2800, $0x38;
	[tilespmem:$0xBF00] =	vst v63  }
0x21: {  	_ =	swait.ge [sflag:s11], $0x2800  }
0x22: {  	[sflag:s11] =	ssyncset.done $0x0  }
0x23: {  	[sflag:s11] =	ssyncadd.s32 $0xFFFFD800  }
0x24: {  	[bflag:$0x0] =	sbarrier.arrive $0xFFFF  }
0x25: {  	[tilespmem:s14], [sflag:$0x1] =	stream.indirect.gather [hbm4b:s4+s13], $0x10, s30, s13, $0xb8;
	[tilespmem:$0xBF00] =	vst v63  }
0x26: {  	_ = 	snop  }
0x27: {  	[tilespmem:s15], [sflag:$0x2] =	stream.indirect.gather [hbm4b:s4+s13], $0x10, s13, s13, $0xb8;
	[tilespmem:$0xBF00] =	vst v63  }
0x28: {  	_ = 	snop  }
0x29: {  	[tilespmem:s17], [sflag:$0x3] =	stream.indirect.gather [hbm4b:s4+s13], $0x10, s16, s13, $0xb8;
	[tilespmem:$0xBF00] =	vst v63  }
0x2a: {  	_ = 	snop  }
0x2b: {  	[tilespmem:s19], [sflag:$0x4] =	stream.indirect.gather [hbm4b:s4+s13], $0x10, s18, s13, $0xb8;
	[tilespmem:$0xBF00] =	vst v63  }
0x2c: {  	_ =	swait.ge [sflag:s20], $0x800  }
0x2d: {  	[sflag:s20] =	ssyncset.done $0x0  }
0x2e: {  	s30 =	simm.s32 $0x2800;
	[sflag:s20] =	ssyncadd.s32 $0xFFFFF800  }
0x2f: {  	[spmem:s2] =	stream.indirect.scatter.add.f32 [tilespmem:s14], [sflag:$0x5], $0x10, s30, s13, $0xb8;
	[tilespmem:$0xBF00] =	vst v63  }
0x30: {  	_ =	swait.ge [sflag:s11], $0x800  }
0x31: {  	[sflag:s11] =	ssyncset.done $0x0  }
0x32: {  	s30 =	simm.s32 $0x200;
	[sflag:s11] =	ssyncadd.s32 $0xFFFFF800  }
0x33: {  	[tilespmem:s14], [sflag:$0x1] =	stream.indirect.gather [hbm4b:s4+s13], $0x10, s30, s13, $0xb8;
	[tilespmem:$0xBF00] =	vst v63  }
0x34: {  	_ =	swait.ge [sflag:s21], $0x800  }
0x35: {  	[sflag:s21] =	ssyncset.done $0x0  }
0x36: {  	s30 =	simm.s32 $0x2880;
	[sflag:s21] =	ssyncadd.s32 $0xFFFFF800  }
0x37: {  	[spmem:s2] =	stream.indirect.scatter.add.f32 [tilespmem:s15], [sflag:$0x5], $0x10, s30, s13, $0xb8;
	[tilespmem:$0xBF00] =	vst v63  }
0x38: {  	_ =	swait.ge [sflag:s11], $0x800  }
0x39: {  	[sflag:s11] =	ssyncset.done $0x0  }
0x3a: {  	s30 =	simm.s32 $0x280;
	[sflag:s11] =	ssyncadd.s32 $0xFFFFF800  }
0x3b: {  	[tilespmem:s15], [sflag:$0x2] =	stream.indirect.gather [hbm4b:s4+s13], $0x10, s30, s13, $0xb8;
	[tilespmem:$0xBF00] =	vst v63  }
0x3c: {  	_ =	swait.ge [sflag:s22], $0x800  }
0x3d: {  	[sflag:s22] =	ssyncset.done $0x0  }
0x3e: {  	s30 =	simm.s32 $0x2900;
	[sflag:s22] =	ssyncadd.s32 $0xFFFFF800  }
0x3f: {  	[spmem:s2] =	stream.indirect.scatter.add.f32 [tilespmem:s17], [sflag:$0x5], $0x10, s30, s13, $0xb8;
	[tilespmem:$0xBF00] =	vst v63  }
0x40: {  	_ =	swait.ge [sflag:s11], $0x800  }
0x41: {  	[sflag:s11] =	ssyncset.done $0x0  }
0x42: {  	s30 =	simm.s32 $0x300;
	[sflag:s11] =	ssyncadd.s32 $0xFFFFF800  }
0x43: {  	[tilespmem:s17], [sflag:$0x3] =	stream.indirect.gather [hbm4b:s4+s13], $0x10, s30, s13, $0xb8;
	[tilespmem:$0xBF00] =	vst v63  }
0x44: {  	_ =	swait.ge [sflag:s23], $0x800  }
0x45: {  	[sflag:s23] =	ssyncset.done $0x0  }
0x46: {  	s30 =	simm.s32 $0x2980;
	[sflag:s23] =	ssyncadd.s32 $0xFFFFF800  }
0x47: {  	[spmem:s2] =	stream.indirect.scatter.add.f32 [tilespmem:s19], [sflag:$0x5], $0x10, s30, s13, $0xb8;
	[tilespmem:$0xBF00] =	vst v63  }
0x48: {  	_ =	swait.ge [sflag:s11], $0x800  }
0x49: {  	[sflag:s11] =	ssyncset.done $0x0  }
0x4a: {  	s31 =	simm.s32 $0x380;
	s30 =	simm.s32 $0x800;
	[sflag:s11] =	ssyncadd.s32 $0xFFFFF800  }
.LBB2_4:
0x4b: {  	[tilespmem:s19], [sflag:$0x4] =	stream.indirect.gather [hbm4b:s4+s13], $0x10, s31, s13, $0xb8;
	[tilespmem:$0xBF00] =	vst v63  }
0x4c: {  	s31 =	smov.u32 s30  }
0x4d: {  	p0 =	sne.s32 s30, $0x9000;
	s30 =	sadd.s32 $0x800, s30;
	_ =	swait.ge [sflag:s20], $0x800  }
0x4e: {  	s31 =	sshra.s32 s31, $0x2;
	[sflag:s20] =	ssyncset.done $0x0  }
0x4f: {  	s1 =	sadd.s32 $0x2800, s31;
	[sflag:s20] =	ssyncadd.s32 $0xFFFFF800  }
0x50: {  	[spmem:s2] =	stream.indirect.scatter.add.f32 [tilespmem:s14], [sflag:$0x5], $0x10, s1, s13, $0xb8;
	[tilespmem:$0xBF00] =	vst v63  }
0x51: {  	_ =	swait.ge [sflag:s11], $0x800  }
0x52: {  	[sflag:s11] =	ssyncset.done $0x0  }
0x53: {  	s1 =	sadd.s32 $0x200, s31;
	[sflag:s11] =	ssyncadd.s32 $0xFFFFF800  }
0x54: {  	[tilespmem:s14], [sflag:$0x1] =	stream.indirect.gather [hbm4b:s4+s13], $0x10, s1, s13, $0xb8;
	[tilespmem:$0xBF00] =	vst v63  }
0x55: {  	_ =	swait.ge [sflag:s21], $0x800  }
0x56: {  	[sflag:s21] =	ssyncset.done $0x0  }
0x57: {  	s1 =	sadd.s32 $0x2880, s31;
	[sflag:s21] =	ssyncadd.s32 $0xFFFFF800  }
0x58: {  	[spmem:s2] =	stream.indirect.scatter.add.f32 [tilespmem:s15], [sflag:$0x5], $0x10, s1, s13, $0xb8;
	[tilespmem:$0xBF00] =	vst v63  }
0x59: {  	_ =	swait.ge [sflag:s11], $0x800  }
0x5a: {  	[sflag:s11] =	ssyncset.done $0x0  }
0x5b: {  	s1 =	sadd.s32 $0x280, s31;
	[sflag:s11] =	ssyncadd.s32 $0xFFFFF800  }
0x5c: {  	[tilespmem:s15], [sflag:$0x2] =	stream.indirect.gather [hbm4b:s4+s13], $0x10, s1, s13, $0xb8;
	[tilespmem:$0xBF00] =	vst v63  }
0x5d: {  	_ =	swait.ge [sflag:s22], $0x800  }
0x5e: {  	[sflag:s22] =	ssyncset.done $0x0  }
0x5f: {  	s1 =	sadd.s32 $0x2900, s31;
	[sflag:s22] =	ssyncadd.s32 $0xFFFFF800  }
0x60: {  	[spmem:s2] =	stream.indirect.scatter.add.f32 [tilespmem:s17], [sflag:$0x5], $0x10, s1, s13, $0xb8;
	[tilespmem:$0xBF00] =	vst v63  }
0x61: {  	_ =	swait.ge [sflag:s11], $0x800  }
0x62: {  	[sflag:s11] =	ssyncset.done $0x0  }
0x63: {  	s1 =	sadd.s32 $0x300, s31;
	[sflag:s11] =	ssyncadd.s32 $0xFFFFF800  }
0x64: {  	[tilespmem:s17], [sflag:$0x3] =	stream.indirect.gather [hbm4b:s4+s13], $0x10, s1, s13, $0xb8;
	[tilespmem:$0xBF00] =	vst v63  }
0x65: {  	_ =	swait.ge [sflag:s23], $0x800  }
0x66: {  	[sflag:s23] =	ssyncset.done $0x0  }
.Ltmp1:
0x67: {  	s1 =	sadd.s32 $0x2980, s31;
	[sflag:s23] =	ssyncadd.s32 $0xFFFFF800;
	(pc) =	sbr.rel @p0 .LBB2_4-.Ltmp1, $4  }
0x68: {  	[spmem:s2] =	stream.indirect.scatter.add.f32 [tilespmem:s19], [sflag:$0x5], $0x10, s1, s13, $0xb8;
	[tilespmem:$0xBF00] =	vst v63  }
0x69: {  	_ =	swait.ge [sflag:s11], $0x800  }
0x6a: {  	[sflag:s11] =	ssyncset.done $0x0  }
0x6b: {  	s31 =	sadd.s32 $0x380, s31;
	[sflag:s11] =	ssyncadd.s32 $0xFFFFF800  }
0x6c: {  	[tilespmem:s19], [sflag:$0x4] =	stream.indirect.gather [hbm4b:s4+s13], $0x10, s31, s13, $0xb8;
	[tilespmem:$0xBF00] =	vst v63  }
0x6d: {  	_ =	swait.ge [sflag:s20], $0x800  }
0x6e: {  	[sflag:s20] =	ssyncset.done $0x0  }
0x6f: {  	[sflag:s20] =	ssyncadd.s32 $0xFFFFF800  }
0x70: {  	[spmem:s2] =	stream.indirect.scatter.add.f32 [tilespmem:s14], [sflag:$0x5], $0x10, s24, s13, $0xb8;
	[tilespmem:$0xBF00] =	vst v63  }
0x71: {  	_ =	swait.ge [sflag:s11], $0x800  }
0x72: {  	[sflag:s11] =	ssyncset.done $0x0  }
0x73: {  	[sflag:s11] =	ssyncadd.s32 $0xFFFFF800  }
0x74: {  	_ =	swait.ge [sflag:s21], $0x800  }
0x75: {  	[sflag:s21] =	ssyncset.done $0x0  }
0x76: {  	[sflag:s21] =	ssyncadd.s32 $0xFFFFF800  }
0x77: {  	[spmem:s2] =	stream.indirect.scatter.add.f32 [tilespmem:s15], [sflag:$0x5], $0x10, s25, s13, $0xb8;
	[tilespmem:$0xBF00] =	vst v63  }
0x78: {  	_ =	swait.ge [sflag:s11], $0x800  }
0x79: {  	[sflag:s11] =	ssyncset.done $0x0  }
0x7a: {  	[sflag:s11] =	ssyncadd.s32 $0xFFFFF800  }
0x7b: {  	_ =	swait.ge [sflag:s22], $0x800  }
0x7c: {  	[sflag:s22] =	ssyncset.done $0x0  }
0x7d: {  	[sflag:s22] =	ssyncadd.s32 $0xFFFFF800  }
0x7e: {  	[spmem:s2] =	stream.indirect.scatter.add.f32 [tilespmem:s17], [sflag:$0x5], $0x10, s26, s13, $0xb8;
	[tilespmem:$0xBF00] =	vst v63  }
0x7f: {  	_ =	swait.ge [sflag:s11], $0x800  }
0x80: {  	[sflag:s11] =	ssyncset.done $0x0  }
0x81: {  	[sflag:s11] =	ssyncadd.s32 $0xFFFFF800  }
0x82: {  	_ =	swait.ge [sflag:s23], $0x800  }
0x83: {  	[sflag:s23] =	ssyncset.done $0x0  }
0x84: {  	[sflag:s23] =	ssyncadd.s32 $0xFFFFF800  }
0x85: {  	[spmem:s2] =	stream.indirect.scatter.add.f32 [tilespmem:s19], [sflag:$0x5], $0x10, s28, s13, $0xb8;
	[tilespmem:$0xBF00] =	vst v63  }
0x86: {  	_ =	swait.ge [sflag:s11], $0x800  }
0x87: {  	[sflag:s11] =	ssyncset.done $0x0  }
0x88: {  	[sflag:s11] =	ssyncadd.s32 $0xFFFFF800  }
0x89: {  	[bflag:$0x0] =	sbarrier.arrive $0xFFFF  }
0x8a: {  	[tilespmem:s10], [sflag:$0x5] =	stream.linear.gather [spmem:s5], $0x2780, $0x38;
	[tilespmem:$0xBF00] =	vst v63  }
0x8b: {  	s29 =	sadd.s32 $0x1, s29;
	_ =	swait.ge [sflag:s11], $0x2780  }
0x8c: {  	p0 =	sne.s32 s29, s9;
	[sflag:s11] =	ssyncset.done $0x0  }
.Ltmp2:
0x8d: {  	[sflag:s11] =	ssyncadd.s32 $0xFFFFD880;
	(pc) =	sbr.rel @p0 .LBB2_1-.Ltmp2, $4  }
0x8e: {  	[hbm4b:s8+s3] =	stream.linear.scatter [tilespmem:s10], [sflag:$0x5], $0x2780, $0x38;
	[tilespmem:$0xBF00] =	vst v63  }
0x8f: {  	_ =	swait.ge [sflag:s11], $0x2780  }
0x90: {  	[sflag:s11] =	ssyncset.done $0x0  }
0x91: {  	[sflag:s11] =	ssyncadd.s32 $0xFFFFD880  }
0x92: {  	_ =	sfence.sel $0x180000  }
0x93: {  	[bflag:$0x0] =	sbarrier.arrive $0xFFFF  }
0x94: {  	_ =	strace $0x90000056  }
0x95: {  	[bflag:$0x2] =	sbarrier.arrive $0xFFFF  }
0x96: {  	p0 =	sne.s32 s0, $0x0;
	s0 =	rddreg [dreg:$0x3]  }
0x97: {  	s0 =	sadd.s32 @!p0 $0x100000, s0  }
0x98: {  	[sflag:s0] =	ssyncadd.tile.s32 @!p0 $0x1;
	_ =	shalt  }
.Lfunc_end2:
_tile_overlayer_lowered:
.L_overlay_start_2:
0x99: {  	(tag) =	ssettag $0x2  }
0x9a: {  	s0 =	rddreg [dreg:$0x0];
	s2 =	stileid.u32  }
0x9b: {  	s1 =	rddreg [dreg:$0x1];
	p0 =	sne.s32 s2, $0x0  }
0x9c: {  	s3 =	rddreg [dreg:$0x2];
	[bflag:$0x3] =	sbarrier.arrive $0xFFFF;
	s2 =	simm.s32 @!p0 $0x1C05  }
0x9d: {  	[timem:s3], [sflag:s2] =	dma.local @!p0 [hbm:s0], s1  }
0x9e: {  	s0 =	simm.s32 @!p0 $0x5  }
0x9f: {  	_ =	swait.ge @!p0 [sflag:s0], s1  }
0xa0: {  	s1 =	ssub.s32 @!p0 $0x0, s1;
	[sflag:s0] =	ssyncset.done @!p0 $0x0  }
0xa1: {  	[sflag:s0] =	ssyncadd.s32 @!p0 s1  }
0xa2: {  	[bflag:$0x3] =	sbarrier.arrive $0xFFFF  }
0xa3: {  	_ =	shalt  }

// kernel: kernel.34.cloned.1.call-start
scs
__scs_entry_jumppad:
0x0: {  	(pc) =	sbr.rel $0x88, $3  }
0x1: {  	(tag) =	ssettag $0x0;
	lr =	simm.s32 $0x1  }
0x2: {  	[smem:$0x3F91] =	sst lr;
	_ =	strace $0xD0000000  }
0x3: {  	_ = 	snop  }
0x4: {  	_ = 	snop  }
0x5: {  	_ = 	snop  }
0x6: {  	_ = 	snop  }
0x7: {  	_ = 	snop  }
__scs_overlays_trampoline_lowered:
0x8: {  	[smem:$0x3FA0] =	sst s0  }
0x9: {  	[smem:$0x3FA1] =	sst s1  }
0xa: {  	[smem:$0x3FA2] =	sst s2  }
0xb: {  	[smem:$0x3FA3] =	sst s3  }
0xc: {  	[smem:$0x3FA4] =	sst s4  }
0xd: {  	[smem:$0x3FA5] =	sst s5  }
0xe: {  	[smem:$0x3FA6] =	sst s6  }
0xf: {  	[smem:$0x3FA7] =	sst s7  }
0x10: {  	[smem:$0x3FA8] =	sst s8  }
0x11: {  	[smem:$0x3FA9] =	sst s9;
	s0 =	simm.s32 @!p0 $0x0  }
0x12: {  	s1 =	sld [smem:$0x3F8F];
	s0 =	simm.s32 @p0 $0x1  }
0x13: {  	[smem:$0x3FAA] =	sst s0;
	s0 =	simm.s32 @!p1 $0x0  }
0x14: {  	s2 =	sld [smem:$0x3F8E];
	s0 =	simm.s32 @p1 $0x1  }
0x15: {  	[smem:$0x3FAB] =	sst s0;
	s0 =	simm.s32 @!p2 $0x0  }
0x16: {  	s3 =	sld [smem:$0x3FDB];
	s0 =	simm.s32 @p2 $0x1  }
0x17: {  	s4 =	simm.s32 $0x1BF5;
	[smem:$0x3FAD] =	sst s0  }
0x18: {  	s0 =	sld [smem:$0x3F90];
	_ =	swait.ge [sflag:s4], $0x0  }
0x19: {  	s7 =	sld [smem:$0x3F91]  }
0x1a: {  	s8 =	sadd.s32 $0xFFFFE003, lr  }
0x1b: {  	s9 =	sadd.s32 $0xFFFFFEF7, lr;
	s5 =	simm.s32 $0xFFFFFFFF;
	p2 =	slt.u32 s8, $0xFFFFF086  }
0x1c: {  	p1 =	slt.u32 s9, $0xF7A;
	s5 =	simm.s32 @!p2 $0x0  }
0x1d: {  	s5 =	simm.s32 @p1 $0x1;
	p0 =	seq.s32 s7, s2  }
0x1e: {  	s7 =	smul.u32 @!p0 $0xF7A, s2;
	p2 =	seq.s32 @!p0 s5, $0x0  }
0x1f: {  	s9 =	smul.u32 $0xF7A, s1;
	s8 =	simm.s32 @!p0 $0x1BF5;
	p2 =	por !p2, p0  }
0x20: {  	[sflag:s8] =	ssyncset.s32 @!p0 $0xFFFFF086;
	s6 =	sadd.s32 @!p0 s3, s7;
	s7 =	simm.s32 @!p0 $0x108  }
0x21: {  	s3 =	sadd.s32 s3, s9;
	s6 =	sadd.s32 @!p0 $0x88, s6;
	s7 =	simm.s32 @p2 $0x1082  }
0x22: {  	[simem:s7], [sflag:s8] =	dma.local @!p0 [hbm:s6], $0xF7A  }
0x23: {  	s9 =	sor.u32 $0xD0000000, s2;
	s6 =	simm.s32 $0x108;
	_ =	swait.ge @!p0 [sflag:s8], $0x0  }
0x24: {  	s3 =	sadd.s32 $0x88, s3;
	s6 =	simm.s32 @!p1 $0x1082;
	[sflag:s4] =	ssyncset.s32 $0xFFFFF086  }
0x25: {  	[simem:s6], [sflag:s4] =	dma.local [hbm:s3], $0xF7A  }
0x26: {  	[smem:$0x3F91] =	sst s1;
	(tag) =	ssettag s2;
	_ =	strace s9  }
0x27: {  	s1 =	sld [smem:$0x3FA1]  }
0x28: {  	s2 =	sld [smem:$0x3FA2]  }
0x29: {  	s4 =	sld [smem:$0x3FA4]  }
0x2a: {  	p0 =	seq.s32 s5, $0x0;
	s5 =	sld [smem:$0x3FA5]  }
0x2b: {  	s6 =	sld [smem:$0x3FA6]  }
0x2c: {  	s7 =	sld [smem:$0x3FA7]  }
0x2d: {  	s3 =	simm.s32 $0x108;
	s8 =	sld [smem:$0x3FA8]  }
0x2e: {  	s3 =	simm.s32 @!p0 $0x1082;
	s9 =	sld [smem:$0x3FA9]  }
0x2f: {  	lr =	sadd.s32 s0, s3;
	s0 =	sld [smem:$0x3FA0]  }
0x30: {  	s3 =	sld [smem:$0x3FA3]  }
0x31: {  	[smem:$0x3FAC] =	sst s10  }
0x32: {  	s10 =	sld [smem:$0x3FAA];
	_ =	sdelay $0x3  }
0x33: {  	p0 =	seq.s32 s10, $0x1;
	s10 =	sld [smem:$0x3FAC];
	_ =	sdelay $0x3  }
0x34: {  	[smem:$0x3FAC] =	sst s10  }
0x35: {  	s10 =	sld [smem:$0x3FAB];
	_ =	sdelay $0x3  }
0x36: {  	p1 =	seq.s32 s10, $0x1;
	s10 =	sld [smem:$0x3FAC];
	_ =	sdelay $0x3  }
0x37: {  	[smem:$0x3FAC] =	sst s10  }
0x38: {  	s10 =	sld [smem:$0x3FAD]  }
0x39: {  	_ = 	snop;
	(pc) =	sbr.ind lr, $3  }
0x3a: {  	_ = 	snop  }
0x3b: {  	_ = 	snop  }
0x3c: {  	p2 =	seq.s32 s10, $0x1;
	s10 =	sld [smem:$0x3FAC]  }
0x3d: {  	_ =	shalt  }
0x3e: {  	_ =	shalt  }
0x3f: {  	_ =	shalt  }
0x40: {  	_ =	shalt  }
0x41: {  	_ =	shalt  }
0x42: {  	_ =	shalt  }
0x43: {  	_ =	shalt  }
0x44: {  	_ =	shalt  }
0x45: {  	_ =	shalt  }
0x46: {  	_ =	shalt  }
0x47: {  	_ =	shalt  }
0x48: {  	_ =	shalt  }
0x49: {  	_ =	shalt  }
0x4a: {  	_ =	shalt  }
0x4b: {  	_ =	shalt  }
0x4c: {  	_ =	shalt  }
0x4d: {  	_ =	shalt  }
0x4e: {  	_ =	shalt  }
0x4f: {  	_ =	shalt  }
0x50: {  	_ =	shalt  }
0x51: {  	_ =	shalt  }
0x52: {  	_ =	shalt  }
0x53: {  	_ =	shalt  }
0x54: {  	_ =	shalt  }
0x55: {  	_ =	shalt  }
0x56: {  	_ =	shalt  }
0x57: {  	_ =	shalt  }
0x58: {  	_ =	shalt  }
0x59: {  	_ =	shalt  }
0x5a: {  	_ =	shalt  }
0x5b: {  	_ =	shalt  }
0x5c: {  	_ =	shalt  }
0x5d: {  	_ =	shalt  }
0x5e: {  	_ =	shalt  }
0x5f: {  	_ =	shalt  }
0x60: {  	_ =	shalt  }
0x61: {  	_ =	shalt  }
0x62: {  	_ =	shalt  }
0x63: {  	_ =	shalt  }
0x64: {  	_ =	shalt  }
0x65: {  	_ =	shalt  }
0x66: {  	_ =	shalt  }
0x67: {  	_ =	shalt  }
0x68: {  	_ =	shalt  }
0x69: {  	_ =	shalt  }
0x6a: {  	_ =	shalt  }
0x6b: {  	_ =	shalt  }
0x6c: {  	_ =	shalt  }
0x6d: {  	_ =	shalt  }
0x6e: {  	_ =	shalt  }
0x6f: {  	_ =	shalt  }
0x70: {  	_ =	shalt  }
0x71: {  	_ =	shalt  }
0x72: {  	_ =	shalt  }
0x73: {  	_ =	shalt  }
0x74: {  	_ =	shalt  }
0x75: {  	_ =	shalt  }
0x76: {  	_ =	shalt  }
0x77: {  	_ =	shalt  }
0x78: {  	_ =	shalt  }
0x79: {  	_ =	shalt  }
0x7a: {  	_ =	shalt  }
0x7b: {  	_ =	shalt  }
0x7c: {  	_ =	shalt  }
0x7d: {  	_ =	shalt  }
0x7e: {  	_ =	shalt  }
0x7f: {  	_ =	shalt  }
0x80: {  	_ =	shalt  }
0x81: {  	_ =	shalt  }
0x82: {  	_ =	shalt  }
0x83: {  	_ =	shalt  }
0x84: {  	_ =	shalt  }
0x85: {  	_ =	shalt  }
0x86: {  	_ =	shalt  }
0x87: {  	_ =	shalt  }
.Lfunc_end0:
.L_simem_size_0:
called_computation.6_lowered:
.L_overlay_start_0:
0x88: {  	s2 =	sld [smem:$0x3FD9]  }
0x89: {  	s3 =	sld [smem:$0x3FFE];
	_ =	sdelay $0x1  }
0x8a: {  	s1 =	srdreg.scid  }
0x8b: {  	s0 =	sand.u32 $0x1, s1  }
0x8c: {  	s17 =	sshll.u32 s0, $0xA;
	s2 =	sadd.s32 s3, s2  }
0x8d: {  	s2 =	sadd.s32 s2, s17  }
0x8e: {  	[smem:$0x3FB8] =	sst s2  }
0x8f: {  	_ = 	snop  }
0x90: {  	s2 =	sld [smem:$0x3FD0];
	(tm) =	ssettm $0x1  }
0x91: {  	s18 =	sld [smem:$0x3FFB];
	_ =	sdelay $0x3  }
0x92: {  	_ =	strace s18  }
0x93: {  	s3 =	sld [smem:$0x3FFC];
	_ =	sdelay $0x3  }
0x94: {  	_ =	strace s3  }
0x95: {  	s3 =	sld [smem:$0x3FFD];
	_ =	sdelay $0x3  }
0x96: {  	_ =	strace s3  }
0x97: {  	_ =	strace $0x8FFFFFFF  }
0x98: {  	s19 =	sld [smem:$0x3FDB];
	_ =	sdelay $0x1  }
0x99: {  	s4 =	simm.s32 $_scs_section_size  }
0x9a: {  	s5 =	simm.s32 $_size__tile_overlayer_lowered;
	s6 =	simm.s32 $_tile_overlayer_lowered  }
0x9b: {  	s22 =	simm.s32 $0x1BFF;
	s21 =	sshll.u32 s6, $0x1;
	s3 =	sadd.s32 s4, s19  }
0x9c: {  	s7 =	simm.s32 $0x0;
	s20 =	sshll.u32 s5, $0x1;
	s5 =	sadd.s32 s21, s3  }
0x9d: {  	[timem:s7], [sflag:s22] =	dma.local [hbm:s5], s20  }
0x9e: {  	_ =	swait.ge [sflag:s22], s20  }
0x9f: {  	s4 =	ssub.s32 $0x0, s20;
	[sflag:s22] =	ssyncset.done $0x0  }
0xa0: {  	[sflag:s22] =	ssyncadd.s32 s4;
	_ =	sdelay $0x1  }
0xa1: {  	s23 =	simm.s32 $0x1B8B  }
0xa2: {  	_ =	swait.ge [sflag:s23], $0x1  }
0xa3: {  	[sflag:s23] =	ssyncset.done $0x0  }
0xa4: {  	s25 =	simm.s32 $0x1B8E;
	s24 =	sld [smem:$0x3FFE];
	[sflag:s23] =	ssyncadd.s32 $0xFFFFFFFF  }
0xa5: {  	s26 =	simm.s32 $execute0_lowered;
	[smem:$0x3FD2] =	sst s25  }
0xa6: {  	s5 =	sshll.u32 s26, $0x1;
	_ =	strace $0x80000058;
	[dreg:$0x1] =	wrdreg $0xFFFFFFFF  }
0xa7: {  	s28 =	simm.s32 $_size_execute0_lowered;
	s3 =	sadd.s32 s3, s5;
	[dreg:$0x0] =	wrdreg $0x0  }
0xa8: {  	s5 =	sshll.u32 s28, $0x1;
	[dreg:$0x2] =	wrdreg s3  }
0xa9: {  	[dreg:$0x3] =	wrdreg s5  }
0xaa: {  	[dreg:$0x4] =	wrdreg $0xC0  }
0xab: {  	_ =	task [dreg:s7], $0x5FFFF  }
0xac: {  	[dreg:$0x1] =	wrdreg $0xFFFFFFFF  }
0xad: {  	[dreg:$0x0] =	wrdreg $0x60  }
0xae: {  	[dreg:$0x2] =	wrdreg s24  }
0xaf: {  	[dreg:$0x3] =	wrdreg s2  }
0xb0: {  	[dreg:$0x4] =	wrdreg $0x97800  }
0xb1: {  	[dreg:$0x5] =	wrdreg $0x9  }
0xb2: {  	_ =	task.clear_ibuf [dreg:s7], $0x6FFFF;
	_ =	strace $0x90000058  }
0xb3: {  	s29 =	simm.s32 $0x9;
	_ =	strace $0x8000005A  }
0xb4: {  	_ =	swait.ge [sflag:s29], $0x1  }
0xb5: {  	[sflag:s29] =	ssyncadd.s32 $0xFFFFFFFF  }
0xb6: {  	_ =	strace $0x9000005A  }
0xb7: {  	_ =	sfence  }
0xb8: {  	s30 =	sld [smem:$0x0];
	_ =	sdelay $0x2  }
0xb9: {  	s31 =	sshll.u32 s1, $0xD;
	s1 =	sshrl.u32 s1, $0x2  }
0xba: {  	s3 =	sand.u32 $0x4000, s31;
	s1 =	sadd.s32 s1, s30  }
0xbb: {  	s0 =	sor.u32 s3, s0;
	s1 =	sshll.u32 s1, $0x11  }
0xbc: {  	s0 =	sor.u32 s1, s0  }
0xbd: {  	s0 =	sadd.s32 $0x8F2B, s0  }
0xbe: {  	[sflag:s0] =	ssyncadd.remote.s32 $0x1  }
0xbf: {  	_ =	sfence.sel $0xFFFF  }
0xc0: {  	[dreg:$0x0] =	wrdreg $0xFFFFFFFF;
	(pc) =	sbr.abs _section_cstart, $3  }
0xc1: {  	[dreg:$0x1] =	wrdreg $0xFFFFFFFF  }
0xc2: {  	_ =	task.clear_ibuf [dreg:s7], $0x2FFFF;
	_ =	strace $0x9FFFFFFF  }
0xc3: {  	(tm) =	ssettm $0x7FFFFFFF  }
tec
execute0_lowered:
.L_overlay_start_1:
0x0: {  	(tag) =	ssettag $0x1  }
0x1: {  	s5 =	rddreg [dreg:$0x0]  }
0x2: {  	s1 =	srdreg.scid;
	s7 =	rddreg [dreg:$0x1]  }
0x3: {  	s0 =	stileid.u32;
	s2 =	rddreg [dreg:$0x2]  }
0x4: {  	s3 =	simm.s32 $0x0;
	s13 =	simm.s32 $0x80;
	s14 =	simm.s32 $0x5000  }
0x5: {  	s15 =	simm.s32 $0x5800;
	s16 =	simm.s32 $0x100;
	s17 =	simm.s32 $0x6000  }
0x6: {  	s18 =	simm.s32 $0x180;
	s19 =	simm.s32 $0x6800;
	s20 =	simm.s32 $0x1  }
0x7: {  	s21 =	simm.s32 $0x2;
	s22 =	simm.s32 $0x3;
	s23 =	simm.s32 $0x4  }
0x8: {  	s24 =	simm.s32 $0x4E00;
	s25 =	simm.s32 $0x4E80;
	s28 =	simm.s32 $0x4F80  }
0x9: {  	s29 =	simm.s32 $0x0;
	s6 =	sand.u32 $0x1, s1;
	s9 =	smul.u32 $0x4F0, s0  }
0xa: {  	s26 =	sshll.u32 s0, $0x1;
	[smem:$0x7FF] =	sst s3;
	s11 =	smul.u32 $0x9E00, s0  }
0xb: {  	s4 =	sor.u32 s6, s26;
	_ =	strace $0x80000059;
	s10 =	smul.u32 $0x4F00, s6  }
0xc: {  	s6 =	ssub.s32 $0x2, s6;
	s26 =	simm.s32 $0x4F00;
	s8 =	smul.u32 $0x500, s4  }
0xd: {  	s4 =	sadd.s32 $0x6C00, s5;
	s30 =	sshrl.u32 s6, $0x1;
	s31 =	sshrl.u32 s11, $0x2  }
0xe: {  	s11 =	simm.s32 $0x5;
	s9 =	sadd.s32 s9, s10;
	s10 =	ssub.s32 s6, s30  }
0xf: {  	s12 =	sadd.s32 s8, s5;
	s9 =	sadd.s32 s9, s5;
	s5 =	sadd.s32 s31, s2  }
0x10: {  	s7 =	sadd.s32 s7, s8;
	s6 =	sadd.s32 $0x10A00, s12;
	s8 =	sadd.s32 $0x1AA00, s9  }
0x11: {  	v0 =	vimm.f32 $0.0e+00;
	s9 =	smax.u32 s10, $0x1;
	s10 =	simm.s32 $0x7000;
	s12 =	simm.s32 $0x2800  }
.LBB2_1:
0x12: {  	s30 =	simm.s32 $0x40;
	s31 =	simm.s32 $0x0  }
.LBB2_2:
0x13: {  	p0 =	sne.s32 s30, $0x9DC0;
	[tilespmem:s31+$0x7000] =	vst v0;
	s31 =	smov.u32 s30;
	s30 =	sadd.s32 $0x40, s30  }
.Ltmp0:
0x14: {  	(pc) =	sbr.rel @p0 .LBB2_2-.Ltmp0, $2  }
0x15: {  	_ =	sdelay $0x2  }
0x16: {  	s31 =	sshra.s32 s31, $0x2  }
0x17: {  	[tilespmem:s31+$0x7000] =	vst v0  }
0x18: {  	[spmem:s5] =	stream.linear.scatter [tilespmem:s10], [sflag:$0x5], $0x2780, $0x38;
	[tilespmem:$0xBF00] =	vst v63  }
0x19: {  	_ =	swait.ge [sflag:s11], $0x2780  }
0x1a: {  	[sflag:s11] =	ssyncset.done $0x0  }
0x1b: {  	s30 =	simm.s32 $0x0;
	[sflag:s11] =	ssyncadd.s32 $0xFFFFD880  }
0x1c: {  	[tilespmem:s30], [sflag:$0x5] =	stream.linear.gather [hbm4b:s6+s30], $0x2800, $0x38;
	[tilespmem:$0xBF00] =	vst v63  }
0x1d: {  	_ =	swait.ge [sflag:s11], $0x2800  }
0x1e: {  	[sflag:s11] =	ssyncset.done $0x0  }
0x1f: {  	[sflag:s11] =	ssyncadd.s32 $0xFFFFD800  }
0x20: {  	[tilespmem:s12], [sflag:$0x5] =	stream.linear.gather [hbm4b:s7+s30], $0x2800, $0x38;
	[tilespmem:$0xBF00] =	vst v63  }
0x21: {  	_ =	swait.ge [sflag:s11], $0x2800  }
0x22: {  	[sflag:s11] =	ssyncset.done $0x0  }
0x23: {  	[sflag:s11] =	ssyncadd.s32 $0xFFFFD800  }
0x24: {  	[bflag:$0x0] =	sbarrier.arrive $0xFFFF  }
0x25: {  	[tilespmem:s14], [sflag:$0x1] =	stream.indirect.gather [hbm4b:s4+s13], $0x10, s30, s13, $0xb8;
	[tilespmem:$0xBF00] =	vst v63  }
0x26: {  	_ = 	snop  }
0x27: {  	[tilespmem:s15], [sflag:$0x2] =	stream.indirect.gather [hbm4b:s4+s13], $0x10, s13, s13, $0xb8;
	[tilespmem:$0xBF00] =	vst v63  }
0x28: {  	_ = 	snop  }
0x29: {  	[tilespmem:s17], [sflag:$0x3] =	stream.indirect.gather [hbm4b:s4+s13], $0x10, s16, s13, $0xb8;
	[tilespmem:$0xBF00] =	vst v63  }
0x2a: {  	_ = 	snop  }
0x2b: {  	[tilespmem:s19], [sflag:$0x4] =	stream.indirect.gather [hbm4b:s4+s13], $0x10, s18, s13, $0xb8;
	[tilespmem:$0xBF00] =	vst v63  }
0x2c: {  	_ =	swait.ge [sflag:s20], $0x800  }
0x2d: {  	[sflag:s20] =	ssyncset.done $0x0  }
0x2e: {  	s30 =	simm.s32 $0x2800;
	[sflag:s20] =	ssyncadd.s32 $0xFFFFF800  }
0x2f: {  	[spmem:s2] =	stream.indirect.scatter.add.f32 [tilespmem:s14], [sflag:$0x5], $0x10, s30, s13, $0xb8;
	[tilespmem:$0xBF00] =	vst v63  }
0x30: {  	_ =	swait.ge [sflag:s11], $0x800  }
0x31: {  	[sflag:s11] =	ssyncset.done $0x0  }
0x32: {  	s30 =	simm.s32 $0x200;
	[sflag:s11] =	ssyncadd.s32 $0xFFFFF800  }
0x33: {  	[tilespmem:s14], [sflag:$0x1] =	stream.indirect.gather [hbm4b:s4+s13], $0x10, s30, s13, $0xb8;
	[tilespmem:$0xBF00] =	vst v63  }
0x34: {  	_ =	swait.ge [sflag:s21], $0x800  }
0x35: {  	[sflag:s21] =	ssyncset.done $0x0  }
0x36: {  	s30 =	simm.s32 $0x2880;
	[sflag:s21] =	ssyncadd.s32 $0xFFFFF800  }
0x37: {  	[spmem:s2] =	stream.indirect.scatter.add.f32 [tilespmem:s15], [sflag:$0x5], $0x10, s30, s13, $0xb8;
	[tilespmem:$0xBF00] =	vst v63  }
0x38: {  	_ =	swait.ge [sflag:s11], $0x800  }
0x39: {  	[sflag:s11] =	ssyncset.done $0x0  }
0x3a: {  	s30 =	simm.s32 $0x280;
	[sflag:s11] =	ssyncadd.s32 $0xFFFFF800  }
0x3b: {  	[tilespmem:s15], [sflag:$0x2] =	stream.indirect.gather [hbm4b:s4+s13], $0x10, s30, s13, $0xb8;
	[tilespmem:$0xBF00] =	vst v63  }
0x3c: {  	_ =	swait.ge [sflag:s22], $0x800  }
0x3d: {  	[sflag:s22] =	ssyncset.done $0x0  }
0x3e: {  	s30 =	simm.s32 $0x2900;
	[sflag:s22] =	ssyncadd.s32 $0xFFFFF800  }
0x3f: {  	[spmem:s2] =	stream.indirect.scatter.add.f32 [tilespmem:s17], [sflag:$0x5], $0x10, s30, s13, $0xb8;
	[tilespmem:$0xBF00] =	vst v63  }
0x40: {  	_ =	swait.ge [sflag:s11], $0x800  }
0x41: {  	[sflag:s11] =	ssyncset.done $0x0  }
0x42: {  	s30 =	simm.s32 $0x300;
	[sflag:s11] =	ssyncadd.s32 $0xFFFFF800  }
0x43: {  	[tilespmem:s17], [sflag:$0x3] =	stream.indirect.gather [hbm4b:s4+s13], $0x10, s30, s13, $0xb8;
	[tilespmem:$0xBF00] =	vst v63  }
0x44: {  	_ =	swait.ge [sflag:s23], $0x800  }
0x45: {  	[sflag:s23] =	ssyncset.done $0x0  }
0x46: {  	s30 =	simm.s32 $0x2980;
	[sflag:s23] =	ssyncadd.s32 $0xFFFFF800  }
0x47: {  	[spmem:s2] =	stream.indirect.scatter.add.f32 [tilespmem:s19], [sflag:$0x5], $0x10, s30, s13, $0xb8;
	[tilespmem:$0xBF00] =	vst v63  }
0x48: {  	_ =	swait.ge [sflag:s11], $0x800  }
0x49: {  	[sflag:s11] =	ssyncset.done $0x0  }
0x4a: {  	s31 =	simm.s32 $0x380;
	s30 =	simm.s32 $0x800;
	[sflag:s11] =	ssyncadd.s32 $0xFFFFF800  }
.LBB2_4:
0x4b: {  	[tilespmem:s19], [sflag:$0x4] =	stream.indirect.gather [hbm4b:s4+s13], $0x10, s31, s13, $0xb8;
	[tilespmem:$0xBF00] =	vst v63  }
0x4c: {  	s31 =	smov.u32 s30  }
0x4d: {  	p0 =	sne.s32 s30, $0x9000;
	s30 =	sadd.s32 $0x800, s30;
	_ =	swait.ge [sflag:s20], $0x800  }
0x4e: {  	s31 =	sshra.s32 s31, $0x2;
	[sflag:s20] =	ssyncset.done $0x0  }
0x4f: {  	s1 =	sadd.s32 $0x2800, s31;
	[sflag:s20] =	ssyncadd.s32 $0xFFFFF800  }
0x50: {  	[spmem:s2] =	stream.indirect.scatter.add.f32 [tilespmem:s14], [sflag:$0x5], $0x10, s1, s13, $0xb8;
	[tilespmem:$0xBF00] =	vst v63  }
0x51: {  	_ =	swait.ge [sflag:s11], $0x800  }
0x52: {  	[sflag:s11] =	ssyncset.done $0x0  }
0x53: {  	s1 =	sadd.s32 $0x200, s31;
	[sflag:s11] =	ssyncadd.s32 $0xFFFFF800  }
0x54: {  	[tilespmem:s14], [sflag:$0x1] =	stream.indirect.gather [hbm4b:s4+s13], $0x10, s1, s13, $0xb8;
	[tilespmem:$0xBF00] =	vst v63  }
0x55: {  	_ =	swait.ge [sflag:s21], $0x800  }
0x56: {  	[sflag:s21] =	ssyncset.done $0x0  }
0x57: {  	s1 =	sadd.s32 $0x2880, s31;
	[sflag:s21] =	ssyncadd.s32 $0xFFFFF800  }
0x58: {  	[spmem:s2] =	stream.indirect.scatter.add.f32 [tilespmem:s15], [sflag:$0x5], $0x10, s1, s13, $0xb8;
	[tilespmem:$0xBF00] =	vst v63  }
0x59: {  	_ =	swait.ge [sflag:s11], $0x800  }
0x5a: {  	[sflag:s11] =	ssyncset.done $0x0  }
0x5b: {  	s1 =	sadd.s32 $0x280, s31;
	[sflag:s11] =	ssyncadd.s32 $0xFFFFF800  }
0x5c: {  	[tilespmem:s15], [sflag:$0x2] =	stream.indirect.gather [hbm4b:s4+s13], $0x10, s1, s13, $0xb8;
	[tilespmem:$0xBF00] =	vst v63  }
0x5d: {  	_ =	swait.ge [sflag:s22], $0x800  }
0x5e: {  	[sflag:s22] =	ssyncset.done $0x0  }
0x5f: {  	s1 =	sadd.s32 $0x2900, s31;
	[sflag:s22] =	ssyncadd.s32 $0xFFFFF800  }
0x60: {  	[spmem:s2] =	stream.indirect.scatter.add.f32 [tilespmem:s17], [sflag:$0x5], $0x10, s1, s13, $0xb8;
	[tilespmem:$0xBF00] =	vst v63  }
0x61: {  	_ =	swait.ge [sflag:s11], $0x800  }
0x62: {  	[sflag:s11] =	ssyncset.done $0x0  }
0x63: {  	s1 =	sadd.s32 $0x300, s31;
	[sflag:s11] =	ssyncadd.s32 $0xFFFFF800  }
0x64: {  	[tilespmem:s17], [sflag:$0x3] =	stream.indirect.gather [hbm4b:s4+s13], $0x10, s1, s13, $0xb8;
	[tilespmem:$0xBF00] =	vst v63  }
0x65: {  	_ =	swait.ge [sflag:s23], $0x800  }
0x66: {  	[sflag:s23] =	ssyncset.done $0x0  }
.Ltmp1:
0x67: {  	s1 =	sadd.s32 $0x2980, s31;
	[sflag:s23] =	ssyncadd.s32 $0xFFFFF800;
	(pc) =	sbr.rel @p0 .LBB2_4-.Ltmp1, $4  }
0x68: {  	[spmem:s2] =	stream.indirect.scatter.add.f32 [tilespmem:s19], [sflag:$0x5], $0x10, s1, s13, $0xb8;
	[tilespmem:$0xBF00] =	vst v63  }
0x69: {  	_ =	swait.ge [sflag:s11], $0x800  }
0x6a: {  	[sflag:s11] =	ssyncset.done $0x0  }
0x6b: {  	s31 =	sadd.s32 $0x380, s31;
	[sflag:s11] =	ssyncadd.s32 $0xFFFFF800  }
0x6c: {  	[tilespmem:s19], [sflag:$0x4] =	stream.indirect.gather [hbm4b:s4+s13], $0x10, s31, s13, $0xb8;
	[tilespmem:$0xBF00] =	vst v63  }
0x6d: {  	_ =	swait.ge [sflag:s20], $0x800  }
0x6e: {  	[sflag:s20] =	ssyncset.done $0x0  }
0x6f: {  	[sflag:s20] =	ssyncadd.s32 $0xFFFFF800  }
0x70: {  	[spmem:s2] =	stream.indirect.scatter.add.f32 [tilespmem:s14], [sflag:$0x5], $0x10, s24, s13, $0xb8;
	[tilespmem:$0xBF00] =	vst v63  }
0x71: {  	_ =	swait.ge [sflag:s11], $0x800  }
0x72: {  	[sflag:s11] =	ssyncset.done $0x0  }
0x73: {  	[sflag:s11] =	ssyncadd.s32 $0xFFFFF800  }
0x74: {  	_ =	swait.ge [sflag:s21], $0x800  }
0x75: {  	[sflag:s21] =	ssyncset.done $0x0  }
0x76: {  	[sflag:s21] =	ssyncadd.s32 $0xFFFFF800  }
0x77: {  	[spmem:s2] =	stream.indirect.scatter.add.f32 [tilespmem:s15], [sflag:$0x5], $0x10, s25, s13, $0xb8;
	[tilespmem:$0xBF00] =	vst v63  }
0x78: {  	_ =	swait.ge [sflag:s11], $0x800  }
0x79: {  	[sflag:s11] =	ssyncset.done $0x0  }
0x7a: {  	[sflag:s11] =	ssyncadd.s32 $0xFFFFF800  }
0x7b: {  	_ =	swait.ge [sflag:s22], $0x800  }
0x7c: {  	[sflag:s22] =	ssyncset.done $0x0  }
0x7d: {  	[sflag:s22] =	ssyncadd.s32 $0xFFFFF800  }
0x7e: {  	[spmem:s2] =	stream.indirect.scatter.add.f32 [tilespmem:s17], [sflag:$0x5], $0x10, s26, s13, $0xb8;
	[tilespmem:$0xBF00] =	vst v63  }
0x7f: {  	_ =	swait.ge [sflag:s11], $0x800  }
0x80: {  	[sflag:s11] =	ssyncset.done $0x0  }
0x81: {  	[sflag:s11] =	ssyncadd.s32 $0xFFFFF800  }
0x82: {  	_ =	swait.ge [sflag:s23], $0x800  }
0x83: {  	[sflag:s23] =	ssyncset.done $0x0  }
0x84: {  	[sflag:s23] =	ssyncadd.s32 $0xFFFFF800  }
0x85: {  	[spmem:s2] =	stream.indirect.scatter.add.f32 [tilespmem:s19], [sflag:$0x5], $0x10, s28, s13, $0xb8;
	[tilespmem:$0xBF00] =	vst v63  }
0x86: {  	_ =	swait.ge [sflag:s11], $0x800  }
0x87: {  	[sflag:s11] =	ssyncset.done $0x0  }
0x88: {  	[sflag:s11] =	ssyncadd.s32 $0xFFFFF800  }
0x89: {  	[bflag:$0x0] =	sbarrier.arrive $0xFFFF  }
0x8a: {  	[tilespmem:s10], [sflag:$0x5] =	stream.linear.gather [spmem:s5], $0x2780, $0x38;
	[tilespmem:$0xBF00] =	vst v63  }
0x8b: {  	s29 =	sadd.s32 $0x1, s29;
	_ =	swait.ge [sflag:s11], $0x2780  }
0x8c: {  	p0 =	sne.s32 s29, s9;
	[sflag:s11] =	ssyncset.done $0x0  }
.Ltmp2:
0x8d: {  	[sflag:s11] =	ssyncadd.s32 $0xFFFFD880;
	(pc) =	sbr.rel @p0 .LBB2_1-.Ltmp2, $4  }
0x8e: {  	[hbm4b:s8+s3] =	stream.linear.scatter [tilespmem:s10], [sflag:$0x5], $0x2780, $0x38;
	[tilespmem:$0xBF00] =	vst v63  }
0x8f: {  	_ =	swait.ge [sflag:s11], $0x2780  }
0x90: {  	[sflag:s11] =	ssyncset.done $0x0  }
0x91: {  	[sflag:s11] =	ssyncadd.s32 $0xFFFFD880  }
0x92: {  	_ =	sfence.sel $0x180000  }
0x93: {  	[bflag:$0x0] =	sbarrier.arrive $0xFFFF  }
0x94: {  	_ =	strace $0x90000059  }
0x95: {  	[bflag:$0x2] =	sbarrier.arrive $0xFFFF  }
0x96: {  	p0 =	sne.s32 s0, $0x0;
	s0 =	rddreg [dreg:$0x3]  }
0x97: {  	s0 =	sadd.s32 @!p0 $0x100000, s0  }
0x98: {  	[sflag:s0] =	ssyncadd.tile.s32 @!p0 $0x1;
	_ =	shalt  }
.Lfunc_end2:
_tile_overlayer_lowered:
.L_overlay_start_2:
0x99: {  	(tag) =	ssettag $0x2  }
0x9a: {  	s0 =	rddreg [dreg:$0x0];
	s2 =	stileid.u32  }
0x9b: {  	s1 =	rddreg [dreg:$0x1];
	p0 =	sne.s32 s2, $0x0  }
0x9c: {  	s3 =	rddreg [dreg:$0x2];
	[bflag:$0x3] =	sbarrier.arrive $0xFFFF;
	s2 =	simm.s32 @!p0 $0x1C05  }
0x9d: {  	[timem:s3], [sflag:s2] =	dma.local @!p0 [hbm:s0], s1  }
0x9e: {  	s0 =	simm.s32 @!p0 $0x5  }
0x9f: {  	_ =	swait.ge @!p0 [sflag:s0], s1  }
0xa0: {  	s1 =	ssub.s32 @!p0 $0x0, s1;
	[sflag:s0] =	ssyncset.done @!p0 $0x0  }
0xa1: {  	[sflag:s0] =	ssyncadd.s32 @!p0 s1  }
0xa2: {  	[bflag:$0x3] =	sbarrier.arrive $0xFFFF  }
0xa3: {  	_ =	shalt  }

</sc_bundles>
